<compile_context>
chip_gen: v7x
topology: tpu7x:2x2x1
jax: 0.10.2.dev20260603
libtpu: 0.0.44.dev20260713+nightly
codegen_flags: <defaults>
</compile_context>

<pallas_src>
import jax
import jax.numpy as jnp
from jax import lax
from jax.experimental import pallas as pl
from jax.experimental.pallas import tpu as pltpu
from jax.experimental.pallas import tpu_sc as plsc

N = 10000
E = 320000
D = 128
H = 128
A = 18

NC = 2
NS = 16
B = 125
RPT = E // (NS * B)
NP = 10240
NPT = NP // NS
ZR = 128
FW = 64
EPT = E // NS
NBUF = 4

_mesh = plsc.VectorSubcoreMesh(core_axis_name="c", subcore_axis_name="s")
_sc_params = pltpu.CompilerParams(use_tc_tiling_on_sc=False)



def _l1_body(dst_hbm, ones_hbm, zerosf_hbm, deg_out,
             dst_v, ones_v, stage_v, acc_sh, sem):
    c = lax.axis_index("c")
    s = lax.axis_index("s")
    pltpu.sync_copy(zerosf_hbm, stage_v)
    pltpu.sync_copy(stage_v, acc_sh.at[pl.ds(s * NPT, NPT)])
    pltpu.sync_copy(ones_hbm, ones_v)
    pltpu.sync_copy(dst_hbm.at[c, s], dst_v)
    plsc.subcore_barrier()
    pltpu.sync_copy(ones_v, acc_sh.at[dst_v], add=True)
    plsc.subcore_barrier()
    pltpu.sync_copy(acc_sh.at[pl.ds(s * NPT, NPT)], stage_v)
    pltpu.sync_copy(stage_v, deg_out.at[c, s])


def _l2_body(src_hbm, dst_hbm, gsl, gsh, gnl, gnh, zeros_hbm,
             lo_out, hi_out,
             src_v, dst_v, rows0_v, rows1_v, rows2_v, rows3_v, z_v, acc_sh,
             sem0, sem1, sem2, sem3):
    c = lax.axis_index("c")
    s = lax.axis_index("s")
    for gi in range(2):
        pltpu.sync_copy(zeros_hbm, z_v)
        for z in range(NPT // ZR):
            pltpu.sync_copy(z_v, acc_sh.at[pl.ds(s * NPT + z * ZR, ZR)])
        pltpu.sync_copy(src_hbm.at[gi, s], src_v)
        pltpu.sync_copy(dst_hbm.at[gi, s], dst_v)
        plsc.subcore_barrier()

        def run(tab):
            dummy = tab.at[pl.ds(0, B)]
            bufs = (rows0_v, rows1_v, rows2_v, rows3_v)
            sems = (sem0, sem1, sem2, sem3)
            for k in range(NBUF):
                pltpu.async_copy(tab.at[src_v.at[k]], bufs[k], sems[k])

            @pl.loop(0, RPT, step=NBUF)
            def _(j):
                for k in range(NBUF):
                    pltpu.make_async_copy(dummy, bufs[k], sems[k]).wait()
                    pltpu.sync_copy(bufs[k], acc_sh.at[dst_v.at[j + k]],
                                    add=True)

                    @pl.when(j + NBUF + k < RPT)
                    def _(k=k):
                        pltpu.async_copy(tab.at[src_v.at[j + NBUF + k]],
                                         bufs[k], sems[k])

        @pl.when(c == 0)
        def _():
            run(gsl if gi == 0 else gnl)

        @pl.when(c == 1)
        def _():
            run(gsh if gi == 0 else gnh)

        plsc.subcore_barrier()
        for z in range(NPT // ZR):
            pltpu.sync_copy(acc_sh.at[pl.ds(s * NPT + z * ZR, ZR)], z_v)

            @pl.when(c == 0)
            def _():
                pltpu.sync_copy(z_v, lo_out.at[gi, s, pl.ds(z * ZR, ZR)])

            @pl.when(c == 1)
            def _():
                pltpu.sync_copy(z_v, hi_out.at[gi, s, pl.ds(z * ZR, ZR)])

        plsc.subcore_barrier()


def _l3_body(src_hbm, dst_hbm, dv_hbm, zerosf_hbm,
             cc_out,
             src_v, dst_v, vals_v, stage_v, dv_sh, cc_sh, sem):
    c = lax.axis_index("c")
    s = lax.axis_index("s")
    pltpu.sync_copy(dv_hbm.at[c, pl.ds(s * NPT, NPT)], stage_v)
    pltpu.sync_copy(stage_v, dv_sh.at[pl.ds(s * NPT, NPT)])
    pltpu.sync_copy(zerosf_hbm, stage_v)
    pltpu.sync_copy(stage_v, cc_sh.at[pl.ds(s * NPT, NPT)])
    pltpu.sync_copy(src_hbm.at[c, s], src_v)
    pltpu.sync_copy(dst_hbm.at[c, s], dst_v)
    plsc.subcore_barrier()
    pltpu.async_copy(dv_sh.at[dst_v], vals_v, sem).wait()
    pltpu.sync_copy(vals_v, cc_sh.at[src_v], add=True)
    plsc.subcore_barrier()
    pltpu.sync_copy(cc_sh.at[pl.ds(s * NPT, NPT)], stage_v)
    pltpu.sync_copy(stage_v, cc_out.at[c, s])


def _l1(dst3, onesf, zerosf):
    k = pl.kernel(
        _l1_body,
        out_type=jax.ShapeDtypeStruct((NC, NS, NPT), jnp.float32),
        mesh=_mesh,
        compiler_params=_sc_params,
        scratch_types=[
            pltpu.VMEM((EPT,), jnp.int32),
            pltpu.VMEM((EPT,), jnp.float32),
            pltpu.VMEM((NPT,), jnp.float32),
            pltpu.VMEM_SHARED((NP,), jnp.float32),
            pltpu.SemaphoreType.DMA,
        ],
    )
    return k(dst3, onesf, zerosf)


def _l2(src4d, dst4d, gsl, gsh, gnl, gnh, zeros):
    k = pl.kernel(
        _l2_body,
        out_type=(
            jax.ShapeDtypeStruct((NC, NS, NPT, FW), jnp.float32),
            jax.ShapeDtypeStruct((NC, NS, NPT, FW), jnp.float32),
        ),
        mesh=_mesh,
        compiler_params=_sc_params,
        scratch_types=[
            pltpu.VMEM((RPT, B), jnp.int32),
            pltpu.VMEM((RPT, B), jnp.int32),
            pltpu.VMEM((B, FW), jnp.float32),
            pltpu.VMEM((B, FW), jnp.float32),
            pltpu.VMEM((B, FW), jnp.float32),
            pltpu.VMEM((B, FW), jnp.float32),
            pltpu.VMEM((ZR, FW), jnp.float32),
            pltpu.VMEM_SHARED((NP, FW), jnp.float32),
            pltpu.SemaphoreType.DMA,
            pltpu.SemaphoreType.DMA,
            pltpu.SemaphoreType.DMA,
            pltpu.SemaphoreType.DMA,
        ],
    )
    return k(src4d, dst4d, gsl, gsh, gnl, gnh, zeros)


def _l3(src3, dst3, dv2, zerosf):
    k = pl.kernel(
        _l3_body,
        out_type=jax.ShapeDtypeStruct((NC, NS, NPT), jnp.float32),
        mesh=_mesh,
        compiler_params=_sc_params,
        scratch_types=[
            pltpu.VMEM((EPT,), jnp.int32),
            pltpu.VMEM((EPT,), jnp.int32),
            pltpu.VMEM((EPT,), jnp.float32),
            pltpu.VMEM((NPT,), jnp.float32),
            pltpu.VMEM_SHARED((NP,), jnp.float32),
            pltpu.VMEM_SHARED((NP,), jnp.float32),
            pltpu.SemaphoreType.DMA,
        ],
    )
    return k(src3, dst3, dv2, zerosf)



def _t0_body(x_ref, W1_ref, h_ref):
    h_ref[...] = jnp.dot(x_ref[...], W1_ref[...],
                         preferred_element_type=jnp.float32,
                         precision=lax.Precision.HIGHEST)


def _t0(x, W1):
    return pl.pallas_call(
        _t0_body,
        out_shape=jax.ShapeDtypeStruct((N, D), jnp.float32),
    )(x, W1)


def _t1_body(h_ref, deg_ref, glo_ref, ghi_ref, dv1_ref):
    dinv1 = lax.rsqrt(deg_ref[...] + 1.0)
    g = dinv1 * h_ref[...]
    glo_ref[...] = g[:, :FW]
    ghi_ref[...] = g[:, FW:]
    dv1_ref[...] = dinv1


def _t1(h, deg):
    return pl.pallas_call(
        _t1_body,
        out_shape=(
            jax.ShapeDtypeStruct((N, FW), jnp.float32),
            jax.ShapeDtypeStruct((N, FW), jnp.float32),
            jax.ShapeDtypeStruct((N, 1), jnp.float32),
        ),
    )(h, deg)


def _t2_body(tlo_ref, thi_ref, glo_ref, ghi_ref, dv_ref, dvr_ref, ccr_ref,
             b1_ref, s_ref):
    dinv = dv_ref[...]
    tmp = jnp.concatenate([tlo_ref[...], thi_ref[...]], axis=-1)
    g = jnp.concatenate([glo_ref[...], ghi_ref[...]], axis=-1)
    v = dinv * (tmp + g) + b1_ref[...]
    h1 = jnp.where(v > 0.0, v, jnp.exp(jnp.minimum(v, 0.0)) - 1.0)
    dvr = dvr_ref[...]
    cvec_row = dvr * (ccr_ref[...] + dvr)
    s_ref[...] = jnp.dot(cvec_row, h1,
                         preferred_element_type=jnp.float32,
                         precision=lax.Precision.HIGHEST)


def _t2(tlo, thi, glo, ghi, dv1, dvr, ccr, b1):
    return pl.pallas_call(
        _t2_body,
        out_shape=jax.ShapeDtypeStruct((1, H), jnp.float32),
    )(tlo, thi, glo, ghi, dv1, dvr, ccr, b1)


def _t3_body(ss_ref, sns_ref, W2_ref, b2_ref, oh_ref, Wf_ref, bf_ref,
             Wi1_ref, bi1_ref, Wi2_ref, bi2_ref, Wi3_ref, bi3_ref,
             fns_ref, nsh_ref, ah_ref):
    hi = lax.Precision.HIGHEST
    f_s = jnp.dot(ss_ref[...] * (1.0 / N), W2_ref[...], precision=hi) + b2_ref[...]
    f_ns = jnp.dot(sns_ref[...] * (1.0 / N), W2_ref[...], precision=hi) + b2_ref[...]
    fns_ref[...] = f_ns
    fm_in = jnp.concatenate([oh_ref[...], f_s], axis=-1)
    nsh_ref[...] = jnp.dot(fm_in, Wf_ref[...], precision=hi) + bf_ref[...]
    im_in = jnp.concatenate([f_s, f_ns], axis=-1)
    hh = jnp.maximum(jnp.dot(im_in, Wi1_ref[...], precision=hi) + bi1_ref[...], 0.0)
    hh = jnp.maximum(jnp.dot(hh, Wi2_ref[...], precision=hi) + bi2_ref[...], 0.0)
    ah_ref[...] = jnp.dot(hh, Wi3_ref[...], precision=hi) + bi3_ref[...]


def _t3(s_s, s_ns, W2, b2, onehot, Wf, bf, Wi1, bi1, Wi2, bi2, Wi3, bi3):
    return pl.pallas_call(
        _t3_body,
        out_shape=(
            jax.ShapeDtypeStruct((1, H), jnp.float32),
            jax.ShapeDtypeStruct((1, H), jnp.float32),
            jax.ShapeDtypeStruct((1, A), jnp.float32),
        ),
    )(s_s, s_ns, W2, b2.reshape(1, H), onehot, Wf, bf.reshape(1, H),
      Wi1, bi1.reshape(1, -1), Wi2, bi2.reshape(1, -1), Wi3, bi3.reshape(1, -1))



def kernel(x_s, edge_index_s, x_ns, edge_index_ns, action, W1, b1, W2, b2,
           Wf, bf, Wi1, bi1, Wi2, bi2, Wi3, bi3):
    i32 = jnp.int32
    src4d = jnp.stack([edge_index_s[0].astype(i32).reshape(NS, RPT, B),
                       edge_index_ns[0].astype(i32).reshape(NS, RPT, B)])
    dst4d = jnp.stack([edge_index_s[1].astype(i32).reshape(NS, RPT, B),
                       edge_index_ns[1].astype(i32).reshape(NS, RPT, B)])
    src3 = src4d.reshape(NC, NS, EPT)
    dst3 = dst4d.reshape(NC, NS, EPT)
    onesf = jnp.ones((EPT,), jnp.float32)
    zeros = jnp.zeros((ZR, FW), jnp.float32)
    zerosf = jnp.zeros((NPT,), jnp.float32)

    h_s = _t0(x_s, W1)
    h_ns = _t0(x_ns, W1)
    deg = _l1(dst3, onesf, zerosf).reshape(NC, NP)
    gsl, gsh, dv_s = _t1(h_s, deg[0, :N, None])
    gnl, gnh, dv_ns = _t1(h_ns, deg[1, :N, None])
    dv2 = jnp.stack([jnp.pad(dv_s[:, 0], (0, NP - N)),
                     jnp.pad(dv_ns[:, 0], (0, NP - N))])
    tmp_lo, tmp_hi = _l2(src4d, dst4d, gsl, gsh, gnl, gnh, zeros)
    tmp_lo = tmp_lo.reshape(NC, NP, FW)
    tmp_hi = tmp_hi.reshape(NC, NP, FW)
    cc = _l3(src3, dst3, dv2, zerosf).reshape(NC, NP)
    b1r = b1.reshape(1, H)
    s_s = _t2(tmp_lo[0, :N], tmp_hi[0, :N], gsl, gsh, dv_s,
              dv_s.reshape(1, N), cc[0, :N].reshape(1, N), b1r)
    s_ns = _t2(tmp_lo[1, :N], tmp_hi[1, :N], gnl, gnh, dv_ns,
               dv_ns.reshape(1, N), cc[1, :N].reshape(1, N), b1r)

    onehot = jax.nn.one_hot(action, A, dtype=jnp.float32)
    f_ns, nsh, ah = _t3(s_s, s_ns, W2, b2, onehot,
                        Wf, bf, Wi1, bi1, Wi2, bi2, Wi3, bi3)
    return (f_ns, nsh, ah)

# --- scband reference (transcript-rebuilt; emitter-appended) ---
"""Pipeline reference for scband-icm-77403900609153 (READ-ONLY COPY).

The authoritative reference and input builder live on the scoring server;
editing this copy changes nothing except your own understanding.
"""

import jax, jax.numpy as jnp
import numpy as np

N = 10000
E = 320000
D = 128
H = 128
A = 18


def setup_inputs(seed: int = 0) -> dict:
    key = jax.random.key(seed)
    ks = jax.random.split(key, 20)
    inp = {
        "x_s": jax.random.normal(ks[0], (N, D), dtype=jnp.float32),
        "edge_index_s": jax.random.randint(ks[1], (2, E), 0, N),
        "x_ns": jax.random.normal(ks[2], (N, D), dtype=jnp.float32),
        "edge_index_ns": jax.random.randint(ks[3], (2, E), 0, N),
        "action": jax.random.randint(ks[4], (1,), 0, A),
        # GCNConv fc1: ndim -> hidden
        "W1": jax.random.normal(ks[5], (D, H), dtype=jnp.float32) * 0.05,
        "b1": jnp.zeros((H,), dtype=jnp.float32),
        # GCNConv fc2: hidden -> hidden
        "W2": jax.random.normal(ks[6], (H, H), dtype=jnp.float32) * 0.05,
        "b2": jnp.zeros((H,), dtype=jnp.float32),
        # ForwardModel fc: (hidden + n_act) -> hidden
        "Wf": jax.random.normal(ks[7], (H + A, H), dtype=jnp.float32) * 0.05,
        "bf": jnp.zeros((H,), dtype=jnp.float32),
        # InverseModel MLP: 2*hidden -> 128 -> 128 -> n_act
        "Wi1": jax.random.normal(ks[8], (2 * H, 128), dtype=jnp.float32) * 0.05,
        "bi1": jnp.zeros((128,), dtype=jnp.float32),
        "Wi2": jax.random.normal(ks[9], (128, 128), dtype=jnp.float32) * 0.05,
        "bi2": jnp.zeros((128,), dtype=jnp.float32),
        "Wi3": jax.random.normal(ks[10], (128, A), dtype=jnp.float32) * 0.05,
        "bi3": jnp.zeros((A,), dtype=jnp.float32),
    }
    return inp


def _gcn_conv(x, edge_index, W, b, n_nodes):
    # PyG GCNConv: out = D^-1/2 (A + I) D^-1/2 (X W) + b
    loop = jnp.arange(n_nodes, dtype=edge_index.dtype)
    src = jnp.concatenate([edge_index[0], loop])
    dst = jnp.concatenate([edge_index[1], loop])
    ones = jnp.ones(src.shape[0], dtype=x.dtype)
    deg = jnp.zeros((n_nodes,), dtype=x.dtype).at[dst].add(ones)
    dinv = jax.lax.rsqrt(deg)
    norm = dinv[src] * dinv[dst]
    h = x @ W
    msg = h[src] * norm[:, None]
    out = jax.ops.segment_sum(msg, dst, num_segments=n_nodes)
    return out + b


def _feature_extractor(x, edge_index, W1, b1, W2, b2):
    h = _gcn_conv(x, edge_index, W1, b1, x.shape[0])
    h = jax.nn.elu(h)
    h = _gcn_conv(h, edge_index, W2, b2, x.shape[0])
    # batch is None -> global_mean_pool over all nodes -> [1, H]
    return jnp.mean(h, axis=0, keepdims=True)


def reference(x_s, edge_index_s, x_ns, edge_index_ns, action,
              W1, b1, W2, b2, Wf, bf, Wi1, bi1, Wi2, bi2, Wi3, bi3):
    f_state = _feature_extractor(x_s, edge_index_s, W1, b1, W2, b2)          # [1, H]
    f_next_state = _feature_extractor(x_ns, edge_index_ns, W1, b1, W2, b2)  # [1, H]
    # squeeze(-1) is a no-op since H != 1
    # ForwardModel: cat(one_hot(action), features) -> linear
    onehot = jax.nn.one_hot(action, A, dtype=f_state.dtype)                  # [1, A]
    fm_in = jnp.concatenate([onehot, f_state.reshape(-1, H)], axis=-1)       # [1, A+H]
    next_state_hat = fm_in @ Wf + bf                                         # [1, H]
    # InverseModel: cat(f_state, f_next_state) -> MLP -> action logits
    im_in = jnp.concatenate([f_state, f_next_state], axis=-1)                # [1, 2H]
    h = jax.nn.relu(im_in @ Wi1 + bi1)
    h = jax.nn.relu(h @ Wi2 + bi2)
    action_hat = h @ Wi3 + bi3                                               # [1, A]
    return (f_next_state, next_state_hat, action_hat)

if __name__ == "__main__":
    import jax
    _d = setup_inputs()
    print(jax.jit(kernel)(*tuple(_d.values())))

</pallas_src>

<mosaic_0001>
#map = affine_map<(d0, d1) -> (0, 0, 0)>
#map1 = affine_map<(d0, d1) -> (0)>
module attributes {stable_mosaic.version = 14 : i64} {
  func.func @_l1_body(%arg0: i32, %arg1: i32, %arg2: memref<2x16x20000xi32, #tpu.memory_space<hbm>>, %arg3: memref<20000xf32, #tpu.memory_space<hbm>>, %arg4: memref<640xf32, #tpu.memory_space<hbm>>, %arg5: memref<2x16x640xf32, #tpu.memory_space<hbm>>, %arg6: memref<20000xi32, #tpu.memory_space<vmem>>, %arg7: memref<20000xf32, #tpu.memory_space<vmem>>, %arg8: memref<640xf32, #tpu.memory_space<vmem>>, %arg9: memref<10240xf32, #tpu.memory_space<vmem_shared>>, %arg10: memref<!tpu.dma_semaphore, #tpu.memory_space<semaphore_mem>>) attributes {dimension_semantics = [#tpu.dimension_semantics<core_parallel>, #tpu.dimension_semantics<subcore_parallel>], iteration_bounds = array<i64: 2, 16>, scalar_prefetch = 0 : i64, scratch_operands = 5 : i64, tpu.core_type = #tpu.core_type<sc_vector_subcore>, window_params = [{transform_indices = #map}, {transform_indices = #map1}, {transform_indices = #map1}, {transform_indices = #map}]} {
    "tpu.region"() ({
      %run_scoped3A = tpu.sem_alloc : memref<!tpu.dma_semaphore, #tpu.memory_space<semaphore_mem>>
      tpu.enqueue_dma source(%arg4 : memref<640xf32, #tpu.memory_space<hbm>>) target(%arg8 : memref<640xf32, #tpu.memory_space<vmem>>) target_semaphore(%run_scoped3A : memref<!tpu.dma_semaphore, #tpu.memory_space<semaphore_mem>>)
      tpu.wait_dma2 semaphore(%run_scoped3A : memref<!tpu.dma_semaphore, #tpu.memory_space<semaphore_mem>>) src(%arg4 : memref<640xf32, #tpu.memory_space<hbm>>) dst(%arg8 : memref<640xf32, #tpu.memory_space<vmem>>)
      tpu.yield
    }) : () -> ()
    %mul3A = arith.constant 640 : i32
    %mul3A_0 = arith.muli %arg1, %mul3A : i32
    "tpu.region"() ({
      %run_scoped3A = tpu.sem_alloc : memref<!tpu.dma_semaphore, #tpu.memory_space<semaphore_mem>>
      %dma_start3A = tpu.memref_slice %arg9[%mul3A_0] : memref<10240xf32, #tpu.memory_space<vmem_shared>> -> memref<640xf32, #tpu.memory_space<vmem_shared>>
      %dma_start3A_4 = tpu.memref_slice %arg9[%mul3A_0] : memref<10240xf32, #tpu.memory_space<vmem_shared>> -> memref<640xf32, #tpu.memory_space<vmem_shared>>
      tpu.enqueue_dma source(%arg8 : memref<640xf32, #tpu.memory_space<vmem>>) target(%dma_start3A_4 : memref<640xf32, #tpu.memory_space<vmem_shared>>) target_semaphore(%run_scoped3A : memref<!tpu.dma_semaphore, #tpu.memory_space<semaphore_mem>>)
      %dma_wait3A = tpu.memref_slice %arg9[%mul3A_0] : memref<10240xf32, #tpu.memory_space<vmem_shared>> -> memref<640xf32, #tpu.memory_space<vmem_shared>>
      %dma_wait3A_5 = tpu.memref_slice %arg9[%mul3A_0] : memref<10240xf32, #tpu.memory_space<vmem_shared>> -> memref<640xf32, #tpu.memory_space<vmem_shared>>
      tpu.wait_dma2 semaphore(%run_scoped3A : memref<!tpu.dma_semaphore, #tpu.memory_space<semaphore_mem>>) src(%arg8 : memref<640xf32, #tpu.memory_space<vmem>>) dst(%dma_wait3A_5 : memref<640xf32, #tpu.memory_space<vmem_shared>>)
      tpu.yield
    }) : () -> ()
    "tpu.region"() ({
      %run_scoped3A = tpu.sem_alloc : memref<!tpu.dma_semaphore, #tpu.memory_space<semaphore_mem>>
      tpu.enqueue_dma source(%arg3 : memref<20000xf32, #tpu.memory_space<hbm>>) target(%arg7 : memref<20000xf32, #tpu.memory_space<vmem>>) target_semaphore(%run_scoped3A : memref<!tpu.dma_semaphore, #tpu.memory_space<semaphore_mem>>)
      tpu.wait_dma2 semaphore(%run_scoped3A : memref<!tpu.dma_semaphore, #tpu.memory_space<semaphore_mem>>) src(%arg3 : memref<20000xf32, #tpu.memory_space<hbm>>) dst(%arg7 : memref<20000xf32, #tpu.memory_space<vmem>>)
      tpu.yield
    }) : () -> ()
    "tpu.region"() ({
      %run_scoped3A = tpu.sem_alloc : memref<!tpu.dma_semaphore, #tpu.memory_space<semaphore_mem>>
      %dma_start3A = arith.constant 0 : i32
      %dma_start3A_4 = tpu.memref_slice %arg2[%arg0, %arg1, %dma_start3A] : memref<2x16x20000xi32, #tpu.memory_space<hbm>> -> memref<1x1x20000xi32, #tpu.memory_space<hbm>>
      %dma_start3A_5 = tpu.memref_squeeze %dma_start3A_4 : memref<1x1x20000xi32, #tpu.memory_space<hbm>> -> memref<20000xi32, #tpu.memory_space<hbm>>
      %dma_start3A_6 = arith.constant 0 : i32
      %dma_start3A_7 = tpu.memref_slice %arg2[%arg0, %arg1, %dma_start3A_6] : memref<2x16x20000xi32, #tpu.memory_space<hbm>> -> memref<1x1x20000xi32, #tpu.memory_space<hbm>>
      %dma_start3A_8 = tpu.memref_squeeze %dma_start3A_7 : memref<1x1x20000xi32, #tpu.memory_space<hbm>> -> memref<20000xi32, #tpu.memory_space<hbm>>
      tpu.enqueue_dma source(%dma_start3A_8 : memref<20000xi32, #tpu.memory_space<hbm>>) target(%arg6 : memref<20000xi32, #tpu.memory_space<vmem>>) target_semaphore(%run_scoped3A : memref<!tpu.dma_semaphore, #tpu.memory_space<semaphore_mem>>)
      %dma_wait3A = arith.constant 0 : i32
      %dma_wait3A_9 = tpu.memref_slice %arg2[%arg0, %arg1, %dma_wait3A] : memref<2x16x20000xi32, #tpu.memory_space<hbm>> -> memref<1x1x20000xi32, #tpu.memory_space<hbm>>
      %dma_wait3A_10 = tpu.memref_squeeze %dma_wait3A_9 : memref<1x1x20000xi32, #tpu.memory_space<hbm>> -> memref<20000xi32, #tpu.memory_space<hbm>>
      %dma_wait3A_11 = arith.constant 0 : i32
      %dma_wait3A_12 = tpu.memref_slice %arg2[%arg0, %arg1, %dma_wait3A_11] : memref<2x16x20000xi32, #tpu.memory_space<hbm>> -> memref<1x1x20000xi32, #tpu.memory_space<hbm>>
      %dma_wait3A_13 = tpu.memref_squeeze %dma_wait3A_12 : memref<1x1x20000xi32, #tpu.memory_space<hbm>> -> memref<20000xi32, #tpu.memory_space<hbm>>
      tpu.wait_dma2 semaphore(%run_scoped3A : memref<!tpu.dma_semaphore, #tpu.memory_space<semaphore_mem>>) src(%dma_wait3A_13 : memref<20000xi32, #tpu.memory_space<hbm>>) dst(%arg6 : memref<20000xi32, #tpu.memory_space<vmem>>)
      tpu.yield
    }) : () -> ()
    %barrier3A = arith.constant 0 : index
    tpu.barrier barrier_id(%barrier3A)
    "tpu.region"() ({
      %run_scoped3A = tpu.sem_alloc : memref<!tpu.dma_semaphore, #tpu.memory_space<semaphore_mem>>
      %dma_start3A = arith.constant 0 : i32
      %dma_start3A_4 = tpu.memref_slice %arg9[%dma_start3A] : memref<10240xf32, #tpu.memory_space<vmem_shared>> -> memref<10240xf32, #tpu.memory_space<vmem_shared>>
      tpu.enqueue_indirect_dma source(%arg7 : memref<20000xf32, #tpu.memory_space<vmem>>) target(%dma_start3A_4 : memref<10240xf32, #tpu.memory_space<vmem_shared>>) offsets(%arg6 : memref<20000xi32, #tpu.memory_space<vmem>>) semaphore(%run_scoped3A : memref<!tpu.dma_semaphore, #tpu.memory_space<semaphore_mem>>) {add = true}
      %dma_wait3A = arith.constant 0 : i32
      %dma_wait3A_5 = tpu.memref_slice %arg9[%dma_wait3A] : memref<10240xf32, #tpu.memory_space<vmem_shared>> -> memref<10240xf32, #tpu.memory_space<vmem_shared>>
      tpu.wait_indirect_dma semaphore(%run_scoped3A : memref<!tpu.dma_semaphore, #tpu.memory_space<semaphore_mem>>) src(%arg7 : memref<20000xf32, #tpu.memory_space<vmem>>) dst(%dma_wait3A_5 : memref<10240xf32, #tpu.memory_space<vmem_shared>>)
      tpu.yield
    }) : () -> ()
    %barrier3A_1 = arith.constant 0 : index
    tpu.barrier barrier_id(%barrier3A_1)
    %mul3A_2 = arith.constant 640 : i32
    %mul3A_3 = arith.muli %arg1, %mul3A_2 : i32
    "tpu.region"() ({
      %run_scoped3A = tpu.sem_alloc : memref<!tpu.dma_semaphore, #tpu.memory_space<semaphore_mem>>
      %dma_start3A = tpu.memref_slice %arg9[%mul3A_3] : memref<10240xf32, #tpu.memory_space<vmem_shared>> -> memref<640xf32, #tpu.memory_space<vmem_shared>>
      %dma_start3A_4 = tpu.memref_slice %arg9[%mul3A_3] : memref<10240xf32, #tpu.memory_space<vmem_shared>> -> memref<640xf32, #tpu.memory_space<vmem_shared>>
      tpu.enqueue_dma source(%dma_start3A_4 : memref<640xf32, #tpu.memory_space<vmem_shared>>) target(%arg8 : memref<640xf32, #tpu.memory_space<vmem>>) target_semaphore(%run_scoped3A : memref<!tpu.dma_semaphore, #tpu.memory_space<semaphore_mem>>)
      %dma_wait3A = tpu.memref_slice %arg9[%mul3A_3] : memref<10240xf32, #tpu.memory_space<vmem_shared>> -> memref<640xf32, #tpu.memory_space<vmem_shared>>
      %dma_wait3A_5 = tpu.memref_slice %arg9[%mul3A_3] : memref<10240xf32, #tpu.memory_space<vmem_shared>> -> memref<640xf32, #tpu.memory_space<vmem_shared>>
      tpu.wait_dma2 semaphore(%run_scoped3A : memref<!tpu.dma_semaphore, #tpu.memory_space<semaphore_mem>>) src(%dma_wait3A_5 : memref<640xf32, #tpu.memory_space<vmem_shared>>) dst(%arg8 : memref<640xf32, #tpu.memory_space<vmem>>)
      tpu.yield
    }) : () -> ()
    "tpu.region"() ({
      %run_scoped3A = tpu.sem_alloc : memref<!tpu.dma_semaphore, #tpu.memory_space<semaphore_mem>>
      %dma_start3A = arith.constant 0 : i32
      %dma_start3A_4 = tpu.memref_slice %arg5[%arg0, %arg1, %dma_start3A] : memref<2x16x640xf32, #tpu.memory_space<hbm>> -> memref<1x1x640xf32, #tpu.memory_space<hbm>>
      %dma_start3A_5 = tpu.memref_squeeze %dma_start3A_4 : memref<1x1x640xf32, #tpu.memory_space<hbm>> -> memref<640xf32, #tpu.memory_space<hbm>>
      %dma_start3A_6 = arith.constant 0 : i32
      %dma_start3A_7 = tpu.memref_slice %arg5[%arg0, %arg1, %dma_start3A_6] : memref<2x16x640xf32, #tpu.memory_space<hbm>> -> memref<1x1x640xf32, #tpu.memory_space<hbm>>
      %dma_start3A_8 = tpu.memref_squeeze %dma_start3A_7 : memref<1x1x640xf32, #tpu.memory_space<hbm>> -> memref<640xf32, #tpu.memory_space<hbm>>
      tpu.enqueue_dma source(%arg8 : memref<640xf32, #tpu.memory_space<vmem>>) target(%dma_start3A_8 : memref<640xf32, #tpu.memory_space<hbm>>) target_semaphore(%run_scoped3A : memref<!tpu.dma_semaphore, #tpu.memory_space<semaphore_mem>>)
      %dma_wait3A = arith.constant 0 : i32
      %dma_wait3A_9 = tpu.memref_slice %arg5[%arg0, %arg1, %dma_wait3A] : memref<2x16x640xf32, #tpu.memory_space<hbm>> -> memref<1x1x640xf32, #tpu.memory_space<hbm>>
      %dma_wait3A_10 = tpu.memref_squeeze %dma_wait3A_9 : memref<1x1x640xf32, #tpu.memory_space<hbm>> -> memref<640xf32, #tpu.memory_space<hbm>>
      %dma_wait3A_11 = arith.constant 0 : i32
      %dma_wait3A_12 = tpu.memref_slice %arg5[%arg0, %arg1, %dma_wait3A_11] : memref<2x16x640xf32, #tpu.memory_space<hbm>> -> memref<1x1x640xf32, #tpu.memory_space<hbm>>
      %dma_wait3A_13 = tpu.memref_squeeze %dma_wait3A_12 : memref<1x1x640xf32, #tpu.memory_space<hbm>> -> memref<640xf32, #tpu.memory_space<hbm>>
      tpu.wait_dma2 semaphore(%run_scoped3A : memref<!tpu.dma_semaphore, #tpu.memory_space<semaphore_mem>>) src(%arg8 : memref<640xf32, #tpu.memory_space<vmem>>) dst(%dma_wait3A_13 : memref<640xf32, #tpu.memory_space<hbm>>)
      tpu.yield
    }) : () -> ()
    return
  }
}

#map = affine_map<(d0, d1) -> (0, 0, 0)>
#map1 = affine_map<(d0, d1) -> (0, 0)>
#map2 = affine_map<(d0, d1) -> (0)>
module attributes {stable_mosaic.version = 14 : i64} {
  func.func @_l3_body(%arg0: i32, %arg1: i32, %arg2: memref<2x16x20000xi32, #tpu.memory_space<hbm>>, %arg3: memref<2x16x20000xi32, #tpu.memory_space<hbm>>, %arg4: memref<2x10240xf32, #tpu.memory_space<hbm>>, %arg5: memref<640xf32, #tpu.memory_space<hbm>>, %arg6: memref<2x16x640xf32, #tpu.memory_space<hbm>>, %arg7: memref<20000xi32, #tpu.memory_space<vmem>>, %arg8: memref<20000xi32, #tpu.memory_space<vmem>>, %arg9: memref<20000xf32, #tpu.memory_space<vmem>>, %arg10: memref<640xf32, #tpu.memory_space<vmem>>, %arg11: memref<10240xf32, #tpu.memory_space<vmem_shared>>, %arg12: memref<10240xf32, #tpu.memory_space<vmem_shared>>, %arg13: memref<!tpu.dma_semaphore, #tpu.memory_space<semaphore_mem>>) attributes {dimension_semantics = [#tpu.dimension_semantics<core_parallel>, #tpu.dimension_semantics<subcore_parallel>], iteration_bounds = array<i64: 2, 16>, scalar_prefetch = 0 : i64, scratch_operands = 7 : i64, tpu.core_type = #tpu.core_type<sc_vector_subcore>, window_params = [{transform_indices = #map}, {transform_indices = #map}, {transform_indices = #map1}, {transform_indices = #map2}, {transform_indices = #map}]} {
    %mul3A = arith.constant 640 : i32
    %mul3A_0 = arith.muli %arg1, %mul3A : i32
    "tpu.region"() ({
      %run_scoped3A = tpu.sem_alloc : memref<!tpu.dma_semaphore, #tpu.memory_space<semaphore_mem>>
      %dma_start3A_10 = tpu.memref_slice %arg4[%arg0, %mul3A_0] : memref<2x10240xf32, #tpu.memory_space<hbm>> -> memref<1x640xf32, #tpu.memory_space<hbm>>
      %dma_start3A_11 = tpu.memref_squeeze %dma_start3A_10 : memref<1x640xf32, #tpu.memory_space<hbm>> -> memref<640xf32, #tpu.memory_space<hbm>>
      %dma_start3A_12 = tpu.memref_slice %arg4[%arg0, %mul3A_0] : memref<2x10240xf32, #tpu.memory_space<hbm>> -> memref<1x640xf32, #tpu.memory_space<hbm>>
      %dma_start3A_13 = tpu.memref_squeeze %dma_start3A_12 : memref<1x640xf32, #tpu.memory_space<hbm>> -> memref<640xf32, #tpu.memory_space<hbm>>
      tpu.enqueue_dma source(%dma_start3A_13 : memref<640xf32, #tpu.memory_space<hbm>>) target(%arg10 : memref<640xf32, #tpu.memory_space<vmem>>) target_semaphore(%run_scoped3A : memref<!tpu.dma_semaphore, #tpu.memory_space<semaphore_mem>>)
      %dma_wait3A_14 = tpu.memref_slice %arg4[%arg0, %mul3A_0] : memref<2x10240xf32, #tpu.memory_space<hbm>> -> memref<1x640xf32, #tpu.memory_space<hbm>>
      %dma_wait3A_15 = tpu.memref_squeeze %dma_wait3A_14 : memref<1x640xf32, #tpu.memory_space<hbm>> -> memref<640xf32, #tpu.memory_space<hbm>>
      %dma_wait3A_16 = tpu.memref_slice %arg4[%arg0, %mul3A_0] : memref<2x10240xf32, #tpu.memory_space<hbm>> -> memref<1x640xf32, #tpu.memory_space<hbm>>
      %dma_wait3A_17 = tpu.memref_squeeze %dma_wait3A_16 : memref<1x640xf32, #tpu.memory_space<hbm>> -> memref<640xf32, #tpu.memory_space<hbm>>
      tpu.wait_dma2 semaphore(%run_scoped3A : memref<!tpu.dma_semaphore, #tpu.memory_space<semaphore_mem>>) src(%dma_wait3A_17 : memref<640xf32, #tpu.memory_space<hbm>>) dst(%arg10 : memref<640xf32, #tpu.memory_space<vmem>>)
      tpu.yield
    }) : () -> ()
    %mul3A_1 = arith.constant 640 : i32
    %mul3A_2 = arith.muli %arg1, %mul3A_1 : i32
    "tpu.region"() ({
      %run_scoped3A = tpu.sem_alloc : memref<!tpu.dma_semaphore, #tpu.memory_space<semaphore_mem>>
      %dma_start3A_10 = tpu.memref_slice %arg11[%mul3A_2] : memref<10240xf32, #tpu.memory_space<vmem_shared>> -> memref<640xf32, #tpu.memory_space<vmem_shared>>
      %dma_start3A_11 = tpu.memref_slice %arg11[%mul3A_2] : memref<10240xf32, #tpu.memory_space<vmem_shared>> -> memref<640xf32, #tpu.memory_space<vmem_shared>>
      tpu.enqueue_dma source(%arg10 : memref<640xf32, #tpu.memory_space<vmem>>) target(%dma_start3A_11 : memref<640xf32, #tpu.memory_space<vmem_shared>>) target_semaphore(%run_scoped3A : memref<!tpu.dma_semaphore, #tpu.memory_space<semaphore_mem>>)
      %dma_wait3A_12 = tpu.memref_slice %arg11[%mul3A_2] : memref<10240xf32, #tpu.memory_space<vmem_shared>> -> memref<640xf32, #tpu.memory_space<vmem_shared>>
      %dma_wait3A_13 = tpu.memref_slice %arg11[%mul3A_2] : memref<10240xf32, #tpu.memory_space<vmem_shared>> -> memref<640xf32, #tpu.memory_space<vmem_shared>>
      tpu.wait_dma2 semaphore(%run_scoped3A : memref<!tpu.dma_semaphore, #tpu.memory_space<semaphore_mem>>) src(%arg10 : memref<640xf32, #tpu.memory_space<vmem>>) dst(%dma_wait3A_13 : memref<640xf32, #tpu.memory_space<vmem_shared>>)
      tpu.yield
    }) : () -> ()
    "tpu.region"() ({
      %run_scoped3A = tpu.sem_alloc : memref<!tpu.dma_semaphore, #tpu.memory_space<semaphore_mem>>
      tpu.enqueue_dma source(%arg5 : memref<640xf32, #tpu.memory_space<hbm>>) target(%arg10 : memref<640xf32, #tpu.memory_space<vmem>>) target_semaphore(%run_scoped3A : memref<!tpu.dma_semaphore, #tpu.memory_space<semaphore_mem>>)
      tpu.wait_dma2 semaphore(%run_scoped3A : memref<!tpu.dma_semaphore, #tpu.memory_space<semaphore_mem>>) src(%arg5 : memref<640xf32, #tpu.memory_space<hbm>>) dst(%arg10 : memref<640xf32, #tpu.memory_space<vmem>>)
      tpu.yield
    }) : () -> ()
    %mul3A_3 = arith.constant 640 : i32
    %mul3A_4 = arith.muli %arg1, %mul3A_3 : i32
    "tpu.region"() ({
      %run_scoped3A = tpu.sem_alloc : memref<!tpu.dma_semaphore, #tpu.memory_space<semaphore_mem>>
      %dma_start3A_10 = tpu.memref_slice %arg12[%mul3A_4] : memref<10240xf32, #tpu.memory_space<vmem_shared>> -> memref<640xf32, #tpu.memory_space<vmem_shared>>
      %dma_start3A_11 = tpu.memref_slice %arg12[%mul3A_4] : memref<10240xf32, #tpu.memory_space<vmem_shared>> -> memref<640xf32, #tpu.memory_space<vmem_shared>>
      tpu.enqueue_dma source(%arg10 : memref<640xf32, #tpu.memory_space<vmem>>) target(%dma_start3A_11 : memref<640xf32, #tpu.memory_space<vmem_shared>>) target_semaphore(%run_scoped3A : memref<!tpu.dma_semaphore, #tpu.memory_space<semaphore_mem>>)
      %dma_wait3A_12 = tpu.memref_slice %arg12[%mul3A_4] : memref<10240xf32, #tpu.memory_space<vmem_shared>> -> memref<640xf32, #tpu.memory_space<vmem_shared>>
      %dma_wait3A_13 = tpu.memref_slice %arg12[%mul3A_4] : memref<10240xf32, #tpu.memory_space<vmem_shared>> -> memref<640xf32, #tpu.memory_space<vmem_shared>>
      tpu.wait_dma2 semaphore(%run_scoped3A : memref<!tpu.dma_semaphore, #tpu.memory_space<semaphore_mem>>) src(%arg10 : memref<640xf32, #tpu.memory_space<vmem>>) dst(%dma_wait3A_13 : memref<640xf32, #tpu.memory_space<vmem_shared>>)
      tpu.yield
    }) : () -> ()
    "tpu.region"() ({
      %run_scoped3A = tpu.sem_alloc : memref<!tpu.dma_semaphore, #tpu.memory_space<semaphore_mem>>
      %dma_start3A_10 = arith.constant 0 : i32
      %dma_start3A_11 = tpu.memref_slice %arg2[%arg0, %arg1, %dma_start3A_10] : memref<2x16x20000xi32, #tpu.memory_space<hbm>> -> memref<1x1x20000xi32, #tpu.memory_space<hbm>>
      %dma_start3A_12 = tpu.memref_squeeze %dma_start3A_11 : memref<1x1x20000xi32, #tpu.memory_space<hbm>> -> memref<20000xi32, #tpu.memory_space<hbm>>
      %dma_start3A_13 = arith.constant 0 : i32
      %dma_start3A_14 = tpu.memref_slice %arg2[%arg0, %arg1, %dma_start3A_13] : memref<2x16x20000xi32, #tpu.memory_space<hbm>> -> memref<1x1x20000xi32, #tpu.memory_space<hbm>>
      %dma_start3A_15 = tpu.memref_squeeze %dma_start3A_14 : memref<1x1x20000xi32, #tpu.memory_space<hbm>> -> memref<20000xi32, #tpu.memory_space<hbm>>
      tpu.enqueue_dma source(%dma_start3A_15 : memref<20000xi32, #tpu.memory_space<hbm>>) target(%arg7 : memref<20000xi32, #tpu.memory_space<vmem>>) target_semaphore(%run_scoped3A : memref<!tpu.dma_semaphore, #tpu.memory_space<semaphore_mem>>)
      %dma_wait3A_16 = arith.constant 0 : i32
      %dma_wait3A_17 = tpu.memref_slice %arg2[%arg0, %arg1, %dma_wait3A_16] : memref<2x16x20000xi32, #tpu.memory_space<hbm>> -> memref<1x1x20000xi32, #tpu.memory_space<hbm>>
      %dma_wait3A_18 = tpu.memref_squeeze %dma_wait3A_17 : memref<1x1x20000xi32, #tpu.memory_space<hbm>> -> memref<20000xi32, #tpu.memory_space<hbm>>
      %dma_wait3A_19 = arith.constant 0 : i32
      %dma_wait3A_20 = tpu.memref_slice %arg2[%arg0, %arg1, %dma_wait3A_19] : memref<2x16x20000xi32, #tpu.memory_space<hbm>> -> memref<1x1x20000xi32, #tpu.memory_space<hbm>>
      %dma_wait3A_21 = tpu.memref_squeeze %dma_wait3A_20 : memref<1x1x20000xi32, #tpu.memory_space<hbm>> -> memref<20000xi32, #tpu.memory_space<hbm>>
      tpu.wait_dma2 semaphore(%run_scoped3A : memref<!tpu.dma_semaphore, #tpu.memory_space<semaphore_mem>>) src(%dma_wait3A_21 : memref<20000xi32, #tpu.memory_space<hbm>>) dst(%arg7 : memref<20000xi32, #tpu.memory_space<vmem>>)
      tpu.yield
    }) : () -> ()
    "tpu.region"() ({
      %run_scoped3A = tpu.sem_alloc : memref<!tpu.dma_semaphore, #tpu.memory_space<semaphore_mem>>
      %dma_start3A_10 = arith.constant 0 : i32
      %dma_start3A_11 = tpu.memref_slice %arg3[%arg0, %arg1, %dma_start3A_10] : memref<2x16x20000xi32, #tpu.memory_space<hbm>> -> memref<1x1x20000xi32, #tpu.memory_space<hbm>>
      %dma_start3A_12 = tpu.memref_squeeze %dma_start3A_11 : memref<1x1x20000xi32, #tpu.memory_space<hbm>> -> memref<20000xi32, #tpu.memory_space<hbm>>
      %dma_start3A_13 = arith.constant 0 : i32
      %dma_start3A_14 = tpu.memref_slice %arg3[%arg0, %arg1, %dma_start3A_13] : memref<2x16x20000xi32, #tpu.memory_space<hbm>> -> memref<1x1x20000xi32, #tpu.memory_space<hbm>>
      %dma_start3A_15 = tpu.memref_squeeze %dma_start3A_14 : memref<1x1x20000xi32, #tpu.memory_space<hbm>> -> memref<20000xi32, #tpu.memory_space<hbm>>
      tpu.enqueue_dma source(%dma_start3A_15 : memref<20000xi32, #tpu.memory_space<hbm>>) target(%arg8 : memref<20000xi32, #tpu.memory_space<vmem>>) target_semaphore(%run_scoped3A : memref<!tpu.dma_semaphore, #tpu.memory_space<semaphore_mem>>)
      %dma_wait3A_16 = arith.constant 0 : i32
      %dma_wait3A_17 = tpu.memref_slice %arg3[%arg0, %arg1, %dma_wait3A_16] : memref<2x16x20000xi32, #tpu.memory_space<hbm>> -> memref<1x1x20000xi32, #tpu.memory_space<hbm>>
      %dma_wait3A_18 = tpu.memref_squeeze %dma_wait3A_17 : memref<1x1x20000xi32, #tpu.memory_space<hbm>> -> memref<20000xi32, #tpu.memory_space<hbm>>
      %dma_wait3A_19 = arith.constant 0 : i32
      %dma_wait3A_20 = tpu.memref_slice %arg3[%arg0, %arg1, %dma_wait3A_19] : memref<2x16x20000xi32, #tpu.memory_space<hbm>> -> memref<1x1x20000xi32, #tpu.memory_space<hbm>>
      %dma_wait3A_21 = tpu.memref_squeeze %dma_wait3A_20 : memref<1x1x20000xi32, #tpu.memory_space<hbm>> -> memref<20000xi32, #tpu.memory_space<hbm>>
      tpu.wait_dma2 semaphore(%run_scoped3A : memref<!tpu.dma_semaphore, #tpu.memory_space<semaphore_mem>>) src(%dma_wait3A_21 : memref<20000xi32, #tpu.memory_space<hbm>>) dst(%arg8 : memref<20000xi32, #tpu.memory_space<vmem>>)
      tpu.yield
    }) : () -> ()
    %barrier3A = arith.constant 0 : index
    tpu.barrier barrier_id(%barrier3A)
    %dma_start3A = arith.constant 0 : i32
    %dma_start3A_5 = tpu.memref_slice %arg11[%dma_start3A] : memref<10240xf32, #tpu.memory_space<vmem_shared>> -> memref<10240xf32, #tpu.memory_space<vmem_shared>>
    tpu.enqueue_indirect_dma source(%dma_start3A_5 : memref<10240xf32, #tpu.memory_space<vmem_shared>>) target(%arg9 : memref<20000xf32, #tpu.memory_space<vmem>>) offsets(%arg8 : memref<20000xi32, #tpu.memory_space<vmem>>) semaphore(%arg13 : memref<!tpu.dma_semaphore, #tpu.memory_space<semaphore_mem>>)
    %dma_wait3A = arith.constant 0 : i32
    %dma_wait3A_6 = tpu.memref_slice %arg11[%dma_wait3A] : memref<10240xf32, #tpu.memory_space<vmem_shared>> -> memref<10240xf32, #tpu.memory_space<vmem_shared>>
    tpu.wait_indirect_dma semaphore(%arg13 : memref<!tpu.dma_semaphore, #tpu.memory_space<semaphore_mem>>) src(%dma_wait3A_6 : memref<10240xf32, #tpu.memory_space<vmem_shared>>) dst(%arg9 : memref<20000xf32, #tpu.memory_space<vmem>>)
    "tpu.region"() ({
      %run_scoped3A = tpu.sem_alloc : memref<!tpu.dma_semaphore, #tpu.memory_space<semaphore_mem>>
      %dma_start3A_10 = arith.constant 0 : i32
      %dma_start3A_11 = tpu.memref_slice %arg12[%dma_start3A_10] : memref<10240xf32, #tpu.memory_space<vmem_shared>> -> memref<10240xf32, #tpu.memory_space<vmem_shared>>
      tpu.enqueue_indirect_dma source(%arg9 : memref<20000xf32, #tpu.memory_space<vmem>>) target(%dma_start3A_11 : memref<10240xf32, #tpu.memory_space<vmem_shared>>) offsets(%arg7 : memref<20000xi32, #tpu.memory_space<vmem>>) semaphore(%run_scoped3A : memref<!tpu.dma_semaphore, #tpu.memory_space<semaphore_mem>>) {add = true}
      %dma_wait3A_12 = arith.constant 0 : i32
      %dma_wait3A_13 = tpu.memref_slice %arg12[%dma_wait3A_12] : memref<10240xf32, #tpu.memory_space<vmem_shared>> -> memref<10240xf32, #tpu.memory_space<vmem_shared>>
      tpu.wait_indirect_dma semaphore(%run_scoped3A : memref<!tpu.dma_semaphore, #tpu.memory_space<semaphore_mem>>) src(%arg9 : memref<20000xf32, #tpu.memory_space<vmem>>) dst(%dma_wait3A_13 : memref<10240xf32, #tpu.memory_space<vmem_shared>>)
      tpu.yield
    }) : () -> ()
    %barrier3A_7 = arith.constant 0 : index
    tpu.barrier barrier_id(%barrier3A_7)
    %mul3A_8 = arith.constant 640 : i32
    %mul3A_9 = arith.muli %arg1, %mul3A_8 : i32
    "tpu.region"() ({
      %run_scoped3A = tpu.sem_alloc : memref<!tpu.dma_semaphore, #tpu.memory_space<semaphore_mem>>
      %dma_start3A_10 = tpu.memref_slice %arg12[%mul3A_9] : memref<10240xf32, #tpu.memory_space<vmem_shared>> -> memref<640xf32, #tpu.memory_space<vmem_shared>>
      %dma_start3A_11 = tpu.memref_slice %arg12[%mul3A_9] : memref<10240xf32, #tpu.memory_space<vmem_shared>> -> memref<640xf32, #tpu.memory_space<vmem_shared>>
      tpu.enqueue_dma source(%dma_start3A_11 : memref<640xf32, #tpu.memory_space<vmem_shared>>) target(%arg10 : memref<640xf32, #tpu.memory_space<vmem>>) target_semaphore(%run_scoped3A : memref<!tpu.dma_semaphore, #tpu.memory_space<semaphore_mem>>)
      %dma_wait3A_12 = tpu.memref_slice %arg12[%mul3A_9] : memref<10240xf32, #tpu.memory_space<vmem_shared>> -> memref<640xf32, #tpu.memory_space<vmem_shared>>
      %dma_wait3A_13 = tpu.memref_slice %arg12[%mul3A_9] : memref<10240xf32, #tpu.memory_space<vmem_shared>> -> memref<640xf32, #tpu.memory_space<vmem_shared>>
      tpu.wait_dma2 semaphore(%run_scoped3A : memref<!tpu.dma_semaphore, #tpu.memory_space<semaphore_mem>>) src(%dma_wait3A_13 : memref<640xf32, #tpu.memory_space<vmem_shared>>) dst(%arg10 : memref<640xf32, #tpu.memory_space<vmem>>)
      tpu.yield
    }) : () -> ()
    "tpu.region"() ({
      %run_scoped3A = tpu.sem_alloc : memref<!tpu.dma_semaphore, #tpu.memory_space<semaphore_mem>>
      %dma_start3A_10 = arith.constant 0 : i32
      %dma_start3A_11 = tpu.memref_slice %arg6[%arg0, %arg1, %dma_start3A_10] : memref<2x16x640xf32, #tpu.memory_space<hbm>> -> memref<1x1x640xf32, #tpu.memory_space<hbm>>
      %dma_start3A_12 = tpu.memref_squeeze %dma_start3A_11 : memref<1x1x640xf32, #tpu.memory_space<hbm>> -> memref<640xf32, #tpu.memory_space<hbm>>
      %dma_start3A_13 = arith.constant 0 : i32
      %dma_start3A_14 = tpu.memref_slice %arg6[%arg0, %arg1, %dma_start3A_13] : memref<2x16x640xf32, #tpu.memory_space<hbm>> -> memref<1x1x640xf32, #tpu.memory_space<hbm>>
      %dma_start3A_15 = tpu.memref_squeeze %dma_start3A_14 : memref<1x1x640xf32, #tpu.memory_space<hbm>> -> memref<640xf32, #tpu.memory_space<hbm>>
      tpu.enqueue_dma source(%arg10 : memref<640xf32, #tpu.memory_space<vmem>>) target(%dma_start3A_15 : memref<640xf32, #tpu.memory_space<hbm>>) target_semaphore(%run_scoped3A : memref<!tpu.dma_semaphore, #tpu.memory_space<semaphore_mem>>)
      %dma_wait3A_16 = arith.constant 0 : i32
      %dma_wait3A_17 = tpu.memref_slice %arg6[%arg0, %arg1, %dma_wait3A_16] : memref<2x16x640xf32, #tpu.memory_space<hbm>> -> memref<1x1x640xf32, #tpu.memory_space<hbm>>
      %dma_wait3A_18 = tpu.memref_squeeze %dma_wait3A_17 : memref<1x1x640xf32, #tpu.memory_space<hbm>> -> memref<640xf32, #tpu.memory_space<hbm>>
      %dma_wait3A_19 = arith.constant 0 : i32
      %dma_wait3A_20 = tpu.memref_slice %arg6[%arg0, %arg1, %dma_wait3A_19] : memref<2x16x640xf32, #tpu.memory_space<hbm>> -> memref<1x1x640xf32, #tpu.memory_space<hbm>>
      %dma_wait3A_21 = tpu.memref_squeeze %dma_wait3A_20 : memref<1x1x640xf32, #tpu.memory_space<hbm>> -> memref<640xf32, #tpu.memory_space<hbm>>
      tpu.wait_dma2 semaphore(%run_scoped3A : memref<!tpu.dma_semaphore, #tpu.memory_space<semaphore_mem>>) src(%arg10 : memref<640xf32, #tpu.memory_space<vmem>>) dst(%dma_wait3A_21 : memref<640xf32, #tpu.memory_space<hbm>>)
      tpu.yield
    }) : () -> ()
    return
  }
}

#map = affine_map<(d0, d1) -> (0, 0, 0, 0)>
#map1 = affine_map<(d0, d1) -> (0, 0)>
module attributes {stable_mosaic.version = 14 : i64} {
  func.func @_l2_body(%arg0: i32, %arg1: i32, %arg2: memref<2x16x160x125xi32, #tpu.memory_space<hbm>>, %arg3: memref<2x16x160x125xi32, #tpu.memory_space<hbm>>, %arg4: memref<10000x64xf32, #tpu.memory_space<hbm>>, %arg5: memref<10000x64xf32, #tpu.memory_space<hbm>>, %arg6: memref<10000x64xf32, #tpu.memory_space<hbm>>, %arg7: memref<10000x64xf32, #tpu.memory_space<hbm>>, %arg8: memref<128x64xf32, #tpu.memory_space<hbm>>, %arg9: memref<2x16x640x64xf32, #tpu.memory_space<hbm>>, %arg10: memref<2x16x640x64xf32, #tpu.memory_space<hbm>>, %arg11: memref<160x125xi32, #tpu.memory_space<vmem>>, %arg12: memref<160x125xi32, #tpu.memory_space<vmem>>, %arg13: memref<125x64xf32, #tpu.memory_space<vmem>>, %arg14: memref<125x64xf32, #tpu.memory_space<vmem>>, %arg15: memref<125x64xf32, #tpu.memory_space<vmem>>, %arg16: memref<125x64xf32, #tpu.memory_space<vmem>>, %arg17: memref<128x64xf32, #tpu.memory_space<vmem>>, %arg18: memref<10240x64xf32, #tpu.memory_space<vmem_shared>>, %arg19: memref<!tpu.dma_semaphore, #tpu.memory_space<semaphore_mem>>, %arg20: memref<!tpu.dma_semaphore, #tpu.memory_space<semaphore_mem>>, %arg21: memref<!tpu.dma_semaphore, #tpu.memory_space<semaphore_mem>>, %arg22: memref<!tpu.dma_semaphore, #tpu.memory_space<semaphore_mem>>) attributes {dimension_semantics = [#tpu.dimension_semantics<core_parallel>, #tpu.dimension_semantics<subcore_parallel>], iteration_bounds = array<i64: 2, 16>, scalar_prefetch = 0 : i64, scratch_operands = 12 : i64, tpu.core_type = #tpu.core_type<sc_vector_subcore>, window_params = [{transform_indices = #map}, {transform_indices = #map}, {transform_indices = #map1}, {transform_indices = #map1}, {transform_indices = #map1}, {transform_indices = #map1}, {transform_indices = #map1}, {transform_indices = #map}, {transform_indices = #map}]} {
    "tpu.region"() ({
      %run_scoped3A_203 = tpu.sem_alloc : memref<!tpu.dma_semaphore, #tpu.memory_space<semaphore_mem>>
      tpu.enqueue_dma source(%arg8 : memref<128x64xf32, #tpu.memory_space<hbm>>) target(%arg17 : memref<128x64xf32, #tpu.memory_space<vmem>>) target_semaphore(%run_scoped3A_203 : memref<!tpu.dma_semaphore, #tpu.memory_space<semaphore_mem>>)
      tpu.wait_dma2 semaphore(%run_scoped3A_203 : memref<!tpu.dma_semaphore, #tpu.memory_space<semaphore_mem>>) src(%arg8 : memref<128x64xf32, #tpu.memory_space<hbm>>) dst(%arg17 : memref<128x64xf32, #tpu.memory_space<vmem>>)
      tpu.yield
    }) : () -> ()
    %mul3A = arith.constant 640 : i32
    %mul3A_0 = arith.muli %arg1, %mul3A : i32
    %add3A = arith.constant 0 : i32
    %add3A_1 = arith.addi %mul3A_0, %add3A : i32
    "tpu.region"() ({
      %run_scoped3A_203 = tpu.sem_alloc : memref<!tpu.dma_semaphore, #tpu.memory_space<semaphore_mem>>
      %dma_start3A = arith.constant 0 : i32
      %dma_start3A_204 = tpu.memref_slice %arg18[%add3A_1, %dma_start3A] : memref<10240x64xf32, #tpu.memory_space<vmem_shared>> -> memref<128x64xf32, #tpu.memory_space<vmem_shared>>
      %dma_start3A_205 = arith.constant 0 : i32
      %dma_start3A_206 = tpu.memref_slice %arg18[%add3A_1, %dma_start3A_205] : memref<10240x64xf32, #tpu.memory_space<vmem_shared>> -> memref<128x64xf32, #tpu.memory_space<vmem_shared>>
      tpu.enqueue_dma source(%arg17 : memref<128x64xf32, #tpu.memory_space<vmem>>) target(%dma_start3A_206 : memref<128x64xf32, #tpu.memory_space<vmem_shared>>) target_semaphore(%run_scoped3A_203 : memref<!tpu.dma_semaphore, #tpu.memory_space<semaphore_mem>>)
      %dma_wait3A = arith.constant 0 : i32
      %dma_wait3A_207 = tpu.memref_slice %arg18[%add3A_1, %dma_wait3A] : memref<10240x64xf32, #tpu.memory_space<vmem_shared>> -> memref<128x64xf32, #tpu.memory_space<vmem_shared>>
      %dma_wait3A_208 = arith.constant 0 : i32
      %dma_wait3A_209 = tpu.memref_slice %arg18[%add3A_1, %dma_wait3A_208] : memref<10240x64xf32, #tpu.memory_space<vmem_shared>> -> memref<128x64xf32, #tpu.memory_space<vmem_shared>>
      tpu.wait_dma2 semaphore(%run_scoped3A_203 : memref<!tpu.dma_semaphore, #tpu.memory_space<semaphore_mem>>) src(%arg17 : memref<128x64xf32, #tpu.memory_space<vmem>>) dst(%dma_wait3A_209 : memref<128x64xf32, #tpu.memory_space<vmem_shared>>)
      tpu.yield
    }) : () -> ()
    %mul3A_2 = arith.constant 640 : i32
    %mul3A_3 = arith.muli %arg1, %mul3A_2 : i32
    %add3A_4 = arith.constant 128 : i32
    %add3A_5 = arith.addi %mul3A_3, %add3A_4 : i32
    "tpu.region"() ({
      %run_scoped3A_203 = tpu.sem_alloc : memref<!tpu.dma_semaphore, #tpu.memory_space<semaphore_mem>>
      %dma_start3A = arith.constant 0 : i32
      %dma_start3A_204 = tpu.memref_slice %arg18[%add3A_5, %dma_start3A] : memref<10240x64xf32, #tpu.memory_space<vmem_shared>> -> memref<128x64xf32, #tpu.memory_space<vmem_shared>>
      %dma_start3A_205 = arith.constant 0 : i32
      %dma_start3A_206 = tpu.memref_slice %arg18[%add3A_5, %dma_start3A_205] : memref<10240x64xf32, #tpu.memory_space<vmem_shared>> -> memref<128x64xf32, #tpu.memory_space<vmem_shared>>
      tpu.enqueue_dma source(%arg17 : memref<128x64xf32, #tpu.memory_space<vmem>>) target(%dma_start3A_206 : memref<128x64xf32, #tpu.memory_space<vmem_shared>>) target_semaphore(%run_scoped3A_203 : memref<!tpu.dma_semaphore, #tpu.memory_space<semaphore_mem>>)
      %dma_wait3A = arith.constant 0 : i32
      %dma_wait3A_207 = tpu.memref_slice %arg18[%add3A_5, %dma_wait3A] : memref<10240x64xf32, #tpu.memory_space<vmem_shared>> -> memref<128x64xf32, #tpu.memory_space<vmem_shared>>
      %dma_wait3A_208 = arith.constant 0 : i32
      %dma_wait3A_209 = tpu.memref_slice %arg18[%add3A_5, %dma_wait3A_208] : memref<10240x64xf32, #tpu.memory_space<vmem_shared>> -> memref<128x64xf32, #tpu.memory_space<vmem_shared>>
      tpu.wait_dma2 semaphore(%run_scoped3A_203 : memref<!tpu.dma_semaphore, #tpu.memory_space<semaphore_mem>>) src(%arg17 : memref<128x64xf32, #tpu.memory_space<vmem>>) dst(%dma_wait3A_209 : memref<128x64xf32, #tpu.memory_space<vmem_shared>>)
      tpu.yield
    }) : () -> ()
    %mul3A_6 = arith.constant 640 : i32
    %mul3A_7 = arith.muli %arg1, %mul3A_6 : i32
    %add3A_8 = arith.constant 256 : i32
    %add3A_9 = arith.addi %mul3A_7, %add3A_8 : i32
    "tpu.region"() ({
      %run_scoped3A_203 = tpu.sem_alloc : memref<!tpu.dma_semaphore, #tpu.memory_space<semaphore_mem>>
      %dma_start3A = arith.constant 0 : i32
      %dma_start3A_204 = tpu.memref_slice %arg18[%add3A_9, %dma_start3A] : memref<10240x64xf32, #tpu.memory_space<vmem_shared>> -> memref<128x64xf32, #tpu.memory_space<vmem_shared>>
      %dma_start3A_205 = arith.constant 0 : i32
      %dma_start3A_206 = tpu.memref_slice %arg18[%add3A_9, %dma_start3A_205] : memref<10240x64xf32, #tpu.memory_space<vmem_shared>> -> memref<128x64xf32, #tpu.memory_space<vmem_shared>>
      tpu.enqueue_dma source(%arg17 : memref<128x64xf32, #tpu.memory_space<vmem>>) target(%dma_start3A_206 : memref<128x64xf32, #tpu.memory_space<vmem_shared>>) target_semaphore(%run_scoped3A_203 : memref<!tpu.dma_semaphore, #tpu.memory_space<semaphore_mem>>)
      %dma_wait3A = arith.constant 0 : i32
      %dma_wait3A_207 = tpu.memref_slice %arg18[%add3A_9, %dma_wait3A] : memref<10240x64xf32, #tpu.memory_space<vmem_shared>> -> memref<128x64xf32, #tpu.memory_space<vmem_shared>>
      %dma_wait3A_208 = arith.constant 0 : i32
      %dma_wait3A_209 = tpu.memref_slice %arg18[%add3A_9, %dma_wait3A_208] : memref<10240x64xf32, #tpu.memory_space<vmem_shared>> -> memref<128x64xf32, #tpu.memory_space<vmem_shared>>
      tpu.wait_dma2 semaphore(%run_scoped3A_203 : memref<!tpu.dma_semaphore, #tpu.memory_space<semaphore_mem>>) src(%arg17 : memref<128x64xf32, #tpu.memory_space<vmem>>) dst(%dma_wait3A_209 : memref<128x64xf32, #tpu.memory_space<vmem_shared>>)
      tpu.yield
    }) : () -> ()
    %mul3A_10 = arith.constant 640 : i32
    %mul3A_11 = arith.muli %arg1, %mul3A_10 : i32
    %add3A_12 = arith.constant 384 : i32
    %add3A_13 = arith.addi %mul3A_11, %add3A_12 : i32
    "tpu.region"() ({
      %run_scoped3A_203 = tpu.sem_alloc : memref<!tpu.dma_semaphore, #tpu.memory_space<semaphore_mem>>
      %dma_start3A = arith.constant 0 : i32
      %dma_start3A_204 = tpu.memref_slice %arg18[%add3A_13, %dma_start3A] : memref<10240x64xf32, #tpu.memory_space<vmem_shared>> -> memref<128x64xf32, #tpu.memory_space<vmem_shared>>
      %dma_start3A_205 = arith.constant 0 : i32
      %dma_start3A_206 = tpu.memref_slice %arg18[%add3A_13, %dma_start3A_205] : memref<10240x64xf32, #tpu.memory_space<vmem_shared>> -> memref<128x64xf32, #tpu.memory_space<vmem_shared>>
      tpu.enqueue_dma source(%arg17 : memref<128x64xf32, #tpu.memory_space<vmem>>) target(%dma_start3A_206 : memref<128x64xf32, #tpu.memory_space<vmem_shared>>) target_semaphore(%run_scoped3A_203 : memref<!tpu.dma_semaphore, #tpu.memory_space<semaphore_mem>>)
      %dma_wait3A = arith.constant 0 : i32
      %dma_wait3A_207 = tpu.memref_slice %arg18[%add3A_13, %dma_wait3A] : memref<10240x64xf32, #tpu.memory_space<vmem_shared>> -> memref<128x64xf32, #tpu.memory_space<vmem_shared>>
      %dma_wait3A_208 = arith.constant 0 : i32
      %dma_wait3A_209 = tpu.memref_slice %arg18[%add3A_13, %dma_wait3A_208] : memref<10240x64xf32, #tpu.memory_space<vmem_shared>> -> memref<128x64xf32, #tpu.memory_space<vmem_shared>>
      tpu.wait_dma2 semaphore(%run_scoped3A_203 : memref<!tpu.dma_semaphore, #tpu.memory_space<semaphore_mem>>) src(%arg17 : memref<128x64xf32, #tpu.memory_space<vmem>>) dst(%dma_wait3A_209 : memref<128x64xf32, #tpu.memory_space<vmem_shared>>)
      tpu.yield
    }) : () -> ()
    %mul3A_14 = arith.constant 640 : i32
    %mul3A_15 = arith.muli %arg1, %mul3A_14 : i32
    %add3A_16 = arith.constant 512 : i32
    %add3A_17 = arith.addi %mul3A_15, %add3A_16 : i32
    "tpu.region"() ({
      %run_scoped3A_203 = tpu.sem_alloc : memref<!tpu.dma_semaphore, #tpu.memory_space<semaphore_mem>>
      %dma_start3A = arith.constant 0 : i32
      %dma_start3A_204 = tpu.memref_slice %arg18[%add3A_17, %dma_start3A] : memref<10240x64xf32, #tpu.memory_space<vmem_shared>> -> memref<128x64xf32, #tpu.memory_space<vmem_shared>>
      %dma_start3A_205 = arith.constant 0 : i32
      %dma_start3A_206 = tpu.memref_slice %arg18[%add3A_17, %dma_start3A_205] : memref<10240x64xf32, #tpu.memory_space<vmem_shared>> -> memref<128x64xf32, #tpu.memory_space<vmem_shared>>
      tpu.enqueue_dma source(%arg17 : memref<128x64xf32, #tpu.memory_space<vmem>>) target(%dma_start3A_206 : memref<128x64xf32, #tpu.memory_space<vmem_shared>>) target_semaphore(%run_scoped3A_203 : memref<!tpu.dma_semaphore, #tpu.memory_space<semaphore_mem>>)
      %dma_wait3A = arith.constant 0 : i32
      %dma_wait3A_207 = tpu.memref_slice %arg18[%add3A_17, %dma_wait3A] : memref<10240x64xf32, #tpu.memory_space<vmem_shared>> -> memref<128x64xf32, #tpu.memory_space<vmem_shared>>
      %dma_wait3A_208 = arith.constant 0 : i32
      %dma_wait3A_209 = tpu.memref_slice %arg18[%add3A_17, %dma_wait3A_208] : memref<10240x64xf32, #tpu.memory_space<vmem_shared>> -> memref<128x64xf32, #tpu.memory_space<vmem_shared>>
      tpu.wait_dma2 semaphore(%run_scoped3A_203 : memref<!tpu.dma_semaphore, #tpu.memory_space<semaphore_mem>>) src(%arg17 : memref<128x64xf32, #tpu.memory_space<vmem>>) dst(%dma_wait3A_209 : memref<128x64xf32, #tpu.memory_space<vmem_shared>>)
      tpu.yield
    }) : () -> ()
    %run_scoped3A = arith.constant 0 : i32
    "tpu.region"() ({
      %run_scoped3A_203 = tpu.sem_alloc : memref<!tpu.dma_semaphore, #tpu.memory_space<semaphore_mem>>
      %dma_start3A = arith.constant 0 : i32
      %dma_start3A_204 = arith.constant 0 : i32
      %dma_start3A_205 = tpu.memref_slice %arg2[%run_scoped3A, %arg1, %dma_start3A, %dma_start3A_204] : memref<2x16x160x125xi32, #tpu.memory_space<hbm>> -> memref<1x1x160x125xi32, #tpu.memory_space<hbm>>
      %dma_start3A_206 = tpu.memref_squeeze %dma_start3A_205 : memref<1x1x160x125xi32, #tpu.memory_space<hbm>> -> memref<160x125xi32, #tpu.memory_space<hbm>>
      %dma_start3A_207 = arith.constant 0 : i32
      %dma_start3A_208 = arith.constant 0 : i32
      %dma_start3A_209 = tpu.memref_slice %arg2[%run_scoped3A, %arg1, %dma_start3A_207, %dma_start3A_208] : memref<2x16x160x125xi32, #tpu.memory_space<hbm>> -> memref<1x1x160x125xi32, #tpu.memory_space<hbm>>
      %dma_start3A_210 = tpu.memref_squeeze %dma_start3A_209 : memref<1x1x160x125xi32, #tpu.memory_space<hbm>> -> memref<160x125xi32, #tpu.memory_space<hbm>>
      tpu.enqueue_dma source(%dma_start3A_210 : memref<160x125xi32, #tpu.memory_space<hbm>>) target(%arg11 : memref<160x125xi32, #tpu.memory_space<vmem>>) target_semaphore(%run_scoped3A_203 : memref<!tpu.dma_semaphore, #tpu.memory_space<semaphore_mem>>)
      %dma_wait3A = arith.constant 0 : i32
      %dma_wait3A_211 = arith.constant 0 : i32
      %dma_wait3A_212 = tpu.memref_slice %arg2[%run_scoped3A, %arg1, %dma_wait3A, %dma_wait3A_211] : memref<2x16x160x125xi32, #tpu.memory_space<hbm>> -> memref<1x1x160x125xi32, #tpu.memory_space<hbm>>
      %dma_wait3A_213 = tpu.memref_squeeze %dma_wait3A_212 : memref<1x1x160x125xi32, #tpu.memory_space<hbm>> -> memref<160x125xi32, #tpu.memory_space<hbm>>
      %dma_wait3A_214 = arith.constant 0 : i32
      %dma_wait3A_215 = arith.constant 0 : i32
      %dma_wait3A_216 = tpu.memref_slice %arg2[%run_scoped3A, %arg1, %dma_wait3A_214, %dma_wait3A_215] : memref<2x16x160x125xi32, #tpu.memory_space<hbm>> -> memref<1x1x160x125xi32, #tpu.memory_space<hbm>>
      %dma_wait3A_217 = tpu.memref_squeeze %dma_wait3A_216 : memref<1x1x160x125xi32, #tpu.memory_space<hbm>> -> memref<160x125xi32, #tpu.memory_space<hbm>>
      tpu.wait_dma2 semaphore(%run_scoped3A_203 : memref<!tpu.dma_semaphore, #tpu.memory_space<semaphore_mem>>) src(%dma_wait3A_217 : memref<160x125xi32, #tpu.memory_space<hbm>>) dst(%arg11 : memref<160x125xi32, #tpu.memory_space<vmem>>)
      tpu.yield
    }) : () -> ()
    %run_scoped3A_18 = arith.constant 0 : i32
    "tpu.region"() ({
      %run_scoped3A_203 = tpu.sem_alloc : memref<!tpu.dma_semaphore, #tpu.memory_space<semaphore_mem>>
      %dma_start3A = arith.constant 0 : i32
      %dma_start3A_204 = arith.constant 0 : i32
      %dma_start3A_205 = tpu.memref_slice %arg3[%run_scoped3A_18, %arg1, %dma_start3A, %dma_start3A_204] : memref<2x16x160x125xi32, #tpu.memory_space<hbm>> -> memref<1x1x160x125xi32, #tpu.memory_space<hbm>>
      %dma_start3A_206 = tpu.memref_squeeze %dma_start3A_205 : memref<1x1x160x125xi32, #tpu.memory_space<hbm>> -> memref<160x125xi32, #tpu.memory_space<hbm>>
      %dma_start3A_207 = arith.constant 0 : i32
      %dma_start3A_208 = arith.constant 0 : i32
      %dma_start3A_209 = tpu.memref_slice %arg3[%run_scoped3A_18, %arg1, %dma_start3A_207, %dma_start3A_208] : memref<2x16x160x125xi32, #tpu.memory_space<hbm>> -> memref<1x1x160x125xi32, #tpu.memory_space<hbm>>
      %dma_start3A_210 = tpu.memref_squeeze %dma_start3A_209 : memref<1x1x160x125xi32, #tpu.memory_space<hbm>> -> memref<160x125xi32, #tpu.memory_space<hbm>>
      tpu.enqueue_dma source(%dma_start3A_210 : memref<160x125xi32, #tpu.memory_space<hbm>>) target(%arg12 : memref<160x125xi32, #tpu.memory_space<vmem>>) target_semaphore(%run_scoped3A_203 : memref<!tpu.dma_semaphore, #tpu.memory_space<semaphore_mem>>)
      %dma_wait3A = arith.constant 0 : i32
      %dma_wait3A_211 = arith.constant 0 : i32
      %dma_wait3A_212 = tpu.memref_slice %arg3[%run_scoped3A_18, %arg1, %dma_wait3A, %dma_wait3A_211] : memref<2x16x160x125xi32, #tpu.memory_space<hbm>> -> memref<1x1x160x125xi32, #tpu.memory_space<hbm>>
      %dma_wait3A_213 = tpu.memref_squeeze %dma_wait3A_212 : memref<1x1x160x125xi32, #tpu.memory_space<hbm>> -> memref<160x125xi32, #tpu.memory_space<hbm>>
      %dma_wait3A_214 = arith.constant 0 : i32
      %dma_wait3A_215 = arith.constant 0 : i32
      %dma_wait3A_216 = tpu.memref_slice %arg3[%run_scoped3A_18, %arg1, %dma_wait3A_214, %dma_wait3A_215] : memref<2x16x160x125xi32, #tpu.memory_space<hbm>> -> memref<1x1x160x125xi32, #tpu.memory_space<hbm>>
      %dma_wait3A_217 = tpu.memref_squeeze %dma_wait3A_216 : memref<1x1x160x125xi32, #tpu.memory_space<hbm>> -> memref<160x125xi32, #tpu.memory_space<hbm>>
      tpu.wait_dma2 semaphore(%run_scoped3A_203 : memref<!tpu.dma_semaphore, #tpu.memory_space<semaphore_mem>>) src(%dma_wait3A_217 : memref<160x125xi32, #tpu.memory_space<hbm>>) dst(%arg12 : memref<160x125xi32, #tpu.memory_space<vmem>>)
      tpu.yield
    }) : () -> ()
    %barrier3A = arith.constant 0 : index
    tpu.barrier barrier_id(%barrier3A)
    %eq3A = arith.constant 0 : i32
    %eq3A_19 = arith.cmpi eq, %arg0, %eq3A : i32
    %convert_element_type3A = arith.extui %eq3A_19 : i1 to i32
    %cond3A = arith.constant 0 : i32
    %cond3A_20 = arith.cmpi ne, %convert_element_type3A, %cond3A : i32
    scf.if %cond3A_20 {
      %dma_start3A = arith.constant 0 : i32
      %dma_start3A_203 = arith.constant 0 : i32
      %dma_start3A_204 = tpu.memref_slice %arg11[%dma_start3A, %dma_start3A_203] : memref<160x125xi32, #tpu.memory_space<vmem>> -> memref<1x125xi32, #tpu.memory_space<vmem>>
      %dma_start3A_205 = tpu.memref_squeeze %dma_start3A_204 : memref<1x125xi32, #tpu.memory_space<vmem>> -> memref<125xi32, #tpu.memory_space<vmem>>
      %dma_start3A_206 = arith.constant 0 : i32
      %dma_start3A_207 = arith.constant 0 : i32
      %dma_start3A_208 = tpu.memref_slice %arg4[%dma_start3A_206, %dma_start3A_207] : memref<10000x64xf32, #tpu.memory_space<hbm>> -> memref<10000x64xf32, #tpu.memory_space<hbm>>
      tpu.enqueue_indirect_dma source(%dma_start3A_208 : memref<10000x64xf32, #tpu.memory_space<hbm>>) target(%arg13 : memref<125x64xf32, #tpu.memory_space<vmem>>) offsets(%dma_start3A_205 : memref<125xi32, #tpu.memory_space<vmem>>) semaphore(%arg19 : memref<!tpu.dma_semaphore, #tpu.memory_space<semaphore_mem>>)
      %dma_start3A_209 = arith.constant 1 : i32
      %dma_start3A_210 = arith.constant 0 : i32
      %dma_start3A_211 = tpu.memref_slice %arg11[%dma_start3A_209, %dma_start3A_210] : memref<160x125xi32, #tpu.memory_space<vmem>> -> memref<1x125xi32, #tpu.memory_space<vmem>>
      %dma_start3A_212 = tpu.memref_squeeze %dma_start3A_211 : memref<1x125xi32, #tpu.memory_space<vmem>> -> memref<125xi32, #tpu.memory_space<vmem>>
      %dma_start3A_213 = arith.constant 0 : i32
      %dma_start3A_214 = arith.constant 0 : i32
      %dma_start3A_215 = tpu.memref_slice %arg4[%dma_start3A_213, %dma_start3A_214] : memref<10000x64xf32, #tpu.memory_space<hbm>> -> memref<10000x64xf32, #tpu.memory_space<hbm>>
      tpu.enqueue_indirect_dma source(%dma_start3A_215 : memref<10000x64xf32, #tpu.memory_space<hbm>>) target(%arg14 : memref<125x64xf32, #tpu.memory_space<vmem>>) offsets(%dma_start3A_212 : memref<125xi32, #tpu.memory_space<vmem>>) semaphore(%arg20 : memref<!tpu.dma_semaphore, #tpu.memory_space<semaphore_mem>>)
      %dma_start3A_216 = arith.constant 2 : i32
      %dma_start3A_217 = arith.constant 0 : i32
      %dma_start3A_218 = tpu.memref_slice %arg11[%dma_start3A_216, %dma_start3A_217] : memref<160x125xi32, #tpu.memory_space<vmem>> -> memref<1x125xi32, #tpu.memory_space<vmem>>
      %dma_start3A_219 = tpu.memref_squeeze %dma_start3A_218 : memref<1x125xi32, #tpu.memory_space<vmem>> -> memref<125xi32, #tpu.memory_space<vmem>>
      %dma_start3A_220 = arith.constant 0 : i32
      %dma_start3A_221 = arith.constant 0 : i32
      %dma_start3A_222 = tpu.memref_slice %arg4[%dma_start3A_220, %dma_start3A_221] : memref<10000x64xf32, #tpu.memory_space<hbm>> -> memref<10000x64xf32, #tpu.memory_space<hbm>>
      tpu.enqueue_indirect_dma source(%dma_start3A_222 : memref<10000x64xf32, #tpu.memory_space<hbm>>) target(%arg15 : memref<125x64xf32, #tpu.memory_space<vmem>>) offsets(%dma_start3A_219 : memref<125xi32, #tpu.memory_space<vmem>>) semaphore(%arg21 : memref<!tpu.dma_semaphore, #tpu.memory_space<semaphore_mem>>)
      %dma_start3A_223 = arith.constant 3 : i32
      %dma_start3A_224 = arith.constant 0 : i32
      %dma_start3A_225 = tpu.memref_slice %arg11[%dma_start3A_223, %dma_start3A_224] : memref<160x125xi32, #tpu.memory_space<vmem>> -> memref<1x125xi32, #tpu.memory_space<vmem>>
      %dma_start3A_226 = tpu.memref_squeeze %dma_start3A_225 : memref<1x125xi32, #tpu.memory_space<vmem>> -> memref<125xi32, #tpu.memory_space<vmem>>
      %dma_start3A_227 = arith.constant 0 : i32
      %dma_start3A_228 = arith.constant 0 : i32
      %dma_start3A_229 = tpu.memref_slice %arg4[%dma_start3A_227, %dma_start3A_228] : memref<10000x64xf32, #tpu.memory_space<hbm>> -> memref<10000x64xf32, #tpu.memory_space<hbm>>
      tpu.enqueue_indirect_dma source(%dma_start3A_229 : memref<10000x64xf32, #tpu.memory_space<hbm>>) target(%arg16 : memref<125x64xf32, #tpu.memory_space<vmem>>) offsets(%dma_start3A_226 : memref<125xi32, #tpu.memory_space<vmem>>) semaphore(%arg22 : memref<!tpu.dma_semaphore, #tpu.memory_space<semaphore_mem>>)
      %scan3A = arith.constant 0 : i32
      %scan3A_230 = arith.constant 40 : i32
      %scan3A_231 = arith.addi %scan3A, %scan3A_230 : i32
      %scan3A_232 = arith.constant 1 : i32
      scf.for %scan3A_234 = %scan3A to %scan3A_231 step %scan3A_232  : i32 {
        %mul3A_235 = arith.constant 4 : i32
        %mul3A_236 = arith.muli %scan3A_234, %mul3A_235 : i32
        %add3A_237 = arith.constant 0 : i32
        %add3A_238 = arith.addi %add3A_237, %mul3A_236 : i32
        %dma_wait3A = arith.constant 0 : i32
        %dma_wait3A_239 = arith.constant 0 : i32
        %dma_wait3A_240 = tpu.memref_slice %arg4[%dma_wait3A, %dma_wait3A_239] : memref<10000x64xf32, #tpu.memory_space<hbm>> -> memref<125x64xf32, #tpu.memory_space<hbm>>
        %dma_wait3A_241 = arith.constant 0 : i32
        %dma_wait3A_242 = arith.constant 0 : i32
        %dma_wait3A_243 = tpu.memref_slice %arg4[%dma_wait3A_241, %dma_wait3A_242] : memref<10000x64xf32, #tpu.memory_space<hbm>> -> memref<125x64xf32, #tpu.memory_space<hbm>>
        tpu.wait_dma2 semaphore(%arg19 : memref<!tpu.dma_semaphore, #tpu.memory_space<semaphore_mem>>) src(%dma_wait3A_243 : memref<125x64xf32, #tpu.memory_space<hbm>>) dst(%arg13 : memref<125x64xf32, #tpu.memory_space<vmem>>)
        %add3A_244 = arith.constant 0 : i32
        %add3A_245 = arith.addi %add3A_238, %add3A_244 : i32
        "tpu.region"() ({
          %run_scoped3A_305 = tpu.sem_alloc : memref<!tpu.dma_semaphore, #tpu.memory_space<semaphore_mem>>
          %dma_start3A_306 = arith.constant 0 : i32
          %dma_start3A_307 = tpu.memref_slice %arg12[%add3A_245, %dma_start3A_306] : memref<160x125xi32, #tpu.memory_space<vmem>> -> memref<1x125xi32, #tpu.memory_space<vmem>>
          %dma_start3A_308 = tpu.memref_squeeze %dma_start3A_307 : memref<1x125xi32, #tpu.memory_space<vmem>> -> memref<125xi32, #tpu.memory_space<vmem>>
          %dma_start3A_309 = arith.constant 0 : i32
          %dma_start3A_310 = arith.constant 0 : i32
          %dma_start3A_311 = tpu.memref_slice %arg18[%dma_start3A_309, %dma_start3A_310] : memref<10240x64xf32, #tpu.memory_space<vmem_shared>> -> memref<10240x64xf32, #tpu.memory_space<vmem_shared>>
          tpu.enqueue_indirect_dma source(%arg13 : memref<125x64xf32, #tpu.memory_space<vmem>>) target(%dma_start3A_311 : memref<10240x64xf32, #tpu.memory_space<vmem_shared>>) offsets(%dma_start3A_308 : memref<125xi32, #tpu.memory_space<vmem>>) semaphore(%run_scoped3A_305 : memref<!tpu.dma_semaphore, #tpu.memory_space<semaphore_mem>>) {add = true}
          %dma_wait3A_312 = arith.constant 0 : i32
          %dma_wait3A_313 = tpu.memref_slice %arg12[%add3A_245, %dma_wait3A_312] : memref<160x125xi32, #tpu.memory_space<vmem>> -> memref<1x125xi32, #tpu.memory_space<vmem>>
          %dma_wait3A_314 = tpu.memref_squeeze %dma_wait3A_313 : memref<1x125xi32, #tpu.memory_space<vmem>> -> memref<125xi32, #tpu.memory_space<vmem>>
          %dma_wait3A_315 = arith.constant 0 : i32
          %dma_wait3A_316 = arith.constant 0 : i32
          %dma_wait3A_317 = tpu.memref_slice %arg18[%dma_wait3A_315, %dma_wait3A_316] : memref<10240x64xf32, #tpu.memory_space<vmem_shared>> -> memref<10240x64xf32, #tpu.memory_space<vmem_shared>>
          tpu.wait_indirect_dma semaphore(%run_scoped3A_305 : memref<!tpu.dma_semaphore, #tpu.memory_space<semaphore_mem>>) src(%arg13 : memref<125x64xf32, #tpu.memory_space<vmem>>) dst(%dma_wait3A_317 : memref<10240x64xf32, #tpu.memory_space<vmem_shared>>)
          tpu.yield
        }) : () -> ()
        %add3A_246 = arith.constant 4 : i32
        %add3A_247 = arith.addi %add3A_238, %add3A_246 : i32
        %add3A_248 = arith.constant 0 : i32
        %add3A_249 = arith.addi %add3A_247, %add3A_248 : i32
        %lt3A = arith.constant 160 : i32
        %lt3A_250 = arith.cmpi slt, %add3A_249, %lt3A : i32
        %convert_element_type3A_251 = arith.extui %lt3A_250 : i1 to i32
        %cond3A_252 = arith.constant 0 : i32
        %cond3A_253 = arith.cmpi ne, %convert_element_type3A_251, %cond3A_252 : i32
        scf.if %cond3A_253 {
          %add3A_305 = arith.constant 4 : i32
          %add3A_306 = arith.addi %add3A_238, %add3A_305 : i32
          %add3A_307 = arith.constant 0 : i32
          %add3A_308 = arith.addi %add3A_306, %add3A_307 : i32
          %dma_start3A_309 = arith.constant 0 : i32
          %dma_start3A_310 = tpu.memref_slice %arg11[%add3A_308, %dma_start3A_309] : memref<160x125xi32, #tpu.memory_space<vmem>> -> memref<1x125xi32, #tpu.memory_space<vmem>>
          %dma_start3A_311 = tpu.memref_squeeze %dma_start3A_310 : memref<1x125xi32, #tpu.memory_space<vmem>> -> memref<125xi32, #tpu.memory_space<vmem>>
          %dma_start3A_312 = arith.constant 0 : i32
          %dma_start3A_313 = arith.constant 0 : i32
          %dma_start3A_314 = tpu.memref_slice %arg4[%dma_start3A_312, %dma_start3A_313] : memref<10000x64xf32, #tpu.memory_space<hbm>> -> memref<10000x64xf32, #tpu.memory_space<hbm>>
          tpu.enqueue_indirect_dma source(%dma_start3A_314 : memref<10000x64xf32, #tpu.memory_space<hbm>>) target(%arg13 : memref<125x64xf32, #tpu.memory_space<vmem>>) offsets(%dma_start3A_311 : memref<125xi32, #tpu.memory_space<vmem>>) semaphore(%arg19 : memref<!tpu.dma_semaphore, #tpu.memory_space<semaphore_mem>>)
        } else {
        }
        %dma_wait3A_254 = arith.constant 0 : i32
        %dma_wait3A_255 = arith.constant 0 : i32
        %dma_wait3A_256 = tpu.memref_slice %arg4[%dma_wait3A_254, %dma_wait3A_255] : memref<10000x64xf32, #tpu.memory_space<hbm>> -> memref<125x64xf32, #tpu.memory_space<hbm>>
        %dma_wait3A_257 = arith.constant 0 : i32
        %dma_wait3A_258 = arith.constant 0 : i32
        %dma_wait3A_259 = tpu.memref_slice %arg4[%dma_wait3A_257, %dma_wait3A_258] : memref<10000x64xf32, #tpu.memory_space<hbm>> -> memref<125x64xf32, #tpu.memory_space<hbm>>
        tpu.wait_dma2 semaphore(%arg20 : memref<!tpu.dma_semaphore, #tpu.memory_space<semaphore_mem>>) src(%dma_wait3A_259 : memref<125x64xf32, #tpu.memory_space<hbm>>) dst(%arg14 : memref<125x64xf32, #tpu.memory_space<vmem>>)
        %add3A_260 = arith.constant 1 : i32
        %add3A_261 = arith.addi %add3A_238, %add3A_260 : i32
        "tpu.region"() ({
          %run_scoped3A_305 = tpu.sem_alloc : memref<!tpu.dma_semaphore, #tpu.memory_space<semaphore_mem>>
          %dma_start3A_306 = arith.constant 0 : i32
          %dma_start3A_307 = tpu.memref_slice %arg12[%add3A_261, %dma_start3A_306] : memref<160x125xi32, #tpu.memory_space<vmem>> -> memref<1x125xi32, #tpu.memory_space<vmem>>
          %dma_start3A_308 = tpu.memref_squeeze %dma_start3A_307 : memref<1x125xi32, #tpu.memory_space<vmem>> -> memref<125xi32, #tpu.memory_space<vmem>>
          %dma_start3A_309 = arith.constant 0 : i32
          %dma_start3A_310 = arith.constant 0 : i32
          %dma_start3A_311 = tpu.memref_slice %arg18[%dma_start3A_309, %dma_start3A_310] : memref<10240x64xf32, #tpu.memory_space<vmem_shared>> -> memref<10240x64xf32, #tpu.memory_space<vmem_shared>>
          tpu.enqueue_indirect_dma source(%arg14 : memref<125x64xf32, #tpu.memory_space<vmem>>) target(%dma_start3A_311 : memref<10240x64xf32, #tpu.memory_space<vmem_shared>>) offsets(%dma_start3A_308 : memref<125xi32, #tpu.memory_space<vmem>>) semaphore(%run_scoped3A_305 : memref<!tpu.dma_semaphore, #tpu.memory_space<semaphore_mem>>) {add = true}
          %dma_wait3A_312 = arith.constant 0 : i32
          %dma_wait3A_313 = tpu.memref_slice %arg12[%add3A_261, %dma_wait3A_312] : memref<160x125xi32, #tpu.memory_space<vmem>> -> memref<1x125xi32, #tpu.memory_space<vmem>>
          %dma_wait3A_314 = tpu.memref_squeeze %dma_wait3A_313 : memref<1x125xi32, #tpu.memory_space<vmem>> -> memref<125xi32, #tpu.memory_space<vmem>>
          %dma_wait3A_315 = arith.constant 0 : i32
          %dma_wait3A_316 = arith.constant 0 : i32
          %dma_wait3A_317 = tpu.memref_slice %arg18[%dma_wait3A_315, %dma_wait3A_316] : memref<10240x64xf32, #tpu.memory_space<vmem_shared>> -> memref<10240x64xf32, #tpu.memory_space<vmem_shared>>
          tpu.wait_indirect_dma semaphore(%run_scoped3A_305 : memref<!tpu.dma_semaphore, #tpu.memory_space<semaphore_mem>>) src(%arg14 : memref<125x64xf32, #tpu.memory_space<vmem>>) dst(%dma_wait3A_317 : memref<10240x64xf32, #tpu.memory_space<vmem_shared>>)
          tpu.yield
        }) : () -> ()
        %add3A_262 = arith.constant 4 : i32
        %add3A_263 = arith.addi %add3A_238, %add3A_262 : i32
        %add3A_264 = arith.constant 1 : i32
        %add3A_265 = arith.addi %add3A_263, %add3A_264 : i32
        %lt3A_266 = arith.constant 160 : i32
        %lt3A_267 = arith.cmpi slt, %add3A_265, %lt3A_266 : i32
        %convert_element_type3A_268 = arith.extui %lt3A_267 : i1 to i32
        %cond3A_269 = arith.constant 0 : i32
        %cond3A_270 = arith.cmpi ne, %convert_element_type3A_268, %cond3A_269 : i32
        scf.if %cond3A_270 {
          %add3A_305 = arith.constant 4 : i32
          %add3A_306 = arith.addi %add3A_238, %add3A_305 : i32
          %add3A_307 = arith.constant 1 : i32
          %add3A_308 = arith.addi %add3A_306, %add3A_307 : i32
          %dma_start3A_309 = arith.constant 0 : i32
          %dma_start3A_310 = tpu.memref_slice %arg11[%add3A_308, %dma_start3A_309] : memref<160x125xi32, #tpu.memory_space<vmem>> -> memref<1x125xi32, #tpu.memory_space<vmem>>
          %dma_start3A_311 = tpu.memref_squeeze %dma_start3A_310 : memref<1x125xi32, #tpu.memory_space<vmem>> -> memref<125xi32, #tpu.memory_space<vmem>>
          %dma_start3A_312 = arith.constant 0 : i32
          %dma_start3A_313 = arith.constant 0 : i32
          %dma_start3A_314 = tpu.memref_slice %arg4[%dma_start3A_312, %dma_start3A_313] : memref<10000x64xf32, #tpu.memory_space<hbm>> -> memref<10000x64xf32, #tpu.memory_space<hbm>>
          tpu.enqueue_indirect_dma source(%dma_start3A_314 : memref<10000x64xf32, #tpu.memory_space<hbm>>) target(%arg14 : memref<125x64xf32, #tpu.memory_space<vmem>>) offsets(%dma_start3A_311 : memref<125xi32, #tpu.memory_space<vmem>>) semaphore(%arg20 : memref<!tpu.dma_semaphore, #tpu.memory_space<semaphore_mem>>)
        } else {
        }
        %dma_wait3A_271 = arith.constant 0 : i32
        %dma_wait3A_272 = arith.constant 0 : i32
        %dma_wait3A_273 = tpu.memref_slice %arg4[%dma_wait3A_271, %dma_wait3A_272] : memref<10000x64xf32, #tpu.memory_space<hbm>> -> memref<125x64xf32, #tpu.memory_space<hbm>>
        %dma_wait3A_274 = arith.constant 0 : i32
        %dma_wait3A_275 = arith.constant 0 : i32
        %dma_wait3A_276 = tpu.memref_slice %arg4[%dma_wait3A_274, %dma_wait3A_275] : memref<10000x64xf32, #tpu.memory_space<hbm>> -> memref<125x64xf32, #tpu.memory_space<hbm>>
        tpu.wait_dma2 semaphore(%arg21 : memref<!tpu.dma_semaphore, #tpu.memory_space<semaphore_mem>>) src(%dma_wait3A_276 : memref<125x64xf32, #tpu.memory_space<hbm>>) dst(%arg15 : memref<125x64xf32, #tpu.memory_space<vmem>>)
        %add3A_277 = arith.constant 2 : i32
        %add3A_278 = arith.addi %add3A_238, %add3A_277 : i32
        "tpu.region"() ({
          %run_scoped3A_305 = tpu.sem_alloc : memref<!tpu.dma_semaphore, #tpu.memory_space<semaphore_mem>>
          %dma_start3A_306 = arith.constant 0 : i32
          %dma_start3A_307 = tpu.memref_slice %arg12[%add3A_278, %dma_start3A_306] : memref<160x125xi32, #tpu.memory_space<vmem>> -> memref<1x125xi32, #tpu.memory_space<vmem>>
          %dma_start3A_308 = tpu.memref_squeeze %dma_start3A_307 : memref<1x125xi32, #tpu.memory_space<vmem>> -> memref<125xi32, #tpu.memory_space<vmem>>
          %dma_start3A_309 = arith.constant 0 : i32
          %dma_start3A_310 = arith.constant 0 : i32
          %dma_start3A_311 = tpu.memref_slice %arg18[%dma_start3A_309, %dma_start3A_310] : memref<10240x64xf32, #tpu.memory_space<vmem_shared>> -> memref<10240x64xf32, #tpu.memory_space<vmem_shared>>
          tpu.enqueue_indirect_dma source(%arg15 : memref<125x64xf32, #tpu.memory_space<vmem>>) target(%dma_start3A_311 : memref<10240x64xf32, #tpu.memory_space<vmem_shared>>) offsets(%dma_start3A_308 : memref<125xi32, #tpu.memory_space<vmem>>) semaphore(%run_scoped3A_305 : memref<!tpu.dma_semaphore, #tpu.memory_space<semaphore_mem>>) {add = true}
          %dma_wait3A_312 = arith.constant 0 : i32
          %dma_wait3A_313 = tpu.memref_slice %arg12[%add3A_278, %dma_wait3A_312] : memref<160x125xi32, #tpu.memory_space<vmem>> -> memref<1x125xi32, #tpu.memory_space<vmem>>
          %dma_wait3A_314 = tpu.memref_squeeze %dma_wait3A_313 : memref<1x125xi32, #tpu.memory_space<vmem>> -> memref<125xi32, #tpu.memory_space<vmem>>
          %dma_wait3A_315 = arith.constant 0 : i32
          %dma_wait3A_316 = arith.constant 0 : i32
          %dma_wait3A_317 = tpu.memref_slice %arg18[%dma_wait3A_315, %dma_wait3A_316] : memref<10240x64xf32, #tpu.memory_space<vmem_shared>> -> memref<10240x64xf32, #tpu.memory_space<vmem_shared>>
          tpu.wait_indirect_dma semaphore(%run_scoped3A_305 : memref<!tpu.dma_semaphore, #tpu.memory_space<semaphore_mem>>) src(%arg15 : memref<125x64xf32, #tpu.memory_space<vmem>>) dst(%dma_wait3A_317 : memref<10240x64xf32, #tpu.memory_space<vmem_shared>>)
          tpu.yield
        }) : () -> ()
        %add3A_279 = arith.constant 4 : i32
        %add3A_280 = arith.addi %add3A_238, %add3A_279 : i32
        %add3A_281 = arith.constant 2 : i32
        %add3A_282 = arith.addi %add3A_280, %add3A_281 : i32
        %lt3A_283 = arith.constant 160 : i32
        %lt3A_284 = arith.cmpi slt, %add3A_282, %lt3A_283 : i32
        %convert_element_type3A_285 = arith.extui %lt3A_284 : i1 to i32
        %cond3A_286 = arith.constant 0 : i32
        %cond3A_287 = arith.cmpi ne, %convert_element_type3A_285, %cond3A_286 : i32
        scf.if %cond3A_287 {
          %add3A_305 = arith.constant 4 : i32
          %add3A_306 = arith.addi %add3A_238, %add3A_305 : i32
          %add3A_307 = arith.constant 2 : i32
          %add3A_308 = arith.addi %add3A_306, %add3A_307 : i32
          %dma_start3A_309 = arith.constant 0 : i32
          %dma_start3A_310 = tpu.memref_slice %arg11[%add3A_308, %dma_start3A_309] : memref<160x125xi32, #tpu.memory_space<vmem>> -> memref<1x125xi32, #tpu.memory_space<vmem>>
          %dma_start3A_311 = tpu.memref_squeeze %dma_start3A_310 : memref<1x125xi32, #tpu.memory_space<vmem>> -> memref<125xi32, #tpu.memory_space<vmem>>
          %dma_start3A_312 = arith.constant 0 : i32
          %dma_start3A_313 = arith.constant 0 : i32
          %dma_start3A_314 = tpu.memref_slice %arg4[%dma_start3A_312, %dma_start3A_313] : memref<10000x64xf32, #tpu.memory_space<hbm>> -> memref<10000x64xf32, #tpu.memory_space<hbm>>
          tpu.enqueue_indirect_dma source(%dma_start3A_314 : memref<10000x64xf32, #tpu.memory_space<hbm>>) target(%arg15 : memref<125x64xf32, #tpu.memory_space<vmem>>) offsets(%dma_start3A_311 : memref<125xi32, #tpu.memory_space<vmem>>) semaphore(%arg21 : memref<!tpu.dma_semaphore, #tpu.memory_space<semaphore_mem>>)
        } else {
        }
        %dma_wait3A_288 = arith.constant 0 : i32
        %dma_wait3A_289 = arith.constant 0 : i32
        %dma_wait3A_290 = tpu.memref_slice %arg4[%dma_wait3A_288, %dma_wait3A_289] : memref<10000x64xf32, #tpu.memory_space<hbm>> -> memref<125x64xf32, #tpu.memory_space<hbm>>
        %dma_wait3A_291 = arith.constant 0 : i32
        %dma_wait3A_292 = arith.constant 0 : i32
        %dma_wait3A_293 = tpu.memref_slice %arg4[%dma_wait3A_291, %dma_wait3A_292] : memref<10000x64xf32, #tpu.memory_space<hbm>> -> memref<125x64xf32, #tpu.memory_space<hbm>>
        tpu.wait_dma2 semaphore(%arg22 : memref<!tpu.dma_semaphore, #tpu.memory_space<semaphore_mem>>) src(%dma_wait3A_293 : memref<125x64xf32, #tpu.memory_space<hbm>>) dst(%arg16 : memref<125x64xf32, #tpu.memory_space<vmem>>)
        %add3A_294 = arith.constant 3 : i32
        %add3A_295 = arith.addi %add3A_238, %add3A_294 : i32
        "tpu.region"() ({
          %run_scoped3A_305 = tpu.sem_alloc : memref<!tpu.dma_semaphore, #tpu.memory_space<semaphore_mem>>
          %dma_start3A_306 = arith.constant 0 : i32
          %dma_start3A_307 = tpu.memref_slice %arg12[%add3A_295, %dma_start3A_306] : memref<160x125xi32, #tpu.memory_space<vmem>> -> memref<1x125xi32, #tpu.memory_space<vmem>>
          %dma_start3A_308 = tpu.memref_squeeze %dma_start3A_307 : memref<1x125xi32, #tpu.memory_space<vmem>> -> memref<125xi32, #tpu.memory_space<vmem>>
          %dma_start3A_309 = arith.constant 0 : i32
          %dma_start3A_310 = arith.constant 0 : i32
          %dma_start3A_311 = tpu.memref_slice %arg18[%dma_start3A_309, %dma_start3A_310] : memref<10240x64xf32, #tpu.memory_space<vmem_shared>> -> memref<10240x64xf32, #tpu.memory_space<vmem_shared>>
          tpu.enqueue_indirect_dma source(%arg16 : memref<125x64xf32, #tpu.memory_space<vmem>>) target(%dma_start3A_311 : memref<10240x64xf32, #tpu.memory_space<vmem_shared>>) offsets(%dma_start3A_308 : memref<125xi32, #tpu.memory_space<vmem>>) semaphore(%run_scoped3A_305 : memref<!tpu.dma_semaphore, #tpu.memory_space<semaphore_mem>>) {add = true}
          %dma_wait3A_312 = arith.constant 0 : i32
          %dma_wait3A_313 = tpu.memref_slice %arg12[%add3A_295, %dma_wait3A_312] : memref<160x125xi32, #tpu.memory_space<vmem>> -> memref<1x125xi32, #tpu.memory_space<vmem>>
          %dma_wait3A_314 = tpu.memref_squeeze %dma_wait3A_313 : memref<1x125xi32, #tpu.memory_space<vmem>> -> memref<125xi32, #tpu.memory_space<vmem>>
          %dma_wait3A_315 = arith.constant 0 : i32
          %dma_wait3A_316 = arith.constant 0 : i32
          %dma_wait3A_317 = tpu.memref_slice %arg18[%dma_wait3A_315, %dma_wait3A_316] : memref<10240x64xf32, #tpu.memory_space<vmem_shared>> -> memref<10240x64xf32, #tpu.memory_space<vmem_shared>>
          tpu.wait_indirect_dma semaphore(%run_scoped3A_305 : memref<!tpu.dma_semaphore, #tpu.memory_space<semaphore_mem>>) src(%arg16 : memref<125x64xf32, #tpu.memory_space<vmem>>) dst(%dma_wait3A_317 : memref<10240x64xf32, #tpu.memory_space<vmem_shared>>)
          tpu.yield
        }) : () -> ()
        %add3A_296 = arith.constant 4 : i32
        %add3A_297 = arith.addi %add3A_238, %add3A_296 : i32
        %add3A_298 = arith.constant 3 : i32
        %add3A_299 = arith.addi %add3A_297, %add3A_298 : i32
        %lt3A_300 = arith.constant 160 : i32
        %lt3A_301 = arith.cmpi slt, %add3A_299, %lt3A_300 : i32
        %convert_element_type3A_302 = arith.extui %lt3A_301 : i1 to i32
        %cond3A_303 = arith.constant 0 : i32
        %cond3A_304 = arith.cmpi ne, %convert_element_type3A_302, %cond3A_303 : i32
        scf.if %cond3A_304 {
          %add3A_305 = arith.constant 4 : i32
          %add3A_306 = arith.addi %add3A_238, %add3A_305 : i32
          %add3A_307 = arith.constant 3 : i32
          %add3A_308 = arith.addi %add3A_306, %add3A_307 : i32
          %dma_start3A_309 = arith.constant 0 : i32
          %dma_start3A_310 = tpu.memref_slice %arg11[%add3A_308, %dma_start3A_309] : memref<160x125xi32, #tpu.memory_space<vmem>> -> memref<1x125xi32, #tpu.memory_space<vmem>>
          %dma_start3A_311 = tpu.memref_squeeze %dma_start3A_310 : memref<1x125xi32, #tpu.memory_space<vmem>> -> memref<125xi32, #tpu.memory_space<vmem>>
          %dma_start3A_312 = arith.constant 0 : i32
          %dma_start3A_313 = arith.constant 0 : i32
          %dma_start3A_314 = tpu.memref_slice %arg4[%dma_start3A_312, %dma_start3A_313] : memref<10000x64xf32, #tpu.memory_space<hbm>> -> memref<10000x64xf32, #tpu.memory_space<hbm>>
          tpu.enqueue_indirect_dma source(%dma_start3A_314 : memref<10000x64xf32, #tpu.memory_space<hbm>>) target(%arg16 : memref<125x64xf32, #tpu.memory_space<vmem>>) offsets(%dma_start3A_311 : memref<125xi32, #tpu.memory_space<vmem>>) semaphore(%arg22 : memref<!tpu.dma_semaphore, #tpu.memory_space<semaphore_mem>>)
        } else {
        }
      }
      %scan3A_233 = arith.constant 40 : i32
    } else {
    }
    %eq3A_21 = arith.constant 1 : i32
    %eq3A_22 = arith.cmpi eq, %arg0, %eq3A_21 : i32
    %convert_element_type3A_23 = arith.extui %eq3A_22 : i1 to i32
    %cond3A_24 = arith.constant 0 : i32
    %cond3A_25 = arith.cmpi ne, %convert_element_type3A_23, %cond3A_24 : i32
    scf.if %cond3A_25 {
      %dma_start3A = arith.constant 0 : i32
      %dma_start3A_203 = arith.constant 0 : i32
      %dma_start3A_204 = tpu.memref_slice %arg11[%dma_start3A, %dma_start3A_203] : memref<160x125xi32, #tpu.memory_space<vmem>> -> memref<1x125xi32, #tpu.memory_space<vmem>>
      %dma_start3A_205 = tpu.memref_squeeze %dma_start3A_204 : memref<1x125xi32, #tpu.memory_space<vmem>> -> memref<125xi32, #tpu.memory_space<vmem>>
      %dma_start3A_206 = arith.constant 0 : i32
      %dma_start3A_207 = arith.constant 0 : i32
      %dma_start3A_208 = tpu.memref_slice %arg5[%dma_start3A_206, %dma_start3A_207] : memref<10000x64xf32, #tpu.memory_space<hbm>> -> memref<10000x64xf32, #tpu.memory_space<hbm>>
      tpu.enqueue_indirect_dma source(%dma_start3A_208 : memref<10000x64xf32, #tpu.memory_space<hbm>>) target(%arg13 : memref<125x64xf32, #tpu.memory_space<vmem>>) offsets(%dma_start3A_205 : memref<125xi32, #tpu.memory_space<vmem>>) semaphore(%arg19 : memref<!tpu.dma_semaphore, #tpu.memory_space<semaphore_mem>>)
      %dma_start3A_209 = arith.constant 1 : i32
      %dma_start3A_210 = arith.constant 0 : i32
      %dma_start3A_211 = tpu.memref_slice %arg11[%dma_start3A_209, %dma_start3A_210] : memref<160x125xi32, #tpu.memory_space<vmem>> -> memref<1x125xi32, #tpu.memory_space<vmem>>
      %dma_start3A_212 = tpu.memref_squeeze %dma_start3A_211 : memref<1x125xi32, #tpu.memory_space<vmem>> -> memref<125xi32, #tpu.memory_space<vmem>>
      %dma_start3A_213 = arith.constant 0 : i32
      %dma_start3A_214 = arith.constant 0 : i32
      %dma_start3A_215 = tpu.memref_slice %arg5[%dma_start3A_213, %dma_start3A_214] : memref<10000x64xf32, #tpu.memory_space<hbm>> -> memref<10000x64xf32, #tpu.memory_space<hbm>>
      tpu.enqueue_indirect_dma source(%dma_start3A_215 : memref<10000x64xf32, #tpu.memory_space<hbm>>) target(%arg14 : memref<125x64xf32, #tpu.memory_space<vmem>>) offsets(%dma_start3A_212 : memref<125xi32, #tpu.memory_space<vmem>>) semaphore(%arg20 : memref<!tpu.dma_semaphore, #tpu.memory_space<semaphore_mem>>)
      %dma_start3A_216 = arith.constant 2 : i32
      %dma_start3A_217 = arith.constant 0 : i32
      %dma_start3A_218 = tpu.memref_slice %arg11[%dma_start3A_216, %dma_start3A_217] : memref<160x125xi32, #tpu.memory_space<vmem>> -> memref<1x125xi32, #tpu.memory_space<vmem>>
      %dma_start3A_219 = tpu.memref_squeeze %dma_start3A_218 : memref<1x125xi32, #tpu.memory_space<vmem>> -> memref<125xi32, #tpu.memory_space<vmem>>
      %dma_start3A_220 = arith.constant 0 : i32
      %dma_start3A_221 = arith.constant 0 : i32
      %dma_start3A_222 = tpu.memref_slice %arg5[%dma_start3A_220, %dma_start3A_221] : memref<10000x64xf32, #tpu.memory_space<hbm>> -> memref<10000x64xf32, #tpu.memory_space<hbm>>
      tpu.enqueue_indirect_dma source(%dma_start3A_222 : memref<10000x64xf32, #tpu.memory_space<hbm>>) target(%arg15 : memref<125x64xf32, #tpu.memory_space<vmem>>) offsets(%dma_start3A_219 : memref<125xi32, #tpu.memory_space<vmem>>) semaphore(%arg21 : memref<!tpu.dma_semaphore, #tpu.memory_space<semaphore_mem>>)
      %dma_start3A_223 = arith.constant 3 : i32
      %dma_start3A_224 = arith.constant 0 : i32
      %dma_start3A_225 = tpu.memref_slice %arg11[%dma_start3A_223, %dma_start3A_224] : memref<160x125xi32, #tpu.memory_space<vmem>> -> memref<1x125xi32, #tpu.memory_space<vmem>>
      %dma_start3A_226 = tpu.memref_squeeze %dma_start3A_225 : memref<1x125xi32, #tpu.memory_space<vmem>> -> memref<125xi32, #tpu.memory_space<vmem>>
      %dma_start3A_227 = arith.constant 0 : i32
      %dma_start3A_228 = arith.constant 0 : i32
      %dma_start3A_229 = tpu.memref_slice %arg5[%dma_start3A_227, %dma_start3A_228] : memref<10000x64xf32, #tpu.memory_space<hbm>> -> memref<10000x64xf32, #tpu.memory_space<hbm>>
      tpu.enqueue_indirect_dma source(%dma_start3A_229 : memref<10000x64xf32, #tpu.memory_space<hbm>>) target(%arg16 : memref<125x64xf32, #tpu.memory_space<vmem>>) offsets(%dma_start3A_226 : memref<125xi32, #tpu.memory_space<vmem>>) semaphore(%arg22 : memref<!tpu.dma_semaphore, #tpu.memory_space<semaphore_mem>>)
      %scan3A = arith.constant 0 : i32
      %scan3A_230 = arith.constant 40 : i32
      %scan3A_231 = arith.addi %scan3A, %scan3A_230 : i32
      %scan3A_232 = arith.constant 1 : i32
      scf.for %scan3A_234 = %scan3A to %scan3A_231 step %scan3A_232  : i32 {
        %mul3A_235 = arith.constant 4 : i32
        %mul3A_236 = arith.muli %scan3A_234, %mul3A_235 : i32
        %add3A_237 = arith.constant 0 : i32
        %add3A_238 = arith.addi %add3A_237, %mul3A_236 : i32
        %dma_wait3A = arith.constant 0 : i32
        %dma_wait3A_239 = arith.constant 0 : i32
        %dma_wait3A_240 = tpu.memref_slice %arg5[%dma_wait3A, %dma_wait3A_239] : memref<10000x64xf32, #tpu.memory_space<hbm>> -> memref<125x64xf32, #tpu.memory_space<hbm>>
        %dma_wait3A_241 = arith.constant 0 : i32
        %dma_wait3A_242 = arith.constant 0 : i32
        %dma_wait3A_243 = tpu.memref_slice %arg5[%dma_wait3A_241, %dma_wait3A_242] : memref<10000x64xf32, #tpu.memory_space<hbm>> -> memref<125x64xf32, #tpu.memory_space<hbm>>
        tpu.wait_dma2 semaphore(%arg19 : memref<!tpu.dma_semaphore, #tpu.memory_space<semaphore_mem>>) src(%dma_wait3A_243 : memref<125x64xf32, #tpu.memory_space<hbm>>) dst(%arg13 : memref<125x64xf32, #tpu.memory_space<vmem>>)
        %add3A_244 = arith.constant 0 : i32
        %add3A_245 = arith.addi %add3A_238, %add3A_244 : i32
        "tpu.region"() ({
          %run_scoped3A_305 = tpu.sem_alloc : memref<!tpu.dma_semaphore, #tpu.memory_space<semaphore_mem>>
          %dma_start3A_306 = arith.constant 0 : i32
          %dma_start3A_307 = tpu.memref_slice %arg12[%add3A_245, %dma_start3A_306] : memref<160x125xi32, #tpu.memory_space<vmem>> -> memref<1x125xi32, #tpu.memory_space<vmem>>
          %dma_start3A_308 = tpu.memref_squeeze %dma_start3A_307 : memref<1x125xi32, #tpu.memory_space<vmem>> -> memref<125xi32, #tpu.memory_space<vmem>>
          %dma_start3A_309 = arith.constant 0 : i32
          %dma_start3A_310 = arith.constant 0 : i32
          %dma_start3A_311 = tpu.memref_slice %arg18[%dma_start3A_309, %dma_start3A_310] : memref<10240x64xf32, #tpu.memory_space<vmem_shared>> -> memref<10240x64xf32, #tpu.memory_space<vmem_shared>>
          tpu.enqueue_indirect_dma source(%arg13 : memref<125x64xf32, #tpu.memory_space<vmem>>) target(%dma_start3A_311 : memref<10240x64xf32, #tpu.memory_space<vmem_shared>>) offsets(%dma_start3A_308 : memref<125xi32, #tpu.memory_space<vmem>>) semaphore(%run_scoped3A_305 : memref<!tpu.dma_semaphore, #tpu.memory_space<semaphore_mem>>) {add = true}
          %dma_wait3A_312 = arith.constant 0 : i32
          %dma_wait3A_313 = tpu.memref_slice %arg12[%add3A_245, %dma_wait3A_312] : memref<160x125xi32, #tpu.memory_space<vmem>> -> memref<1x125xi32, #tpu.memory_space<vmem>>
          %dma_wait3A_314 = tpu.memref_squeeze %dma_wait3A_313 : memref<1x125xi32, #tpu.memory_space<vmem>> -> memref<125xi32, #tpu.memory_space<vmem>>
          %dma_wait3A_315 = arith.constant 0 : i32
          %dma_wait3A_316 = arith.constant 0 : i32
          %dma_wait3A_317 = tpu.memref_slice %arg18[%dma_wait3A_315, %dma_wait3A_316] : memref<10240x64xf32, #tpu.memory_space<vmem_shared>> -> memref<10240x64xf32, #tpu.memory_space<vmem_shared>>
          tpu.wait_indirect_dma semaphore(%run_scoped3A_305 : memref<!tpu.dma_semaphore, #tpu.memory_space<semaphore_mem>>) src(%arg13 : memref<125x64xf32, #tpu.memory_space<vmem>>) dst(%dma_wait3A_317 : memref<10240x64xf32, #tpu.memory_space<vmem_shared>>)
          tpu.yield
        }) : () -> ()
        %add3A_246 = arith.constant 4 : i32
        %add3A_247 = arith.addi %add3A_238, %add3A_246 : i32
        %add3A_248 = arith.constant 0 : i32
        %add3A_249 = arith.addi %add3A_247, %add3A_248 : i32
        %lt3A = arith.constant 160 : i32
        %lt3A_250 = arith.cmpi slt, %add3A_249, %lt3A : i32
        %convert_element_type3A_251 = arith.extui %lt3A_250 : i1 to i32
        %cond3A_252 = arith.constant 0 : i32
        %cond3A_253 = arith.cmpi ne, %convert_element_type3A_251, %cond3A_252 : i32
        scf.if %cond3A_253 {
          %add3A_305 = arith.constant 4 : i32
          %add3A_306 = arith.addi %add3A_238, %add3A_305 : i32
          %add3A_307 = arith.constant 0 : i32
          %add3A_308 = arith.addi %add3A_306, %add3A_307 : i32
          %dma_start3A_309 = arith.constant 0 : i32
          %dma_start3A_310 = tpu.memref_slice %arg11[%add3A_308, %dma_start3A_309] : memref<160x125xi32, #tpu.memory_space<vmem>> -> memref<1x125xi32, #tpu.memory_space<vmem>>
          %dma_start3A_311 = tpu.memref_squeeze %dma_start3A_310 : memref<1x125xi32, #tpu.memory_space<vmem>> -> memref<125xi32, #tpu.memory_space<vmem>>
          %dma_start3A_312 = arith.constant 0 : i32
          %dma_start3A_313 = arith.constant 0 : i32
          %dma_start3A_314 = tpu.memref_slice %arg5[%dma_start3A_312, %dma_start3A_313] : memref<10000x64xf32, #tpu.memory_space<hbm>> -> memref<10000x64xf32, #tpu.memory_space<hbm>>
          tpu.enqueue_indirect_dma source(%dma_start3A_314 : memref<10000x64xf32, #tpu.memory_space<hbm>>) target(%arg13 : memref<125x64xf32, #tpu.memory_space<vmem>>) offsets(%dma_start3A_311 : memref<125xi32, #tpu.memory_space<vmem>>) semaphore(%arg19 : memref<!tpu.dma_semaphore, #tpu.memory_space<semaphore_mem>>)
        } else {
        }
        %dma_wait3A_254 = arith.constant 0 : i32
        %dma_wait3A_255 = arith.constant 0 : i32
        %dma_wait3A_256 = tpu.memref_slice %arg5[%dma_wait3A_254, %dma_wait3A_255] : memref<10000x64xf32, #tpu.memory_space<hbm>> -> memref<125x64xf32, #tpu.memory_space<hbm>>
        %dma_wait3A_257 = arith.constant 0 : i32
        %dma_wait3A_258 = arith.constant 0 : i32
        %dma_wait3A_259 = tpu.memref_slice %arg5[%dma_wait3A_257, %dma_wait3A_258] : memref<10000x64xf32, #tpu.memory_space<hbm>> -> memref<125x64xf32, #tpu.memory_space<hbm>>
        tpu.wait_dma2 semaphore(%arg20 : memref<!tpu.dma_semaphore, #tpu.memory_space<semaphore_mem>>) src(%dma_wait3A_259 : memref<125x64xf32, #tpu.memory_space<hbm>>) dst(%arg14 : memref<125x64xf32, #tpu.memory_space<vmem>>)
        %add3A_260 = arith.constant 1 : i32
        %add3A_261 = arith.addi %add3A_238, %add3A_260 : i32
        "tpu.region"() ({
          %run_scoped3A_305 = tpu.sem_alloc : memref<!tpu.dma_semaphore, #tpu.memory_space<semaphore_mem>>
          %dma_start3A_306 = arith.constant 0 : i32
          %dma_start3A_307 = tpu.memref_slice %arg12[%add3A_261, %dma_start3A_306] : memref<160x125xi32, #tpu.memory_space<vmem>> -> memref<1x125xi32, #tpu.memory_space<vmem>>
          %dma_start3A_308 = tpu.memref_squeeze %dma_start3A_307 : memref<1x125xi32, #tpu.memory_space<vmem>> -> memref<125xi32, #tpu.memory_space<vmem>>
          %dma_start3A_309 = arith.constant 0 : i32
          %dma_start3A_310 = arith.constant 0 : i32
          %dma_start3A_311 = tpu.memref_slice %arg18[%dma_start3A_309, %dma_start3A_310] : memref<10240x64xf32, #tpu.memory_space<vmem_shared>> -> memref<10240x64xf32, #tpu.memory_space<vmem_shared>>
          tpu.enqueue_indirect_dma source(%arg14 : memref<125x64xf32, #tpu.memory_space<vmem>>) target(%dma_start3A_311 : memref<10240x64xf32, #tpu.memory_space<vmem_shared>>) offsets(%dma_start3A_308 : memref<125xi32, #tpu.memory_space<vmem>>) semaphore(%run_scoped3A_305 : memref<!tpu.dma_semaphore, #tpu.memory_space<semaphore_mem>>) {add = true}
          %dma_wait3A_312 = arith.constant 0 : i32
          %dma_wait3A_313 = tpu.memref_slice %arg12[%add3A_261, %dma_wait3A_312] : memref<160x125xi32, #tpu.memory_space<vmem>> -> memref<1x125xi32, #tpu.memory_space<vmem>>
          %dma_wait3A_314 = tpu.memref_squeeze %dma_wait3A_313 : memref<1x125xi32, #tpu.memory_space<vmem>> -> memref<125xi32, #tpu.memory_space<vmem>>
          %dma_wait3A_315 = arith.constant 0 : i32
          %dma_wait3A_316 = arith.constant 0 : i32
          %dma_wait3A_317 = tpu.memref_slice %arg18[%dma_wait3A_315, %dma_wait3A_316] : memref<10240x64xf32, #tpu.memory_space<vmem_shared>> -> memref<10240x64xf32, #tpu.memory_space<vmem_shared>>
          tpu.wait_indirect_dma semaphore(%run_scoped3A_305 : memref<!tpu.dma_semaphore, #tpu.memory_space<semaphore_mem>>) src(%arg14 : memref<125x64xf32, #tpu.memory_space<vmem>>) dst(%dma_wait3A_317 : memref<10240x64xf32, #tpu.memory_space<vmem_shared>>)
          tpu.yield
        }) : () -> ()
        %add3A_262 = arith.constant 4 : i32
        %add3A_263 = arith.addi %add3A_238, %add3A_262 : i32
        %add3A_264 = arith.constant 1 : i32
        %add3A_265 = arith.addi %add3A_263, %add3A_264 : i32
        %lt3A_266 = arith.constant 160 : i32
        %lt3A_267 = arith.cmpi slt, %add3A_265, %lt3A_266 : i32
        %convert_element_type3A_268 = arith.extui %lt3A_267 : i1 to i32
        %cond3A_269 = arith.constant 0 : i32
        %cond3A_270 = arith.cmpi ne, %convert_element_type3A_268, %cond3A_269 : i32
        scf.if %cond3A_270 {
          %add3A_305 = arith.constant 4 : i32
          %add3A_306 = arith.addi %add3A_238, %add3A_305 : i32
          %add3A_307 = arith.constant 1 : i32
          %add3A_308 = arith.addi %add3A_306, %add3A_307 : i32
          %dma_start3A_309 = arith.constant 0 : i32
          %dma_start3A_310 = tpu.memref_slice %arg11[%add3A_308, %dma_start3A_309] : memref<160x125xi32, #tpu.memory_space<vmem>> -> memref<1x125xi32, #tpu.memory_space<vmem>>
          %dma_start3A_311 = tpu.memref_squeeze %dma_start3A_310 : memref<1x125xi32, #tpu.memory_space<vmem>> -> memref<125xi32, #tpu.memory_space<vmem>>
          %dma_start3A_312 = arith.constant 0 : i32
          %dma_start3A_313 = arith.constant 0 : i32
          %dma_start3A_314 = tpu.memref_slice %arg5[%dma_start3A_312, %dma_start3A_313] : memref<10000x64xf32, #tpu.memory_space<hbm>> -> memref<10000x64xf32, #tpu.memory_space<hbm>>
          tpu.enqueue_indirect_dma source(%dma_start3A_314 : memref<10000x64xf32, #tpu.memory_space<hbm>>) target(%arg14 : memref<125x64xf32, #tpu.memory_space<vmem>>) offsets(%dma_start3A_311 : memref<125xi32, #tpu.memory_space<vmem>>) semaphore(%arg20 : memref<!tpu.dma_semaphore, #tpu.memory_space<semaphore_mem>>)
        } else {
        }
        %dma_wait3A_271 = arith.constant 0 : i32
        %dma_wait3A_272 = arith.constant 0 : i32
        %dma_wait3A_273 = tpu.memref_slice %arg5[%dma_wait3A_271, %dma_wait3A_272] : memref<10000x64xf32, #tpu.memory_space<hbm>> -> memref<125x64xf32, #tpu.memory_space<hbm>>
        %dma_wait3A_274 = arith.constant 0 : i32
        %dma_wait3A_275 = arith.constant 0 : i32
        %dma_wait3A_276 = tpu.memref_slice %arg5[%dma_wait3A_274, %dma_wait3A_275] : memref<10000x64xf32, #tpu.memory_space<hbm>> -> memref<125x64xf32, #tpu.memory_space<hbm>>
        tpu.wait_dma2 semaphore(%arg21 : memref<!tpu.dma_semaphore, #tpu.memory_space<semaphore_mem>>) src(%dma_wait3A_276 : memref<125x64xf32, #tpu.memory_space<hbm>>) dst(%arg15 : memref<125x64xf32, #tpu.memory_space<vmem>>)
        %add3A_277 = arith.constant 2 : i32
        %add3A_278 = arith.addi %add3A_238, %add3A_277 : i32
        "tpu.region"() ({
          %run_scoped3A_305 = tpu.sem_alloc : memref<!tpu.dma_semaphore, #tpu.memory_space<semaphore_mem>>
          %dma_start3A_306 = arith.constant 0 : i32
          %dma_start3A_307 = tpu.memref_slice %arg12[%add3A_278, %dma_start3A_306] : memref<160x125xi32, #tpu.memory_space<vmem>> -> memref<1x125xi32, #tpu.memory_space<vmem>>
          %dma_start3A_308 = tpu.memref_squeeze %dma_start3A_307 : memref<1x125xi32, #tpu.memory_space<vmem>> -> memref<125xi32, #tpu.memory_space<vmem>>
          %dma_start3A_309 = arith.constant 0 : i32
          %dma_start3A_310 = arith.constant 0 : i32
          %dma_start3A_311 = tpu.memref_slice %arg18[%dma_start3A_309, %dma_start3A_310] : memref<10240x64xf32, #tpu.memory_space<vmem_shared>> -> memref<10240x64xf32, #tpu.memory_space<vmem_shared>>
          tpu.enqueue_indirect_dma source(%arg15 : memref<125x64xf32, #tpu.memory_space<vmem>>) target(%dma_start3A_311 : memref<10240x64xf32, #tpu.memory_space<vmem_shared>>) offsets(%dma_start3A_308 : memref<125xi32, #tpu.memory_space<vmem>>) semaphore(%run_scoped3A_305 : memref<!tpu.dma_semaphore, #tpu.memory_space<semaphore_mem>>) {add = true}
          %dma_wait3A_312 = arith.constant 0 : i32
          %dma_wait3A_313 = tpu.memref_slice %arg12[%add3A_278, %dma_wait3A_312] : memref<160x125xi32, #tpu.memory_space<vmem>> -> memref<1x125xi32, #tpu.memory_space<vmem>>
          %dma_wait3A_314 = tpu.memref_squeeze %dma_wait3A_313 : memref<1x125xi32, #tpu.memory_space<vmem>> -> memref<125xi32, #tpu.memory_space<vmem>>
          %dma_wait3A_315 = arith.constant 0 : i32
          %dma_wait3A_316 = arith.constant 0 : i32
          %dma_wait3A_317 = tpu.memref_slice %arg18[%dma_wait3A_315, %dma_wait3A_316] : memref<10240x64xf32, #tpu.memory_space<vmem_shared>> -> memref<10240x64xf32, #tpu.memory_space<vmem_shared>>
          tpu.wait_indirect_dma semaphore(%run_scoped3A_305 : memref<!tpu.dma_semaphore, #tpu.memory_space<semaphore_mem>>) src(%arg15 : memref<125x64xf32, #tpu.memory_space<vmem>>) dst(%dma_wait3A_317 : memref<10240x64xf32, #tpu.memory_space<vmem_shared>>)
          tpu.yield
        }) : () -> ()
        %add3A_279 = arith.constant 4 : i32
        %add3A_280 = arith.addi %add3A_238, %add3A_279 : i32
        %add3A_281 = arith.constant 2 : i32
        %add3A_282 = arith.addi %add3A_280, %add3A_281 : i32
        %lt3A_283 = arith.constant 160 : i32
        %lt3A_284 = arith.cmpi slt, %add3A_282, %lt3A_283 : i32
        %convert_element_type3A_285 = arith.extui %lt3A_284 : i1 to i32
        %cond3A_286 = arith.constant 0 : i32
        %cond3A_287 = arith.cmpi ne, %convert_element_type3A_285, %cond3A_286 : i32
        scf.if %cond3A_287 {
          %add3A_305 = arith.constant 4 : i32
          %add3A_306 = arith.addi %add3A_238, %add3A_305 : i32
          %add3A_307 = arith.constant 2 : i32
          %add3A_308 = arith.addi %add3A_306, %add3A_307 : i32
          %dma_start3A_309 = arith.constant 0 : i32
          %dma_start3A_310 = tpu.memref_slice %arg11[%add3A_308, %dma_start3A_309] : memref<160x125xi32, #tpu.memory_space<vmem>> -> memref<1x125xi32, #tpu.memory_space<vmem>>
          %dma_start3A_311 = tpu.memref_squeeze %dma_start3A_310 : memref<1x125xi32, #tpu.memory_space<vmem>> -> memref<125xi32, #tpu.memory_space<vmem>>
          %dma_start3A_312 = arith.constant 0 : i32
          %dma_start3A_313 = arith.constant 0 : i32
          %dma_start3A_314 = tpu.memref_slice %arg5[%dma_start3A_312, %dma_start3A_313] : memref<10000x64xf32, #tpu.memory_space<hbm>> -> memref<10000x64xf32, #tpu.memory_space<hbm>>
          tpu.enqueue_indirect_dma source(%dma_start3A_314 : memref<10000x64xf32, #tpu.memory_space<hbm>>) target(%arg15 : memref<125x64xf32, #tpu.memory_space<vmem>>) offsets(%dma_start3A_311 : memref<125xi32, #tpu.memory_space<vmem>>) semaphore(%arg21 : memref<!tpu.dma_semaphore, #tpu.memory_space<semaphore_mem>>)
        } else {
        }
        %dma_wait3A_288 = arith.constant 0 : i32
        %dma_wait3A_289 = arith.constant 0 : i32
        %dma_wait3A_290 = tpu.memref_slice %arg5[%dma_wait3A_288, %dma_wait3A_289] : memref<10000x64xf32, #tpu.memory_space<hbm>> -> memref<125x64xf32, #tpu.memory_space<hbm>>
        %dma_wait3A_291 = arith.constant 0 : i32
        %dma_wait3A_292 = arith.constant 0 : i32
        %dma_wait3A_293 = tpu.memref_slice %arg5[%dma_wait3A_291, %dma_wait3A_292] : memref<10000x64xf32, #tpu.memory_space<hbm>> -> memref<125x64xf32, #tpu.memory_space<hbm>>
        tpu.wait_dma2 semaphore(%arg22 : memref<!tpu.dma_semaphore, #tpu.memory_space<semaphore_mem>>) src(%dma_wait3A_293 : memref<125x64xf32, #tpu.memory_space<hbm>>) dst(%arg16 : memref<125x64xf32, #tpu.memory_space<vmem>>)
        %add3A_294 = arith.constant 3 : i32
        %add3A_295 = arith.addi %add3A_238, %add3A_294 : i32
        "tpu.region"() ({
          %run_scoped3A_305 = tpu.sem_alloc : memref<!tpu.dma_semaphore, #tpu.memory_space<semaphore_mem>>
          %dma_start3A_306 = arith.constant 0 : i32
          %dma_start3A_307 = tpu.memref_slice %arg12[%add3A_295, %dma_start3A_306] : memref<160x125xi32, #tpu.memory_space<vmem>> -> memref<1x125xi32, #tpu.memory_space<vmem>>
          %dma_start3A_308 = tpu.memref_squeeze %dma_start3A_307 : memref<1x125xi32, #tpu.memory_space<vmem>> -> memref<125xi32, #tpu.memory_space<vmem>>
          %dma_start3A_309 = arith.constant 0 : i32
          %dma_start3A_310 = arith.constant 0 : i32
          %dma_start3A_311 = tpu.memref_slice %arg18[%dma_start3A_309, %dma_start3A_310] : memref<10240x64xf32, #tpu.memory_space<vmem_shared>> -> memref<10240x64xf32, #tpu.memory_space<vmem_shared>>
          tpu.enqueue_indirect_dma source(%arg16 : memref<125x64xf32, #tpu.memory_space<vmem>>) target(%dma_start3A_311 : memref<10240x64xf32, #tpu.memory_space<vmem_shared>>) offsets(%dma_start3A_308 : memref<125xi32, #tpu.memory_space<vmem>>) semaphore(%run_scoped3A_305 : memref<!tpu.dma_semaphore, #tpu.memory_space<semaphore_mem>>) {add = true}
          %dma_wait3A_312 = arith.constant 0 : i32
          %dma_wait3A_313 = tpu.memref_slice %arg12[%add3A_295, %dma_wait3A_312] : memref<160x125xi32, #tpu.memory_space<vmem>> -> memref<1x125xi32, #tpu.memory_space<vmem>>
          %dma_wait3A_314 = tpu.memref_squeeze %dma_wait3A_313 : memref<1x125xi32, #tpu.memory_space<vmem>> -> memref<125xi32, #tpu.memory_space<vmem>>
          %dma_wait3A_315 = arith.constant 0 : i32
          %dma_wait3A_316 = arith.constant 0 : i32
          %dma_wait3A_317 = tpu.memref_slice %arg18[%dma_wait3A_315, %dma_wait3A_316] : memref<10240x64xf32, #tpu.memory_space<vmem_shared>> -> memref<10240x64xf32, #tpu.memory_space<vmem_shared>>
          tpu.wait_indirect_dma semaphore(%run_scoped3A_305 : memref<!tpu.dma_semaphore, #tpu.memory_space<semaphore_mem>>) src(%arg16 : memref<125x64xf32, #tpu.memory_space<vmem>>) dst(%dma_wait3A_317 : memref<10240x64xf32, #tpu.memory_space<vmem_shared>>)
          tpu.yield
        }) : () -> ()
        %add3A_296 = arith.constant 4 : i32
        %add3A_297 = arith.addi %add3A_238, %add3A_296 : i32
        %add3A_298 = arith.constant 3 : i32
        %add3A_299 = arith.addi %add3A_297, %add3A_298 : i32
        %lt3A_300 = arith.constant 160 : i32
        %lt3A_301 = arith.cmpi slt, %add3A_299, %lt3A_300 : i32
        %convert_element_type3A_302 = arith.extui %lt3A_301 : i1 to i32
        %cond3A_303 = arith.constant 0 : i32
        %cond3A_304 = arith.cmpi ne, %convert_element_type3A_302, %cond3A_303 : i32
        scf.if %cond3A_304 {
          %add3A_305 = arith.constant 4 : i32
          %add3A_306 = arith.addi %add3A_238, %add3A_305 : i32
          %add3A_307 = arith.constant 3 : i32
          %add3A_308 = arith.addi %add3A_306, %add3A_307 : i32
          %dma_start3A_309 = arith.constant 0 : i32
          %dma_start3A_310 = tpu.memref_slice %arg11[%add3A_308, %dma_start3A_309] : memref<160x125xi32, #tpu.memory_space<vmem>> -> memref<1x125xi32, #tpu.memory_space<vmem>>
          %dma_start3A_311 = tpu.memref_squeeze %dma_start3A_310 : memref<1x125xi32, #tpu.memory_space<vmem>> -> memref<125xi32, #tpu.memory_space<vmem>>
          %dma_start3A_312 = arith.constant 0 : i32
          %dma_start3A_313 = arith.constant 0 : i32
          %dma_start3A_314 = tpu.memref_slice %arg5[%dma_start3A_312, %dma_start3A_313] : memref<10000x64xf32, #tpu.memory_space<hbm>> -> memref<10000x64xf32, #tpu.memory_space<hbm>>
          tpu.enqueue_indirect_dma source(%dma_start3A_314 : memref<10000x64xf32, #tpu.memory_space<hbm>>) target(%arg16 : memref<125x64xf32, #tpu.memory_space<vmem>>) offsets(%dma_start3A_311 : memref<125xi32, #tpu.memory_space<vmem>>) semaphore(%arg22 : memref<!tpu.dma_semaphore, #tpu.memory_space<semaphore_mem>>)
        } else {
        }
      }
      %scan3A_233 = arith.constant 40 : i32
    } else {
    }
    %barrier3A_26 = arith.constant 0 : index
    tpu.barrier barrier_id(%barrier3A_26)
    %mul3A_27 = arith.constant 640 : i32
    %mul3A_28 = arith.muli %arg1, %mul3A_27 : i32
    %add3A_29 = arith.constant 0 : i32
    %add3A_30 = arith.addi %mul3A_28, %add3A_29 : i32
    "tpu.region"() ({
      %run_scoped3A_203 = tpu.sem_alloc : memref<!tpu.dma_semaphore, #tpu.memory_space<semaphore_mem>>
      %dma_start3A = arith.constant 0 : i32
      %dma_start3A_204 = tpu.memref_slice %arg18[%add3A_30, %dma_start3A] : memref<10240x64xf32, #tpu.memory_space<vmem_shared>> -> memref<128x64xf32, #tpu.memory_space<vmem_shared>>
      %dma_start3A_205 = arith.constant 0 : i32
      %dma_start3A_206 = tpu.memref_slice %arg18[%add3A_30, %dma_start3A_205] : memref<10240x64xf32, #tpu.memory_space<vmem_shared>> -> memref<128x64xf32, #tpu.memory_space<vmem_shared>>
      tpu.enqueue_dma source(%dma_start3A_206 : memref<128x64xf32, #tpu.memory_space<vmem_shared>>) target(%arg17 : memref<128x64xf32, #tpu.memory_space<vmem>>) target_semaphore(%run_scoped3A_203 : memref<!tpu.dma_semaphore, #tpu.memory_space<semaphore_mem>>)
      %dma_wait3A = arith.constant 0 : i32
      %dma_wait3A_207 = tpu.memref_slice %arg18[%add3A_30, %dma_wait3A] : memref<10240x64xf32, #tpu.memory_space<vmem_shared>> -> memref<128x64xf32, #tpu.memory_space<vmem_shared>>
      %dma_wait3A_208 = arith.constant 0 : i32
      %dma_wait3A_209 = tpu.memref_slice %arg18[%add3A_30, %dma_wait3A_208] : memref<10240x64xf32, #tpu.memory_space<vmem_shared>> -> memref<128x64xf32, #tpu.memory_space<vmem_shared>>
      tpu.wait_dma2 semaphore(%run_scoped3A_203 : memref<!tpu.dma_semaphore, #tpu.memory_space<semaphore_mem>>) src(%dma_wait3A_209 : memref<128x64xf32, #tpu.memory_space<vmem_shared>>) dst(%arg17 : memref<128x64xf32, #tpu.memory_space<vmem>>)
      tpu.yield
    }) : () -> ()
    %eq3A_31 = arith.constant 0 : i32
    %eq3A_32 = arith.cmpi eq, %arg0, %eq3A_31 : i32
    %convert_element_type3A_33 = arith.extui %eq3A_32 : i1 to i32
    %cond3A_34 = arith.constant 0 : i32
    %cond3A_35 = arith.cmpi ne, %convert_element_type3A_33, %cond3A_34 : i32
    scf.if %cond3A_35 {
      %run_scoped3A_203 = arith.constant 0 : i32
      "tpu.region"() ({
        %run_scoped3A_204 = tpu.sem_alloc : memref<!tpu.dma_semaphore, #tpu.memory_space<semaphore_mem>>
        %dma_start3A = arith.constant 0 : i32
        %dma_start3A_205 = arith.constant 0 : i32
        %dma_start3A_206 = tpu.memref_slice %arg9[%run_scoped3A_203, %arg1, %dma_start3A, %dma_start3A_205] : memref<2x16x640x64xf32, #tpu.memory_space<hbm>> -> memref<1x1x128x64xf32, #tpu.memory_space<hbm>>
        %dma_start3A_207 = tpu.memref_squeeze %dma_start3A_206 : memref<1x1x128x64xf32, #tpu.memory_space<hbm>> -> memref<128x64xf32, #tpu.memory_space<hbm>>
        %dma_start3A_208 = arith.constant 0 : i32
        %dma_start3A_209 = arith.constant 0 : i32
        %dma_start3A_210 = tpu.memref_slice %arg9[%run_scoped3A_203, %arg1, %dma_start3A_208, %dma_start3A_209] : memref<2x16x640x64xf32, #tpu.memory_space<hbm>> -> memref<1x1x128x64xf32, #tpu.memory_space<hbm>>
        %dma_start3A_211 = tpu.memref_squeeze %dma_start3A_210 : memref<1x1x128x64xf32, #tpu.memory_space<hbm>> -> memref<128x64xf32, #tpu.memory_space<hbm>>
        tpu.enqueue_dma source(%arg17 : memref<128x64xf32, #tpu.memory_space<vmem>>) target(%dma_start3A_211 : memref<128x64xf32, #tpu.memory_space<hbm>>) target_semaphore(%run_scoped3A_204 : memref<!tpu.dma_semaphore, #tpu.memory_space<semaphore_mem>>)
        %dma_wait3A = arith.constant 0 : i32
        %dma_wait3A_212 = arith.constant 0 : i32
        %dma_wait3A_213 = tpu.memref_slice %arg9[%run_scoped3A_203, %arg1, %dma_wait3A, %dma_wait3A_212] : memref<2x16x640x64xf32, #tpu.memory_space<hbm>> -> memref<1x1x128x64xf32, #tpu.memory_space<hbm>>
        %dma_wait3A_214 = tpu.memref_squeeze %dma_wait3A_213 : memref<1x1x128x64xf32, #tpu.memory_space<hbm>> -> memref<128x64xf32, #tpu.memory_space<hbm>>
        %dma_wait3A_215 = arith.constant 0 : i32
        %dma_wait3A_216 = arith.constant 0 : i32
        %dma_wait3A_217 = tpu.memref_slice %arg9[%run_scoped3A_203, %arg1, %dma_wait3A_215, %dma_wait3A_216] : memref<2x16x640x64xf32, #tpu.memory_space<hbm>> -> memref<1x1x128x64xf32, #tpu.memory_space<hbm>>
        %dma_wait3A_218 = tpu.memref_squeeze %dma_wait3A_217 : memref<1x1x128x64xf32, #tpu.memory_space<hbm>> -> memref<128x64xf32, #tpu.memory_space<hbm>>
        tpu.wait_dma2 semaphore(%run_scoped3A_204 : memref<!tpu.dma_semaphore, #tpu.memory_space<semaphore_mem>>) src(%arg17 : memref<128x64xf32, #tpu.memory_space<vmem>>) dst(%dma_wait3A_218 : memref<128x64xf32, #tpu.memory_space<hbm>>)
        tpu.yield
      }) : () -> ()
    } else {
    }
    %eq3A_36 = arith.constant 1 : i32
    %eq3A_37 = arith.cmpi eq, %arg0, %eq3A_36 : i32
    %convert_element_type3A_38 = arith.extui %eq3A_37 : i1 to i32
    %cond3A_39 = arith.constant 0 : i32
    %cond3A_40 = arith.cmpi ne, %convert_element_type3A_38, %cond3A_39 : i32
    scf.if %cond3A_40 {
      %run_scoped3A_203 = arith.constant 0 : i32
      "tpu.region"() ({
        %run_scoped3A_204 = tpu.sem_alloc : memref<!tpu.dma_semaphore, #tpu.memory_space<semaphore_mem>>
        %dma_start3A = arith.constant 0 : i32
        %dma_start3A_205 = arith.constant 0 : i32
        %dma_start3A_206 = tpu.memref_slice %arg10[%run_scoped3A_203, %arg1, %dma_start3A, %dma_start3A_205] : memref<2x16x640x64xf32, #tpu.memory_space<hbm>> -> memref<1x1x128x64xf32, #tpu.memory_space<hbm>>
        %dma_start3A_207 = tpu.memref_squeeze %dma_start3A_206 : memref<1x1x128x64xf32, #tpu.memory_space<hbm>> -> memref<128x64xf32, #tpu.memory_space<hbm>>
        %dma_start3A_208 = arith.constant 0 : i32
        %dma_start3A_209 = arith.constant 0 : i32
        %dma_start3A_210 = tpu.memref_slice %arg10[%run_scoped3A_203, %arg1, %dma_start3A_208, %dma_start3A_209] : memref<2x16x640x64xf32, #tpu.memory_space<hbm>> -> memref<1x1x128x64xf32, #tpu.memory_space<hbm>>
        %dma_start3A_211 = tpu.memref_squeeze %dma_start3A_210 : memref<1x1x128x64xf32, #tpu.memory_space<hbm>> -> memref<128x64xf32, #tpu.memory_space<hbm>>
        tpu.enqueue_dma source(%arg17 : memref<128x64xf32, #tpu.memory_space<vmem>>) target(%dma_start3A_211 : memref<128x64xf32, #tpu.memory_space<hbm>>) target_semaphore(%run_scoped3A_204 : memref<!tpu.dma_semaphore, #tpu.memory_space<semaphore_mem>>)
        %dma_wait3A = arith.constant 0 : i32
        %dma_wait3A_212 = arith.constant 0 : i32
        %dma_wait3A_213 = tpu.memref_slice %arg10[%run_scoped3A_203, %arg1, %dma_wait3A, %dma_wait3A_212] : memref<2x16x640x64xf32, #tpu.memory_space<hbm>> -> memref<1x1x128x64xf32, #tpu.memory_space<hbm>>
        %dma_wait3A_214 = tpu.memref_squeeze %dma_wait3A_213 : memref<1x1x128x64xf32, #tpu.memory_space<hbm>> -> memref<128x64xf32, #tpu.memory_space<hbm>>
        %dma_wait3A_215 = arith.constant 0 : i32
        %dma_wait3A_216 = arith.constant 0 : i32
        %dma_wait3A_217 = tpu.memref_slice %arg10[%run_scoped3A_203, %arg1, %dma_wait3A_215, %dma_wait3A_216] : memref<2x16x640x64xf32, #tpu.memory_space<hbm>> -> memref<1x1x128x64xf32, #tpu.memory_space<hbm>>
        %dma_wait3A_218 = tpu.memref_squeeze %dma_wait3A_217 : memref<1x1x128x64xf32, #tpu.memory_space<hbm>> -> memref<128x64xf32, #tpu.memory_space<hbm>>
        tpu.wait_dma2 semaphore(%run_scoped3A_204 : memref<!tpu.dma_semaphore, #tpu.memory_space<semaphore_mem>>) src(%arg17 : memref<128x64xf32, #tpu.memory_space<vmem>>) dst(%dma_wait3A_218 : memref<128x64xf32, #tpu.memory_space<hbm>>)
        tpu.yield
      }) : () -> ()
    } else {
    }
    %mul3A_41 = arith.constant 640 : i32
    %mul3A_42 = arith.muli %arg1, %mul3A_41 : i32
    %add3A_43 = arith.constant 128 : i32
    %add3A_44 = arith.addi %mul3A_42, %add3A_43 : i32
    "tpu.region"() ({
      %run_scoped3A_203 = tpu.sem_alloc : memref<!tpu.dma_semaphore, #tpu.memory_space<semaphore_mem>>
      %dma_start3A = arith.constant 0 : i32
      %dma_start3A_204 = tpu.memref_slice %arg18[%add3A_44, %dma_start3A] : memref<10240x64xf32, #tpu.memory_space<vmem_shared>> -> memref<128x64xf32, #tpu.memory_space<vmem_shared>>
      %dma_start3A_205 = arith.constant 0 : i32
      %dma_start3A_206 = tpu.memref_slice %arg18[%add3A_44, %dma_start3A_205] : memref<10240x64xf32, #tpu.memory_space<vmem_shared>> -> memref<128x64xf32, #tpu.memory_space<vmem_shared>>
      tpu.enqueue_dma source(%dma_start3A_206 : memref<128x64xf32, #tpu.memory_space<vmem_shared>>) target(%arg17 : memref<128x64xf32, #tpu.memory_space<vmem>>) target_semaphore(%run_scoped3A_203 : memref<!tpu.dma_semaphore, #tpu.memory_space<semaphore_mem>>)
      %dma_wait3A = arith.constant 0 : i32
      %dma_wait3A_207 = tpu.memref_slice %arg18[%add3A_44, %dma_wait3A] : memref<10240x64xf32, #tpu.memory_space<vmem_shared>> -> memref<128x64xf32, #tpu.memory_space<vmem_shared>>
      %dma_wait3A_208 = arith.constant 0 : i32
      %dma_wait3A_209 = tpu.memref_slice %arg18[%add3A_44, %dma_wait3A_208] : memref<10240x64xf32, #tpu.memory_space<vmem_shared>> -> memref<128x64xf32, #tpu.memory_space<vmem_shared>>
      tpu.wait_dma2 semaphore(%run_scoped3A_203 : memref<!tpu.dma_semaphore, #tpu.memory_space<semaphore_mem>>) src(%dma_wait3A_209 : memref<128x64xf32, #tpu.memory_space<vmem_shared>>) dst(%arg17 : memref<128x64xf32, #tpu.memory_space<vmem>>)
      tpu.yield
    }) : () -> ()
    %eq3A_45 = arith.constant 0 : i32
    %eq3A_46 = arith.cmpi eq, %arg0, %eq3A_45 : i32
    %convert_element_type3A_47 = arith.extui %eq3A_46 : i1 to i32
    %cond3A_48 = arith.constant 0 : i32
    %cond3A_49 = arith.cmpi ne, %convert_element_type3A_47, %cond3A_48 : i32
    scf.if %cond3A_49 {
      %run_scoped3A_203 = arith.constant 0 : i32
      "tpu.region"() ({
        %run_scoped3A_204 = tpu.sem_alloc : memref<!tpu.dma_semaphore, #tpu.memory_space<semaphore_mem>>
        %dma_start3A = arith.constant 128 : i32
        %dma_start3A_205 = arith.constant 0 : i32
        %dma_start3A_206 = tpu.memref_slice %arg9[%run_scoped3A_203, %arg1, %dma_start3A, %dma_start3A_205] : memref<2x16x640x64xf32, #tpu.memory_space<hbm>> -> memref<1x1x128x64xf32, #tpu.memory_space<hbm>>
        %dma_start3A_207 = tpu.memref_squeeze %dma_start3A_206 : memref<1x1x128x64xf32, #tpu.memory_space<hbm>> -> memref<128x64xf32, #tpu.memory_space<hbm>>
        %dma_start3A_208 = arith.constant 128 : i32
        %dma_start3A_209 = arith.constant 0 : i32
        %dma_start3A_210 = tpu.memref_slice %arg9[%run_scoped3A_203, %arg1, %dma_start3A_208, %dma_start3A_209] : memref<2x16x640x64xf32, #tpu.memory_space<hbm>> -> memref<1x1x128x64xf32, #tpu.memory_space<hbm>>
        %dma_start3A_211 = tpu.memref_squeeze %dma_start3A_210 : memref<1x1x128x64xf32, #tpu.memory_space<hbm>> -> memref<128x64xf32, #tpu.memory_space<hbm>>
        tpu.enqueue_dma source(%arg17 : memref<128x64xf32, #tpu.memory_space<vmem>>) target(%dma_start3A_211 : memref<128x64xf32, #tpu.memory_space<hbm>>) target_semaphore(%run_scoped3A_204 : memref<!tpu.dma_semaphore, #tpu.memory_space<semaphore_mem>>)
        %dma_wait3A = arith.constant 128 : i32
        %dma_wait3A_212 = arith.constant 0 : i32
        %dma_wait3A_213 = tpu.memref_slice %arg9[%run_scoped3A_203, %arg1, %dma_wait3A, %dma_wait3A_212] : memref<2x16x640x64xf32, #tpu.memory_space<hbm>> -> memref<1x1x128x64xf32, #tpu.memory_space<hbm>>
        %dma_wait3A_214 = tpu.memref_squeeze %dma_wait3A_213 : memref<1x1x128x64xf32, #tpu.memory_space<hbm>> -> memref<128x64xf32, #tpu.memory_space<hbm>>
        %dma_wait3A_215 = arith.constant 128 : i32
        %dma_wait3A_216 = arith.constant 0 : i32
        %dma_wait3A_217 = tpu.memref_slice %arg9[%run_scoped3A_203, %arg1, %dma_wait3A_215, %dma_wait3A_216] : memref<2x16x640x64xf32, #tpu.memory_space<hbm>> -> memref<1x1x128x64xf32, #tpu.memory_space<hbm>>
        %dma_wait3A_218 = tpu.memref_squeeze %dma_wait3A_217 : memref<1x1x128x64xf32, #tpu.memory_space<hbm>> -> memref<128x64xf32, #tpu.memory_space<hbm>>
        tpu.wait_dma2 semaphore(%run_scoped3A_204 : memref<!tpu.dma_semaphore, #tpu.memory_space<semaphore_mem>>) src(%arg17 : memref<128x64xf32, #tpu.memory_space<vmem>>) dst(%dma_wait3A_218 : memref<128x64xf32, #tpu.memory_space<hbm>>)
        tpu.yield
      }) : () -> ()
    } else {
    }
    %eq3A_50 = arith.constant 1 : i32
    %eq3A_51 = arith.cmpi eq, %arg0, %eq3A_50 : i32
    %convert_element_type3A_52 = arith.extui %eq3A_51 : i1 to i32
    %cond3A_53 = arith.constant 0 : i32
    %cond3A_54 = arith.cmpi ne, %convert_element_type3A_52, %cond3A_53 : i32
    scf.if %cond3A_54 {
      %run_scoped3A_203 = arith.constant 0 : i32
      "tpu.region"() ({
        %run_scoped3A_204 = tpu.sem_alloc : memref<!tpu.dma_semaphore, #tpu.memory_space<semaphore_mem>>
        %dma_start3A = arith.constant 128 : i32
        %dma_start3A_205 = arith.constant 0 : i32
        %dma_start3A_206 = tpu.memref_slice %arg10[%run_scoped3A_203, %arg1, %dma_start3A, %dma_start3A_205] : memref<2x16x640x64xf32, #tpu.memory_space<hbm>> -> memref<1x1x128x64xf32, #tpu.memory_space<hbm>>
        %dma_start3A_207 = tpu.memref_squeeze %dma_start3A_206 : memref<1x1x128x64xf32, #tpu.memory_space<hbm>> -> memref<128x64xf32, #tpu.memory_space<hbm>>
        %dma_start3A_208 = arith.constant 128 : i32
        %dma_start3A_209 = arith.constant 0 : i32
        %dma_start3A_210 = tpu.memref_slice %arg10[%run_scoped3A_203, %arg1, %dma_start3A_208, %dma_start3A_209] : memref<2x16x640x64xf32, #tpu.memory_space<hbm>> -> memref<1x1x128x64xf32, #tpu.memory_space<hbm>>
        %dma_start3A_211 = tpu.memref_squeeze %dma_start3A_210 : memref<1x1x128x64xf32, #tpu.memory_space<hbm>> -> memref<128x64xf32, #tpu.memory_space<hbm>>
        tpu.enqueue_dma source(%arg17 : memref<128x64xf32, #tpu.memory_space<vmem>>) target(%dma_start3A_211 : memref<128x64xf32, #tpu.memory_space<hbm>>) target_semaphore(%run_scoped3A_204 : memref<!tpu.dma_semaphore, #tpu.memory_space<semaphore_mem>>)
        %dma_wait3A = arith.constant 128 : i32
        %dma_wait3A_212 = arith.constant 0 : i32
        %dma_wait3A_213 = tpu.memref_slice %arg10[%run_scoped3A_203, %arg1, %dma_wait3A, %dma_wait3A_212] : memref<2x16x640x64xf32, #tpu.memory_space<hbm>> -> memref<1x1x128x64xf32, #tpu.memory_space<hbm>>
        %dma_wait3A_214 = tpu.memref_squeeze %dma_wait3A_213 : memref<1x1x128x64xf32, #tpu.memory_space<hbm>> -> memref<128x64xf32, #tpu.memory_space<hbm>>
        %dma_wait3A_215 = arith.constant 128 : i32
        %dma_wait3A_216 = arith.constant 0 : i32
        %dma_wait3A_217 = tpu.memref_slice %arg10[%run_scoped3A_203, %arg1, %dma_wait3A_215, %dma_wait3A_216] : memref<2x16x640x64xf32, #tpu.memory_space<hbm>> -> memref<1x1x128x64xf32, #tpu.memory_space<hbm>>
        %dma_wait3A_218 = tpu.memref_squeeze %dma_wait3A_217 : memref<1x1x128x64xf32, #tpu.memory_space<hbm>> -> memref<128x64xf32, #tpu.memory_space<hbm>>
        tpu.wait_dma2 semaphore(%run_scoped3A_204 : memref<!tpu.dma_semaphore, #tpu.memory_space<semaphore_mem>>) src(%arg17 : memref<128x64xf32, #tpu.memory_space<vmem>>) dst(%dma_wait3A_218 : memref<128x64xf32, #tpu.memory_space<hbm>>)
        tpu.yield
      }) : () -> ()
    } else {
    }
    %mul3A_55 = arith.constant 640 : i32
    %mul3A_56 = arith.muli %arg1, %mul3A_55 : i32
    %add3A_57 = arith.constant 256 : i32
    %add3A_58 = arith.addi %mul3A_56, %add3A_57 : i32
    "tpu.region"() ({
      %run_scoped3A_203 = tpu.sem_alloc : memref<!tpu.dma_semaphore, #tpu.memory_space<semaphore_mem>>
      %dma_start3A = arith.constant 0 : i32
      %dma_start3A_204 = tpu.memref_slice %arg18[%add3A_58, %dma_start3A] : memref<10240x64xf32, #tpu.memory_space<vmem_shared>> -> memref<128x64xf32, #tpu.memory_space<vmem_shared>>
      %dma_start3A_205 = arith.constant 0 : i32
      %dma_start3A_206 = tpu.memref_slice %arg18[%add3A_58, %dma_start3A_205] : memref<10240x64xf32, #tpu.memory_space<vmem_shared>> -> memref<128x64xf32, #tpu.memory_space<vmem_shared>>
      tpu.enqueue_dma source(%dma_start3A_206 : memref<128x64xf32, #tpu.memory_space<vmem_shared>>) target(%arg17 : memref<128x64xf32, #tpu.memory_space<vmem>>) target_semaphore(%run_scoped3A_203 : memref<!tpu.dma_semaphore, #tpu.memory_space<semaphore_mem>>)
      %dma_wait3A = arith.constant 0 : i32
      %dma_wait3A_207 = tpu.memref_slice %arg18[%add3A_58, %dma_wait3A] : memref<10240x64xf32, #tpu.memory_space<vmem_shared>> -> memref<128x64xf32, #tpu.memory_space<vmem_shared>>
      %dma_wait3A_208 = arith.constant 0 : i32
      %dma_wait3A_209 = tpu.memref_slice %arg18[%add3A_58, %dma_wait3A_208] : memref<10240x64xf32, #tpu.memory_space<vmem_shared>> -> memref<128x64xf32, #tpu.memory_space<vmem_shared>>
      tpu.wait_dma2 semaphore(%run_scoped3A_203 : memref<!tpu.dma_semaphore, #tpu.memory_space<semaphore_mem>>) src(%dma_wait3A_209 : memref<128x64xf32, #tpu.memory_space<vmem_shared>>) dst(%arg17 : memref<128x64xf32, #tpu.memory_space<vmem>>)
      tpu.yield
    }) : () -> ()
    %eq3A_59 = arith.constant 0 : i32
    %eq3A_60 = arith.cmpi eq, %arg0, %eq3A_59 : i32
    %convert_element_type3A_61 = arith.extui %eq3A_60 : i1 to i32
    %cond3A_62 = arith.constant 0 : i32
    %cond3A_63 = arith.cmpi ne, %convert_element_type3A_61, %cond3A_62 : i32
    scf.if %cond3A_63 {
      %run_scoped3A_203 = arith.constant 0 : i32
      "tpu.region"() ({
        %run_scoped3A_204 = tpu.sem_alloc : memref<!tpu.dma_semaphore, #tpu.memory_space<semaphore_mem>>
        %dma_start3A = arith.constant 256 : i32
        %dma_start3A_205 = arith.constant 0 : i32
        %dma_start3A_206 = tpu.memref_slice %arg9[%run_scoped3A_203, %arg1, %dma_start3A, %dma_start3A_205] : memref<2x16x640x64xf32, #tpu.memory_space<hbm>> -> memref<1x1x128x64xf32, #tpu.memory_space<hbm>>
        %dma_start3A_207 = tpu.memref_squeeze %dma_start3A_206 : memref<1x1x128x64xf32, #tpu.memory_space<hbm>> -> memref<128x64xf32, #tpu.memory_space<hbm>>
        %dma_start3A_208 = arith.constant 256 : i32
        %dma_start3A_209 = arith.constant 0 : i32
        %dma_start3A_210 = tpu.memref_slice %arg9[%run_scoped3A_203, %arg1, %dma_start3A_208, %dma_start3A_209] : memref<2x16x640x64xf32, #tpu.memory_space<hbm>> -> memref<1x1x128x64xf32, #tpu.memory_space<hbm>>
        %dma_start3A_211 = tpu.memref_squeeze %dma_start3A_210 : memref<1x1x128x64xf32, #tpu.memory_space<hbm>> -> memref<128x64xf32, #tpu.memory_space<hbm>>
        tpu.enqueue_dma source(%arg17 : memref<128x64xf32, #tpu.memory_space<vmem>>) target(%dma_start3A_211 : memref<128x64xf32, #tpu.memory_space<hbm>>) target_semaphore(%run_scoped3A_204 : memref<!tpu.dma_semaphore, #tpu.memory_space<semaphore_mem>>)
        %dma_wait3A = arith.constant 256 : i32
        %dma_wait3A_212 = arith.constant 0 : i32
        %dma_wait3A_213 = tpu.memref_slice %arg9[%run_scoped3A_203, %arg1, %dma_wait3A, %dma_wait3A_212] : memref<2x16x640x64xf32, #tpu.memory_space<hbm>> -> memref<1x1x128x64xf32, #tpu.memory_space<hbm>>
        %dma_wait3A_214 = tpu.memref_squeeze %dma_wait3A_213 : memref<1x1x128x64xf32, #tpu.memory_space<hbm>> -> memref<128x64xf32, #tpu.memory_space<hbm>>
        %dma_wait3A_215 = arith.constant 256 : i32
        %dma_wait3A_216 = arith.constant 0 : i32
        %dma_wait3A_217 = tpu.memref_slice %arg9[%run_scoped3A_203, %arg1, %dma_wait3A_215, %dma_wait3A_216] : memref<2x16x640x64xf32, #tpu.memory_space<hbm>> -> memref<1x1x128x64xf32, #tpu.memory_space<hbm>>
        %dma_wait3A_218 = tpu.memref_squeeze %dma_wait3A_217 : memref<1x1x128x64xf32, #tpu.memory_space<hbm>> -> memref<128x64xf32, #tpu.memory_space<hbm>>
        tpu.wait_dma2 semaphore(%run_scoped3A_204 : memref<!tpu.dma_semaphore, #tpu.memory_space<semaphore_mem>>) src(%arg17 : memref<128x64xf32, #tpu.memory_space<vmem>>) dst(%dma_wait3A_218 : memref<128x64xf32, #tpu.memory_space<hbm>>)
        tpu.yield
      }) : () -> ()
    } else {
    }
    %eq3A_64 = arith.constant 1 : i32
    %eq3A_65 = arith.cmpi eq, %arg0, %eq3A_64 : i32
    %convert_element_type3A_66 = arith.extui %eq3A_65 : i1 to i32
    %cond3A_67 = arith.constant 0 : i32
    %cond3A_68 = arith.cmpi ne, %convert_element_type3A_66, %cond3A_67 : i32
    scf.if %cond3A_68 {
      %run_scoped3A_203 = arith.constant 0 : i32
      "tpu.region"() ({
        %run_scoped3A_204 = tpu.sem_alloc : memref<!tpu.dma_semaphore, #tpu.memory_space<semaphore_mem>>
        %dma_start3A = arith.constant 256 : i32
        %dma_start3A_205 = arith.constant 0 : i32
        %dma_start3A_206 = tpu.memref_slice %arg10[%run_scoped3A_203, %arg1, %dma_start3A, %dma_start3A_205] : memref<2x16x640x64xf32, #tpu.memory_space<hbm>> -> memref<1x1x128x64xf32, #tpu.memory_space<hbm>>
        %dma_start3A_207 = tpu.memref_squeeze %dma_start3A_206 : memref<1x1x128x64xf32, #tpu.memory_space<hbm>> -> memref<128x64xf32, #tpu.memory_space<hbm>>
        %dma_start3A_208 = arith.constant 256 : i32
        %dma_start3A_209 = arith.constant 0 : i32
        %dma_start3A_210 = tpu.memref_slice %arg10[%run_scoped3A_203, %arg1, %dma_start3A_208, %dma_start3A_209] : memref<2x16x640x64xf32, #tpu.memory_space<hbm>> -> memref<1x1x128x64xf32, #tpu.memory_space<hbm>>
        %dma_start3A_211 = tpu.memref_squeeze %dma_start3A_210 : memref<1x1x128x64xf32, #tpu.memory_space<hbm>> -> memref<128x64xf32, #tpu.memory_space<hbm>>
        tpu.enqueue_dma source(%arg17 : memref<128x64xf32, #tpu.memory_space<vmem>>) target(%dma_start3A_211 : memref<128x64xf32, #tpu.memory_space<hbm>>) target_semaphore(%run_scoped3A_204 : memref<!tpu.dma_semaphore, #tpu.memory_space<semaphore_mem>>)
        %dma_wait3A = arith.constant 256 : i32
        %dma_wait3A_212 = arith.constant 0 : i32
        %dma_wait3A_213 = tpu.memref_slice %arg10[%run_scoped3A_203, %arg1, %dma_wait3A, %dma_wait3A_212] : memref<2x16x640x64xf32, #tpu.memory_space<hbm>> -> memref<1x1x128x64xf32, #tpu.memory_space<hbm>>
        %dma_wait3A_214 = tpu.memref_squeeze %dma_wait3A_213 : memref<1x1x128x64xf32, #tpu.memory_space<hbm>> -> memref<128x64xf32, #tpu.memory_space<hbm>>
        %dma_wait3A_215 = arith.constant 256 : i32
        %dma_wait3A_216 = arith.constant 0 : i32
        %dma_wait3A_217 = tpu.memref_slice %arg10[%run_scoped3A_203, %arg1, %dma_wait3A_215, %dma_wait3A_216] : memref<2x16x640x64xf32, #tpu.memory_space<hbm>> -> memref<1x1x128x64xf32, #tpu.memory_space<hbm>>
        %dma_wait3A_218 = tpu.memref_squeeze %dma_wait3A_217 : memref<1x1x128x64xf32, #tpu.memory_space<hbm>> -> memref<128x64xf32, #tpu.memory_space<hbm>>
        tpu.wait_dma2 semaphore(%run_scoped3A_204 : memref<!tpu.dma_semaphore, #tpu.memory_space<semaphore_mem>>) src(%arg17 : memref<128x64xf32, #tpu.memory_space<vmem>>) dst(%dma_wait3A_218 : memref<128x64xf32, #tpu.memory_space<hbm>>)
        tpu.yield
      }) : () -> ()
    } else {
    }
    %mul3A_69 = arith.constant 640 : i32
    %mul3A_70 = arith.muli %arg1, %mul3A_69 : i32
    %add3A_71 = arith.constant 384 : i32
    %add3A_72 = arith.addi %mul3A_70, %add3A_71 : i32
    "tpu.region"() ({
      %run_scoped3A_203 = tpu.sem_alloc : memref<!tpu.dma_semaphore, #tpu.memory_space<semaphore_mem>>
      %dma_start3A = arith.constant 0 : i32
      %dma_start3A_204 = tpu.memref_slice %arg18[%add3A_72, %dma_start3A] : memref<10240x64xf32, #tpu.memory_space<vmem_shared>> -> memref<128x64xf32, #tpu.memory_space<vmem_shared>>
      %dma_start3A_205 = arith.constant 0 : i32
      %dma_start3A_206 = tpu.memref_slice %arg18[%add3A_72, %dma_start3A_205] : memref<10240x64xf32, #tpu.memory_space<vmem_shared>> -> memref<128x64xf32, #tpu.memory_space<vmem_shared>>
      tpu.enqueue_dma source(%dma_start3A_206 : memref<128x64xf32, #tpu.memory_space<vmem_shared>>) target(%arg17 : memref<128x64xf32, #tpu.memory_space<vmem>>) target_semaphore(%run_scoped3A_203 : memref<!tpu.dma_semaphore, #tpu.memory_space<semaphore_mem>>)
      %dma_wait3A = arith.constant 0 : i32
      %dma_wait3A_207 = tpu.memref_slice %arg18[%add3A_72, %dma_wait3A] : memref<10240x64xf32, #tpu.memory_space<vmem_shared>> -> memref<128x64xf32, #tpu.memory_space<vmem_shared>>
      %dma_wait3A_208 = arith.constant 0 : i32
      %dma_wait3A_209 = tpu.memref_slice %arg18[%add3A_72, %dma_wait3A_208] : memref<10240x64xf32, #tpu.memory_space<vmem_shared>> -> memref<128x64xf32, #tpu.memory_space<vmem_shared>>
      tpu.wait_dma2 semaphore(%run_scoped3A_203 : memref<!tpu.dma_semaphore, #tpu.memory_space<semaphore_mem>>) src(%dma_wait3A_209 : memref<128x64xf32, #tpu.memory_space<vmem_shared>>) dst(%arg17 : memref<128x64xf32, #tpu.memory_space<vmem>>)
      tpu.yield
    }) : () -> ()
    %eq3A_73 = arith.constant 0 : i32
    %eq3A_74 = arith.cmpi eq, %arg0, %eq3A_73 : i32
    %convert_element_type3A_75 = arith.extui %eq3A_74 : i1 to i32
    %cond3A_76 = arith.constant 0 : i32
    %cond3A_77 = arith.cmpi ne, %convert_element_type3A_75, %cond3A_76 : i32
    scf.if %cond3A_77 {
      %run_scoped3A_203 = arith.constant 0 : i32
      "tpu.region"() ({
        %run_scoped3A_204 = tpu.sem_alloc : memref<!tpu.dma_semaphore, #tpu.memory_space<semaphore_mem>>
        %dma_start3A = arith.constant 384 : i32
        %dma_start3A_205 = arith.constant 0 : i32
        %dma_start3A_206 = tpu.memref_slice %arg9[%run_scoped3A_203, %arg1, %dma_start3A, %dma_start3A_205] : memref<2x16x640x64xf32, #tpu.memory_space<hbm>> -> memref<1x1x128x64xf32, #tpu.memory_space<hbm>>
        %dma_start3A_207 = tpu.memref_squeeze %dma_start3A_206 : memref<1x1x128x64xf32, #tpu.memory_space<hbm>> -> memref<128x64xf32, #tpu.memory_space<hbm>>
        %dma_start3A_208 = arith.constant 384 : i32
        %dma_start3A_209 = arith.constant 0 : i32
        %dma_start3A_210 = tpu.memref_slice %arg9[%run_scoped3A_203, %arg1, %dma_start3A_208, %dma_start3A_209] : memref<2x16x640x64xf32, #tpu.memory_space<hbm>> -> memref<1x1x128x64xf32, #tpu.memory_space<hbm>>
        %dma_start3A_211 = tpu.memref_squeeze %dma_start3A_210 : memref<1x1x128x64xf32, #tpu.memory_space<hbm>> -> memref<128x64xf32, #tpu.memory_space<hbm>>
        tpu.enqueue_dma source(%arg17 : memref<128x64xf32, #tpu.memory_space<vmem>>) target(%dma_start3A_211 : memref<128x64xf32, #tpu.memory_space<hbm>>) target_semaphore(%run_scoped3A_204 : memref<!tpu.dma_semaphore, #tpu.memory_space<semaphore_mem>>)
        %dma_wait3A = arith.constant 384 : i32
        %dma_wait3A_212 = arith.constant 0 : i32
        %dma_wait3A_213 = tpu.memref_slice %arg9[%run_scoped3A_203, %arg1, %dma_wait3A, %dma_wait3A_212] : memref<2x16x640x64xf32, #tpu.memory_space<hbm>> -> memref<1x1x128x64xf32, #tpu.memory_space<hbm>>
        %dma_wait3A_214 = tpu.memref_squeeze %dma_wait3A_213 : memref<1x1x128x64xf32, #tpu.memory_space<hbm>> -> memref<128x64xf32, #tpu.memory_space<hbm>>
        %dma_wait3A_215 = arith.constant 384 : i32
        %dma_wait3A_216 = arith.constant 0 : i32
        %dma_wait3A_217 = tpu.memref_slice %arg9[%run_scoped3A_203, %arg1, %dma_wait3A_215, %dma_wait3A_216] : memref<2x16x640x64xf32, #tpu.memory_space<hbm>> -> memref<1x1x128x64xf32, #tpu.memory_space<hbm>>
        %dma_wait3A_218 = tpu.memref_squeeze %dma_wait3A_217 : memref<1x1x128x64xf32, #tpu.memory_space<hbm>> -> memref<128x64xf32, #tpu.memory_space<hbm>>
        tpu.wait_dma2 semaphore(%run_scoped3A_204 : memref<!tpu.dma_semaphore, #tpu.memory_space<semaphore_mem>>) src(%arg17 : memref<128x64xf32, #tpu.memory_space<vmem>>) dst(%dma_wait3A_218 : memref<128x64xf32, #tpu.memory_space<hbm>>)
        tpu.yield
      }) : () -> ()
    } else {
    }
    %eq3A_78 = arith.constant 1 : i32
    %eq3A_79 = arith.cmpi eq, %arg0, %eq3A_78 : i32
    %convert_element_type3A_80 = arith.extui %eq3A_79 : i1 to i32
    %cond3A_81 = arith.constant 0 : i32
    %cond3A_82 = arith.cmpi ne, %convert_element_type3A_80, %cond3A_81 : i32
    scf.if %cond3A_82 {
      %run_scoped3A_203 = arith.constant 0 : i32
      "tpu.region"() ({
        %run_scoped3A_204 = tpu.sem_alloc : memref<!tpu.dma_semaphore, #tpu.memory_space<semaphore_mem>>
        %dma_start3A = arith.constant 384 : i32
        %dma_start3A_205 = arith.constant 0 : i32
        %dma_start3A_206 = tpu.memref_slice %arg10[%run_scoped3A_203, %arg1, %dma_start3A, %dma_start3A_205] : memref<2x16x640x64xf32, #tpu.memory_space<hbm>> -> memref<1x1x128x64xf32, #tpu.memory_space<hbm>>
        %dma_start3A_207 = tpu.memref_squeeze %dma_start3A_206 : memref<1x1x128x64xf32, #tpu.memory_space<hbm>> -> memref<128x64xf32, #tpu.memory_space<hbm>>
        %dma_start3A_208 = arith.constant 384 : i32
        %dma_start3A_209 = arith.constant 0 : i32
        %dma_start3A_210 = tpu.memref_slice %arg10[%run_scoped3A_203, %arg1, %dma_start3A_208, %dma_start3A_209] : memref<2x16x640x64xf32, #tpu.memory_space<hbm>> -> memref<1x1x128x64xf32, #tpu.memory_space<hbm>>
        %dma_start3A_211 = tpu.memref_squeeze %dma_start3A_210 : memref<1x1x128x64xf32, #tpu.memory_space<hbm>> -> memref<128x64xf32, #tpu.memory_space<hbm>>
        tpu.enqueue_dma source(%arg17 : memref<128x64xf32, #tpu.memory_space<vmem>>) target(%dma_start3A_211 : memref<128x64xf32, #tpu.memory_space<hbm>>) target_semaphore(%run_scoped3A_204 : memref<!tpu.dma_semaphore, #tpu.memory_space<semaphore_mem>>)
        %dma_wait3A = arith.constant 384 : i32
        %dma_wait3A_212 = arith.constant 0 : i32
        %dma_wait3A_213 = tpu.memref_slice %arg10[%run_scoped3A_203, %arg1, %dma_wait3A, %dma_wait3A_212] : memref<2x16x640x64xf32, #tpu.memory_space<hbm>> -> memref<1x1x128x64xf32, #tpu.memory_space<hbm>>
        %dma_wait3A_214 = tpu.memref_squeeze %dma_wait3A_213 : memref<1x1x128x64xf32, #tpu.memory_space<hbm>> -> memref<128x64xf32, #tpu.memory_space<hbm>>
        %dma_wait3A_215 = arith.constant 384 : i32
        %dma_wait3A_216 = arith.constant 0 : i32
        %dma_wait3A_217 = tpu.memref_slice %arg10[%run_scoped3A_203, %arg1, %dma_wait3A_215, %dma_wait3A_216] : memref<2x16x640x64xf32, #tpu.memory_space<hbm>> -> memref<1x1x128x64xf32, #tpu.memory_space<hbm>>
        %dma_wait3A_218 = tpu.memref_squeeze %dma_wait3A_217 : memref<1x1x128x64xf32, #tpu.memory_space<hbm>> -> memref<128x64xf32, #tpu.memory_space<hbm>>
        tpu.wait_dma2 semaphore(%run_scoped3A_204 : memref<!tpu.dma_semaphore, #tpu.memory_space<semaphore_mem>>) src(%arg17 : memref<128x64xf32, #tpu.memory_space<vmem>>) dst(%dma_wait3A_218 : memref<128x64xf32, #tpu.memory_space<hbm>>)
        tpu.yield
      }) : () -> ()
    } else {
    }
    %mul3A_83 = arith.constant 640 : i32
    %mul3A_84 = arith.muli %arg1, %mul3A_83 : i32
    %add3A_85 = arith.constant 512 : i32
    %add3A_86 = arith.addi %mul3A_84, %add3A_85 : i32
    "tpu.region"() ({
      %run_scoped3A_203 = tpu.sem_alloc : memref<!tpu.dma_semaphore, #tpu.memory_space<semaphore_mem>>
      %dma_start3A = arith.constant 0 : i32
      %dma_start3A_204 = tpu.memref_slice %arg18[%add3A_86, %dma_start3A] : memref<10240x64xf32, #tpu.memory_space<vmem_shared>> -> memref<128x64xf32, #tpu.memory_space<vmem_shared>>
      %dma_start3A_205 = arith.constant 0 : i32
      %dma_start3A_206 = tpu.memref_slice %arg18[%add3A_86, %dma_start3A_205] : memref<10240x64xf32, #tpu.memory_space<vmem_shared>> -> memref<128x64xf32, #tpu.memory_space<vmem_shared>>
      tpu.enqueue_dma source(%dma_start3A_206 : memref<128x64xf32, #tpu.memory_space<vmem_shared>>) target(%arg17 : memref<128x64xf32, #tpu.memory_space<vmem>>) target_semaphore(%run_scoped3A_203 : memref<!tpu.dma_semaphore, #tpu.memory_space<semaphore_mem>>)
      %dma_wait3A = arith.constant 0 : i32
      %dma_wait3A_207 = tpu.memref_slice %arg18[%add3A_86, %dma_wait3A] : memref<10240x64xf32, #tpu.memory_space<vmem_shared>> -> memref<128x64xf32, #tpu.memory_space<vmem_shared>>
      %dma_wait3A_208 = arith.constant 0 : i32
      %dma_wait3A_209 = tpu.memref_slice %arg18[%add3A_86, %dma_wait3A_208] : memref<10240x64xf32, #tpu.memory_space<vmem_shared>> -> memref<128x64xf32, #tpu.memory_space<vmem_shared>>
      tpu.wait_dma2 semaphore(%run_scoped3A_203 : memref<!tpu.dma_semaphore, #tpu.memory_space<semaphore_mem>>) src(%dma_wait3A_209 : memref<128x64xf32, #tpu.memory_space<vmem_shared>>) dst(%arg17 : memref<128x64xf32, #tpu.memory_space<vmem>>)
      tpu.yield
    }) : () -> ()
    %eq3A_87 = arith.constant 0 : i32
    %eq3A_88 = arith.cmpi eq, %arg0, %eq3A_87 : i32
    %convert_element_type3A_89 = arith.extui %eq3A_88 : i1 to i32
    %cond3A_90 = arith.constant 0 : i32
    %cond3A_91 = arith.cmpi ne, %convert_element_type3A_89, %cond3A_90 : i32
    scf.if %cond3A_91 {
      %run_scoped3A_203 = arith.constant 0 : i32
      "tpu.region"() ({
        %run_scoped3A_204 = tpu.sem_alloc : memref<!tpu.dma_semaphore, #tpu.memory_space<semaphore_mem>>
        %dma_start3A = arith.constant 512 : i32
        %dma_start3A_205 = arith.constant 0 : i32
        %dma_start3A_206 = tpu.memref_slice %arg9[%run_scoped3A_203, %arg1, %dma_start3A, %dma_start3A_205] : memref<2x16x640x64xf32, #tpu.memory_space<hbm>> -> memref<1x1x128x64xf32, #tpu.memory_space<hbm>>
        %dma_start3A_207 = tpu.memref_squeeze %dma_start3A_206 : memref<1x1x128x64xf32, #tpu.memory_space<hbm>> -> memref<128x64xf32, #tpu.memory_space<hbm>>
        %dma_start3A_208 = arith.constant 512 : i32
        %dma_start3A_209 = arith.constant 0 : i32
        %dma_start3A_210 = tpu.memref_slice %arg9[%run_scoped3A_203, %arg1, %dma_start3A_208, %dma_start3A_209] : memref<2x16x640x64xf32, #tpu.memory_space<hbm>> -> memref<1x1x128x64xf32, #tpu.memory_space<hbm>>
        %dma_start3A_211 = tpu.memref_squeeze %dma_start3A_210 : memref<1x1x128x64xf32, #tpu.memory_space<hbm>> -> memref<128x64xf32, #tpu.memory_space<hbm>>
        tpu.enqueue_dma source(%arg17 : memref<128x64xf32, #tpu.memory_space<vmem>>) target(%dma_start3A_211 : memref<128x64xf32, #tpu.memory_space<hbm>>) target_semaphore(%run_scoped3A_204 : memref<!tpu.dma_semaphore, #tpu.memory_space<semaphore_mem>>)
        %dma_wait3A = arith.constant 512 : i32
        %dma_wait3A_212 = arith.constant 0 : i32
        %dma_wait3A_213 = tpu.memref_slice %arg9[%run_scoped3A_203, %arg1, %dma_wait3A, %dma_wait3A_212] : memref<2x16x640x64xf32, #tpu.memory_space<hbm>> -> memref<1x1x128x64xf32, #tpu.memory_space<hbm>>
        %dma_wait3A_214 = tpu.memref_squeeze %dma_wait3A_213 : memref<1x1x128x64xf32, #tpu.memory_space<hbm>> -> memref<128x64xf32, #tpu.memory_space<hbm>>
        %dma_wait3A_215 = arith.constant 512 : i32
        %dma_wait3A_216 = arith.constant 0 : i32
        %dma_wait3A_217 = tpu.memref_slice %arg9[%run_scoped3A_203, %arg1, %dma_wait3A_215, %dma_wait3A_216] : memref<2x16x640x64xf32, #tpu.memory_space<hbm>> -> memref<1x1x128x64xf32, #tpu.memory_space<hbm>>
        %dma_wait3A_218 = tpu.memref_squeeze %dma_wait3A_217 : memref<1x1x128x64xf32, #tpu.memory_space<hbm>> -> memref<128x64xf32, #tpu.memory_space<hbm>>
        tpu.wait_dma2 semaphore(%run_scoped3A_204 : memref<!tpu.dma_semaphore, #tpu.memory_space<semaphore_mem>>) src(%arg17 : memref<128x64xf32, #tpu.memory_space<vmem>>) dst(%dma_wait3A_218 : memref<128x64xf32, #tpu.memory_space<hbm>>)
        tpu.yield
      }) : () -> ()
    } else {
    }
    %eq3A_92 = arith.constant 1 : i32
    %eq3A_93 = arith.cmpi eq, %arg0, %eq3A_92 : i32
    %convert_element_type3A_94 = arith.extui %eq3A_93 : i1 to i32
    %cond3A_95 = arith.constant 0 : i32
    %cond3A_96 = arith.cmpi ne, %convert_element_type3A_94, %cond3A_95 : i32
    scf.if %cond3A_96 {
      %run_scoped3A_203 = arith.constant 0 : i32
      "tpu.region"() ({
        %run_scoped3A_204 = tpu.sem_alloc : memref<!tpu.dma_semaphore, #tpu.memory_space<semaphore_mem>>
        %dma_start3A = arith.constant 512 : i32
        %dma_start3A_205 = arith.constant 0 : i32
        %dma_start3A_206 = tpu.memref_slice %arg10[%run_scoped3A_203, %arg1, %dma_start3A, %dma_start3A_205] : memref<2x16x640x64xf32, #tpu.memory_space<hbm>> -> memref<1x1x128x64xf32, #tpu.memory_space<hbm>>
        %dma_start3A_207 = tpu.memref_squeeze %dma_start3A_206 : memref<1x1x128x64xf32, #tpu.memory_space<hbm>> -> memref<128x64xf32, #tpu.memory_space<hbm>>
        %dma_start3A_208 = arith.constant 512 : i32
        %dma_start3A_209 = arith.constant 0 : i32
        %dma_start3A_210 = tpu.memref_slice %arg10[%run_scoped3A_203, %arg1, %dma_start3A_208, %dma_start3A_209] : memref<2x16x640x64xf32, #tpu.memory_space<hbm>> -> memref<1x1x128x64xf32, #tpu.memory_space<hbm>>
        %dma_start3A_211 = tpu.memref_squeeze %dma_start3A_210 : memref<1x1x128x64xf32, #tpu.memory_space<hbm>> -> memref<128x64xf32, #tpu.memory_space<hbm>>
        tpu.enqueue_dma source(%arg17 : memref<128x64xf32, #tpu.memory_space<vmem>>) target(%dma_start3A_211 : memref<128x64xf32, #tpu.memory_space<hbm>>) target_semaphore(%run_scoped3A_204 : memref<!tpu.dma_semaphore, #tpu.memory_space<semaphore_mem>>)
        %dma_wait3A = arith.constant 512 : i32
        %dma_wait3A_212 = arith.constant 0 : i32
        %dma_wait3A_213 = tpu.memref_slice %arg10[%run_scoped3A_203, %arg1, %dma_wait3A, %dma_wait3A_212] : memref<2x16x640x64xf32, #tpu.memory_space<hbm>> -> memref<1x1x128x64xf32, #tpu.memory_space<hbm>>
        %dma_wait3A_214 = tpu.memref_squeeze %dma_wait3A_213 : memref<1x1x128x64xf32, #tpu.memory_space<hbm>> -> memref<128x64xf32, #tpu.memory_space<hbm>>
        %dma_wait3A_215 = arith.constant 512 : i32
        %dma_wait3A_216 = arith.constant 0 : i32
        %dma_wait3A_217 = tpu.memref_slice %arg10[%run_scoped3A_203, %arg1, %dma_wait3A_215, %dma_wait3A_216] : memref<2x16x640x64xf32, #tpu.memory_space<hbm>> -> memref<1x1x128x64xf32, #tpu.memory_space<hbm>>
        %dma_wait3A_218 = tpu.memref_squeeze %dma_wait3A_217 : memref<1x1x128x64xf32, #tpu.memory_space<hbm>> -> memref<128x64xf32, #tpu.memory_space<hbm>>
        tpu.wait_dma2 semaphore(%run_scoped3A_204 : memref<!tpu.dma_semaphore, #tpu.memory_space<semaphore_mem>>) src(%arg17 : memref<128x64xf32, #tpu.memory_space<vmem>>) dst(%dma_wait3A_218 : memref<128x64xf32, #tpu.memory_space<hbm>>)
        tpu.yield
      }) : () -> ()
    } else {
    }
    %barrier3A_97 = arith.constant 0 : index
    tpu.barrier barrier_id(%barrier3A_97)
    "tpu.region"() ({
      %run_scoped3A_203 = tpu.sem_alloc : memref<!tpu.dma_semaphore, #tpu.memory_space<semaphore_mem>>
      tpu.enqueue_dma source(%arg8 : memref<128x64xf32, #tpu.memory_space<hbm>>) target(%arg17 : memref<128x64xf32, #tpu.memory_space<vmem>>) target_semaphore(%run_scoped3A_203 : memref<!tpu.dma_semaphore, #tpu.memory_space<semaphore_mem>>)
      tpu.wait_dma2 semaphore(%run_scoped3A_203 : memref<!tpu.dma_semaphore, #tpu.memory_space<semaphore_mem>>) src(%arg8 : memref<128x64xf32, #tpu.memory_space<hbm>>) dst(%arg17 : memref<128x64xf32, #tpu.memory_space<vmem>>)
      tpu.yield
    }) : () -> ()
    %mul3A_98 = arith.constant 640 : i32
    %mul3A_99 = arith.muli %arg1, %mul3A_98 : i32
    %add3A_100 = arith.constant 0 : i32
    %add3A_101 = arith.addi %mul3A_99, %add3A_100 : i32
    "tpu.region"() ({
      %run_scoped3A_203 = tpu.sem_alloc : memref<!tpu.dma_semaphore, #tpu.memory_space<semaphore_mem>>
      %dma_start3A = arith.constant 0 : i32
      %dma_start3A_204 = tpu.memref_slice %arg18[%add3A_101, %dma_start3A] : memref<10240x64xf32, #tpu.memory_space<vmem_shared>> -> memref<128x64xf32, #tpu.memory_space<vmem_shared>>
      %dma_start3A_205 = arith.constant 0 : i32
      %dma_start3A_206 = tpu.memref_slice %arg18[%add3A_101, %dma_start3A_205] : memref<10240x64xf32, #tpu.memory_space<vmem_shared>> -> memref<128x64xf32, #tpu.memory_space<vmem_shared>>
      tpu.enqueue_dma source(%arg17 : memref<128x64xf32, #tpu.memory_space<vmem>>) target(%dma_start3A_206 : memref<128x64xf32, #tpu.memory_space<vmem_shared>>) target_semaphore(%run_scoped3A_203 : memref<!tpu.dma_semaphore, #tpu.memory_space<semaphore_mem>>)
      %dma_wait3A = arith.constant 0 : i32
      %dma_wait3A_207 = tpu.memref_slice %arg18[%add3A_101, %dma_wait3A] : memref<10240x64xf32, #tpu.memory_space<vmem_shared>> -> memref<128x64xf32, #tpu.memory_space<vmem_shared>>
      %dma_wait3A_208 = arith.constant 0 : i32
      %dma_wait3A_209 = tpu.memref_slice %arg18[%add3A_101, %dma_wait3A_208] : memref<10240x64xf32, #tpu.memory_space<vmem_shared>> -> memref<128x64xf32, #tpu.memory_space<vmem_shared>>
      tpu.wait_dma2 semaphore(%run_scoped3A_203 : memref<!tpu.dma_semaphore, #tpu.memory_space<semaphore_mem>>) src(%arg17 : memref<128x64xf32, #tpu.memory_space<vmem>>) dst(%dma_wait3A_209 : memref<128x64xf32, #tpu.memory_space<vmem_shared>>)
      tpu.yield
    }) : () -> ()
    %mul3A_102 = arith.constant 640 : i32
    %mul3A_103 = arith.muli %arg1, %mul3A_102 : i32
    %add3A_104 = arith.constant 128 : i32
    %add3A_105 = arith.addi %mul3A_103, %add3A_104 : i32
    "tpu.region"() ({
      %run_scoped3A_203 = tpu.sem_alloc : memref<!tpu.dma_semaphore, #tpu.memory_space<semaphore_mem>>
      %dma_start3A = arith.constant 0 : i32
      %dma_start3A_204 = tpu.memref_slice %arg18[%add3A_105, %dma_start3A] : memref<10240x64xf32, #tpu.memory_space<vmem_shared>> -> memref<128x64xf32, #tpu.memory_space<vmem_shared>>
      %dma_start3A_205 = arith.constant 0 : i32
      %dma_start3A_206 = tpu.memref_slice %arg18[%add3A_105, %dma_start3A_205] : memref<10240x64xf32, #tpu.memory_space<vmem_shared>> -> memref<128x64xf32, #tpu.memory_space<vmem_shared>>
      tpu.enqueue_dma source(%arg17 : memref<128x64xf32, #tpu.memory_space<vmem>>) target(%dma_start3A_206 : memref<128x64xf32, #tpu.memory_space<vmem_shared>>) target_semaphore(%run_scoped3A_203 : memref<!tpu.dma_semaphore, #tpu.memory_space<semaphore_mem>>)
      %dma_wait3A = arith.constant 0 : i32
      %dma_wait3A_207 = tpu.memref_slice %arg18[%add3A_105, %dma_wait3A] : memref<10240x64xf32, #tpu.memory_space<vmem_shared>> -> memref<128x64xf32, #tpu.memory_space<vmem_shared>>
      %dma_wait3A_208 = arith.constant 0 : i32
      %dma_wait3A_209 = tpu.memref_slice %arg18[%add3A_105, %dma_wait3A_208] : memref<10240x64xf32, #tpu.memory_space<vmem_shared>> -> memref<128x64xf32, #tpu.memory_space<vmem_shared>>
      tpu.wait_dma2 semaphore(%run_scoped3A_203 : memref<!tpu.dma_semaphore, #tpu.memory_space<semaphore_mem>>) src(%arg17 : memref<128x64xf32, #tpu.memory_space<vmem>>) dst(%dma_wait3A_209 : memref<128x64xf32, #tpu.memory_space<vmem_shared>>)
      tpu.yield
    }) : () -> ()
    %mul3A_106 = arith.constant 640 : i32
    %mul3A_107 = arith.muli %arg1, %mul3A_106 : i32
    %add3A_108 = arith.constant 256 : i32
    %add3A_109 = arith.addi %mul3A_107, %add3A_108 : i32
    "tpu.region"() ({
      %run_scoped3A_203 = tpu.sem_alloc : memref<!tpu.dma_semaphore, #tpu.memory_space<semaphore_mem>>
      %dma_start3A = arith.constant 0 : i32
      %dma_start3A_204 = tpu.memref_slice %arg18[%add3A_109, %dma_start3A] : memref<10240x64xf32, #tpu.memory_space<vmem_shared>> -> memref<128x64xf32, #tpu.memory_space<vmem_shared>>
      %dma_start3A_205 = arith.constant 0 : i32
      %dma_start3A_206 = tpu.memref_slice %arg18[%add3A_109, %dma_start3A_205] : memref<10240x64xf32, #tpu.memory_space<vmem_shared>> -> memref<128x64xf32, #tpu.memory_space<vmem_shared>>
      tpu.enqueue_dma source(%arg17 : memref<128x64xf32, #tpu.memory_space<vmem>>) target(%dma_start3A_206 : memref<128x64xf32, #tpu.memory_space<vmem_shared>>) target_semaphore(%run_scoped3A_203 : memref<!tpu.dma_semaphore, #tpu.memory_space<semaphore_mem>>)
      %dma_wait3A = arith.constant 0 : i32
      %dma_wait3A_207 = tpu.memref_slice %arg18[%add3A_109, %dma_wait3A] : memref<10240x64xf32, #tpu.memory_space<vmem_shared>> -> memref<128x64xf32, #tpu.memory_space<vmem_shared>>
      %dma_wait3A_208 = arith.constant 0 : i32
      %dma_wait3A_209 = tpu.memref_slice %arg18[%add3A_109, %dma_wait3A_208] : memref<10240x64xf32, #tpu.memory_space<vmem_shared>> -> memref<128x64xf32, #tpu.memory_space<vmem_shared>>
      tpu.wait_dma2 semaphore(%run_scoped3A_203 : memref<!tpu.dma_semaphore, #tpu.memory_space<semaphore_mem>>) src(%arg17 : memref<128x64xf32, #tpu.memory_space<vmem>>) dst(%dma_wait3A_209 : memref<128x64xf32, #tpu.memory_space<vmem_shared>>)
      tpu.yield
    }) : () -> ()
    %mul3A_110 = arith.constant 640 : i32
    %mul3A_111 = arith.muli %arg1, %mul3A_110 : i32
    %add3A_112 = arith.constant 384 : i32
    %add3A_113 = arith.addi %mul3A_111, %add3A_112 : i32
    "tpu.region"() ({
      %run_scoped3A_203 = tpu.sem_alloc : memref<!tpu.dma_semaphore, #tpu.memory_space<semaphore_mem>>
      %dma_start3A = arith.constant 0 : i32
      %dma_start3A_204 = tpu.memref_slice %arg18[%add3A_113, %dma_start3A] : memref<10240x64xf32, #tpu.memory_space<vmem_shared>> -> memref<128x64xf32, #tpu.memory_space<vmem_shared>>
      %dma_start3A_205 = arith.constant 0 : i32
      %dma_start3A_206 = tpu.memref_slice %arg18[%add3A_113, %dma_start3A_205] : memref<10240x64xf32, #tpu.memory_space<vmem_shared>> -> memref<128x64xf32, #tpu.memory_space<vmem_shared>>
      tpu.enqueue_dma source(%arg17 : memref<128x64xf32, #tpu.memory_space<vmem>>) target(%dma_start3A_206 : memref<128x64xf32, #tpu.memory_space<vmem_shared>>) target_semaphore(%run_scoped3A_203 : memref<!tpu.dma_semaphore, #tpu.memory_space<semaphore_mem>>)
      %dma_wait3A = arith.constant 0 : i32
      %dma_wait3A_207 = tpu.memref_slice %arg18[%add3A_113, %dma_wait3A] : memref<10240x64xf32, #tpu.memory_space<vmem_shared>> -> memref<128x64xf32, #tpu.memory_space<vmem_shared>>
      %dma_wait3A_208 = arith.constant 0 : i32
      %dma_wait3A_209 = tpu.memref_slice %arg18[%add3A_113, %dma_wait3A_208] : memref<10240x64xf32, #tpu.memory_space<vmem_shared>> -> memref<128x64xf32, #tpu.memory_space<vmem_shared>>
      tpu.wait_dma2 semaphore(%run_scoped3A_203 : memref<!tpu.dma_semaphore, #tpu.memory_space<semaphore_mem>>) src(%arg17 : memref<128x64xf32, #tpu.memory_space<vmem>>) dst(%dma_wait3A_209 : memref<128x64xf32, #tpu.memory_space<vmem_shared>>)
      tpu.yield
    }) : () -> ()
    %mul3A_114 = arith.constant 640 : i32
    %mul3A_115 = arith.muli %arg1, %mul3A_114 : i32
    %add3A_116 = arith.constant 512 : i32
    %add3A_117 = arith.addi %mul3A_115, %add3A_116 : i32
    "tpu.region"() ({
      %run_scoped3A_203 = tpu.sem_alloc : memref<!tpu.dma_semaphore, #tpu.memory_space<semaphore_mem>>
      %dma_start3A = arith.constant 0 : i32
      %dma_start3A_204 = tpu.memref_slice %arg18[%add3A_117, %dma_start3A] : memref<10240x64xf32, #tpu.memory_space<vmem_shared>> -> memref<128x64xf32, #tpu.memory_space<vmem_shared>>
      %dma_start3A_205 = arith.constant 0 : i32
      %dma_start3A_206 = tpu.memref_slice %arg18[%add3A_117, %dma_start3A_205] : memref<10240x64xf32, #tpu.memory_space<vmem_shared>> -> memref<128x64xf32, #tpu.memory_space<vmem_shared>>
      tpu.enqueue_dma source(%arg17 : memref<128x64xf32, #tpu.memory_space<vmem>>) target(%dma_start3A_206 : memref<128x64xf32, #tpu.memory_space<vmem_shared>>) target_semaphore(%run_scoped3A_203 : memref<!tpu.dma_semaphore, #tpu.memory_space<semaphore_mem>>)
      %dma_wait3A = arith.constant 0 : i32
      %dma_wait3A_207 = tpu.memref_slice %arg18[%add3A_117, %dma_wait3A] : memref<10240x64xf32, #tpu.memory_space<vmem_shared>> -> memref<128x64xf32, #tpu.memory_space<vmem_shared>>
      %dma_wait3A_208 = arith.constant 0 : i32
      %dma_wait3A_209 = tpu.memref_slice %arg18[%add3A_117, %dma_wait3A_208] : memref<10240x64xf32, #tpu.memory_space<vmem_shared>> -> memref<128x64xf32, #tpu.memory_space<vmem_shared>>
      tpu.wait_dma2 semaphore(%run_scoped3A_203 : memref<!tpu.dma_semaphore, #tpu.memory_space<semaphore_mem>>) src(%arg17 : memref<128x64xf32, #tpu.memory_space<vmem>>) dst(%dma_wait3A_209 : memref<128x64xf32, #tpu.memory_space<vmem_shared>>)
      tpu.yield
    }) : () -> ()
    %run_scoped3A_118 = arith.constant 1 : i32
    "tpu.region"() ({
      %run_scoped3A_203 = tpu.sem_alloc : memref<!tpu.dma_semaphore, #tpu.memory_space<semaphore_mem>>
      %dma_start3A = arith.constant 0 : i32
      %dma_start3A_204 = arith.constant 0 : i32
      %dma_start3A_205 = tpu.memref_slice %arg2[%run_scoped3A_118, %arg1, %dma_start3A, %dma_start3A_204] : memref<2x16x160x125xi32, #tpu.memory_space<hbm>> -> memref<1x1x160x125xi32, #tpu.memory_space<hbm>>
      %dma_start3A_206 = tpu.memref_squeeze %dma_start3A_205 : memref<1x1x160x125xi32, #tpu.memory_space<hbm>> -> memref<160x125xi32, #tpu.memory_space<hbm>>
      %dma_start3A_207 = arith.constant 0 : i32
      %dma_start3A_208 = arith.constant 0 : i32
      %dma_start3A_209 = tpu.memref_slice %arg2[%run_scoped3A_118, %arg1, %dma_start3A_207, %dma_start3A_208] : memref<2x16x160x125xi32, #tpu.memory_space<hbm>> -> memref<1x1x160x125xi32, #tpu.memory_space<hbm>>
      %dma_start3A_210 = tpu.memref_squeeze %dma_start3A_209 : memref<1x1x160x125xi32, #tpu.memory_space<hbm>> -> memref<160x125xi32, #tpu.memory_space<hbm>>
      tpu.enqueue_dma source(%dma_start3A_210 : memref<160x125xi32, #tpu.memory_space<hbm>>) target(%arg11 : memref<160x125xi32, #tpu.memory_space<vmem>>) target_semaphore(%run_scoped3A_203 : memref<!tpu.dma_semaphore, #tpu.memory_space<semaphore_mem>>)
      %dma_wait3A = arith.constant 0 : i32
      %dma_wait3A_211 = arith.constant 0 : i32
      %dma_wait3A_212 = tpu.memref_slice %arg2[%run_scoped3A_118, %arg1, %dma_wait3A, %dma_wait3A_211] : memref<2x16x160x125xi32, #tpu.memory_space<hbm>> -> memref<1x1x160x125xi32, #tpu.memory_space<hbm>>
      %dma_wait3A_213 = tpu.memref_squeeze %dma_wait3A_212 : memref<1x1x160x125xi32, #tpu.memory_space<hbm>> -> memref<160x125xi32, #tpu.memory_space<hbm>>
      %dma_wait3A_214 = arith.constant 0 : i32
      %dma_wait3A_215 = arith.constant 0 : i32
      %dma_wait3A_216 = tpu.memref_slice %arg2[%run_scoped3A_118, %arg1, %dma_wait3A_214, %dma_wait3A_215] : memref<2x16x160x125xi32, #tpu.memory_space<hbm>> -> memref<1x1x160x125xi32, #tpu.memory_space<hbm>>
      %dma_wait3A_217 = tpu.memref_squeeze %dma_wait3A_216 : memref<1x1x160x125xi32, #tpu.memory_space<hbm>> -> memref<160x125xi32, #tpu.memory_space<hbm>>
      tpu.wait_dma2 semaphore(%run_scoped3A_203 : memref<!tpu.dma_semaphore, #tpu.memory_space<semaphore_mem>>) src(%dma_wait3A_217 : memref<160x125xi32, #tpu.memory_space<hbm>>) dst(%arg11 : memref<160x125xi32, #tpu.memory_space<vmem>>)
      tpu.yield
    }) : () -> ()
    %run_scoped3A_119 = arith.constant 1 : i32
    "tpu.region"() ({
      %run_scoped3A_203 = tpu.sem_alloc : memref<!tpu.dma_semaphore, #tpu.memory_space<semaphore_mem>>
      %dma_start3A = arith.constant 0 : i32
      %dma_start3A_204 = arith.constant 0 : i32
      %dma_start3A_205 = tpu.memref_slice %arg3[%run_scoped3A_119, %arg1, %dma_start3A, %dma_start3A_204] : memref<2x16x160x125xi32, #tpu.memory_space<hbm>> -> memref<1x1x160x125xi32, #tpu.memory_space<hbm>>
      %dma_start3A_206 = tpu.memref_squeeze %dma_start3A_205 : memref<1x1x160x125xi32, #tpu.memory_space<hbm>> -> memref<160x125xi32, #tpu.memory_space<hbm>>
      %dma_start3A_207 = arith.constant 0 : i32
      %dma_start3A_208 = arith.constant 0 : i32
      %dma_start3A_209 = tpu.memref_slice %arg3[%run_scoped3A_119, %arg1, %dma_start3A_207, %dma_start3A_208] : memref<2x16x160x125xi32, #tpu.memory_space<hbm>> -> memref<1x1x160x125xi32, #tpu.memory_space<hbm>>
      %dma_start3A_210 = tpu.memref_squeeze %dma_start3A_209 : memref<1x1x160x125xi32, #tpu.memory_space<hbm>> -> memref<160x125xi32, #tpu.memory_space<hbm>>
      tpu.enqueue_dma source(%dma_start3A_210 : memref<160x125xi32, #tpu.memory_space<hbm>>) target(%arg12 : memref<160x125xi32, #tpu.memory_space<vmem>>) target_semaphore(%run_scoped3A_203 : memref<!tpu.dma_semaphore, #tpu.memory_space<semaphore_mem>>)
      %dma_wait3A = arith.constant 0 : i32
      %dma_wait3A_211 = arith.constant 0 : i32
      %dma_wait3A_212 = tpu.memref_slice %arg3[%run_scoped3A_119, %arg1, %dma_wait3A, %dma_wait3A_211] : memref<2x16x160x125xi32, #tpu.memory_space<hbm>> -> memref<1x1x160x125xi32, #tpu.memory_space<hbm>>
      %dma_wait3A_213 = tpu.memref_squeeze %dma_wait3A_212 : memref<1x1x160x125xi32, #tpu.memory_space<hbm>> -> memref<160x125xi32, #tpu.memory_space<hbm>>
      %dma_wait3A_214 = arith.constant 0 : i32
      %dma_wait3A_215 = arith.constant 0 : i32
      %dma_wait3A_216 = tpu.memref_slice %arg3[%run_scoped3A_119, %arg1, %dma_wait3A_214, %dma_wait3A_215] : memref<2x16x160x125xi32, #tpu.memory_space<hbm>> -> memref<1x1x160x125xi32, #tpu.memory_space<hbm>>
      %dma_wait3A_217 = tpu.memref_squeeze %dma_wait3A_216 : memref<1x1x160x125xi32, #tpu.memory_space<hbm>> -> memref<160x125xi32, #tpu.memory_space<hbm>>
      tpu.wait_dma2 semaphore(%run_scoped3A_203 : memref<!tpu.dma_semaphore, #tpu.memory_space<semaphore_mem>>) src(%dma_wait3A_217 : memref<160x125xi32, #tpu.memory_space<hbm>>) dst(%arg12 : memref<160x125xi32, #tpu.memory_space<vmem>>)
      tpu.yield
    }) : () -> ()
    %barrier3A_120 = arith.constant 0 : index
    tpu.barrier barrier_id(%barrier3A_120)
    %eq3A_121 = arith.constant 0 : i32
    %eq3A_122 = arith.cmpi eq, %arg0, %eq3A_121 : i32
    %convert_element_type3A_123 = arith.extui %eq3A_122 : i1 to i32
    %cond3A_124 = arith.constant 0 : i32
    %cond3A_125 = arith.cmpi ne, %convert_element_type3A_123, %cond3A_124 : i32
    scf.if %cond3A_125 {
      %dma_start3A = arith.constant 0 : i32
      %dma_start3A_203 = arith.constant 0 : i32
      %dma_start3A_204 = tpu.memref_slice %arg11[%dma_start3A, %dma_start3A_203] : memref<160x125xi32, #tpu.memory_space<vmem>> -> memref<1x125xi32, #tpu.memory_space<vmem>>
      %dma_start3A_205 = tpu.memref_squeeze %dma_start3A_204 : memref<1x125xi32, #tpu.memory_space<vmem>> -> memref<125xi32, #tpu.memory_space<vmem>>
      %dma_start3A_206 = arith.constant 0 : i32
      %dma_start3A_207 = arith.constant 0 : i32
      %dma_start3A_208 = tpu.memref_slice %arg6[%dma_start3A_206, %dma_start3A_207] : memref<10000x64xf32, #tpu.memory_space<hbm>> -> memref<10000x64xf32, #tpu.memory_space<hbm>>
      tpu.enqueue_indirect_dma source(%dma_start3A_208 : memref<10000x64xf32, #tpu.memory_space<hbm>>) target(%arg13 : memref<125x64xf32, #tpu.memory_space<vmem>>) offsets(%dma_start3A_205 : memref<125xi32, #tpu.memory_space<vmem>>) semaphore(%arg19 : memref<!tpu.dma_semaphore, #tpu.memory_space<semaphore_mem>>)
      %dma_start3A_209 = arith.constant 1 : i32
      %dma_start3A_210 = arith.constant 0 : i32
      %dma_start3A_211 = tpu.memref_slice %arg11[%dma_start3A_209, %dma_start3A_210] : memref<160x125xi32, #tpu.memory_space<vmem>> -> memref<1x125xi32, #tpu.memory_space<vmem>>
      %dma_start3A_212 = tpu.memref_squeeze %dma_start3A_211 : memref<1x125xi32, #tpu.memory_space<vmem>> -> memref<125xi32, #tpu.memory_space<vmem>>
      %dma_start3A_213 = arith.constant 0 : i32
      %dma_start3A_214 = arith.constant 0 : i32
      %dma_start3A_215 = tpu.memref_slice %arg6[%dma_start3A_213, %dma_start3A_214] : memref<10000x64xf32, #tpu.memory_space<hbm>> -> memref<10000x64xf32, #tpu.memory_space<hbm>>
      tpu.enqueue_indirect_dma source(%dma_start3A_215 : memref<10000x64xf32, #tpu.memory_space<hbm>>) target(%arg14 : memref<125x64xf32, #tpu.memory_space<vmem>>) offsets(%dma_start3A_212 : memref<125xi32, #tpu.memory_space<vmem>>) semaphore(%arg20 : memref<!tpu.dma_semaphore, #tpu.memory_space<semaphore_mem>>)
      %dma_start3A_216 = arith.constant 2 : i32
      %dma_start3A_217 = arith.constant 0 : i32
      %dma_start3A_218 = tpu.memref_slice %arg11[%dma_start3A_216, %dma_start3A_217] : memref<160x125xi32, #tpu.memory_space<vmem>> -> memref<1x125xi32, #tpu.memory_space<vmem>>
      %dma_start3A_219 = tpu.memref_squeeze %dma_start3A_218 : memref<1x125xi32, #tpu.memory_space<vmem>> -> memref<125xi32, #tpu.memory_space<vmem>>
      %dma_start3A_220 = arith.constant 0 : i32
      %dma_start3A_221 = arith.constant 0 : i32
      %dma_start3A_222 = tpu.memref_slice %arg6[%dma_start3A_220, %dma_start3A_221] : memref<10000x64xf32, #tpu.memory_space<hbm>> -> memref<10000x64xf32, #tpu.memory_space<hbm>>
      tpu.enqueue_indirect_dma source(%dma_start3A_222 : memref<10000x64xf32, #tpu.memory_space<hbm>>) target(%arg15 : memref<125x64xf32, #tpu.memory_space<vmem>>) offsets(%dma_start3A_219 : memref<125xi32, #tpu.memory_space<vmem>>) semaphore(%arg21 : memref<!tpu.dma_semaphore, #tpu.memory_space<semaphore_mem>>)
      %dma_start3A_223 = arith.constant 3 : i32
      %dma_start3A_224 = arith.constant 0 : i32
      %dma_start3A_225 = tpu.memref_slice %arg11[%dma_start3A_223, %dma_start3A_224] : memref<160x125xi32, #tpu.memory_space<vmem>> -> memref<1x125xi32, #tpu.memory_space<vmem>>
      %dma_start3A_226 = tpu.memref_squeeze %dma_start3A_225 : memref<1x125xi32, #tpu.memory_space<vmem>> -> memref<125xi32, #tpu.memory_space<vmem>>
      %dma_start3A_227 = arith.constant 0 : i32
      %dma_start3A_228 = arith.constant 0 : i32
      %dma_start3A_229 = tpu.memref_slice %arg6[%dma_start3A_227, %dma_start3A_228] : memref<10000x64xf32, #tpu.memory_space<hbm>> -> memref<10000x64xf32, #tpu.memory_space<hbm>>
      tpu.enqueue_indirect_dma source(%dma_start3A_229 : memref<10000x64xf32, #tpu.memory_space<hbm>>) target(%arg16 : memref<125x64xf32, #tpu.memory_space<vmem>>) offsets(%dma_start3A_226 : memref<125xi32, #tpu.memory_space<vmem>>) semaphore(%arg22 : memref<!tpu.dma_semaphore, #tpu.memory_space<semaphore_mem>>)
      %scan3A = arith.constant 0 : i32
      %scan3A_230 = arith.constant 40 : i32
      %scan3A_231 = arith.addi %scan3A, %scan3A_230 : i32
      %scan3A_232 = arith.constant 1 : i32
      scf.for %scan3A_234 = %scan3A to %scan3A_231 step %scan3A_232  : i32 {
        %mul3A_235 = arith.constant 4 : i32
        %mul3A_236 = arith.muli %scan3A_234, %mul3A_235 : i32
        %add3A_237 = arith.constant 0 : i32
        %add3A_238 = arith.addi %add3A_237, %mul3A_236 : i32
        %dma_wait3A = arith.constant 0 : i32
        %dma_wait3A_239 = arith.constant 0 : i32
        %dma_wait3A_240 = tpu.memref_slice %arg6[%dma_wait3A, %dma_wait3A_239] : memref<10000x64xf32, #tpu.memory_space<hbm>> -> memref<125x64xf32, #tpu.memory_space<hbm>>
        %dma_wait3A_241 = arith.constant 0 : i32
        %dma_wait3A_242 = arith.constant 0 : i32
        %dma_wait3A_243 = tpu.memref_slice %arg6[%dma_wait3A_241, %dma_wait3A_242] : memref<10000x64xf32, #tpu.memory_space<hbm>> -> memref<125x64xf32, #tpu.memory_space<hbm>>
        tpu.wait_dma2 semaphore(%arg19 : memref<!tpu.dma_semaphore, #tpu.memory_space<semaphore_mem>>) src(%dma_wait3A_243 : memref<125x64xf32, #tpu.memory_space<hbm>>) dst(%arg13 : memref<125x64xf32, #tpu.memory_space<vmem>>)
        %add3A_244 = arith.constant 0 : i32
        %add3A_245 = arith.addi %add3A_238, %add3A_244 : i32
        "tpu.region"() ({
          %run_scoped3A_305 = tpu.sem_alloc : memref<!tpu.dma_semaphore, #tpu.memory_space<semaphore_mem>>
          %dma_start3A_306 = arith.constant 0 : i32
          %dma_start3A_307 = tpu.memref_slice %arg12[%add3A_245, %dma_start3A_306] : memref<160x125xi32, #tpu.memory_space<vmem>> -> memref<1x125xi32, #tpu.memory_space<vmem>>
          %dma_start3A_308 = tpu.memref_squeeze %dma_start3A_307 : memref<1x125xi32, #tpu.memory_space<vmem>> -> memref<125xi32, #tpu.memory_space<vmem>>
          %dma_start3A_309 = arith.constant 0 : i32
          %dma_start3A_310 = arith.constant 0 : i32
          %dma_start3A_311 = tpu.memref_slice %arg18[%dma_start3A_309, %dma_start3A_310] : memref<10240x64xf32, #tpu.memory_space<vmem_shared>> -> memref<10240x64xf32, #tpu.memory_space<vmem_shared>>
          tpu.enqueue_indirect_dma source(%arg13 : memref<125x64xf32, #tpu.memory_space<vmem>>) target(%dma_start3A_311 : memref<10240x64xf32, #tpu.memory_space<vmem_shared>>) offsets(%dma_start3A_308 : memref<125xi32, #tpu.memory_space<vmem>>) semaphore(%run_scoped3A_305 : memref<!tpu.dma_semaphore, #tpu.memory_space<semaphore_mem>>) {add = true}
          %dma_wait3A_312 = arith.constant 0 : i32
          %dma_wait3A_313 = tpu.memref_slice %arg12[%add3A_245, %dma_wait3A_312] : memref<160x125xi32, #tpu.memory_space<vmem>> -> memref<1x125xi32, #tpu.memory_space<vmem>>
          %dma_wait3A_314 = tpu.memref_squeeze %dma_wait3A_313 : memref<1x125xi32, #tpu.memory_space<vmem>> -> memref<125xi32, #tpu.memory_space<vmem>>
          %dma_wait3A_315 = arith.constant 0 : i32
          %dma_wait3A_316 = arith.constant 0 : i32
          %dma_wait3A_317 = tpu.memref_slice %arg18[%dma_wait3A_315, %dma_wait3A_316] : memref<10240x64xf32, #tpu.memory_space<vmem_shared>> -> memref<10240x64xf32, #tpu.memory_space<vmem_shared>>
          tpu.wait_indirect_dma semaphore(%run_scoped3A_305 : memref<!tpu.dma_semaphore, #tpu.memory_space<semaphore_mem>>) src(%arg13 : memref<125x64xf32, #tpu.memory_space<vmem>>) dst(%dma_wait3A_317 : memref<10240x64xf32, #tpu.memory_space<vmem_shared>>)
          tpu.yield
        }) : () -> ()
        %add3A_246 = arith.constant 4 : i32
        %add3A_247 = arith.addi %add3A_238, %add3A_246 : i32
        %add3A_248 = arith.constant 0 : i32
        %add3A_249 = arith.addi %add3A_247, %add3A_248 : i32
        %lt3A = arith.constant 160 : i32
        %lt3A_250 = arith.cmpi slt, %add3A_249, %lt3A : i32
        %convert_element_type3A_251 = arith.extui %lt3A_250 : i1 to i32
        %cond3A_252 = arith.constant 0 : i32
        %cond3A_253 = arith.cmpi ne, %convert_element_type3A_251, %cond3A_252 : i32
        scf.if %cond3A_253 {
          %add3A_305 = arith.constant 4 : i32
          %add3A_306 = arith.addi %add3A_238, %add3A_305 : i32
          %add3A_307 = arith.constant 0 : i32
          %add3A_308 = arith.addi %add3A_306, %add3A_307 : i32
          %dma_start3A_309 = arith.constant 0 : i32
          %dma_start3A_310 = tpu.memref_slice %arg11[%add3A_308, %dma_start3A_309] : memref<160x125xi32, #tpu.memory_space<vmem>> -> memref<1x125xi32, #tpu.memory_space<vmem>>
          %dma_start3A_311 = tpu.memref_squeeze %dma_start3A_310 : memref<1x125xi32, #tpu.memory_space<vmem>> -> memref<125xi32, #tpu.memory_space<vmem>>
          %dma_start3A_312 = arith.constant 0 : i32
          %dma_start3A_313 = arith.constant 0 : i32
          %dma_start3A_314 = tpu.memref_slice %arg6[%dma_start3A_312, %dma_start3A_313] : memref<10000x64xf32, #tpu.memory_space<hbm>> -> memref<10000x64xf32, #tpu.memory_space<hbm>>
          tpu.enqueue_indirect_dma source(%dma_start3A_314 : memref<10000x64xf32, #tpu.memory_space<hbm>>) target(%arg13 : memref<125x64xf32, #tpu.memory_space<vmem>>) offsets(%dma_start3A_311 : memref<125xi32, #tpu.memory_space<vmem>>) semaphore(%arg19 : memref<!tpu.dma_semaphore, #tpu.memory_space<semaphore_mem>>)
        } else {
        }
        %dma_wait3A_254 = arith.constant 0 : i32
        %dma_wait3A_255 = arith.constant 0 : i32
        %dma_wait3A_256 = tpu.memref_slice %arg6[%dma_wait3A_254, %dma_wait3A_255] : memref<10000x64xf32, #tpu.memory_space<hbm>> -> memref<125x64xf32, #tpu.memory_space<hbm>>
        %dma_wait3A_257 = arith.constant 0 : i32
        %dma_wait3A_258 = arith.constant 0 : i32
        %dma_wait3A_259 = tpu.memref_slice %arg6[%dma_wait3A_257, %dma_wait3A_258] : memref<10000x64xf32, #tpu.memory_space<hbm>> -> memref<125x64xf32, #tpu.memory_space<hbm>>
        tpu.wait_dma2 semaphore(%arg20 : memref<!tpu.dma_semaphore, #tpu.memory_space<semaphore_mem>>) src(%dma_wait3A_259 : memref<125x64xf32, #tpu.memory_space<hbm>>) dst(%arg14 : memref<125x64xf32, #tpu.memory_space<vmem>>)
        %add3A_260 = arith.constant 1 : i32
        %add3A_261 = arith.addi %add3A_238, %add3A_260 : i32
        "tpu.region"() ({
          %run_scoped3A_305 = tpu.sem_alloc : memref<!tpu.dma_semaphore, #tpu.memory_space<semaphore_mem>>
          %dma_start3A_306 = arith.constant 0 : i32
          %dma_start3A_307 = tpu.memref_slice %arg12[%add3A_261, %dma_start3A_306] : memref<160x125xi32, #tpu.memory_space<vmem>> -> memref<1x125xi32, #tpu.memory_space<vmem>>
          %dma_start3A_308 = tpu.memref_squeeze %dma_start3A_307 : memref<1x125xi32, #tpu.memory_space<vmem>> -> memref<125xi32, #tpu.memory_space<vmem>>
          %dma_start3A_309 = arith.constant 0 : i32
          %dma_start3A_310 = arith.constant 0 : i32
          %dma_start3A_311 = tpu.memref_slice %arg18[%dma_start3A_309, %dma_start3A_310] : memref<10240x64xf32, #tpu.memory_space<vmem_shared>> -> memref<10240x64xf32, #tpu.memory_space<vmem_shared>>
          tpu.enqueue_indirect_dma source(%arg14 : memref<125x64xf32, #tpu.memory_space<vmem>>) target(%dma_start3A_311 : memref<10240x64xf32, #tpu.memory_space<vmem_shared>>) offsets(%dma_start3A_308 : memref<125xi32, #tpu.memory_space<vmem>>) semaphore(%run_scoped3A_305 : memref<!tpu.dma_semaphore, #tpu.memory_space<semaphore_mem>>) {add = true}
          %dma_wait3A_312 = arith.constant 0 : i32
          %dma_wait3A_313 = tpu.memref_slice %arg12[%add3A_261, %dma_wait3A_312] : memref<160x125xi32, #tpu.memory_space<vmem>> -> memref<1x125xi32, #tpu.memory_space<vmem>>
          %dma_wait3A_314 = tpu.memref_squeeze %dma_wait3A_313 : memref<1x125xi32, #tpu.memory_space<vmem>> -> memref<125xi32, #tpu.memory_space<vmem>>
          %dma_wait3A_315 = arith.constant 0 : i32
          %dma_wait3A_316 = arith.constant 0 : i32
          %dma_wait3A_317 = tpu.memref_slice %arg18[%dma_wait3A_315, %dma_wait3A_316] : memref<10240x64xf32, #tpu.memory_space<vmem_shared>> -> memref<10240x64xf32, #tpu.memory_space<vmem_shared>>
          tpu.wait_indirect_dma semaphore(%run_scoped3A_305 : memref<!tpu.dma_semaphore, #tpu.memory_space<semaphore_mem>>) src(%arg14 : memref<125x64xf32, #tpu.memory_space<vmem>>) dst(%dma_wait3A_317 : memref<10240x64xf32, #tpu.memory_space<vmem_shared>>)
          tpu.yield
        }) : () -> ()
        %add3A_262 = arith.constant 4 : i32
        %add3A_263 = arith.addi %add3A_238, %add3A_262 : i32
        %add3A_264 = arith.constant 1 : i32
        %add3A_265 = arith.addi %add3A_263, %add3A_264 : i32
        %lt3A_266 = arith.constant 160 : i32
        %lt3A_267 = arith.cmpi slt, %add3A_265, %lt3A_266 : i32
        %convert_element_type3A_268 = arith.extui %lt3A_267 : i1 to i32
        %cond3A_269 = arith.constant 0 : i32
        %cond3A_270 = arith.cmpi ne, %convert_element_type3A_268, %cond3A_269 : i32
        scf.if %cond3A_270 {
          %add3A_305 = arith.constant 4 : i32
          %add3A_306 = arith.addi %add3A_238, %add3A_305 : i32
          %add3A_307 = arith.constant 1 : i32
          %add3A_308 = arith.addi %add3A_306, %add3A_307 : i32
          %dma_start3A_309 = arith.constant 0 : i32
          %dma_start3A_310 = tpu.memref_slice %arg11[%add3A_308, %dma_start3A_309] : memref<160x125xi32, #tpu.memory_space<vmem>> -> memref<1x125xi32, #tpu.memory_space<vmem>>
          %dma_start3A_311 = tpu.memref_squeeze %dma_start3A_310 : memref<1x125xi32, #tpu.memory_space<vmem>> -> memref<125xi32, #tpu.memory_space<vmem>>
          %dma_start3A_312 = arith.constant 0 : i32
          %dma_start3A_313 = arith.constant 0 : i32
          %dma_start3A_314 = tpu.memref_slice %arg6[%dma_start3A_312, %dma_start3A_313] : memref<10000x64xf32, #tpu.memory_space<hbm>> -> memref<10000x64xf32, #tpu.memory_space<hbm>>
          tpu.enqueue_indirect_dma source(%dma_start3A_314 : memref<10000x64xf32, #tpu.memory_space<hbm>>) target(%arg14 : memref<125x64xf32, #tpu.memory_space<vmem>>) offsets(%dma_start3A_311 : memref<125xi32, #tpu.memory_space<vmem>>) semaphore(%arg20 : memref<!tpu.dma_semaphore, #tpu.memory_space<semaphore_mem>>)
        } else {
        }
        %dma_wait3A_271 = arith.constant 0 : i32
        %dma_wait3A_272 = arith.constant 0 : i32
        %dma_wait3A_273 = tpu.memref_slice %arg6[%dma_wait3A_271, %dma_wait3A_272] : memref<10000x64xf32, #tpu.memory_space<hbm>> -> memref<125x64xf32, #tpu.memory_space<hbm>>
        %dma_wait3A_274 = arith.constant 0 : i32
        %dma_wait3A_275 = arith.constant 0 : i32
        %dma_wait3A_276 = tpu.memref_slice %arg6[%dma_wait3A_274, %dma_wait3A_275] : memref<10000x64xf32, #tpu.memory_space<hbm>> -> memref<125x64xf32, #tpu.memory_space<hbm>>
        tpu.wait_dma2 semaphore(%arg21 : memref<!tpu.dma_semaphore, #tpu.memory_space<semaphore_mem>>) src(%dma_wait3A_276 : memref<125x64xf32, #tpu.memory_space<hbm>>) dst(%arg15 : memref<125x64xf32, #tpu.memory_space<vmem>>)
        %add3A_277 = arith.constant 2 : i32
        %add3A_278 = arith.addi %add3A_238, %add3A_277 : i32
        "tpu.region"() ({
          %run_scoped3A_305 = tpu.sem_alloc : memref<!tpu.dma_semaphore, #tpu.memory_space<semaphore_mem>>
          %dma_start3A_306 = arith.constant 0 : i32
          %dma_start3A_307 = tpu.memref_slice %arg12[%add3A_278, %dma_start3A_306] : memref<160x125xi32, #tpu.memory_space<vmem>> -> memref<1x125xi32, #tpu.memory_space<vmem>>
          %dma_start3A_308 = tpu.memref_squeeze %dma_start3A_307 : memref<1x125xi32, #tpu.memory_space<vmem>> -> memref<125xi32, #tpu.memory_space<vmem>>
          %dma_start3A_309 = arith.constant 0 : i32
          %dma_start3A_310 = arith.constant 0 : i32
          %dma_start3A_311 = tpu.memref_slice %arg18[%dma_start3A_309, %dma_start3A_310] : memref<10240x64xf32, #tpu.memory_space<vmem_shared>> -> memref<10240x64xf32, #tpu.memory_space<vmem_shared>>
          tpu.enqueue_indirect_dma source(%arg15 : memref<125x64xf32, #tpu.memory_space<vmem>>) target(%dma_start3A_311 : memref<10240x64xf32, #tpu.memory_space<vmem_shared>>) offsets(%dma_start3A_308 : memref<125xi32, #tpu.memory_space<vmem>>) semaphore(%run_scoped3A_305 : memref<!tpu.dma_semaphore, #tpu.memory_space<semaphore_mem>>) {add = true}
          %dma_wait3A_312 = arith.constant 0 : i32
          %dma_wait3A_313 = tpu.memref_slice %arg12[%add3A_278, %dma_wait3A_312] : memref<160x125xi32, #tpu.memory_space<vmem>> -> memref<1x125xi32, #tpu.memory_space<vmem>>
          %dma_wait3A_314 = tpu.memref_squeeze %dma_wait3A_313 : memref<1x125xi32, #tpu.memory_space<vmem>> -> memref<125xi32, #tpu.memory_space<vmem>>
          %dma_wait3A_315 = arith.constant 0 : i32
          %dma_wait3A_316 = arith.constant 0 : i32
          %dma_wait3A_317 = tpu.memref_slice %arg18[%dma_wait3A_315, %dma_wait3A_316] : memref<10240x64xf32, #tpu.memory_space<vmem_shared>> -> memref<10240x64xf32, #tpu.memory_space<vmem_shared>>
          tpu.wait_indirect_dma semaphore(%run_scoped3A_305 : memref<!tpu.dma_semaphore, #tpu.memory_space<semaphore_mem>>) src(%arg15 : memref<125x64xf32, #tpu.memory_space<vmem>>) dst(%dma_wait3A_317 : memref<10240x64xf32, #tpu.memory_space<vmem_shared>>)
          tpu.yield
        }) : () -> ()
        %add3A_279 = arith.constant 4 : i32
        %add3A_280 = arith.addi %add3A_238, %add3A_279 : i32
        %add3A_281 = arith.constant 2 : i32
        %add3A_282 = arith.addi %add3A_280, %add3A_281 : i32
        %lt3A_283 = arith.constant 160 : i32
        %lt3A_284 = arith.cmpi slt, %add3A_282, %lt3A_283 : i32
        %convert_element_type3A_285 = arith.extui %lt3A_284 : i1 to i32
        %cond3A_286 = arith.constant 0 : i32
        %cond3A_287 = arith.cmpi ne, %convert_element_type3A_285, %cond3A_286 : i32
        scf.if %cond3A_287 {
          %add3A_305 = arith.constant 4 : i32
          %add3A_306 = arith.addi %add3A_238, %add3A_305 : i32
          %add3A_307 = arith.constant 2 : i32
          %add3A_308 = arith.addi %add3A_306, %add3A_307 : i32
          %dma_start3A_309 = arith.constant 0 : i32
          %dma_start3A_310 = tpu.memref_slice %arg11[%add3A_308, %dma_start3A_309] : memref<160x125xi32, #tpu.memory_space<vmem>> -> memref<1x125xi32, #tpu.memory_space<vmem>>
          %dma_start3A_311 = tpu.memref_squeeze %dma_start3A_310 : memref<1x125xi32, #tpu.memory_space<vmem>> -> memref<125xi32, #tpu.memory_space<vmem>>
          %dma_start3A_312 = arith.constant 0 : i32
          %dma_start3A_313 = arith.constant 0 : i32
          %dma_start3A_314 = tpu.memref_slice %arg6[%dma_start3A_312, %dma_start3A_313] : memref<10000x64xf32, #tpu.memory_space<hbm>> -> memref<10000x64xf32, #tpu.memory_space<hbm>>
          tpu.enqueue_indirect_dma source(%dma_start3A_314 : memref<10000x64xf32, #tpu.memory_space<hbm>>) target(%arg15 : memref<125x64xf32, #tpu.memory_space<vmem>>) offsets(%dma_start3A_311 : memref<125xi32, #tpu.memory_space<vmem>>) semaphore(%arg21 : memref<!tpu.dma_semaphore, #tpu.memory_space<semaphore_mem>>)
        } else {
        }
        %dma_wait3A_288 = arith.constant 0 : i32
        %dma_wait3A_289 = arith.constant 0 : i32
        %dma_wait3A_290 = tpu.memref_slice %arg6[%dma_wait3A_288, %dma_wait3A_289] : memref<10000x64xf32, #tpu.memory_space<hbm>> -> memref<125x64xf32, #tpu.memory_space<hbm>>
        %dma_wait3A_291 = arith.constant 0 : i32
        %dma_wait3A_292 = arith.constant 0 : i32
        %dma_wait3A_293 = tpu.memref_slice %arg6[%dma_wait3A_291, %dma_wait3A_292] : memref<10000x64xf32, #tpu.memory_space<hbm>> -> memref<125x64xf32, #tpu.memory_space<hbm>>
        tpu.wait_dma2 semaphore(%arg22 : memref<!tpu.dma_semaphore, #tpu.memory_space<semaphore_mem>>) src(%dma_wait3A_293 : memref<125x64xf32, #tpu.memory_space<hbm>>) dst(%arg16 : memref<125x64xf32, #tpu.memory_space<vmem>>)
        %add3A_294 = arith.constant 3 : i32
        %add3A_295 = arith.addi %add3A_238, %add3A_294 : i32
        "tpu.region"() ({
          %run_scoped3A_305 = tpu.sem_alloc : memref<!tpu.dma_semaphore, #tpu.memory_space<semaphore_mem>>
          %dma_start3A_306 = arith.constant 0 : i32
          %dma_start3A_307 = tpu.memref_slice %arg12[%add3A_295, %dma_start3A_306] : memref<160x125xi32, #tpu.memory_space<vmem>> -> memref<1x125xi32, #tpu.memory_space<vmem>>
          %dma_start3A_308 = tpu.memref_squeeze %dma_start3A_307 : memref<1x125xi32, #tpu.memory_space<vmem>> -> memref<125xi32, #tpu.memory_space<vmem>>
          %dma_start3A_309 = arith.constant 0 : i32
          %dma_start3A_310 = arith.constant 0 : i32
          %dma_start3A_311 = tpu.memref_slice %arg18[%dma_start3A_309, %dma_start3A_310] : memref<10240x64xf32, #tpu.memory_space<vmem_shared>> -> memref<10240x64xf32, #tpu.memory_space<vmem_shared>>
          tpu.enqueue_indirect_dma source(%arg16 : memref<125x64xf32, #tpu.memory_space<vmem>>) target(%dma_start3A_311 : memref<10240x64xf32, #tpu.memory_space<vmem_shared>>) offsets(%dma_start3A_308 : memref<125xi32, #tpu.memory_space<vmem>>) semaphore(%run_scoped3A_305 : memref<!tpu.dma_semaphore, #tpu.memory_space<semaphore_mem>>) {add = true}
          %dma_wait3A_312 = arith.constant 0 : i32
          %dma_wait3A_313 = tpu.memref_slice %arg12[%add3A_295, %dma_wait3A_312] : memref<160x125xi32, #tpu.memory_space<vmem>> -> memref<1x125xi32, #tpu.memory_space<vmem>>
          %dma_wait3A_314 = tpu.memref_squeeze %dma_wait3A_313 : memref<1x125xi32, #tpu.memory_space<vmem>> -> memref<125xi32, #tpu.memory_space<vmem>>
          %dma_wait3A_315 = arith.constant 0 : i32
          %dma_wait3A_316 = arith.constant 0 : i32
          %dma_wait3A_317 = tpu.memref_slice %arg18[%dma_wait3A_315, %dma_wait3A_316] : memref<10240x64xf32, #tpu.memory_space<vmem_shared>> -> memref<10240x64xf32, #tpu.memory_space<vmem_shared>>
          tpu.wait_indirect_dma semaphore(%run_scoped3A_305 : memref<!tpu.dma_semaphore, #tpu.memory_space<semaphore_mem>>) src(%arg16 : memref<125x64xf32, #tpu.memory_space<vmem>>) dst(%dma_wait3A_317 : memref<10240x64xf32, #tpu.memory_space<vmem_shared>>)
          tpu.yield
        }) : () -> ()
        %add3A_296 = arith.constant 4 : i32
        %add3A_297 = arith.addi %add3A_238, %add3A_296 : i32
        %add3A_298 = arith.constant 3 : i32
        %add3A_299 = arith.addi %add3A_297, %add3A_298 : i32
        %lt3A_300 = arith.constant 160 : i32
        %lt3A_301 = arith.cmpi slt, %add3A_299, %lt3A_300 : i32
        %convert_element_type3A_302 = arith.extui %lt3A_301 : i1 to i32
        %cond3A_303 = arith.constant 0 : i32
        %cond3A_304 = arith.cmpi ne, %convert_element_type3A_302, %cond3A_303 : i32
        scf.if %cond3A_304 {
          %add3A_305 = arith.constant 4 : i32
          %add3A_306 = arith.addi %add3A_238, %add3A_305 : i32
          %add3A_307 = arith.constant 3 : i32
          %add3A_308 = arith.addi %add3A_306, %add3A_307 : i32
          %dma_start3A_309 = arith.constant 0 : i32
          %dma_start3A_310 = tpu.memref_slice %arg11[%add3A_308, %dma_start3A_309] : memref<160x125xi32, #tpu.memory_space<vmem>> -> memref<1x125xi32, #tpu.memory_space<vmem>>
          %dma_start3A_311 = tpu.memref_squeeze %dma_start3A_310 : memref<1x125xi32, #tpu.memory_space<vmem>> -> memref<125xi32, #tpu.memory_space<vmem>>
          %dma_start3A_312 = arith.constant 0 : i32
          %dma_start3A_313 = arith.constant 0 : i32
          %dma_start3A_314 = tpu.memref_slice %arg6[%dma_start3A_312, %dma_start3A_313] : memref<10000x64xf32, #tpu.memory_space<hbm>> -> memref<10000x64xf32, #tpu.memory_space<hbm>>
          tpu.enqueue_indirect_dma source(%dma_start3A_314 : memref<10000x64xf32, #tpu.memory_space<hbm>>) target(%arg16 : memref<125x64xf32, #tpu.memory_space<vmem>>) offsets(%dma_start3A_311 : memref<125xi32, #tpu.memory_space<vmem>>) semaphore(%arg22 : memref<!tpu.dma_semaphore, #tpu.memory_space<semaphore_mem>>)
        } else {
        }
      }
      %scan3A_233 = arith.constant 40 : i32
    } else {
    }
    %eq3A_126 = arith.constant 1 : i32
    %eq3A_127 = arith.cmpi eq, %arg0, %eq3A_126 : i32
    %convert_element_type3A_128 = arith.extui %eq3A_127 : i1 to i32
    %cond3A_129 = arith.constant 0 : i32
    %cond3A_130 = arith.cmpi ne, %convert_element_type3A_128, %cond3A_129 : i32
    scf.if %cond3A_130 {
      %dma_start3A = arith.constant 0 : i32
      %dma_start3A_203 = arith.constant 0 : i32
      %dma_start3A_204 = tpu.memref_slice %arg11[%dma_start3A, %dma_start3A_203] : memref<160x125xi32, #tpu.memory_space<vmem>> -> memref<1x125xi32, #tpu.memory_space<vmem>>
      %dma_start3A_205 = tpu.memref_squeeze %dma_start3A_204 : memref<1x125xi32, #tpu.memory_space<vmem>> -> memref<125xi32, #tpu.memory_space<vmem>>
      %dma_start3A_206 = arith.constant 0 : i32
      %dma_start3A_207 = arith.constant 0 : i32
      %dma_start3A_208 = tpu.memref_slice %arg7[%dma_start3A_206, %dma_start3A_207] : memref<10000x64xf32, #tpu.memory_space<hbm>> -> memref<10000x64xf32, #tpu.memory_space<hbm>>
      tpu.enqueue_indirect_dma source(%dma_start3A_208 : memref<10000x64xf32, #tpu.memory_space<hbm>>) target(%arg13 : memref<125x64xf32, #tpu.memory_space<vmem>>) offsets(%dma_start3A_205 : memref<125xi32, #tpu.memory_space<vmem>>) semaphore(%arg19 : memref<!tpu.dma_semaphore, #tpu.memory_space<semaphore_mem>>)
      %dma_start3A_209 = arith.constant 1 : i32
      %dma_start3A_210 = arith.constant 0 : i32
      %dma_start3A_211 = tpu.memref_slice %arg11[%dma_start3A_209, %dma_start3A_210] : memref<160x125xi32, #tpu.memory_space<vmem>> -> memref<1x125xi32, #tpu.memory_space<vmem>>
      %dma_start3A_212 = tpu.memref_squeeze %dma_start3A_211 : memref<1x125xi32, #tpu.memory_space<vmem>> -> memref<125xi32, #tpu.memory_space<vmem>>
      %dma_start3A_213 = arith.constant 0 : i32
      %dma_start3A_214 = arith.constant 0 : i32
      %dma_start3A_215 = tpu.memref_slice %arg7[%dma_start3A_213, %dma_start3A_214] : memref<10000x64xf32, #tpu.memory_space<hbm>> -> memref<10000x64xf32, #tpu.memory_space<hbm>>
      tpu.enqueue_indirect_dma source(%dma_start3A_215 : memref<10000x64xf32, #tpu.memory_space<hbm>>) target(%arg14 : memref<125x64xf32, #tpu.memory_space<vmem>>) offsets(%dma_start3A_212 : memref<125xi32, #tpu.memory_space<vmem>>) semaphore(%arg20 : memref<!tpu.dma_semaphore, #tpu.memory_space<semaphore_mem>>)
      %dma_start3A_216 = arith.constant 2 : i32
      %dma_start3A_217 = arith.constant 0 : i32
      %dma_start3A_218 = tpu.memref_slice %arg11[%dma_start3A_216, %dma_start3A_217] : memref<160x125xi32, #tpu.memory_space<vmem>> -> memref<1x125xi32, #tpu.memory_space<vmem>>
      %dma_start3A_219 = tpu.memref_squeeze %dma_start3A_218 : memref<1x125xi32, #tpu.memory_space<vmem>> -> memref<125xi32, #tpu.memory_space<vmem>>
      %dma_start3A_220 = arith.constant 0 : i32
      %dma_start3A_221 = arith.constant 0 : i32
      %dma_start3A_222 = tpu.memref_slice %arg7[%dma_start3A_220, %dma_start3A_221] : memref<10000x64xf32, #tpu.memory_space<hbm>> -> memref<10000x64xf32, #tpu.memory_space<hbm>>
      tpu.enqueue_indirect_dma source(%dma_start3A_222 : memref<10000x64xf32, #tpu.memory_space<hbm>>) target(%arg15 : memref<125x64xf32, #tpu.memory_space<vmem>>) offsets(%dma_start3A_219 : memref<125xi32, #tpu.memory_space<vmem>>) semaphore(%arg21 : memref<!tpu.dma_semaphore, #tpu.memory_space<semaphore_mem>>)
      %dma_start3A_223 = arith.constant 3 : i32
      %dma_start3A_224 = arith.constant 0 : i32
      %dma_start3A_225 = tpu.memref_slice %arg11[%dma_start3A_223, %dma_start3A_224] : memref<160x125xi32, #tpu.memory_space<vmem>> -> memref<1x125xi32, #tpu.memory_space<vmem>>
      %dma_start3A_226 = tpu.memref_squeeze %dma_start3A_225 : memref<1x125xi32, #tpu.memory_space<vmem>> -> memref<125xi32, #tpu.memory_space<vmem>>
      %dma_start3A_227 = arith.constant 0 : i32
      %dma_start3A_228 = arith.constant 0 : i32
      %dma_start3A_229 = tpu.memref_slice %arg7[%dma_start3A_227, %dma_start3A_228] : memref<10000x64xf32, #tpu.memory_space<hbm>> -> memref<10000x64xf32, #tpu.memory_space<hbm>>
      tpu.enqueue_indirect_dma source(%dma_start3A_229 : memref<10000x64xf32, #tpu.memory_space<hbm>>) target(%arg16 : memref<125x64xf32, #tpu.memory_space<vmem>>) offsets(%dma_start3A_226 : memref<125xi32, #tpu.memory_space<vmem>>) semaphore(%arg22 : memref<!tpu.dma_semaphore, #tpu.memory_space<semaphore_mem>>)
      %scan3A = arith.constant 0 : i32
      %scan3A_230 = arith.constant 40 : i32
      %scan3A_231 = arith.addi %scan3A, %scan3A_230 : i32
      %scan3A_232 = arith.constant 1 : i32
      scf.for %scan3A_234 = %scan3A to %scan3A_231 step %scan3A_232  : i32 {
        %mul3A_235 = arith.constant 4 : i32
        %mul3A_236 = arith.muli %scan3A_234, %mul3A_235 : i32
        %add3A_237 = arith.constant 0 : i32
        %add3A_238 = arith.addi %add3A_237, %mul3A_236 : i32
        %dma_wait3A = arith.constant 0 : i32
        %dma_wait3A_239 = arith.constant 0 : i32
        %dma_wait3A_240 = tpu.memref_slice %arg7[%dma_wait3A, %dma_wait3A_239] : memref<10000x64xf32, #tpu.memory_space<hbm>> -> memref<125x64xf32, #tpu.memory_space<hbm>>
        %dma_wait3A_241 = arith.constant 0 : i32
        %dma_wait3A_242 = arith.constant 0 : i32
        %dma_wait3A_243 = tpu.memref_slice %arg7[%dma_wait3A_241, %dma_wait3A_242] : memref<10000x64xf32, #tpu.memory_space<hbm>> -> memref<125x64xf32, #tpu.memory_space<hbm>>
        tpu.wait_dma2 semaphore(%arg19 : memref<!tpu.dma_semaphore, #tpu.memory_space<semaphore_mem>>) src(%dma_wait3A_243 : memref<125x64xf32, #tpu.memory_space<hbm>>) dst(%arg13 : memref<125x64xf32, #tpu.memory_space<vmem>>)
        %add3A_244 = arith.constant 0 : i32
        %add3A_245 = arith.addi %add3A_238, %add3A_244 : i32
        "tpu.region"() ({
          %run_scoped3A_305 = tpu.sem_alloc : memref<!tpu.dma_semaphore, #tpu.memory_space<semaphore_mem>>
          %dma_start3A_306 = arith.constant 0 : i32
          %dma_start3A_307 = tpu.memref_slice %arg12[%add3A_245, %dma_start3A_306] : memref<160x125xi32, #tpu.memory_space<vmem>> -> memref<1x125xi32, #tpu.memory_space<vmem>>
          %dma_start3A_308 = tpu.memref_squeeze %dma_start3A_307 : memref<1x125xi32, #tpu.memory_space<vmem>> -> memref<125xi32, #tpu.memory_space<vmem>>
          %dma_start3A_309 = arith.constant 0 : i32
          %dma_start3A_310 = arith.constant 0 : i32
          %dma_start3A_311 = tpu.memref_slice %arg18[%dma_start3A_309, %dma_start3A_310] : memref<10240x64xf32, #tpu.memory_space<vmem_shared>> -> memref<10240x64xf32, #tpu.memory_space<vmem_shared>>
          tpu.enqueue_indirect_dma source(%arg13 : memref<125x64xf32, #tpu.memory_space<vmem>>) target(%dma_start3A_311 : memref<10240x64xf32, #tpu.memory_space<vmem_shared>>) offsets(%dma_start3A_308 : memref<125xi32, #tpu.memory_space<vmem>>) semaphore(%run_scoped3A_305 : memref<!tpu.dma_semaphore, #tpu.memory_space<semaphore_mem>>) {add = true}
          %dma_wait3A_312 = arith.constant 0 : i32
          %dma_wait3A_313 = tpu.memref_slice %arg12[%add3A_245, %dma_wait3A_312] : memref<160x125xi32, #tpu.memory_space<vmem>> -> memref<1x125xi32, #tpu.memory_space<vmem>>
          %dma_wait3A_314 = tpu.memref_squeeze %dma_wait3A_313 : memref<1x125xi32, #tpu.memory_space<vmem>> -> memref<125xi32, #tpu.memory_space<vmem>>
          %dma_wait3A_315 = arith.constant 0 : i32
          %dma_wait3A_316 = arith.constant 0 : i32
          %dma_wait3A_317 = tpu.memref_slice %arg18[%dma_wait3A_315, %dma_wait3A_316] : memref<10240x64xf32, #tpu.memory_space<vmem_shared>> -> memref<10240x64xf32, #tpu.memory_space<vmem_shared>>
          tpu.wait_indirect_dma semaphore(%run_scoped3A_305 : memref<!tpu.dma_semaphore, #tpu.memory_space<semaphore_mem>>) src(%arg13 : memref<125x64xf32, #tpu.memory_space<vmem>>) dst(%dma_wait3A_317 : memref<10240x64xf32, #tpu.memory_space<vmem_shared>>)
          tpu.yield
        }) : () -> ()
        %add3A_246 = arith.constant 4 : i32
        %add3A_247 = arith.addi %add3A_238, %add3A_246 : i32
        %add3A_248 = arith.constant 0 : i32
        %add3A_249 = arith.addi %add3A_247, %add3A_248 : i32
        %lt3A = arith.constant 160 : i32
        %lt3A_250 = arith.cmpi slt, %add3A_249, %lt3A : i32
        %convert_element_type3A_251 = arith.extui %lt3A_250 : i1 to i32
        %cond3A_252 = arith.constant 0 : i32
        %cond3A_253 = arith.cmpi ne, %convert_element_type3A_251, %cond3A_252 : i32
        scf.if %cond3A_253 {
          %add3A_305 = arith.constant 4 : i32
          %add3A_306 = arith.addi %add3A_238, %add3A_305 : i32
          %add3A_307 = arith.constant 0 : i32
          %add3A_308 = arith.addi %add3A_306, %add3A_307 : i32
          %dma_start3A_309 = arith.constant 0 : i32
          %dma_start3A_310 = tpu.memref_slice %arg11[%add3A_308, %dma_start3A_309] : memref<160x125xi32, #tpu.memory_space<vmem>> -> memref<1x125xi32, #tpu.memory_space<vmem>>
          %dma_start3A_311 = tpu.memref_squeeze %dma_start3A_310 : memref<1x125xi32, #tpu.memory_space<vmem>> -> memref<125xi32, #tpu.memory_space<vmem>>
          %dma_start3A_312 = arith.constant 0 : i32
          %dma_start3A_313 = arith.constant 0 : i32
          %dma_start3A_314 = tpu.memref_slice %arg7[%dma_start3A_312, %dma_start3A_313] : memref<10000x64xf32, #tpu.memory_space<hbm>> -> memref<10000x64xf32, #tpu.memory_space<hbm>>
          tpu.enqueue_indirect_dma source(%dma_start3A_314 : memref<10000x64xf32, #tpu.memory_space<hbm>>) target(%arg13 : memref<125x64xf32, #tpu.memory_space<vmem>>) offsets(%dma_start3A_311 : memref<125xi32, #tpu.memory_space<vmem>>) semaphore(%arg19 : memref<!tpu.dma_semaphore, #tpu.memory_space<semaphore_mem>>)
        } else {
        }
        %dma_wait3A_254 = arith.constant 0 : i32
        %dma_wait3A_255 = arith.constant 0 : i32
        %dma_wait3A_256 = tpu.memref_slice %arg7[%dma_wait3A_254, %dma_wait3A_255] : memref<10000x64xf32, #tpu.memory_space<hbm>> -> memref<125x64xf32, #tpu.memory_space<hbm>>
        %dma_wait3A_257 = arith.constant 0 : i32
        %dma_wait3A_258 = arith.constant 0 : i32
        %dma_wait3A_259 = tpu.memref_slice %arg7[%dma_wait3A_257, %dma_wait3A_258] : memref<10000x64xf32, #tpu.memory_space<hbm>> -> memref<125x64xf32, #tpu.memory_space<hbm>>
        tpu.wait_dma2 semaphore(%arg20 : memref<!tpu.dma_semaphore, #tpu.memory_space<semaphore_mem>>) src(%dma_wait3A_259 : memref<125x64xf32, #tpu.memory_space<hbm>>) dst(%arg14 : memref<125x64xf32, #tpu.memory_space<vmem>>)
        %add3A_260 = arith.constant 1 : i32
        %add3A_261 = arith.addi %add3A_238, %add3A_260 : i32
        "tpu.region"() ({
          %run_scoped3A_305 = tpu.sem_alloc : memref<!tpu.dma_semaphore, #tpu.memory_space<semaphore_mem>>
          %dma_start3A_306 = arith.constant 0 : i32
          %dma_start3A_307 = tpu.memref_slice %arg12[%add3A_261, %dma_start3A_306] : memref<160x125xi32, #tpu.memory_space<vmem>> -> memref<1x125xi32, #tpu.memory_space<vmem>>
          %dma_start3A_308 = tpu.memref_squeeze %dma_start3A_307 : memref<1x125xi32, #tpu.memory_space<vmem>> -> memref<125xi32, #tpu.memory_space<vmem>>
          %dma_start3A_309 = arith.constant 0 : i32
          %dma_start3A_310 = arith.constant 0 : i32
          %dma_start3A_311 = tpu.memref_slice %arg18[%dma_start3A_309, %dma_start3A_310] : memref<10240x64xf32, #tpu.memory_space<vmem_shared>> -> memref<10240x64xf32, #tpu.memory_space<vmem_shared>>
          tpu.enqueue_indirect_dma source(%arg14 : memref<125x64xf32, #tpu.memory_space<vmem>>) target(%dma_start3A_311 : memref<10240x64xf32, #tpu.memory_space<vmem_shared>>) offsets(%dma_start3A_308 : memref<125xi32, #tpu.memory_space<vmem>>) semaphore(%run_scoped3A_305 : memref<!tpu.dma_semaphore, #tpu.memory_space<semaphore_mem>>) {add = true}
          %dma_wait3A_312 = arith.constant 0 : i32
          %dma_wait3A_313 = tpu.memref_slice %arg12[%add3A_261, %dma_wait3A_312] : memref<160x125xi32, #tpu.memory_space<vmem>> -> memref<1x125xi32, #tpu.memory_space<vmem>>
          %dma_wait3A_314 = tpu.memref_squeeze %dma_wait3A_313 : memref<1x125xi32, #tpu.memory_space<vmem>> -> memref<125xi32, #tpu.memory_space<vmem>>
          %dma_wait3A_315 = arith.constant 0 : i32
          %dma_wait3A_316 = arith.constant 0 : i32
          %dma_wait3A_317 = tpu.memref_slice %arg18[%dma_wait3A_315, %dma_wait3A_316] : memref<10240x64xf32, #tpu.memory_space<vmem_shared>> -> memref<10240x64xf32, #tpu.memory_space<vmem_shared>>
          tpu.wait_indirect_dma semaphore(%run_scoped3A_305 : memref<!tpu.dma_semaphore, #tpu.memory_space<semaphore_mem>>) src(%arg14 : memref<125x64xf32, #tpu.memory_space<vmem>>) dst(%dma_wait3A_317 : memref<10240x64xf32, #tpu.memory_space<vmem_shared>>)
          tpu.yield
        }) : () -> ()
        %add3A_262 = arith.constant 4 : i32
        %add3A_263 = arith.addi %add3A_238, %add3A_262 : i32
        %add3A_264 = arith.constant 1 : i32
        %add3A_265 = arith.addi %add3A_263, %add3A_264 : i32
        %lt3A_266 = arith.constant 160 : i32
        %lt3A_267 = arith.cmpi slt, %add3A_265, %lt3A_266 : i32
        %convert_element_type3A_268 = arith.extui %lt3A_267 : i1 to i32
        %cond3A_269 = arith.constant 0 : i32
        %cond3A_270 = arith.cmpi ne, %convert_element_type3A_268, %cond3A_269 : i32
        scf.if %cond3A_270 {
          %add3A_305 = arith.constant 4 : i32
          %add3A_306 = arith.addi %add3A_238, %add3A_305 : i32
          %add3A_307 = arith.constant 1 : i32
          %add3A_308 = arith.addi %add3A_306, %add3A_307 : i32
          %dma_start3A_309 = arith.constant 0 : i32
          %dma_start3A_310 = tpu.memref_slice %arg11[%add3A_308, %dma_start3A_309] : memref<160x125xi32, #tpu.memory_space<vmem>> -> memref<1x125xi32, #tpu.memory_space<vmem>>
          %dma_start3A_311 = tpu.memref_squeeze %dma_start3A_310 : memref<1x125xi32, #tpu.memory_space<vmem>> -> memref<125xi32, #tpu.memory_space<vmem>>
          %dma_start3A_312 = arith.constant 0 : i32
          %dma_start3A_313 = arith.constant 0 : i32
          %dma_start3A_314 = tpu.memref_slice %arg7[%dma_start3A_312, %dma_start3A_313] : memref<10000x64xf32, #tpu.memory_space<hbm>> -> memref<10000x64xf32, #tpu.memory_space<hbm>>
          tpu.enqueue_indirect_dma source(%dma_start3A_314 : memref<10000x64xf32, #tpu.memory_space<hbm>>) target(%arg14 : memref<125x64xf32, #tpu.memory_space<vmem>>) offsets(%dma_start3A_311 : memref<125xi32, #tpu.memory_space<vmem>>) semaphore(%arg20 : memref<!tpu.dma_semaphore, #tpu.memory_space<semaphore_mem>>)
        } else {
        }
        %dma_wait3A_271 = arith.constant 0 : i32
        %dma_wait3A_272 = arith.constant 0 : i32
        %dma_wait3A_273 = tpu.memref_slice %arg7[%dma_wait3A_271, %dma_wait3A_272] : memref<10000x64xf32, #tpu.memory_space<hbm>> -> memref<125x64xf32, #tpu.memory_space<hbm>>
        %dma_wait3A_274 = arith.constant 0 : i32
        %dma_wait3A_275 = arith.constant 0 : i32
        %dma_wait3A_276 = tpu.memref_slice %arg7[%dma_wait3A_274, %dma_wait3A_275] : memref<10000x64xf32, #tpu.memory_space<hbm>> -> memref<125x64xf32, #tpu.memory_space<hbm>>
        tpu.wait_dma2 semaphore(%arg21 : memref<!tpu.dma_semaphore, #tpu.memory_space<semaphore_mem>>) src(%dma_wait3A_276 : memref<125x64xf32, #tpu.memory_space<hbm>>) dst(%arg15 : memref<125x64xf32, #tpu.memory_space<vmem>>)
        %add3A_277 = arith.constant 2 : i32
        %add3A_278 = arith.addi %add3A_238, %add3A_277 : i32
        "tpu.region"() ({
          %run_scoped3A_305 = tpu.sem_alloc : memref<!tpu.dma_semaphore, #tpu.memory_space<semaphore_mem>>
          %dma_start3A_306 = arith.constant 0 : i32
          %dma_start3A_307 = tpu.memref_slice %arg12[%add3A_278, %dma_start3A_306] : memref<160x125xi32, #tpu.memory_space<vmem>> -> memref<1x125xi32, #tpu.memory_space<vmem>>
          %dma_start3A_308 = tpu.memref_squeeze %dma_start3A_307 : memref<1x125xi32, #tpu.memory_space<vmem>> -> memref<125xi32, #tpu.memory_space<vmem>>
          %dma_start3A_309 = arith.constant 0 : i32
          %dma_start3A_310 = arith.constant 0 : i32
          %dma_start3A_311 = tpu.memref_slice %arg18[%dma_start3A_309, %dma_start3A_310] : memref<10240x64xf32, #tpu.memory_space<vmem_shared>> -> memref<10240x64xf32, #tpu.memory_space<vmem_shared>>
          tpu.enqueue_indirect_dma source(%arg15 : memref<125x64xf32, #tpu.memory_space<vmem>>) target(%dma_start3A_311 : memref<10240x64xf32, #tpu.memory_space<vmem_shared>>) offsets(%dma_start3A_308 : memref<125xi32, #tpu.memory_space<vmem>>) semaphore(%run_scoped3A_305 : memref<!tpu.dma_semaphore, #tpu.memory_space<semaphore_mem>>) {add = true}
          %dma_wait3A_312 = arith.constant 0 : i32
          %dma_wait3A_313 = tpu.memref_slice %arg12[%add3A_278, %dma_wait3A_312] : memref<160x125xi32, #tpu.memory_space<vmem>> -> memref<1x125xi32, #tpu.memory_space<vmem>>
          %dma_wait3A_314 = tpu.memref_squeeze %dma_wait3A_313 : memref<1x125xi32, #tpu.memory_space<vmem>> -> memref<125xi32, #tpu.memory_space<vmem>>
          %dma_wait3A_315 = arith.constant 0 : i32
          %dma_wait3A_316 = arith.constant 0 : i32
          %dma_wait3A_317 = tpu.memref_slice %arg18[%dma_wait3A_315, %dma_wait3A_316] : memref<10240x64xf32, #tpu.memory_space<vmem_shared>> -> memref<10240x64xf32, #tpu.memory_space<vmem_shared>>
          tpu.wait_indirect_dma semaphore(%run_scoped3A_305 : memref<!tpu.dma_semaphore, #tpu.memory_space<semaphore_mem>>) src(%arg15 : memref<125x64xf32, #tpu.memory_space<vmem>>) dst(%dma_wait3A_317 : memref<10240x64xf32, #tpu.memory_space<vmem_shared>>)
          tpu.yield
        }) : () -> ()
        %add3A_279 = arith.constant 4 : i32
        %add3A_280 = arith.addi %add3A_238, %add3A_279 : i32
        %add3A_281 = arith.constant 2 : i32
        %add3A_282 = arith.addi %add3A_280, %add3A_281 : i32
        %lt3A_283 = arith.constant 160 : i32
        %lt3A_284 = arith.cmpi slt, %add3A_282, %lt3A_283 : i32
        %convert_element_type3A_285 = arith.extui %lt3A_284 : i1 to i32
        %cond3A_286 = arith.constant 0 : i32
        %cond3A_287 = arith.cmpi ne, %convert_element_type3A_285, %cond3A_286 : i32
        scf.if %cond3A_287 {
          %add3A_305 = arith.constant 4 : i32
          %add3A_306 = arith.addi %add3A_238, %add3A_305 : i32
          %add3A_307 = arith.constant 2 : i32
          %add3A_308 = arith.addi %add3A_306, %add3A_307 : i32
          %dma_start3A_309 = arith.constant 0 : i32
          %dma_start3A_310 = tpu.memref_slice %arg11[%add3A_308, %dma_start3A_309] : memref<160x125xi32, #tpu.memory_space<vmem>> -> memref<1x125xi32, #tpu.memory_space<vmem>>
          %dma_start3A_311 = tpu.memref_squeeze %dma_start3A_310 : memref<1x125xi32, #tpu.memory_space<vmem>> -> memref<125xi32, #tpu.memory_space<vmem>>
          %dma_start3A_312 = arith.constant 0 : i32
          %dma_start3A_313 = arith.constant 0 : i32
          %dma_start3A_314 = tpu.memref_slice %arg7[%dma_start3A_312, %dma_start3A_313] : memref<10000x64xf32, #tpu.memory_space<hbm>> -> memref<10000x64xf32, #tpu.memory_space<hbm>>
          tpu.enqueue_indirect_dma source(%dma_start3A_314 : memref<10000x64xf32, #tpu.memory_space<hbm>>) target(%arg15 : memref<125x64xf32, #tpu.memory_space<vmem>>) offsets(%dma_start3A_311 : memref<125xi32, #tpu.memory_space<vmem>>) semaphore(%arg21 : memref<!tpu.dma_semaphore, #tpu.memory_space<semaphore_mem>>)
        } else {
        }
        %dma_wait3A_288 = arith.constant 0 : i32
        %dma_wait3A_289 = arith.constant 0 : i32
        %dma_wait3A_290 = tpu.memref_slice %arg7[%dma_wait3A_288, %dma_wait3A_289] : memref<10000x64xf32, #tpu.memory_space<hbm>> -> memref<125x64xf32, #tpu.memory_space<hbm>>
        %dma_wait3A_291 = arith.constant 0 : i32
        %dma_wait3A_292 = arith.constant 0 : i32
        %dma_wait3A_293 = tpu.memref_slice %arg7[%dma_wait3A_291, %dma_wait3A_292] : memref<10000x64xf32, #tpu.memory_space<hbm>> -> memref<125x64xf32, #tpu.memory_space<hbm>>
        tpu.wait_dma2 semaphore(%arg22 : memref<!tpu.dma_semaphore, #tpu.memory_space<semaphore_mem>>) src(%dma_wait3A_293 : memref<125x64xf32, #tpu.memory_space<hbm>>) dst(%arg16 : memref<125x64xf32, #tpu.memory_space<vmem>>)
        %add3A_294 = arith.constant 3 : i32
        %add3A_295 = arith.addi %add3A_238, %add3A_294 : i32
        "tpu.region"() ({
          %run_scoped3A_305 = tpu.sem_alloc : memref<!tpu.dma_semaphore, #tpu.memory_space<semaphore_mem>>
          %dma_start3A_306 = arith.constant 0 : i32
          %dma_start3A_307 = tpu.memref_slice %arg12[%add3A_295, %dma_start3A_306] : memref<160x125xi32, #tpu.memory_space<vmem>> -> memref<1x125xi32, #tpu.memory_space<vmem>>
          %dma_start3A_308 = tpu.memref_squeeze %dma_start3A_307 : memref<1x125xi32, #tpu.memory_space<vmem>> -> memref<125xi32, #tpu.memory_space<vmem>>
          %dma_start3A_309 = arith.constant 0 : i32
          %dma_start3A_310 = arith.constant 0 : i32
          %dma_start3A_311 = tpu.memref_slice %arg18[%dma_start3A_309, %dma_start3A_310] : memref<10240x64xf32, #tpu.memory_space<vmem_shared>> -> memref<10240x64xf32, #tpu.memory_space<vmem_shared>>
          tpu.enqueue_indirect_dma source(%arg16 : memref<125x64xf32, #tpu.memory_space<vmem>>) target(%dma_start3A_311 : memref<10240x64xf32, #tpu.memory_space<vmem_shared>>) offsets(%dma_start3A_308 : memref<125xi32, #tpu.memory_space<vmem>>) semaphore(%run_scoped3A_305 : memref<!tpu.dma_semaphore, #tpu.memory_space<semaphore_mem>>) {add = true}
          %dma_wait3A_312 = arith.constant 0 : i32
          %dma_wait3A_313 = tpu.memref_slice %arg12[%add3A_295, %dma_wait3A_312] : memref<160x125xi32, #tpu.memory_space<vmem>> -> memref<1x125xi32, #tpu.memory_space<vmem>>
          %dma_wait3A_314 = tpu.memref_squeeze %dma_wait3A_313 : memref<1x125xi32, #tpu.memory_space<vmem>> -> memref<125xi32, #tpu.memory_space<vmem>>
          %dma_wait3A_315 = arith.constant 0 : i32
          %dma_wait3A_316 = arith.constant 0 : i32
          %dma_wait3A_317 = tpu.memref_slice %arg18[%dma_wait3A_315, %dma_wait3A_316] : memref<10240x64xf32, #tpu.memory_space<vmem_shared>> -> memref<10240x64xf32, #tpu.memory_space<vmem_shared>>
          tpu.wait_indirect_dma semaphore(%run_scoped3A_305 : memref<!tpu.dma_semaphore, #tpu.memory_space<semaphore_mem>>) src(%arg16 : memref<125x64xf32, #tpu.memory_space<vmem>>) dst(%dma_wait3A_317 : memref<10240x64xf32, #tpu.memory_space<vmem_shared>>)
          tpu.yield
        }) : () -> ()
        %add3A_296 = arith.constant 4 : i32
        %add3A_297 = arith.addi %add3A_238, %add3A_296 : i32
        %add3A_298 = arith.constant 3 : i32
        %add3A_299 = arith.addi %add3A_297, %add3A_298 : i32
        %lt3A_300 = arith.constant 160 : i32
        %lt3A_301 = arith.cmpi slt, %add3A_299, %lt3A_300 : i32
        %convert_element_type3A_302 = arith.extui %lt3A_301 : i1 to i32
        %cond3A_303 = arith.constant 0 : i32
        %cond3A_304 = arith.cmpi ne, %convert_element_type3A_302, %cond3A_303 : i32
        scf.if %cond3A_304 {
          %add3A_305 = arith.constant 4 : i32
          %add3A_306 = arith.addi %add3A_238, %add3A_305 : i32
          %add3A_307 = arith.constant 3 : i32
          %add3A_308 = arith.addi %add3A_306, %add3A_307 : i32
          %dma_start3A_309 = arith.constant 0 : i32
          %dma_start3A_310 = tpu.memref_slice %arg11[%add3A_308, %dma_start3A_309] : memref<160x125xi32, #tpu.memory_space<vmem>> -> memref<1x125xi32, #tpu.memory_space<vmem>>
          %dma_start3A_311 = tpu.memref_squeeze %dma_start3A_310 : memref<1x125xi32, #tpu.memory_space<vmem>> -> memref<125xi32, #tpu.memory_space<vmem>>
          %dma_start3A_312 = arith.constant 0 : i32
          %dma_start3A_313 = arith.constant 0 : i32
          %dma_start3A_314 = tpu.memref_slice %arg7[%dma_start3A_312, %dma_start3A_313] : memref<10000x64xf32, #tpu.memory_space<hbm>> -> memref<10000x64xf32, #tpu.memory_space<hbm>>
          tpu.enqueue_indirect_dma source(%dma_start3A_314 : memref<10000x64xf32, #tpu.memory_space<hbm>>) target(%arg16 : memref<125x64xf32, #tpu.memory_space<vmem>>) offsets(%dma_start3A_311 : memref<125xi32, #tpu.memory_space<vmem>>) semaphore(%arg22 : memref<!tpu.dma_semaphore, #tpu.memory_space<semaphore_mem>>)
        } else {
        }
      }
      %scan3A_233 = arith.constant 40 : i32
    } else {
    }
    %barrier3A_131 = arith.constant 0 : index
    tpu.barrier barrier_id(%barrier3A_131)
    %mul3A_132 = arith.constant 640 : i32
    %mul3A_133 = arith.muli %arg1, %mul3A_132 : i32
    %add3A_134 = arith.constant 0 : i32
    %add3A_135 = arith.addi %mul3A_133, %add3A_134 : i32
    "tpu.region"() ({
      %run_scoped3A_203 = tpu.sem_alloc : memref<!tpu.dma_semaphore, #tpu.memory_space<semaphore_mem>>
      %dma_start3A = arith.constant 0 : i32
      %dma_start3A_204 = tpu.memref_slice %arg18[%add3A_135, %dma_start3A] : memref<10240x64xf32, #tpu.memory_space<vmem_shared>> -> memref<128x64xf32, #tpu.memory_space<vmem_shared>>
      %dma_start3A_205 = arith.constant 0 : i32
      %dma_start3A_206 = tpu.memref_slice %arg18[%add3A_135, %dma_start3A_205] : memref<10240x64xf32, #tpu.memory_space<vmem_shared>> -> memref<128x64xf32, #tpu.memory_space<vmem_shared>>
      tpu.enqueue_dma source(%dma_start3A_206 : memref<128x64xf32, #tpu.memory_space<vmem_shared>>) target(%arg17 : memref<128x64xf32, #tpu.memory_space<vmem>>) target_semaphore(%run_scoped3A_203 : memref<!tpu.dma_semaphore, #tpu.memory_space<semaphore_mem>>)
      %dma_wait3A = arith.constant 0 : i32
      %dma_wait3A_207 = tpu.memref_slice %arg18[%add3A_135, %dma_wait3A] : memref<10240x64xf32, #tpu.memory_space<vmem_shared>> -> memref<128x64xf32, #tpu.memory_space<vmem_shared>>
      %dma_wait3A_208 = arith.constant 0 : i32
      %dma_wait3A_209 = tpu.memref_slice %arg18[%add3A_135, %dma_wait3A_208] : memref<10240x64xf32, #tpu.memory_space<vmem_shared>> -> memref<128x64xf32, #tpu.memory_space<vmem_shared>>
      tpu.wait_dma2 semaphore(%run_scoped3A_203 : memref<!tpu.dma_semaphore, #tpu.memory_space<semaphore_mem>>) src(%dma_wait3A_209 : memref<128x64xf32, #tpu.memory_space<vmem_shared>>) dst(%arg17 : memref<128x64xf32, #tpu.memory_space<vmem>>)
      tpu.yield
    }) : () -> ()
    %eq3A_136 = arith.constant 0 : i32
    %eq3A_137 = arith.cmpi eq, %arg0, %eq3A_136 : i32
    %convert_element_type3A_138 = arith.extui %eq3A_137 : i1 to i32
    %cond3A_139 = arith.constant 0 : i32
    %cond3A_140 = arith.cmpi ne, %convert_element_type3A_138, %cond3A_139 : i32
    scf.if %cond3A_140 {
      %run_scoped3A_203 = arith.constant 1 : i32
      "tpu.region"() ({
        %run_scoped3A_204 = tpu.sem_alloc : memref<!tpu.dma_semaphore, #tpu.memory_space<semaphore_mem>>
        %dma_start3A = arith.constant 0 : i32
        %dma_start3A_205 = arith.constant 0 : i32
        %dma_start3A_206 = tpu.memref_slice %arg9[%run_scoped3A_203, %arg1, %dma_start3A, %dma_start3A_205] : memref<2x16x640x64xf32, #tpu.memory_space<hbm>> -> memref<1x1x128x64xf32, #tpu.memory_space<hbm>>
        %dma_start3A_207 = tpu.memref_squeeze %dma_start3A_206 : memref<1x1x128x64xf32, #tpu.memory_space<hbm>> -> memref<128x64xf32, #tpu.memory_space<hbm>>
        %dma_start3A_208 = arith.constant 0 : i32
        %dma_start3A_209 = arith.constant 0 : i32
        %dma_start3A_210 = tpu.memref_slice %arg9[%run_scoped3A_203, %arg1, %dma_start3A_208, %dma_start3A_209] : memref<2x16x640x64xf32, #tpu.memory_space<hbm>> -> memref<1x1x128x64xf32, #tpu.memory_space<hbm>>
        %dma_start3A_211 = tpu.memref_squeeze %dma_start3A_210 : memref<1x1x128x64xf32, #tpu.memory_space<hbm>> -> memref<128x64xf32, #tpu.memory_space<hbm>>
        tpu.enqueue_dma source(%arg17 : memref<128x64xf32, #tpu.memory_space<vmem>>) target(%dma_start3A_211 : memref<128x64xf32, #tpu.memory_space<hbm>>) target_semaphore(%run_scoped3A_204 : memref<!tpu.dma_semaphore, #tpu.memory_space<semaphore_mem>>)
        %dma_wait3A = arith.constant 0 : i32
        %dma_wait3A_212 = arith.constant 0 : i32
        %dma_wait3A_213 = tpu.memref_slice %arg9[%run_scoped3A_203, %arg1, %dma_wait3A, %dma_wait3A_212] : memref<2x16x640x64xf32, #tpu.memory_space<hbm>> -> memref<1x1x128x64xf32, #tpu.memory_space<hbm>>
        %dma_wait3A_214 = tpu.memref_squeeze %dma_wait3A_213 : memref<1x1x128x64xf32, #tpu.memory_space<hbm>> -> memref<128x64xf32, #tpu.memory_space<hbm>>
        %dma_wait3A_215 = arith.constant 0 : i32
        %dma_wait3A_216 = arith.constant 0 : i32
        %dma_wait3A_217 = tpu.memref_slice %arg9[%run_scoped3A_203, %arg1, %dma_wait3A_215, %dma_wait3A_216] : memref<2x16x640x64xf32, #tpu.memory_space<hbm>> -> memref<1x1x128x64xf32, #tpu.memory_space<hbm>>
        %dma_wait3A_218 = tpu.memref_squeeze %dma_wait3A_217 : memref<1x1x128x64xf32, #tpu.memory_space<hbm>> -> memref<128x64xf32, #tpu.memory_space<hbm>>
        tpu.wait_dma2 semaphore(%run_scoped3A_204 : memref<!tpu.dma_semaphore, #tpu.memory_space<semaphore_mem>>) src(%arg17 : memref<128x64xf32, #tpu.memory_space<vmem>>) dst(%dma_wait3A_218 : memref<128x64xf32, #tpu.memory_space<hbm>>)
        tpu.yield
      }) : () -> ()
    } else {
    }
    %eq3A_141 = arith.constant 1 : i32
    %eq3A_142 = arith.cmpi eq, %arg0, %eq3A_141 : i32
    %convert_element_type3A_143 = arith.extui %eq3A_142 : i1 to i32
    %cond3A_144 = arith.constant 0 : i32
    %cond3A_145 = arith.cmpi ne, %convert_element_type3A_143, %cond3A_144 : i32
    scf.if %cond3A_145 {
      %run_scoped3A_203 = arith.constant 1 : i32
      "tpu.region"() ({
        %run_scoped3A_204 = tpu.sem_alloc : memref<!tpu.dma_semaphore, #tpu.memory_space<semaphore_mem>>
        %dma_start3A = arith.constant 0 : i32
        %dma_start3A_205 = arith.constant 0 : i32
        %dma_start3A_206 = tpu.memref_slice %arg10[%run_scoped3A_203, %arg1, %dma_start3A, %dma_start3A_205] : memref<2x16x640x64xf32, #tpu.memory_space<hbm>> -> memref<1x1x128x64xf32, #tpu.memory_space<hbm>>
        %dma_start3A_207 = tpu.memref_squeeze %dma_start3A_206 : memref<1x1x128x64xf32, #tpu.memory_space<hbm>> -> memref<128x64xf32, #tpu.memory_space<hbm>>
        %dma_start3A_208 = arith.constant 0 : i32
        %dma_start3A_209 = arith.constant 0 : i32
        %dma_start3A_210 = tpu.memref_slice %arg10[%run_scoped3A_203, %arg1, %dma_start3A_208, %dma_start3A_209] : memref<2x16x640x64xf32, #tpu.memory_space<hbm>> -> memref<1x1x128x64xf32, #tpu.memory_space<hbm>>
        %dma_start3A_211 = tpu.memref_squeeze %dma_start3A_210 : memref<1x1x128x64xf32, #tpu.memory_space<hbm>> -> memref<128x64xf32, #tpu.memory_space<hbm>>
        tpu.enqueue_dma source(%arg17 : memref<128x64xf32, #tpu.memory_space<vmem>>) target(%dma_start3A_211 : memref<128x64xf32, #tpu.memory_space<hbm>>) target_semaphore(%run_scoped3A_204 : memref<!tpu.dma_semaphore, #tpu.memory_space<semaphore_mem>>)
        %dma_wait3A = arith.constant 0 : i32
        %dma_wait3A_212 = arith.constant 0 : i32
        %dma_wait3A_213 = tpu.memref_slice %arg10[%run_scoped3A_203, %arg1, %dma_wait3A, %dma_wait3A_212] : memref<2x16x640x64xf32, #tpu.memory_space<hbm>> -> memref<1x1x128x64xf32, #tpu.memory_space<hbm>>
        %dma_wait3A_214 = tpu.memref_squeeze %dma_wait3A_213 : memref<1x1x128x64xf32, #tpu.memory_space<hbm>> -> memref<128x64xf32, #tpu.memory_space<hbm>>
        %dma_wait3A_215 = arith.constant 0 : i32
        %dma_wait3A_216 = arith.constant 0 : i32
        %dma_wait3A_217 = tpu.memref_slice %arg10[%run_scoped3A_203, %arg1, %dma_wait3A_215, %dma_wait3A_216] : memref<2x16x640x64xf32, #tpu.memory_space<hbm>> -> memref<1x1x128x64xf32, #tpu.memory_space<hbm>>
        %dma_wait3A_218 = tpu.memref_squeeze %dma_wait3A_217 : memref<1x1x128x64xf32, #tpu.memory_space<hbm>> -> memref<128x64xf32, #tpu.memory_space<hbm>>
        tpu.wait_dma2 semaphore(%run_scoped3A_204 : memref<!tpu.dma_semaphore, #tpu.memory_space<semaphore_mem>>) src(%arg17 : memref<128x64xf32, #tpu.memory_space<vmem>>) dst(%dma_wait3A_218 : memref<128x64xf32, #tpu.memory_space<hbm>>)
        tpu.yield
      }) : () -> ()
    } else {
    }
    %mul3A_146 = arith.constant 640 : i32
    %mul3A_147 = arith.muli %arg1, %mul3A_146 : i32
    %add3A_148 = arith.constant 128 : i32
    %add3A_149 = arith.addi %mul3A_147, %add3A_148 : i32
    "tpu.region"() ({
      %run_scoped3A_203 = tpu.sem_alloc : memref<!tpu.dma_semaphore, #tpu.memory_space<semaphore_mem>>
      %dma_start3A = arith.constant 0 : i32
      %dma_start3A_204 = tpu.memref_slice %arg18[%add3A_149, %dma_start3A] : memref<10240x64xf32, #tpu.memory_space<vmem_shared>> -> memref<128x64xf32, #tpu.memory_space<vmem_shared>>
      %dma_start3A_205 = arith.constant 0 : i32
      %dma_start3A_206 = tpu.memref_slice %arg18[%add3A_149, %dma_start3A_205] : memref<10240x64xf32, #tpu.memory_space<vmem_shared>> -> memref<128x64xf32, #tpu.memory_space<vmem_shared>>
      tpu.enqueue_dma source(%dma_start3A_206 : memref<128x64xf32, #tpu.memory_space<vmem_shared>>) target(%arg17 : memref<128x64xf32, #tpu.memory_space<vmem>>) target_semaphore(%run_scoped3A_203 : memref<!tpu.dma_semaphore, #tpu.memory_space<semaphore_mem>>)
      %dma_wait3A = arith.constant 0 : i32
      %dma_wait3A_207 = tpu.memref_slice %arg18[%add3A_149, %dma_wait3A] : memref<10240x64xf32, #tpu.memory_space<vmem_shared>> -> memref<128x64xf32, #tpu.memory_space<vmem_shared>>
      %dma_wait3A_208 = arith.constant 0 : i32
      %dma_wait3A_209 = tpu.memref_slice %arg18[%add3A_149, %dma_wait3A_208] : memref<10240x64xf32, #tpu.memory_space<vmem_shared>> -> memref<128x64xf32, #tpu.memory_space<vmem_shared>>
      tpu.wait_dma2 semaphore(%run_scoped3A_203 : memref<!tpu.dma_semaphore, #tpu.memory_space<semaphore_mem>>) src(%dma_wait3A_209 : memref<128x64xf32, #tpu.memory_space<vmem_shared>>) dst(%arg17 : memref<128x64xf32, #tpu.memory_space<vmem>>)
      tpu.yield
    }) : () -> ()
    %eq3A_150 = arith.constant 0 : i32
    %eq3A_151 = arith.cmpi eq, %arg0, %eq3A_150 : i32
    %convert_element_type3A_152 = arith.extui %eq3A_151 : i1 to i32
    %cond3A_153 = arith.constant 0 : i32
    %cond3A_154 = arith.cmpi ne, %convert_element_type3A_152, %cond3A_153 : i32
    scf.if %cond3A_154 {
      %run_scoped3A_203 = arith.constant 1 : i32
      "tpu.region"() ({
        %run_scoped3A_204 = tpu.sem_alloc : memref<!tpu.dma_semaphore, #tpu.memory_space<semaphore_mem>>
        %dma_start3A = arith.constant 128 : i32
        %dma_start3A_205 = arith.constant 0 : i32
        %dma_start3A_206 = tpu.memref_slice %arg9[%run_scoped3A_203, %arg1, %dma_start3A, %dma_start3A_205] : memref<2x16x640x64xf32, #tpu.memory_space<hbm>> -> memref<1x1x128x64xf32, #tpu.memory_space<hbm>>
        %dma_start3A_207 = tpu.memref_squeeze %dma_start3A_206 : memref<1x1x128x64xf32, #tpu.memory_space<hbm>> -> memref<128x64xf32, #tpu.memory_space<hbm>>
        %dma_start3A_208 = arith.constant 128 : i32
        %dma_start3A_209 = arith.constant 0 : i32
        %dma_start3A_210 = tpu.memref_slice %arg9[%run_scoped3A_203, %arg1, %dma_start3A_208, %dma_start3A_209] : memref<2x16x640x64xf32, #tpu.memory_space<hbm>> -> memref<1x1x128x64xf32, #tpu.memory_space<hbm>>
        %dma_start3A_211 = tpu.memref_squeeze %dma_start3A_210 : memref<1x1x128x64xf32, #tpu.memory_space<hbm>> -> memref<128x64xf32, #tpu.memory_space<hbm>>
        tpu.enqueue_dma source(%arg17 : memref<128x64xf32, #tpu.memory_space<vmem>>) target(%dma_start3A_211 : memref<128x64xf32, #tpu.memory_space<hbm>>) target_semaphore(%run_scoped3A_204 : memref<!tpu.dma_semaphore, #tpu.memory_space<semaphore_mem>>)
        %dma_wait3A = arith.constant 128 : i32
        %dma_wait3A_212 = arith.constant 0 : i32
        %dma_wait3A_213 = tpu.memref_slice %arg9[%run_scoped3A_203, %arg1, %dma_wait3A, %dma_wait3A_212] : memref<2x16x640x64xf32, #tpu.memory_space<hbm>> -> memref<1x1x128x64xf32, #tpu.memory_space<hbm>>
        %dma_wait3A_214 = tpu.memref_squeeze %dma_wait3A_213 : memref<1x1x128x64xf32, #tpu.memory_space<hbm>> -> memref<128x64xf32, #tpu.memory_space<hbm>>
        %dma_wait3A_215 = arith.constant 128 : i32
        %dma_wait3A_216 = arith.constant 0 : i32
        %dma_wait3A_217 = tpu.memref_slice %arg9[%run_scoped3A_203, %arg1, %dma_wait3A_215, %dma_wait3A_216] : memref<2x16x640x64xf32, #tpu.memory_space<hbm>> -> memref<1x1x128x64xf32, #tpu.memory_space<hbm>>
        %dma_wait3A_218 = tpu.memref_squeeze %dma_wait3A_217 : memref<1x1x128x64xf32, #tpu.memory_space<hbm>> -> memref<128x64xf32, #tpu.memory_space<hbm>>
        tpu.wait_dma2 semaphore(%run_scoped3A_204 : memref<!tpu.dma_semaphore, #tpu.memory_space<semaphore_mem>>) src(%arg17 : memref<128x64xf32, #tpu.memory_space<vmem>>) dst(%dma_wait3A_218 : memref<128x64xf32, #tpu.memory_space<hbm>>)
        tpu.yield
      }) : () -> ()
    } else {
    }
    %eq3A_155 = arith.constant 1 : i32
    %eq3A_156 = arith.cmpi eq, %arg0, %eq3A_155 : i32
    %convert_element_type3A_157 = arith.extui %eq3A_156 : i1 to i32
    %cond3A_158 = arith.constant 0 : i32
    %cond3A_159 = arith.cmpi ne, %convert_element_type3A_157, %cond3A_158 : i32
    scf.if %cond3A_159 {
      %run_scoped3A_203 = arith.constant 1 : i32
      "tpu.region"() ({
        %run_scoped3A_204 = tpu.sem_alloc : memref<!tpu.dma_semaphore, #tpu.memory_space<semaphore_mem>>
        %dma_start3A = arith.constant 128 : i32
        %dma_start3A_205 = arith.constant 0 : i32
        %dma_start3A_206 = tpu.memref_slice %arg10[%run_scoped3A_203, %arg1, %dma_start3A, %dma_start3A_205] : memref<2x16x640x64xf32, #tpu.memory_space<hbm>> -> memref<1x1x128x64xf32, #tpu.memory_space<hbm>>
        %dma_start3A_207 = tpu.memref_squeeze %dma_start3A_206 : memref<1x1x128x64xf32, #tpu.memory_space<hbm>> -> memref<128x64xf32, #tpu.memory_space<hbm>>
        %dma_start3A_208 = arith.constant 128 : i32
        %dma_start3A_209 = arith.constant 0 : i32
        %dma_start3A_210 = tpu.memref_slice %arg10[%run_scoped3A_203, %arg1, %dma_start3A_208, %dma_start3A_209] : memref<2x16x640x64xf32, #tpu.memory_space<hbm>> -> memref<1x1x128x64xf32, #tpu.memory_space<hbm>>
        %dma_start3A_211 = tpu.memref_squeeze %dma_start3A_210 : memref<1x1x128x64xf32, #tpu.memory_space<hbm>> -> memref<128x64xf32, #tpu.memory_space<hbm>>
        tpu.enqueue_dma source(%arg17 : memref<128x64xf32, #tpu.memory_space<vmem>>) target(%dma_start3A_211 : memref<128x64xf32, #tpu.memory_space<hbm>>) target_semaphore(%run_scoped3A_204 : memref<!tpu.dma_semaphore, #tpu.memory_space<semaphore_mem>>)
        %dma_wait3A = arith.constant 128 : i32
        %dma_wait3A_212 = arith.constant 0 : i32
        %dma_wait3A_213 = tpu.memref_slice %arg10[%run_scoped3A_203, %arg1, %dma_wait3A, %dma_wait3A_212] : memref<2x16x640x64xf32, #tpu.memory_space<hbm>> -> memref<1x1x128x64xf32, #tpu.memory_space<hbm>>
        %dma_wait3A_214 = tpu.memref_squeeze %dma_wait3A_213 : memref<1x1x128x64xf32, #tpu.memory_space<hbm>> -> memref<128x64xf32, #tpu.memory_space<hbm>>
        %dma_wait3A_215 = arith.constant 128 : i32
        %dma_wait3A_216 = arith.constant 0 : i32
        %dma_wait3A_217 = tpu.memref_slice %arg10[%run_scoped3A_203, %arg1, %dma_wait3A_215, %dma_wait3A_216] : memref<2x16x640x64xf32, #tpu.memory_space<hbm>> -> memref<1x1x128x64xf32, #tpu.memory_space<hbm>>
        %dma_wait3A_218 = tpu.memref_squeeze %dma_wait3A_217 : memref<1x1x128x64xf32, #tpu.memory_space<hbm>> -> memref<128x64xf32, #tpu.memory_space<hbm>>
        tpu.wait_dma2 semaphore(%run_scoped3A_204 : memref<!tpu.dma_semaphore, #tpu.memory_space<semaphore_mem>>) src(%arg17 : memref<128x64xf32, #tpu.memory_space<vmem>>) dst(%dma_wait3A_218 : memref<128x64xf32, #tpu.memory_space<hbm>>)
        tpu.yield
      }) : () -> ()
    } else {
    }
    %mul3A_160 = arith.constant 640 : i32
    %mul3A_161 = arith.muli %arg1, %mul3A_160 : i32
    %add3A_162 = arith.constant 256 : i32
    %add3A_163 = arith.addi %mul3A_161, %add3A_162 : i32
    "tpu.region"() ({
      %run_scoped3A_203 = tpu.sem_alloc : memref<!tpu.dma_semaphore, #tpu.memory_space<semaphore_mem>>
      %dma_start3A = arith.constant 0 : i32
      %dma_start3A_204 = tpu.memref_slice %arg18[%add3A_163, %dma_start3A] : memref<10240x64xf32, #tpu.memory_space<vmem_shared>> -> memref<128x64xf32, #tpu.memory_space<vmem_shared>>
      %dma_start3A_205 = arith.constant 0 : i32
      %dma_start3A_206 = tpu.memref_slice %arg18[%add3A_163, %dma_start3A_205] : memref<10240x64xf32, #tpu.memory_space<vmem_shared>> -> memref<128x64xf32, #tpu.memory_space<vmem_shared>>
      tpu.enqueue_dma source(%dma_start3A_206 : memref<128x64xf32, #tpu.memory_space<vmem_shared>>) target(%arg17 : memref<128x64xf32, #tpu.memory_space<vmem>>) target_semaphore(%run_scoped3A_203 : memref<!tpu.dma_semaphore, #tpu.memory_space<semaphore_mem>>)
      %dma_wait3A = arith.constant 0 : i32
      %dma_wait3A_207 = tpu.memref_slice %arg18[%add3A_163, %dma_wait3A] : memref<10240x64xf32, #tpu.memory_space<vmem_shared>> -> memref<128x64xf32, #tpu.memory_space<vmem_shared>>
      %dma_wait3A_208 = arith.constant 0 : i32
      %dma_wait3A_209 = tpu.memref_slice %arg18[%add3A_163, %dma_wait3A_208] : memref<10240x64xf32, #tpu.memory_space<vmem_shared>> -> memref<128x64xf32, #tpu.memory_space<vmem_shared>>
      tpu.wait_dma2 semaphore(%run_scoped3A_203 : memref<!tpu.dma_semaphore, #tpu.memory_space<semaphore_mem>>) src(%dma_wait3A_209 : memref<128x64xf32, #tpu.memory_space<vmem_shared>>) dst(%arg17 : memref<128x64xf32, #tpu.memory_space<vmem>>)
      tpu.yield
    }) : () -> ()
    %eq3A_164 = arith.constant 0 : i32
    %eq3A_165 = arith.cmpi eq, %arg0, %eq3A_164 : i32
    %convert_element_type3A_166 = arith.extui %eq3A_165 : i1 to i32
    %cond3A_167 = arith.constant 0 : i32
    %cond3A_168 = arith.cmpi ne, %convert_element_type3A_166, %cond3A_167 : i32
    scf.if %cond3A_168 {
      %run_scoped3A_203 = arith.constant 1 : i32
      "tpu.region"() ({
        %run_scoped3A_204 = tpu.sem_alloc : memref<!tpu.dma_semaphore, #tpu.memory_space<semaphore_mem>>
        %dma_start3A = arith.constant 256 : i32
        %dma_start3A_205 = arith.constant 0 : i32
        %dma_start3A_206 = tpu.memref_slice %arg9[%run_scoped3A_203, %arg1, %dma_start3A, %dma_start3A_205] : memref<2x16x640x64xf32, #tpu.memory_space<hbm>> -> memref<1x1x128x64xf32, #tpu.memory_space<hbm>>
        %dma_start3A_207 = tpu.memref_squeeze %dma_start3A_206 : memref<1x1x128x64xf32, #tpu.memory_space<hbm>> -> memref<128x64xf32, #tpu.memory_space<hbm>>
        %dma_start3A_208 = arith.constant 256 : i32
        %dma_start3A_209 = arith.constant 0 : i32
        %dma_start3A_210 = tpu.memref_slice %arg9[%run_scoped3A_203, %arg1, %dma_start3A_208, %dma_start3A_209] : memref<2x16x640x64xf32, #tpu.memory_space<hbm>> -> memref<1x1x128x64xf32, #tpu.memory_space<hbm>>
        %dma_start3A_211 = tpu.memref_squeeze %dma_start3A_210 : memref<1x1x128x64xf32, #tpu.memory_space<hbm>> -> memref<128x64xf32, #tpu.memory_space<hbm>>
        tpu.enqueue_dma source(%arg17 : memref<128x64xf32, #tpu.memory_space<vmem>>) target(%dma_start3A_211 : memref<128x64xf32, #tpu.memory_space<hbm>>) target_semaphore(%run_scoped3A_204 : memref<!tpu.dma_semaphore, #tpu.memory_space<semaphore_mem>>)
        %dma_wait3A = arith.constant 256 : i32
        %dma_wait3A_212 = arith.constant 0 : i32
        %dma_wait3A_213 = tpu.memref_slice %arg9[%run_scoped3A_203, %arg1, %dma_wait3A, %dma_wait3A_212] : memref<2x16x640x64xf32, #tpu.memory_space<hbm>> -> memref<1x1x128x64xf32, #tpu.memory_space<hbm>>
        %dma_wait3A_214 = tpu.memref_squeeze %dma_wait3A_213 : memref<1x1x128x64xf32, #tpu.memory_space<hbm>> -> memref<128x64xf32, #tpu.memory_space<hbm>>
        %dma_wait3A_215 = arith.constant 256 : i32
        %dma_wait3A_216 = arith.constant 0 : i32
        %dma_wait3A_217 = tpu.memref_slice %arg9[%run_scoped3A_203, %arg1, %dma_wait3A_215, %dma_wait3A_216] : memref<2x16x640x64xf32, #tpu.memory_space<hbm>> -> memref<1x1x128x64xf32, #tpu.memory_space<hbm>>
        %dma_wait3A_218 = tpu.memref_squeeze %dma_wait3A_217 : memref<1x1x128x64xf32, #tpu.memory_space<hbm>> -> memref<128x64xf32, #tpu.memory_space<hbm>>
        tpu.wait_dma2 semaphore(%run_scoped3A_204 : memref<!tpu.dma_semaphore, #tpu.memory_space<semaphore_mem>>) src(%arg17 : memref<128x64xf32, #tpu.memory_space<vmem>>) dst(%dma_wait3A_218 : memref<128x64xf32, #tpu.memory_space<hbm>>)
        tpu.yield
      }) : () -> ()
    } else {
    }
    %eq3A_169 = arith.constant 1 : i32
    %eq3A_170 = arith.cmpi eq, %arg0, %eq3A_169 : i32
    %convert_element_type3A_171 = arith.extui %eq3A_170 : i1 to i32
    %cond3A_172 = arith.constant 0 : i32
    %cond3A_173 = arith.cmpi ne, %convert_element_type3A_171, %cond3A_172 : i32
    scf.if %cond3A_173 {
      %run_scoped3A_203 = arith.constant 1 : i32
      "tpu.region"() ({
        %run_scoped3A_204 = tpu.sem_alloc : memref<!tpu.dma_semaphore, #tpu.memory_space<semaphore_mem>>
        %dma_start3A = arith.constant 256 : i32
        %dma_start3A_205 = arith.constant 0 : i32
        %dma_start3A_206 = tpu.memref_slice %arg10[%run_scoped3A_203, %arg1, %dma_start3A, %dma_start3A_205] : memref<2x16x640x64xf32, #tpu.memory_space<hbm>> -> memref<1x1x128x64xf32, #tpu.memory_space<hbm>>
        %dma_start3A_207 = tpu.memref_squeeze %dma_start3A_206 : memref<1x1x128x64xf32, #tpu.memory_space<hbm>> -> memref<128x64xf32, #tpu.memory_space<hbm>>
        %dma_start3A_208 = arith.constant 256 : i32
        %dma_start3A_209 = arith.constant 0 : i32
        %dma_start3A_210 = tpu.memref_slice %arg10[%run_scoped3A_203, %arg1, %dma_start3A_208, %dma_start3A_209] : memref<2x16x640x64xf32, #tpu.memory_space<hbm>> -> memref<1x1x128x64xf32, #tpu.memory_space<hbm>>
        %dma_start3A_211 = tpu.memref_squeeze %dma_start3A_210 : memref<1x1x128x64xf32, #tpu.memory_space<hbm>> -> memref<128x64xf32, #tpu.memory_space<hbm>>
        tpu.enqueue_dma source(%arg17 : memref<128x64xf32, #tpu.memory_space<vmem>>) target(%dma_start3A_211 : memref<128x64xf32, #tpu.memory_space<hbm>>) target_semaphore(%run_scoped3A_204 : memref<!tpu.dma_semaphore, #tpu.memory_space<semaphore_mem>>)
        %dma_wait3A = arith.constant 256 : i32
        %dma_wait3A_212 = arith.constant 0 : i32
        %dma_wait3A_213 = tpu.memref_slice %arg10[%run_scoped3A_203, %arg1, %dma_wait3A, %dma_wait3A_212] : memref<2x16x640x64xf32, #tpu.memory_space<hbm>> -> memref<1x1x128x64xf32, #tpu.memory_space<hbm>>
        %dma_wait3A_214 = tpu.memref_squeeze %dma_wait3A_213 : memref<1x1x128x64xf32, #tpu.memory_space<hbm>> -> memref<128x64xf32, #tpu.memory_space<hbm>>
        %dma_wait3A_215 = arith.constant 256 : i32
        %dma_wait3A_216 = arith.constant 0 : i32
        %dma_wait3A_217 = tpu.memref_slice %arg10[%run_scoped3A_203, %arg1, %dma_wait3A_215, %dma_wait3A_216] : memref<2x16x640x64xf32, #tpu.memory_space<hbm>> -> memref<1x1x128x64xf32, #tpu.memory_space<hbm>>
        %dma_wait3A_218 = tpu.memref_squeeze %dma_wait3A_217 : memref<1x1x128x64xf32, #tpu.memory_space<hbm>> -> memref<128x64xf32, #tpu.memory_space<hbm>>
        tpu.wait_dma2 semaphore(%run_scoped3A_204 : memref<!tpu.dma_semaphore, #tpu.memory_space<semaphore_mem>>) src(%arg17 : memref<128x64xf32, #tpu.memory_space<vmem>>) dst(%dma_wait3A_218 : memref<128x64xf32, #tpu.memory_space<hbm>>)
        tpu.yield
      }) : () -> ()
    } else {
    }
    %mul3A_174 = arith.constant 640 : i32
    %mul3A_175 = arith.muli %arg1, %mul3A_174 : i32
    %add3A_176 = arith.constant 384 : i32
    %add3A_177 = arith.addi %mul3A_175, %add3A_176 : i32
    "tpu.region"() ({
      %run_scoped3A_203 = tpu.sem_alloc : memref<!tpu.dma_semaphore, #tpu.memory_space<semaphore_mem>>
      %dma_start3A = arith.constant 0 : i32
      %dma_start3A_204 = tpu.memref_slice %arg18[%add3A_177, %dma_start3A] : memref<10240x64xf32, #tpu.memory_space<vmem_shared>> -> memref<128x64xf32, #tpu.memory_space<vmem_shared>>
      %dma_start3A_205 = arith.constant 0 : i32
      %dma_start3A_206 = tpu.memref_slice %arg18[%add3A_177, %dma_start3A_205] : memref<10240x64xf32, #tpu.memory_space<vmem_shared>> -> memref<128x64xf32, #tpu.memory_space<vmem_shared>>
      tpu.enqueue_dma source(%dma_start3A_206 : memref<128x64xf32, #tpu.memory_space<vmem_shared>>) target(%arg17 : memref<128x64xf32, #tpu.memory_space<vmem>>) target_semaphore(%run_scoped3A_203 : memref<!tpu.dma_semaphore, #tpu.memory_space<semaphore_mem>>)
      %dma_wait3A = arith.constant 0 : i32
      %dma_wait3A_207 = tpu.memref_slice %arg18[%add3A_177, %dma_wait3A] : memref<10240x64xf32, #tpu.memory_space<vmem_shared>> -> memref<128x64xf32, #tpu.memory_space<vmem_shared>>
      %dma_wait3A_208 = arith.constant 0 : i32
      %dma_wait3A_209 = tpu.memref_slice %arg18[%add3A_177, %dma_wait3A_208] : memref<10240x64xf32, #tpu.memory_space<vmem_shared>> -> memref<128x64xf32, #tpu.memory_space<vmem_shared>>
      tpu.wait_dma2 semaphore(%run_scoped3A_203 : memref<!tpu.dma_semaphore, #tpu.memory_space<semaphore_mem>>) src(%dma_wait3A_209 : memref<128x64xf32, #tpu.memory_space<vmem_shared>>) dst(%arg17 : memref<128x64xf32, #tpu.memory_space<vmem>>)
      tpu.yield
    }) : () -> ()
    %eq3A_178 = arith.constant 0 : i32
    %eq3A_179 = arith.cmpi eq, %arg0, %eq3A_178 : i32
    %convert_element_type3A_180 = arith.extui %eq3A_179 : i1 to i32
    %cond3A_181 = arith.constant 0 : i32
    %cond3A_182 = arith.cmpi ne, %convert_element_type3A_180, %cond3A_181 : i32
    scf.if %cond3A_182 {
      %run_scoped3A_203 = arith.constant 1 : i32
      "tpu.region"() ({
        %run_scoped3A_204 = tpu.sem_alloc : memref<!tpu.dma_semaphore, #tpu.memory_space<semaphore_mem>>
        %dma_start3A = arith.constant 384 : i32
        %dma_start3A_205 = arith.constant 0 : i32
        %dma_start3A_206 = tpu.memref_slice %arg9[%run_scoped3A_203, %arg1, %dma_start3A, %dma_start3A_205] : memref<2x16x640x64xf32, #tpu.memory_space<hbm>> -> memref<1x1x128x64xf32, #tpu.memory_space<hbm>>
        %dma_start3A_207 = tpu.memref_squeeze %dma_start3A_206 : memref<1x1x128x64xf32, #tpu.memory_space<hbm>> -> memref<128x64xf32, #tpu.memory_space<hbm>>
        %dma_start3A_208 = arith.constant 384 : i32
        %dma_start3A_209 = arith.constant 0 : i32
        %dma_start3A_210 = tpu.memref_slice %arg9[%run_scoped3A_203, %arg1, %dma_start3A_208, %dma_start3A_209] : memref<2x16x640x64xf32, #tpu.memory_space<hbm>> -> memref<1x1x128x64xf32, #tpu.memory_space<hbm>>
        %dma_start3A_211 = tpu.memref_squeeze %dma_start3A_210 : memref<1x1x128x64xf32, #tpu.memory_space<hbm>> -> memref<128x64xf32, #tpu.memory_space<hbm>>
        tpu.enqueue_dma source(%arg17 : memref<128x64xf32, #tpu.memory_space<vmem>>) target(%dma_start3A_211 : memref<128x64xf32, #tpu.memory_space<hbm>>) target_semaphore(%run_scoped3A_204 : memref<!tpu.dma_semaphore, #tpu.memory_space<semaphore_mem>>)
        %dma_wait3A = arith.constant 384 : i32
        %dma_wait3A_212 = arith.constant 0 : i32
        %dma_wait3A_213 = tpu.memref_slice %arg9[%run_scoped3A_203, %arg1, %dma_wait3A, %dma_wait3A_212] : memref<2x16x640x64xf32, #tpu.memory_space<hbm>> -> memref<1x1x128x64xf32, #tpu.memory_space<hbm>>
        %dma_wait3A_214 = tpu.memref_squeeze %dma_wait3A_213 : memref<1x1x128x64xf32, #tpu.memory_space<hbm>> -> memref<128x64xf32, #tpu.memory_space<hbm>>
        %dma_wait3A_215 = arith.constant 384 : i32
        %dma_wait3A_216 = arith.constant 0 : i32
        %dma_wait3A_217 = tpu.memref_slice %arg9[%run_scoped3A_203, %arg1, %dma_wait3A_215, %dma_wait3A_216] : memref<2x16x640x64xf32, #tpu.memory_space<hbm>> -> memref<1x1x128x64xf32, #tpu.memory_space<hbm>>
        %dma_wait3A_218 = tpu.memref_squeeze %dma_wait3A_217 : memref<1x1x128x64xf32, #tpu.memory_space<hbm>> -> memref<128x64xf32, #tpu.memory_space<hbm>>
        tpu.wait_dma2 semaphore(%run_scoped3A_204 : memref<!tpu.dma_semaphore, #tpu.memory_space<semaphore_mem>>) src(%arg17 : memref<128x64xf32, #tpu.memory_space<vmem>>) dst(%dma_wait3A_218 : memref<128x64xf32, #tpu.memory_space<hbm>>)
        tpu.yield
      }) : () -> ()
    } else {
    }
    %eq3A_183 = arith.constant 1 : i32
    %eq3A_184 = arith.cmpi eq, %arg0, %eq3A_183 : i32
    %convert_element_type3A_185 = arith.extui %eq3A_184 : i1 to i32
    %cond3A_186 = arith.constant 0 : i32
    %cond3A_187 = arith.cmpi ne, %convert_element_type3A_185, %cond3A_186 : i32
    scf.if %cond3A_187 {
      %run_scoped3A_203 = arith.constant 1 : i32
      "tpu.region"() ({
        %run_scoped3A_204 = tpu.sem_alloc : memref<!tpu.dma_semaphore, #tpu.memory_space<semaphore_mem>>
        %dma_start3A = arith.constant 384 : i32
        %dma_start3A_205 = arith.constant 0 : i32
        %dma_start3A_206 = tpu.memref_slice %arg10[%run_scoped3A_203, %arg1, %dma_start3A, %dma_start3A_205] : memref<2x16x640x64xf32, #tpu.memory_space<hbm>> -> memref<1x1x128x64xf32, #tpu.memory_space<hbm>>
        %dma_start3A_207 = tpu.memref_squeeze %dma_start3A_206 : memref<1x1x128x64xf32, #tpu.memory_space<hbm>> -> memref<128x64xf32, #tpu.memory_space<hbm>>
        %dma_start3A_208 = arith.constant 384 : i32
        %dma_start3A_209 = arith.constant 0 : i32
        %dma_start3A_210 = tpu.memref_slice %arg10[%run_scoped3A_203, %arg1, %dma_start3A_208, %dma_start3A_209] : memref<2x16x640x64xf32, #tpu.memory_space<hbm>> -> memref<1x1x128x64xf32, #tpu.memory_space<hbm>>
        %dma_start3A_211 = tpu.memref_squeeze %dma_start3A_210 : memref<1x1x128x64xf32, #tpu.memory_space<hbm>> -> memref<128x64xf32, #tpu.memory_space<hbm>>
        tpu.enqueue_dma source(%arg17 : memref<128x64xf32, #tpu.memory_space<vmem>>) target(%dma_start3A_211 : memref<128x64xf32, #tpu.memory_space<hbm>>) target_semaphore(%run_scoped3A_204 : memref<!tpu.dma_semaphore, #tpu.memory_space<semaphore_mem>>)
        %dma_wait3A = arith.constant 384 : i32
        %dma_wait3A_212 = arith.constant 0 : i32
        %dma_wait3A_213 = tpu.memref_slice %arg10[%run_scoped3A_203, %arg1, %dma_wait3A, %dma_wait3A_212] : memref<2x16x640x64xf32, #tpu.memory_space<hbm>> -> memref<1x1x128x64xf32, #tpu.memory_space<hbm>>
        %dma_wait3A_214 = tpu.memref_squeeze %dma_wait3A_213 : memref<1x1x128x64xf32, #tpu.memory_space<hbm>> -> memref<128x64xf32, #tpu.memory_space<hbm>>
        %dma_wait3A_215 = arith.constant 384 : i32
        %dma_wait3A_216 = arith.constant 0 : i32
        %dma_wait3A_217 = tpu.memref_slice %arg10[%run_scoped3A_203, %arg1, %dma_wait3A_215, %dma_wait3A_216] : memref<2x16x640x64xf32, #tpu.memory_space<hbm>> -> memref<1x1x128x64xf32, #tpu.memory_space<hbm>>
        %dma_wait3A_218 = tpu.memref_squeeze %dma_wait3A_217 : memref<1x1x128x64xf32, #tpu.memory_space<hbm>> -> memref<128x64xf32, #tpu.memory_space<hbm>>
        tpu.wait_dma2 semaphore(%run_scoped3A_204 : memref<!tpu.dma_semaphore, #tpu.memory_space<semaphore_mem>>) src(%arg17 : memref<128x64xf32, #tpu.memory_space<vmem>>) dst(%dma_wait3A_218 : memref<128x64xf32, #tpu.memory_space<hbm>>)
        tpu.yield
      }) : () -> ()
    } else {
    }
    %mul3A_188 = arith.constant 640 : i32
    %mul3A_189 = arith.muli %arg1, %mul3A_188 : i32
    %add3A_190 = arith.constant 512 : i32
    %add3A_191 = arith.addi %mul3A_189, %add3A_190 : i32
    "tpu.region"() ({
      %run_scoped3A_203 = tpu.sem_alloc : memref<!tpu.dma_semaphore, #tpu.memory_space<semaphore_mem>>
      %dma_start3A = arith.constant 0 : i32
      %dma_start3A_204 = tpu.memref_slice %arg18[%add3A_191, %dma_start3A] : memref<10240x64xf32, #tpu.memory_space<vmem_shared>> -> memref<128x64xf32, #tpu.memory_space<vmem_shared>>
      %dma_start3A_205 = arith.constant 0 : i32
      %dma_start3A_206 = tpu.memref_slice %arg18[%add3A_191, %dma_start3A_205] : memref<10240x64xf32, #tpu.memory_space<vmem_shared>> -> memref<128x64xf32, #tpu.memory_space<vmem_shared>>
      tpu.enqueue_dma source(%dma_start3A_206 : memref<128x64xf32, #tpu.memory_space<vmem_shared>>) target(%arg17 : memref<128x64xf32, #tpu.memory_space<vmem>>) target_semaphore(%run_scoped3A_203 : memref<!tpu.dma_semaphore, #tpu.memory_space<semaphore_mem>>)
      %dma_wait3A = arith.constant 0 : i32
      %dma_wait3A_207 = tpu.memref_slice %arg18[%add3A_191, %dma_wait3A] : memref<10240x64xf32, #tpu.memory_space<vmem_shared>> -> memref<128x64xf32, #tpu.memory_space<vmem_shared>>
      %dma_wait3A_208 = arith.constant 0 : i32
      %dma_wait3A_209 = tpu.memref_slice %arg18[%add3A_191, %dma_wait3A_208] : memref<10240x64xf32, #tpu.memory_space<vmem_shared>> -> memref<128x64xf32, #tpu.memory_space<vmem_shared>>
      tpu.wait_dma2 semaphore(%run_scoped3A_203 : memref<!tpu.dma_semaphore, #tpu.memory_space<semaphore_mem>>) src(%dma_wait3A_209 : memref<128x64xf32, #tpu.memory_space<vmem_shared>>) dst(%arg17 : memref<128x64xf32, #tpu.memory_space<vmem>>)
      tpu.yield
    }) : () -> ()
    %eq3A_192 = arith.constant 0 : i32
    %eq3A_193 = arith.cmpi eq, %arg0, %eq3A_192 : i32
    %convert_element_type3A_194 = arith.extui %eq3A_193 : i1 to i32
    %cond3A_195 = arith.constant 0 : i32
    %cond3A_196 = arith.cmpi ne, %convert_element_type3A_194, %cond3A_195 : i32
    scf.if %cond3A_196 {
      %run_scoped3A_203 = arith.constant 1 : i32
      "tpu.region"() ({
        %run_scoped3A_204 = tpu.sem_alloc : memref<!tpu.dma_semaphore, #tpu.memory_space<semaphore_mem>>
        %dma_start3A = arith.constant 512 : i32
        %dma_start3A_205 = arith.constant 0 : i32
        %dma_start3A_206 = tpu.memref_slice %arg9[%run_scoped3A_203, %arg1, %dma_start3A, %dma_start3A_205] : memref<2x16x640x64xf32, #tpu.memory_space<hbm>> -> memref<1x1x128x64xf32, #tpu.memory_space<hbm>>
        %dma_start3A_207 = tpu.memref_squeeze %dma_start3A_206 : memref<1x1x128x64xf32, #tpu.memory_space<hbm>> -> memref<128x64xf32, #tpu.memory_space<hbm>>
        %dma_start3A_208 = arith.constant 512 : i32
        %dma_start3A_209 = arith.constant 0 : i32
        %dma_start3A_210 = tpu.memref_slice %arg9[%run_scoped3A_203, %arg1, %dma_start3A_208, %dma_start3A_209] : memref<2x16x640x64xf32, #tpu.memory_space<hbm>> -> memref<1x1x128x64xf32, #tpu.memory_space<hbm>>
        %dma_start3A_211 = tpu.memref_squeeze %dma_start3A_210 : memref<1x1x128x64xf32, #tpu.memory_space<hbm>> -> memref<128x64xf32, #tpu.memory_space<hbm>>
        tpu.enqueue_dma source(%arg17 : memref<128x64xf32, #tpu.memory_space<vmem>>) target(%dma_start3A_211 : memref<128x64xf32, #tpu.memory_space<hbm>>) target_semaphore(%run_scoped3A_204 : memref<!tpu.dma_semaphore, #tpu.memory_space<semaphore_mem>>)
        %dma_wait3A = arith.constant 512 : i32
        %dma_wait3A_212 = arith.constant 0 : i32
        %dma_wait3A_213 = tpu.memref_slice %arg9[%run_scoped3A_203, %arg1, %dma_wait3A, %dma_wait3A_212] : memref<2x16x640x64xf32, #tpu.memory_space<hbm>> -> memref<1x1x128x64xf32, #tpu.memory_space<hbm>>
        %dma_wait3A_214 = tpu.memref_squeeze %dma_wait3A_213 : memref<1x1x128x64xf32, #tpu.memory_space<hbm>> -> memref<128x64xf32, #tpu.memory_space<hbm>>
        %dma_wait3A_215 = arith.constant 512 : i32
        %dma_wait3A_216 = arith.constant 0 : i32
        %dma_wait3A_217 = tpu.memref_slice %arg9[%run_scoped3A_203, %arg1, %dma_wait3A_215, %dma_wait3A_216] : memref<2x16x640x64xf32, #tpu.memory_space<hbm>> -> memref<1x1x128x64xf32, #tpu.memory_space<hbm>>
        %dma_wait3A_218 = tpu.memref_squeeze %dma_wait3A_217 : memref<1x1x128x64xf32, #tpu.memory_space<hbm>> -> memref<128x64xf32, #tpu.memory_space<hbm>>
        tpu.wait_dma2 semaphore(%run_scoped3A_204 : memref<!tpu.dma_semaphore, #tpu.memory_space<semaphore_mem>>) src(%arg17 : memref<128x64xf32, #tpu.memory_space<vmem>>) dst(%dma_wait3A_218 : memref<128x64xf32, #tpu.memory_space<hbm>>)
        tpu.yield
      }) : () -> ()
    } else {
    }
    %eq3A_197 = arith.constant 1 : i32
    %eq3A_198 = arith.cmpi eq, %arg0, %eq3A_197 : i32
    %convert_element_type3A_199 = arith.extui %eq3A_198 : i1 to i32
    %cond3A_200 = arith.constant 0 : i32
    %cond3A_201 = arith.cmpi ne, %convert_element_type3A_199, %cond3A_200 : i32
    scf.if %cond3A_201 {
      %run_scoped3A_203 = arith.constant 1 : i32
      "tpu.region"() ({
        %run_scoped3A_204 = tpu.sem_alloc : memref<!tpu.dma_semaphore, #tpu.memory_space<semaphore_mem>>
        %dma_start3A = arith.constant 512 : i32
        %dma_start3A_205 = arith.constant 0 : i32
        %dma_start3A_206 = tpu.memref_slice %arg10[%run_scoped3A_203, %arg1, %dma_start3A, %dma_start3A_205] : memref<2x16x640x64xf32, #tpu.memory_space<hbm>> -> memref<1x1x128x64xf32, #tpu.memory_space<hbm>>
        %dma_start3A_207 = tpu.memref_squeeze %dma_start3A_206 : memref<1x1x128x64xf32, #tpu.memory_space<hbm>> -> memref<128x64xf32, #tpu.memory_space<hbm>>
        %dma_start3A_208 = arith.constant 512 : i32
        %dma_start3A_209 = arith.constant 0 : i32
        %dma_start3A_210 = tpu.memref_slice %arg10[%run_scoped3A_203, %arg1, %dma_start3A_208, %dma_start3A_209] : memref<2x16x640x64xf32, #tpu.memory_space<hbm>> -> memref<1x1x128x64xf32, #tpu.memory_space<hbm>>
        %dma_start3A_211 = tpu.memref_squeeze %dma_start3A_210 : memref<1x1x128x64xf32, #tpu.memory_space<hbm>> -> memref<128x64xf32, #tpu.memory_space<hbm>>
        tpu.enqueue_dma source(%arg17 : memref<128x64xf32, #tpu.memory_space<vmem>>) target(%dma_start3A_211 : memref<128x64xf32, #tpu.memory_space<hbm>>) target_semaphore(%run_scoped3A_204 : memref<!tpu.dma_semaphore, #tpu.memory_space<semaphore_mem>>)
        %dma_wait3A = arith.constant 512 : i32
        %dma_wait3A_212 = arith.constant 0 : i32
        %dma_wait3A_213 = tpu.memref_slice %arg10[%run_scoped3A_203, %arg1, %dma_wait3A, %dma_wait3A_212] : memref<2x16x640x64xf32, #tpu.memory_space<hbm>> -> memref<1x1x128x64xf32, #tpu.memory_space<hbm>>
        %dma_wait3A_214 = tpu.memref_squeeze %dma_wait3A_213 : memref<1x1x128x64xf32, #tpu.memory_space<hbm>> -> memref<128x64xf32, #tpu.memory_space<hbm>>
        %dma_wait3A_215 = arith.constant 512 : i32
        %dma_wait3A_216 = arith.constant 0 : i32
        %dma_wait3A_217 = tpu.memref_slice %arg10[%run_scoped3A_203, %arg1, %dma_wait3A_215, %dma_wait3A_216] : memref<2x16x640x64xf32, #tpu.memory_space<hbm>> -> memref<1x1x128x64xf32, #tpu.memory_space<hbm>>
        %dma_wait3A_218 = tpu.memref_squeeze %dma_wait3A_217 : memref<1x1x128x64xf32, #tpu.memory_space<hbm>> -> memref<128x64xf32, #tpu.memory_space<hbm>>
        tpu.wait_dma2 semaphore(%run_scoped3A_204 : memref<!tpu.dma_semaphore, #tpu.memory_space<semaphore_mem>>) src(%arg17 : memref<128x64xf32, #tpu.memory_space<vmem>>) dst(%dma_wait3A_218 : memref<128x64xf32, #tpu.memory_space<hbm>>)
        tpu.yield
      }) : () -> ()
    } else {
    }
    %barrier3A_202 = arith.constant 0 : index
    tpu.barrier barrier_id(%barrier3A_202)
    return
  }
}

module attributes {stable_mosaic.version = 14 : i64} {
  func.func @_t0_body(%arg0: memref<10000x128xf32, #tpu.memory_space<vmem>>, %arg1: memref<128x128xf32, #tpu.memory_space<vmem>>, %arg2: memref<10000x128xf32, #tpu.memory_space<vmem>>) attributes {dimension_semantics = [], scalar_prefetch = 0 : i64, scratch_operands = 0 : i64, tpu.core_type = #tpu.core_type<tc>} {
    %get3A = arith.constant 0 : index
    %get3A_0 = arith.constant 0 : index
    %get3A_1 = vector.load %arg0[%get3A, %get3A_0] : memref<10000x128xf32, #tpu.memory_space<vmem>>, vector<10000x128xf32>
    %get3A_2 = arith.constant 0 : index
    %get3A_3 = arith.constant 0 : index
    %get3A_4 = vector.load %arg1[%get3A_2, %get3A_3] : memref<128x128xf32, #tpu.memory_space<vmem>>, vector<128x128xf32>
    %dot_general3A = arith.constant dense<0.000000e+00> : vector<10000x128xf32>
    %dot_general3A_5 = tpu.matmul %get3A_1, %get3A_4, %dot_general3A {dimension_numbers = #tpu.dot_dimension_numbers<[1], [0], [0], [1], [0, 0, 1, 1], [], []>, precision = #tpu.contract_precision<fp32>, transpose_lhs_hint = false} : vector<10000x128xf32>, vector<128x128xf32>, vector<10000x128xf32> -> vector<10000x128xf32>
    %swap3A = arith.constant 0 : index
    %swap3A_6 = arith.constant 0 : index
    %swap3A_7 = vector.load %arg2[%swap3A, %swap3A_6] : memref<10000x128xf32, #tpu.memory_space<vmem>>, vector<10000x128xf32>
    tpu.vector_store %arg2[%swap3A, %swap3A_6], %dot_general3A_5 {strides = array<i32>} : memref<10000x128xf32, #tpu.memory_space<vmem>>, vector<10000x128xf32>,
    return
  }
}

module attributes {stable_mosaic.version = 14 : i64} {
  func.func @_t1_body(%arg0: memref<10000x128xf32, #tpu.memory_space<vmem>>, %arg1: memref<10000x1xf32, #tpu.memory_space<vmem>>, %arg2: memref<10000x64xf32, #tpu.memory_space<vmem>>, %arg3: memref<10000x64xf32, #tpu.memory_space<vmem>>, %arg4: memref<10000x1xf32, #tpu.memory_space<vmem>>) attributes {dimension_semantics = [], scalar_prefetch = 0 : i64, scratch_operands = 0 : i64, tpu.core_type = #tpu.core_type<tc>} {
    %get3A = arith.constant 0 : index
    %get3A_0 = arith.constant 0 : index
    %get3A_1 = vector.load %arg1[%get3A, %get3A_0] : memref<10000x1xf32, #tpu.memory_space<vmem>>, vector<10000x1xf32>
    %add3A = arith.constant 1.000000e+00 : f32
    %add3A_2 = vector.broadcast %add3A : f32 to vector<10000x1xf32>
    %add3A_3 = arith.addf %get3A_1, %add3A_2 : vector<10000x1xf32>
    %rsqrt3A = math.rsqrt %add3A_3 : vector<10000x1xf32>
    %get3A_4 = arith.constant 0 : index
    %get3A_5 = arith.constant 0 : index
    %get3A_6 = vector.load %arg0[%get3A_4, %get3A_5] : memref<10000x128xf32, #tpu.memory_space<vmem>>, vector<10000x128xf32>
    %mul3A = vector.broadcast %rsqrt3A : vector<10000x1xf32> to vector<10000x128xf32>
    %mul3A_7 = arith.mulf %mul3A, %get3A_6 : vector<10000x128xf32>
    %slice3A = vector.extract_strided_slice %mul3A_7 {offsets = [0, 0], sizes = [10000, 64], strides = [1, 1]} : vector<10000x128xf32> to vector<10000x64xf32>
    %swap3A = arith.constant 0 : index
    %swap3A_8 = arith.constant 0 : index
    %swap3A_9 = vector.load %arg2[%swap3A, %swap3A_8] : memref<10000x64xf32, #tpu.memory_space<vmem>>, vector<10000x64xf32>
    tpu.vector_store %arg2[%swap3A, %swap3A_8], %slice3A {strides = array<i32>} : memref<10000x64xf32, #tpu.memory_space<vmem>>, vector<10000x64xf32>,
    %slice3A_10 = vector.extract_strided_slice %mul3A_7 {offsets = [0, 64], sizes = [10000, 64], strides = [1, 1]} : vector<10000x128xf32> to vector<10000x64xf32>
    %swap3A_11 = arith.constant 0 : index
    %swap3A_12 = arith.constant 0 : index
    %swap3A_13 = vector.load %arg3[%swap3A_11, %swap3A_12] : memref<10000x64xf32, #tpu.memory_space<vmem>>, vector<10000x64xf32>
    tpu.vector_store %arg3[%swap3A_11, %swap3A_12], %slice3A_10 {strides = array<i32>} : memref<10000x64xf32, #tpu.memory_space<vmem>>, vector<10000x64xf32>,
    %swap3A_14 = arith.constant 0 : index
    %swap3A_15 = arith.constant 0 : index
    %swap3A_16 = vector.load %arg4[%swap3A_14, %swap3A_15] : memref<10000x1xf32, #tpu.memory_space<vmem>>, vector<10000x1xf32>
    tpu.vector_store %arg4[%swap3A_14, %swap3A_15], %rsqrt3A {strides = array<i32>} : memref<10000x1xf32, #tpu.memory_space<vmem>>, vector<10000x1xf32>,
    return
  }
}

module attributes {stable_mosaic.version = 14 : i64} {
  func.func @_t2_body(%arg0: memref<10000x64xf32, #tpu.memory_space<vmem>>, %arg1: memref<10000x64xf32, #tpu.memory_space<vmem>>, %arg2: memref<10000x64xf32, #tpu.memory_space<vmem>>, %arg3: memref<10000x64xf32, #tpu.memory_space<vmem>>, %arg4: memref<10000x1xf32, #tpu.memory_space<vmem>>, %arg5: memref<1x10000xf32, #tpu.memory_space<vmem>>, %arg6: memref<1x10000xf32, #tpu.memory_space<vmem>>, %arg7: memref<1x128xf32, #tpu.memory_space<vmem>>, %arg8: memref<1x128xf32, #tpu.memory_space<vmem>>) attributes {dimension_semantics = [], scalar_prefetch = 0 : i64, scratch_operands = 0 : i64, tpu.core_type = #tpu.core_type<tc>} {
    %get3A = arith.constant 0 : index
    %get3A_0 = arith.constant 0 : index
    %get3A_1 = vector.load %arg4[%get3A, %get3A_0] : memref<10000x1xf32, #tpu.memory_space<vmem>>, vector<10000x1xf32>
    %get3A_2 = arith.constant 0 : index
    %get3A_3 = arith.constant 0 : index
    %get3A_4 = vector.load %arg0[%get3A_2, %get3A_3] : memref<10000x64xf32, #tpu.memory_space<vmem>>, vector<10000x64xf32>
    %get3A_5 = arith.constant 0 : index
    %get3A_6 = arith.constant 0 : index
    %get3A_7 = vector.load %arg1[%get3A_5, %get3A_6] : memref<10000x64xf32, #tpu.memory_space<vmem>>, vector<10000x64xf32>
    %concatenate3A = tpu.concatenate %get3A_4, %get3A_7 in 1 : vector<10000x64xf32>, vector<10000x64xf32> -> vector<10000x128xf32>
    %get3A_8 = arith.constant 0 : index
    %get3A_9 = arith.constant 0 : index
    %get3A_10 = vector.load %arg2[%get3A_8, %get3A_9] : memref<10000x64xf32, #tpu.memory_space<vmem>>, vector<10000x64xf32>
    %get3A_11 = arith.constant 0 : index
    %get3A_12 = arith.constant 0 : index
    %get3A_13 = vector.load %arg3[%get3A_11, %get3A_12] : memref<10000x64xf32, #tpu.memory_space<vmem>>, vector<10000x64xf32>
    %concatenate3A_14 = tpu.concatenate %get3A_10, %get3A_13 in 1 : vector<10000x64xf32>, vector<10000x64xf32> -> vector<10000x128xf32>
    %add3A = arith.addf %concatenate3A, %concatenate3A_14 : vector<10000x128xf32>
    %mul3A = vector.broadcast %get3A_1 : vector<10000x1xf32> to vector<10000x128xf32>
    %mul3A_15 = arith.mulf %mul3A, %add3A : vector<10000x128xf32>
    %get3A_16 = arith.constant 0 : index
    %get3A_17 = arith.constant 0 : index
    %get3A_18 = vector.load %arg7[%get3A_16, %get3A_17] : memref<1x128xf32, #tpu.memory_space<vmem>>, vector<1x128xf32>
    %add3A_19 = vector.broadcast %get3A_18 : vector<1x128xf32> to vector<10000x128xf32>
    %add3A_20 = arith.addf %mul3A_15, %add3A_19 : vector<10000x128xf32>
    %gt3A = arith.constant 0.000000e+00 : f32
    %gt3A_21 = vector.broadcast %gt3A : f32 to vector<10000x128xf32>
    %gt3A_22 = arith.cmpf ogt, %add3A_20, %gt3A_21 : vector<10000x128xf32>
    %min3A = arith.constant 0.000000e+00 : f32
    %min3A_23 = vector.broadcast %min3A : f32 to vector<10000x128xf32>
    %min3A_24 = arith.minimumf %add3A_20, %min3A_23 : vector<10000x128xf32>
    %exp3A = math.exp %min3A_24 : vector<10000x128xf32>
    %sub3A = arith.constant 1.000000e+00 : f32
    %sub3A_25 = vector.broadcast %sub3A : f32 to vector<10000x128xf32>
    %sub3A_26 = arith.subf %exp3A, %sub3A_25 : vector<10000x128xf32>
    %select_n3A = arith.select %gt3A_22, %add3A_20, %sub3A_26 : vector<10000x128xi1>, vector<10000x128xf32>
    %get3A_27 = arith.constant 0 : index
    %get3A_28 = arith.constant 0 : index
    %get3A_29 = vector.load %arg5[%get3A_27, %get3A_28] : memref<1x10000xf32, #tpu.memory_space<vmem>>, vector<1x10000xf32>
    %get3A_30 = arith.constant 0 : index
    %get3A_31 = arith.constant 0 : index
    %get3A_32 = vector.load %arg6[%get3A_30, %get3A_31] : memref<1x10000xf32, #tpu.memory_space<vmem>>, vector<1x10000xf32>
    %add3A_33 = arith.addf %get3A_32, %get3A_29 : vector<1x10000xf32>
    %mul3A_34 = arith.mulf %get3A_29, %add3A_33 : vector<1x10000xf32>
    %dot_general3A = arith.constant dense<0.000000e+00> : vector<1x128xf32>
    %dot_general3A_35 = tpu.matmul %mul3A_34, %select_n3A, %dot_general3A {dimension_numbers = #tpu.dot_dimension_numbers<[1], [0], [0], [1], [0, 0, 1, 1], [], []>, precision = #tpu.contract_precision<fp32>, transpose_lhs_hint = false} : vector<1x10000xf32>, vector<10000x128xf32>, vector<1x128xf32> -> vector<1x128xf32>
    %swap3A = arith.constant 0 : index
    %swap3A_36 = arith.constant 0 : index
    %swap3A_37 = vector.load %arg8[%swap3A, %swap3A_36] : memref<1x128xf32, #tpu.memory_space<vmem>>, vector<1x128xf32>
    tpu.vector_store %arg8[%swap3A, %swap3A_36], %dot_general3A_35 {strides = array<i32>} : memref<1x128xf32, #tpu.memory_space<vmem>>, vector<1x128xf32>,
    return
  }
}

module attributes {stable_mosaic.version = 14 : i64} {
  func.func @_t3_body(%arg0: memref<1x128xf32, #tpu.memory_space<vmem>>, %arg1: memref<1x128xf32, #tpu.memory_space<vmem>>, %arg2: memref<128x128xf32, #tpu.memory_space<vmem>>, %arg3: memref<1x128xf32, #tpu.memory_space<vmem>>, %arg4: memref<1x18xf32, #tpu.memory_space<vmem>>, %arg5: memref<146x128xf32, #tpu.memory_space<vmem>>, %arg6: memref<1x128xf32, #tpu.memory_space<vmem>>, %arg7: memref<256x128xf32, #tpu.memory_space<vmem>>, %arg8: memref<1x128xf32, #tpu.memory_space<vmem>>, %arg9: memref<128x128xf32, #tpu.memory_space<vmem>>, %arg10: memref<1x128xf32, #tpu.memory_space<vmem>>, %arg11: memref<128x18xf32, #tpu.memory_space<vmem>>, %arg12: memref<1x18xf32, #tpu.memory_space<vmem>>, %arg13: memref<1x128xf32, #tpu.memory_space<vmem>>, %arg14: memref<1x128xf32, #tpu.memory_space<vmem>>, %arg15: memref<1x18xf32, #tpu.memory_space<vmem>>) attributes {dimension_semantics = [], scalar_prefetch = 0 : i64, scratch_operands = 0 : i64, tpu.core_type = #tpu.core_type<tc>} {
    %get3A = arith.constant 0 : index
    %get3A_0 = arith.constant 0 : index
    %get3A_1 = vector.load %arg0[%get3A, %get3A_0] : memref<1x128xf32, #tpu.memory_space<vmem>>, vector<1x128xf32>
    %mul3A = arith.constant 9.99999974E-5 : f32
    %mul3A_2 = vector.broadcast %mul3A : f32 to vector<1x128xf32>
    %mul3A_3 = arith.mulf %get3A_1, %mul3A_2 : vector<1x128xf32>
    %get3A_4 = arith.constant 0 : index
    %get3A_5 = arith.constant 0 : index
    %get3A_6 = vector.load %arg2[%get3A_4, %get3A_5] : memref<128x128xf32, #tpu.memory_space<vmem>>, vector<128x128xf32>
    %dot_general3A = arith.constant dense<0.000000e+00> : vector<1x128xf32>
    %dot_general3A_7 = tpu.matmul %mul3A_3, %get3A_6, %dot_general3A {dimension_numbers = #tpu.dot_dimension_numbers<[1], [0], [0], [1], [0, 0, 1, 1], [], []>, precision = #tpu.contract_precision<fp32>, transpose_lhs_hint = false} : vector<1x128xf32>, vector<128x128xf32>, vector<1x128xf32> -> vector<1x128xf32>
    %get3A_8 = arith.constant 0 : index
    %get3A_9 = arith.constant 0 : index
    %get3A_10 = vector.load %arg3[%get3A_8, %get3A_9] : memref<1x128xf32, #tpu.memory_space<vmem>>, vector<1x128xf32>
    %add3A = arith.addf %dot_general3A_7, %get3A_10 : vector<1x128xf32>
    %get3A_11 = arith.constant 0 : index
    %get3A_12 = arith.constant 0 : index
    %get3A_13 = vector.load %arg1[%get3A_11, %get3A_12] : memref<1x128xf32, #tpu.memory_space<vmem>>, vector<1x128xf32>
    %mul3A_14 = arith.constant 9.99999974E-5 : f32
    %mul3A_15 = vector.broadcast %mul3A_14 : f32 to vector<1x128xf32>
    %mul3A_16 = arith.mulf %get3A_13, %mul3A_15 : vector<1x128xf32>
    %get3A_17 = arith.constant 0 : index
    %get3A_18 = arith.constant 0 : index
    %get3A_19 = vector.load %arg2[%get3A_17, %get3A_18] : memref<128x128xf32, #tpu.memory_space<vmem>>, vector<128x128xf32>
    %dot_general3A_20 = arith.constant dense<0.000000e+00> : vector<1x128xf32>
    %dot_general3A_21 = tpu.matmul %mul3A_16, %get3A_19, %dot_general3A_20 {dimension_numbers = #tpu.dot_dimension_numbers<[1], [0], [0], [1], [0, 0, 1, 1], [], []>, precision = #tpu.contract_precision<fp32>, transpose_lhs_hint = false} : vector<1x128xf32>, vector<128x128xf32>, vector<1x128xf32> -> vector<1x128xf32>
    %get3A_22 = arith.constant 0 : index
    %get3A_23 = arith.constant 0 : index
    %get3A_24 = vector.load %arg3[%get3A_22, %get3A_23] : memref<1x128xf32, #tpu.memory_space<vmem>>, vector<1x128xf32>
    %add3A_25 = arith.addf %dot_general3A_21, %get3A_24 : vector<1x128xf32>
    %swap3A = arith.constant 0 : index
    %swap3A_26 = arith.constant 0 : index
    %swap3A_27 = vector.load %arg13[%swap3A, %swap3A_26] : memref<1x128xf32, #tpu.memory_space<vmem>>, vector<1x128xf32>
    tpu.vector_store %arg13[%swap3A, %swap3A_26], %add3A_25 {strides = array<i32>} : memref<1x128xf32, #tpu.memory_space<vmem>>, vector<1x128xf32>,
    %get3A_28 = arith.constant 0 : index
    %get3A_29 = arith.constant 0 : index
    %get3A_30 = vector.load %arg4[%get3A_28, %get3A_29] : memref<1x18xf32, #tpu.memory_space<vmem>>, vector<1x18xf32>
    %concatenate3A = tpu.concatenate %get3A_30, %add3A in 1 : vector<1x18xf32>, vector<1x128xf32> -> vector<1x146xf32>
    %get3A_31 = arith.constant 0 : index
    %get3A_32 = arith.constant 0 : index
    %get3A_33 = vector.load %arg5[%get3A_31, %get3A_32] : memref<146x128xf32, #tpu.memory_space<vmem>>, vector<146x128xf32>
    %dot_general3A_34 = arith.constant dense<0.000000e+00> : vector<1x128xf32>
    %dot_general3A_35 = tpu.matmul %concatenate3A, %get3A_33, %dot_general3A_34 {dimension_numbers = #tpu.dot_dimension_numbers<[1], [0], [0], [1], [0, 0, 1, 1], [], []>, precision = #tpu.contract_precision<fp32>, transpose_lhs_hint = false} : vector<1x146xf32>, vector<146x128xf32>, vector<1x128xf32> -> vector<1x128xf32>
    %get3A_36 = arith.constant 0 : index
    %get3A_37 = arith.constant 0 : index
    %get3A_38 = vector.load %arg6[%get3A_36, %get3A_37] : memref<1x128xf32, #tpu.memory_space<vmem>>, vector<1x128xf32>
    %add3A_39 = arith.addf %dot_general3A_35, %get3A_38 : vector<1x128xf32>
    %swap3A_40 = arith.constant 0 : index
    %swap3A_41 = arith.constant 0 : index
    %swap3A_42 = vector.load %arg14[%swap3A_40, %swap3A_41] : memref<1x128xf32, #tpu.memory_space<vmem>>, vector<1x128xf32>
    tpu.vector_store %arg14[%swap3A_40, %swap3A_41], %add3A_39 {strides = array<i32>} : memref<1x128xf32, #tpu.memory_space<vmem>>, vector<1x128xf32>,
    %concatenate3A_43 = tpu.concatenate %add3A, %add3A_25 in 1 : vector<1x128xf32>, vector<1x128xf32> -> vector<1x256xf32>
    %get3A_44 = arith.constant 0 : index
    %get3A_45 = arith.constant 0 : index
    %get3A_46 = vector.load %arg7[%get3A_44, %get3A_45] : memref<256x128xf32, #tpu.memory_space<vmem>>, vector<256x128xf32>
    %dot_general3A_47 = arith.constant dense<0.000000e+00> : vector<1x128xf32>
    %dot_general3A_48 = tpu.matmul %concatenate3A_43, %get3A_46, %dot_general3A_47 {dimension_numbers = #tpu.dot_dimension_numbers<[1], [0], [0], [1], [0, 0, 1, 1], [], []>, precision = #tpu.contract_precision<fp32>, transpose_lhs_hint = false} : vector<1x256xf32>, vector<256x128xf32>, vector<1x128xf32> -> vector<1x128xf32>
    %get3A_49 = arith.constant 0 : index
    %get3A_50 = arith.constant 0 : index
    %get3A_51 = vector.load %arg8[%get3A_49, %get3A_50] : memref<1x128xf32, #tpu.memory_space<vmem>>, vector<1x128xf32>
    %add3A_52 = arith.addf %dot_general3A_48, %get3A_51 : vector<1x128xf32>
    %max3A = arith.constant 0.000000e+00 : f32
    %max3A_53 = vector.broadcast %max3A : f32 to vector<1x128xf32>
    %max3A_54 = arith.maximumf %add3A_52, %max3A_53 : vector<1x128xf32>
    %get3A_55 = arith.constant 0 : index
    %get3A_56 = arith.constant 0 : index
    %get3A_57 = vector.load %arg9[%get3A_55, %get3A_56] : memref<128x128xf32, #tpu.memory_space<vmem>>, vector<128x128xf32>
    %dot_general3A_58 = arith.constant dense<0.000000e+00> : vector<1x128xf32>
    %dot_general3A_59 = tpu.matmul %max3A_54, %get3A_57, %dot_general3A_58 {dimension_numbers = #tpu.dot_dimension_numbers<[1], [0], [0], [1], [0, 0, 1, 1], [], []>, precision = #tpu.contract_precision<fp32>, transpose_lhs_hint = false} : vector<1x128xf32>, vector<128x128xf32>, vector<1x128xf32> -> vector<1x128xf32>
    %get3A_60 = arith.constant 0 : index
    %get3A_61 = arith.constant 0 : index
    %get3A_62 = vector.load %arg10[%get3A_60, %get3A_61] : memref<1x128xf32, #tpu.memory_space<vmem>>, vector<1x128xf32>
    %add3A_63 = arith.addf %dot_general3A_59, %get3A_62 : vector<1x128xf32>
    %max3A_64 = arith.constant 0.000000e+00 : f32
    %max3A_65 = vector.broadcast %max3A_64 : f32 to vector<1x128xf32>
    %max3A_66 = arith.maximumf %add3A_63, %max3A_65 : vector<1x128xf32>
    %get3A_67 = arith.constant 0 : index
    %get3A_68 = arith.constant 0 : index
    %get3A_69 = vector.load %arg11[%get3A_67, %get3A_68] : memref<128x18xf32, #tpu.memory_space<vmem>>, vector<128x18xf32>
    %dot_general3A_70 = arith.constant dense<0.000000e+00> : vector<1x18xf32>
    %dot_general3A_71 = tpu.matmul %max3A_66, %get3A_69, %dot_general3A_70 {dimension_numbers = #tpu.dot_dimension_numbers<[1], [0], [0], [1], [0, 0, 1, 1], [], []>, precision = #tpu.contract_precision<fp32>, transpose_lhs_hint = false} : vector<1x128xf32>, vector<128x18xf32>, vector<1x18xf32> -> vector<1x18xf32>
    %get3A_72 = arith.constant 0 : index
    %get3A_73 = arith.constant 0 : index
    %get3A_74 = vector.load %arg12[%get3A_72, %get3A_73] : memref<1x18xf32, #tpu.memory_space<vmem>>, vector<1x18xf32>
    %add3A_75 = arith.addf %dot_general3A_71, %get3A_74 : vector<1x18xf32>
    %swap3A_76 = arith.constant 0 : index
    %swap3A_77 = arith.constant 0 : index
    %swap3A_78 = vector.load %arg15[%swap3A_76, %swap3A_77] : memref<1x18xf32, #tpu.memory_space<vmem>>, vector<1x18xf32>
    tpu.vector_store %arg15[%swap3A_76, %swap3A_77], %add3A_75 {strides = array<i32>} : memref<1x18xf32, #tpu.memory_space<vmem>>, vector<1x18xf32>,
    return
  }
}

</mosaic_0001>

<sc_bundles>
// kernel: kernel.12.cloned.1.call-start
scs
__scs_entry_jumppad:
0x0: {  	(pc) =	sbr.rel $0x88, $3  }
0x1: {  	(tag) =	ssettag $0x0;
	lr =	simm.s32 $0x1  }
0x2: {  	[smem:$0x3F90] =	sst lr;
	_ =	strace $0xD0000000  }
0x3: {  	_ = 	snop  }
0x4: {  	_ = 	snop  }
0x5: {  	_ = 	snop  }
0x6: {  	_ = 	snop  }
0x7: {  	_ = 	snop  }
__scs_overlays_trampoline_lowered:
0x8: {  	[smem:$0x3F9F] =	sst s0  }
0x9: {  	[smem:$0x3FA0] =	sst s1  }
0xa: {  	[smem:$0x3FA1] =	sst s2  }
0xb: {  	[smem:$0x3FA2] =	sst s3  }
0xc: {  	[smem:$0x3FA3] =	sst s4  }
0xd: {  	[smem:$0x3FA4] =	sst s5  }
0xe: {  	[smem:$0x3FA5] =	sst s6  }
0xf: {  	[smem:$0x3FA6] =	sst s7  }
0x10: {  	[smem:$0x3FA7] =	sst s8  }
0x11: {  	[smem:$0x3FA8] =	sst s9;
	s0 =	simm.s32 @!p0 $0x0  }
0x12: {  	s1 =	sld [smem:$0x3F8E];
	s0 =	simm.s32 @p0 $0x1  }
0x13: {  	[smem:$0x3FA9] =	sst s0;
	s0 =	simm.s32 @!p1 $0x0  }
0x14: {  	s2 =	sld [smem:$0x3F8D];
	s0 =	simm.s32 @p1 $0x1  }
0x15: {  	[smem:$0x3FAA] =	sst s0;
	s0 =	simm.s32 @!p2 $0x0  }
0x16: {  	s3 =	sld [smem:$0x3FDB];
	s0 =	simm.s32 @p2 $0x1  }
0x17: {  	s4 =	simm.s32 $0x1BF5;
	[smem:$0x3FAC] =	sst s0  }
0x18: {  	s0 =	sld [smem:$0x3F8F];
	_ =	swait.ge [sflag:s4], $0x0  }
0x19: {  	s7 =	sld [smem:$0x3F90]  }
0x1a: {  	s8 =	sadd.s32 $0xFFFFE003, lr  }
0x1b: {  	s9 =	sadd.s32 $0xFFFFFEF7, lr;
	s5 =	simm.s32 $0xFFFFFFFF;
	p2 =	slt.u32 s8, $0xFFFFF086  }
0x1c: {  	p1 =	slt.u32 s9, $0xF7A;
	s5 =	simm.s32 @!p2 $0x0  }
0x1d: {  	s5 =	simm.s32 @p1 $0x1;
	p0 =	seq.s32 s7, s2  }
0x1e: {  	s7 =	smul.u32 @!p0 $0xF7A, s2;
	p2 =	seq.s32 @!p0 s5, $0x0  }
0x1f: {  	s9 =	smul.u32 $0xF7A, s1;
	s8 =	simm.s32 @!p0 $0x1BF5;
	p2 =	por !p2, p0  }
0x20: {  	[sflag:s8] =	ssyncset.s32 @!p0 $0xFFFFF086;
	s6 =	sadd.s32 @!p0 s3, s7;
	s7 =	simm.s32 @!p0 $0x108  }
0x21: {  	s3 =	sadd.s32 s3, s9;
	s6 =	sadd.s32 @!p0 $0x88, s6;
	s7 =	simm.s32 @p2 $0x1082  }
0x22: {  	[simem:s7], [sflag:s8] =	dma.local @!p0 [hbm:s6], $0xF7A  }
0x23: {  	s9 =	sor.u32 $0xD0000000, s2;
	s6 =	simm.s32 $0x108;
	_ =	swait.ge @!p0 [sflag:s8], $0x0  }
0x24: {  	s3 =	sadd.s32 $0x88, s3;
	s6 =	simm.s32 @!p1 $0x1082;
	[sflag:s4] =	ssyncset.s32 $0xFFFFF086  }
0x25: {  	[simem:s6], [sflag:s4] =	dma.local [hbm:s3], $0xF7A  }
0x26: {  	[smem:$0x3F90] =	sst s1;
	(tag) =	ssettag s2;
	_ =	strace s9  }
0x27: {  	s1 =	sld [smem:$0x3FA0]  }
0x28: {  	s2 =	sld [smem:$0x3FA1]  }
0x29: {  	s4 =	sld [smem:$0x3FA3]  }
0x2a: {  	p0 =	seq.s32 s5, $0x0;
	s5 =	sld [smem:$0x3FA4]  }
0x2b: {  	s6 =	sld [smem:$0x3FA5]  }
0x2c: {  	s7 =	sld [smem:$0x3FA6]  }
0x2d: {  	s3 =	simm.s32 $0x108;
	s8 =	sld [smem:$0x3FA7]  }
0x2e: {  	s3 =	simm.s32 @!p0 $0x1082;
	s9 =	sld [smem:$0x3FA8]  }
0x2f: {  	lr =	sadd.s32 s0, s3;
	s0 =	sld [smem:$0x3F9F]  }
0x30: {  	s3 =	sld [smem:$0x3FA2]  }
0x31: {  	[smem:$0x3FAB] =	sst s10  }
0x32: {  	s10 =	sld [smem:$0x3FA9];
	_ =	sdelay $0x3  }
0x33: {  	p0 =	seq.s32 s10, $0x1;
	s10 =	sld [smem:$0x3FAB];
	_ =	sdelay $0x3  }
0x34: {  	[smem:$0x3FAB] =	sst s10  }
0x35: {  	s10 =	sld [smem:$0x3FAA];
	_ =	sdelay $0x3  }
0x36: {  	p1 =	seq.s32 s10, $0x1;
	s10 =	sld [smem:$0x3FAB];
	_ =	sdelay $0x3  }
0x37: {  	[smem:$0x3FAB] =	sst s10  }
0x38: {  	s10 =	sld [smem:$0x3FAC]  }
0x39: {  	_ = 	snop;
	(pc) =	sbr.ind lr, $3  }
0x3a: {  	_ = 	snop  }
0x3b: {  	_ = 	snop  }
0x3c: {  	p2 =	seq.s32 s10, $0x1;
	s10 =	sld [smem:$0x3FAB]  }
0x3d: {  	_ =	shalt  }
0x3e: {  	_ =	shalt  }
0x3f: {  	_ =	shalt  }
0x40: {  	_ =	shalt  }
0x41: {  	_ =	shalt  }
0x42: {  	_ =	shalt  }
0x43: {  	_ =	shalt  }
0x44: {  	_ =	shalt  }
0x45: {  	_ =	shalt  }
0x46: {  	_ =	shalt  }
0x47: {  	_ =	shalt  }
0x48: {  	_ =	shalt  }
0x49: {  	_ =	shalt  }
0x4a: {  	_ =	shalt  }
0x4b: {  	_ =	shalt  }
0x4c: {  	_ =	shalt  }
0x4d: {  	_ =	shalt  }
0x4e: {  	_ =	shalt  }
0x4f: {  	_ =	shalt  }
0x50: {  	_ =	shalt  }
0x51: {  	_ =	shalt  }
0x52: {  	_ =	shalt  }
0x53: {  	_ =	shalt  }
0x54: {  	_ =	shalt  }
0x55: {  	_ =	shalt  }
0x56: {  	_ =	shalt  }
0x57: {  	_ =	shalt  }
0x58: {  	_ =	shalt  }
0x59: {  	_ =	shalt  }
0x5a: {  	_ =	shalt  }
0x5b: {  	_ =	shalt  }
0x5c: {  	_ =	shalt  }
0x5d: {  	_ =	shalt  }
0x5e: {  	_ =	shalt  }
0x5f: {  	_ =	shalt  }
0x60: {  	_ =	shalt  }
0x61: {  	_ =	shalt  }
0x62: {  	_ =	shalt  }
0x63: {  	_ =	shalt  }
0x64: {  	_ =	shalt  }
0x65: {  	_ =	shalt  }
0x66: {  	_ =	shalt  }
0x67: {  	_ =	shalt  }
0x68: {  	_ =	shalt  }
0x69: {  	_ =	shalt  }
0x6a: {  	_ =	shalt  }
0x6b: {  	_ =	shalt  }
0x6c: {  	_ =	shalt  }
0x6d: {  	_ =	shalt  }
0x6e: {  	_ =	shalt  }
0x6f: {  	_ =	shalt  }
0x70: {  	_ =	shalt  }
0x71: {  	_ =	shalt  }
0x72: {  	_ =	shalt  }
0x73: {  	_ =	shalt  }
0x74: {  	_ =	shalt  }
0x75: {  	_ =	shalt  }
0x76: {  	_ =	shalt  }
0x77: {  	_ =	shalt  }
0x78: {  	_ =	shalt  }
0x79: {  	_ =	shalt  }
0x7a: {  	_ =	shalt  }
0x7b: {  	_ =	shalt  }
0x7c: {  	_ =	shalt  }
0x7d: {  	_ =	shalt  }
0x7e: {  	_ =	shalt  }
0x7f: {  	_ =	shalt  }
0x80: {  	_ =	shalt  }
0x81: {  	_ =	shalt  }
0x82: {  	_ =	shalt  }
0x83: {  	_ =	shalt  }
0x84: {  	_ =	shalt  }
0x85: {  	_ =	shalt  }
0x86: {  	_ =	shalt  }
0x87: {  	_ =	shalt  }
.Lfunc_end0:
.L_simem_size_0:
called_computation_lowered:
.L_overlay_start_0:
0x88: {  	s2 =	sld [smem:$0x3FD9]  }
0x89: {  	s3 =	sld [smem:$0x3FFE];
	_ =	sdelay $0x1  }
0x8a: {  	s1 =	srdreg.scid  }
0x8b: {  	s0 =	sand.u32 $0x1, s1  }
0x8c: {  	s16 =	sshll.u32 s0, $0xA;
	s2 =	sadd.s32 s3, s2  }
0x8d: {  	s2 =	sadd.s32 s2, s16  }
0x8e: {  	[smem:$0x3FB7] =	sst s2  }
0x8f: {  	_ = 	snop  }
0x90: {  	(tm) =	ssettm $0x1  }
0x91: {  	s17 =	sld [smem:$0x3FFB];
	_ =	sdelay $0x3  }
0x92: {  	_ =	strace s17  }
0x93: {  	s2 =	sld [smem:$0x3FFC];
	_ =	sdelay $0x3  }
0x94: {  	_ =	strace s2  }
0x95: {  	s2 =	sld [smem:$0x3FFD];
	_ =	sdelay $0x3  }
0x96: {  	_ =	strace s2  }
0x97: {  	_ =	strace $0x8FFFFFFF  }
0x98: {  	s18 =	sld [smem:$0x3FDB];
	_ =	sdelay $0x1  }
0x99: {  	s19 =	simm.s32 $_scs_section_size  }
0x9a: {  	s4 =	simm.s32 $_size__tile_overlayer_lowered;
	s5 =	simm.s32 $_tile_overlayer_lowered  }
0x9b: {  	s22 =	simm.s32 $0x1BFF;
	s21 =	sshll.u32 s5, $0x1;
	s2 =	sadd.s32 s19, s18  }
0x9c: {  	s6 =	simm.s32 $0x0;
	s20 =	sshll.u32 s4, $0x1;
	s4 =	sadd.s32 s21, s2  }
0x9d: {  	[timem:s6], [sflag:s22] =	dma.local [hbm:s4], s20  }
0x9e: {  	_ =	swait.ge [sflag:s22], s20  }
0x9f: {  	s3 =	ssub.s32 $0x0, s20;
	[sflag:s22] =	ssyncset.done $0x0  }
0xa0: {  	[sflag:s22] =	ssyncadd.s32 s3;
	_ =	sdelay $0x1  }
0xa1: {  	s23 =	simm.s32 $0x1B8B  }
0xa2: {  	_ =	swait.ge [sflag:s23], $0x1  }
0xa3: {  	[sflag:s23] =	ssyncset.done $0x0  }
0xa4: {  	s25 =	simm.s32 $0x1B8E;
	s24 =	sld [smem:$0x3FFE];
	[sflag:s23] =	ssyncadd.s32 $0xFFFFFFFF  }
0xa5: {  	s26 =	simm.s32 $execute0_lowered;
	[smem:$0x3FD2] =	sst s25  }
0xa6: {  	s4 =	sshll.u32 s26, $0x1;
	_ =	strace $0x80000046;
	[dreg:$0x1] =	wrdreg $0xFFFFFFFF  }
0xa7: {  	s28 =	simm.s32 $_size_execute0_lowered;
	s2 =	sadd.s32 s2, s4;
	[dreg:$0x0] =	wrdreg $0x0  }
0xa8: {  	s4 =	sshll.u32 s28, $0x1;
	[dreg:$0x2] =	wrdreg s2  }
0xa9: {  	[dreg:$0x3] =	wrdreg s4  }
0xaa: {  	[dreg:$0x4] =	wrdreg $0xC0  }
0xab: {  	_ =	task [dreg:s6], $0x5FFFF  }
0xac: {  	[dreg:$0x1] =	wrdreg $0xFFFFFFFF  }
0xad: {  	[dreg:$0x0] =	wrdreg $0x60  }
0xae: {  	[dreg:$0x2] =	wrdreg s24  }
0xaf: {  	[dreg:$0x3] =	wrdreg $0x9EC00  }
0xb0: {  	[dreg:$0x4] =	wrdreg $0x9  }
0xb1: {  	_ =	task.clear_ibuf [dreg:s6], $0x5FFFF;
	_ =	strace $0x90000046  }
0xb2: {  	s29 =	simm.s32 $0x9;
	_ =	strace $0x80000048  }
0xb3: {  	_ =	swait.ge [sflag:s29], $0x1  }
0xb4: {  	[sflag:s29] =	ssyncadd.s32 $0xFFFFFFFF  }
0xb5: {  	_ =	strace $0x90000048  }
0xb6: {  	_ =	sfence  }
0xb7: {  	s30 =	sld [smem:$0x0];
	_ =	sdelay $0x2  }
0xb8: {  	s31 =	sshll.u32 s1, $0xD;
	s1 =	sshrl.u32 s1, $0x2  }
0xb9: {  	s3 =	sand.u32 $0x4000, s31;
	s1 =	sadd.s32 s1, s30  }
0xba: {  	s0 =	sor.u32 s3, s0;
	s1 =	sshll.u32 s1, $0x11  }
0xbb: {  	s0 =	sor.u32 s1, s0  }
0xbc: {  	s0 =	sadd.s32 $0x8F2B, s0  }
0xbd: {  	[sflag:s0] =	ssyncadd.remote.s32 $0x1  }
0xbe: {  	_ =	sfence.sel $0xFFFF  }
0xbf: {  	[dreg:$0x0] =	wrdreg $0xFFFFFFFF;
	(pc) =	sbr.abs _section_cstart, $3  }
0xc0: {  	[dreg:$0x1] =	wrdreg $0xFFFFFFFF  }
0xc1: {  	_ =	task.clear_ibuf [dreg:s6], $0x2FFFF;
	_ =	strace $0x9FFFFFFF  }
0xc2: {  	(tm) =	ssettm $0x7FFFFFFF  }
0xc3: {  	_ =	shalt  }
tec
execute0_lowered:
.L_overlay_start_1:
0x0: {  	(tag) =	ssettag $0x1  }
0x1: {  	s11 =	rddreg [dreg:$0x0]  }
0x2: {  	s1 =	rddreg [dreg:$0x1]  }
0x3: {  	s0 =	rddreg [dreg:$0x2];
	s3 =	simm.s32 $0x0  }
0x4: {  	s2 =	stileid.u32;
	s6 =	simm.s32 $0x9C40;
	[smem:$0x7FF] =	sst s3  }
0x5: {  	s5 =	simm.s32 $0x1;
	s4 =	sadd.s32 $0x2CA00, s11;
	_ =	strace $0x80000047  }
0x6: {  	[tilespmem:s6], [sflag:$0x1] =	stream.linear.gather [hbm4b:s4+s3], $0x280, $0x38;
	[tilespmem:$0xA140] =	vst v63  }
0x7: {  	s7 =	srdreg.scid;
	s13 =	smul.u32 $0x280, s2;
	_ =	swait.ge [sflag:s5], $0x280  }
0x8: {  	s12 =	sand.u32 $0x1, s7;
	s9 =	smul.u32 $0x4E20, s2;
	[sflag:s5] =	ssyncset.done $0x0  }
0x9: {  	s8 =	smul.u32 $0x4E200, s12;
	s7 =	sadd.s32 s13, s1;
	[sflag:s5] =	ssyncadd.s32 $0xFFFFFD80  }
0xa: {  	[spmem:s7] =	stream.linear.scatter [tilespmem:s6], [sflag:$0x1], $0x280, $0x38;
	[tilespmem:$0xA140] =	vst v63  }
0xb: {  	_ =	swait.ge [sflag:s5], $0x280  }
0xc: {  	s10 =	sadd.s32 s9, s8;
	[sflag:s5] =	ssyncset.done $0x0  }
0xd: {  	s8 =	sadd.s32 $0x2CC00, s11;
	s9 =	simm.s32 $0x4E20;
	[sflag:s5] =	ssyncadd.s32 $0xFFFFFD80  }
0xe: {  	[tilespmem:s9], [sflag:$0x1] =	stream.linear.gather [hbm4b:s8+s3], $0x4E20, $0x38;
	[tilespmem:$0xA140] =	vst v63  }
0xf: {  	s10 =	sshrl.u32 s10, $0x3;
	_ =	swait.ge [sflag:s5], $0x4E20  }
0x10: {  	s10 =	sadd.s32 s10, s11;
	[sflag:s5] =	ssyncset.done $0x0  }
0x11: {  	s10 =	sadd.s32 $0x19000, s10;
	[sflag:s5] =	ssyncadd.s32 $0xFFFFB1E0  }
0x12: {  	[tilespmem:s3], [sflag:$0x1] =	stream.linear.gather [hbm4b:s10+s3], $0x4E20, $0x38;
	[tilespmem:$0xA140] =	vst v63  }
0x13: {  	_ =	swait.ge [sflag:s5], $0x4E20  }
0x14: {  	[sflag:s5] =	ssyncset.done $0x0  }
0x15: {  	[sflag:s5] =	ssyncadd.s32 $0xFFFFB1E0  }
0x16: {  	[bflag:$0x0] =	sbarrier.arrive $0xFFFF  }
0x17: {  	[spmem:s1] =	stream.indirect.scatter.add.f32 [tilespmem:s9], [sflag:$0x1], $0x1, s3, s9, $0xb8;
	[tilespmem:$0xA140] =	vst v63  }
0x18: {  	s14 =	smul.u32 $0x2800, s12;
	s12 =	ssub.s32 $0x2, s12;
	_ =	swait.ge [sflag:s5], $0x4E20  }
0x19: {  	s31 =	sshrl.u32 s12, $0x1;
	[sflag:s5] =	ssyncset.done $0x0  }
0x1a: {  	s12 =	ssub.s32 s12, s31;
	[sflag:s5] =	ssyncadd.s32 $0xFFFFB1E0  }
0x1b: {  	s13 =	sadd.s32 s13, s14;
	s12 =	smax.u32 s12, $0x1;
	[bflag:$0x0] =	sbarrier.arrive $0xFFFF  }
0x1c: {  	[tilespmem:s6], [sflag:$0x1] =	stream.linear.gather [spmem:s7], $0x280, $0x38;
	[tilespmem:$0xA140] =	vst v63  }
0x1d: {  	s13 =	sshrl.u32 s13, $0x3;
	p0 =	sne.s32 s12, $0x1;
	_ =	swait.ge [sflag:s5], $0x280  }
.Ltmp0:
0x1e: {  	s11 =	sadd.s32 s13, s11;
	[sflag:s5] =	ssyncset.done $0x0;
	(pc) =	sbr.rel @!p0 .LBB2_2-.Ltmp0, $4  }
0x1f: {  	s11 =	sadd.s32 $0x2D600, s11;
	[sflag:s5] =	ssyncadd.s32 $0xFFFFFD80  }
0x20: {  	[hbm4b:s11+s3] =	stream.linear.scatter [tilespmem:s6], [sflag:$0x1], $0x280, $0x38;
	[tilespmem:$0xA140] =	vst v63  }
0x21: {  	_ =	swait.ge [sflag:s5], $0x280  }
0x22: {  	s12 =	sadd.s32 $0xFFFFFFFF, s12;
	[sflag:s5] =	ssyncset.done $0x0  }
.LBB2_1:
0x23: {  	p0 =	sne.s32 s12, $0x1;
	s12 =	sadd.s32 $0xFFFFFFFF, s12;
	[sflag:s5] =	ssyncadd.s32 $0xFFFFFD80  }
0x24: {  	[tilespmem:s6], [sflag:$0x1] =	stream.linear.gather [hbm4b:s4+s3], $0x280, $0x38;
	[tilespmem:$0xA140] =	vst v63  }
0x25: {  	_ =	swait.ge [sflag:s5], $0x280  }
0x26: {  	[sflag:s5] =	ssyncset.done $0x0  }
0x27: {  	[sflag:s5] =	ssyncadd.s32 $0xFFFFFD80  }
0x28: {  	[spmem:s7] =	stream.linear.scatter [tilespmem:s6], [sflag:$0x1], $0x280, $0x38;
	[tilespmem:$0xA140] =	vst v63  }
0x29: {  	_ =	swait.ge [sflag:s5], $0x280  }
0x2a: {  	[sflag:s5] =	ssyncset.done $0x0  }
0x2b: {  	[sflag:s5] =	ssyncadd.s32 $0xFFFFFD80  }
0x2c: {  	[tilespmem:s9], [sflag:$0x1] =	stream.linear.gather [hbm4b:s8+s3], $0x4E20, $0x38;
	[tilespmem:$0xA140] =	vst v63  }
0x2d: {  	_ =	swait.ge [sflag:s5], $0x4E20  }
0x2e: {  	[sflag:s5] =	ssyncset.done $0x0  }
0x2f: {  	[sflag:s5] =	ssyncadd.s32 $0xFFFFB1E0  }
0x30: {  	[tilespmem:s3], [sflag:$0x1] =	stream.linear.gather [hbm4b:s10+s3], $0x4E20, $0x38;
	[tilespmem:$0xA140] =	vst v63  }
0x31: {  	_ =	swait.ge [sflag:s5], $0x4E20  }
0x32: {  	[sflag:s5] =	ssyncset.done $0x0  }
0x33: {  	[sflag:s5] =	ssyncadd.s32 $0xFFFFB1E0  }
0x34: {  	[bflag:$0x0] =	sbarrier.arrive $0xFFFF  }
0x35: {  	[spmem:s1] =	stream.indirect.scatter.add.f32 [tilespmem:s9], [sflag:$0x1], $0x1, s3, s9, $0xb8;
	[tilespmem:$0xA140] =	vst v63  }
0x36: {  	_ =	swait.ge [sflag:s5], $0x4E20  }
0x37: {  	[sflag:s5] =	ssyncset.done $0x0  }
0x38: {  	[sflag:s5] =	ssyncadd.s32 $0xFFFFB1E0  }
0x39: {  	[bflag:$0x0] =	sbarrier.arrive $0xFFFF  }
0x3a: {  	[tilespmem:s6], [sflag:$0x1] =	stream.linear.gather [spmem:s7], $0x280, $0x38;
	[tilespmem:$0xA140] =	vst v63  }
0x3b: {  	_ =	swait.ge [sflag:s5], $0x280  }
.Ltmp1:
0x3c: {  	[sflag:s5] =	ssyncset.done $0x0;
	(pc) =	sbr.rel @p0 .LBB2_1-.Ltmp1, $4  }
0x3d: {  	[sflag:s5] =	ssyncadd.s32 $0xFFFFFD80  }
0x3e: {  	[hbm4b:s11+s3] =	stream.linear.scatter [tilespmem:s6], [sflag:$0x1], $0x280, $0x38;
	[tilespmem:$0xA140] =	vst v63  }
0x3f: {  	_ =	swait.ge [sflag:s5], $0x280  }
0x40: {  	[sflag:s5] =	ssyncset.done $0x0  }
.LBB2_2:
0x41: {  	[sflag:s5] =	ssyncadd.s32 $0xFFFFFD80  }
0x42: {  	_ =	sfence.sel $0x180000  }
0x43: {  	[bflag:$0x0] =	sbarrier.arrive $0xFFFF  }
0x44: {  	p0 =	sne.s32 s2, $0x0;
	_ =	strace $0x90000047  }
0x45: {  	s0 =	sadd.s32 @!p0 $0x100000, s0;
	[bflag:$0x2] =	sbarrier.arrive $0xFFFF  }
0x46: {  	[sflag:s0] =	ssyncadd.tile.s32 @!p0 $0x1;
	_ =	shalt  }
.Lfunc_end2:
_tile_overlayer_lowered:
.L_overlay_start_2:
0x47: {  	(tag) =	ssettag $0x2  }
0x48: {  	s0 =	rddreg [dreg:$0x0];
	s2 =	stileid.u32  }
0x49: {  	s1 =	rddreg [dreg:$0x1];
	p0 =	sne.s32 s2, $0x0  }
0x4a: {  	s3 =	rddreg [dreg:$0x2];
	[bflag:$0x3] =	sbarrier.arrive $0xFFFF;
	s2 =	simm.s32 @!p0 $0x1C01  }
0x4b: {  	[timem:s3], [sflag:s2] =	dma.local @!p0 [hbm:s0], s1  }
0x4c: {  	s0 =	simm.s32 @!p0 $0x1  }
0x4d: {  	_ =	swait.ge @!p0 [sflag:s0], s1  }
0x4e: {  	s1 =	ssub.s32 @!p0 $0x0, s1;
	[sflag:s0] =	ssyncset.done @!p0 $0x0  }
0x4f: {  	[sflag:s0] =	ssyncadd.s32 @!p0 s1  }
0x50: {  	[bflag:$0x3] =	sbarrier.arrive $0xFFFF  }
0x51: {  	_ =	shalt  }

// kernel: kernel.15.cloned.1.call-start
scs
__scs_entry_jumppad:
0x0: {  	(pc) =	sbr.rel $0x88, $3  }
0x1: {  	(tag) =	ssettag $0x0;
	lr =	simm.s32 $0x1  }
0x2: {  	[smem:$0x3F90] =	sst lr;
	_ =	strace $0xD0000000  }
0x3: {  	_ = 	snop  }
0x4: {  	_ = 	snop  }
0x5: {  	_ = 	snop  }
0x6: {  	_ = 	snop  }
0x7: {  	_ = 	snop  }
__scs_overlays_trampoline_lowered:
0x8: {  	[smem:$0x3F9F] =	sst s0  }
0x9: {  	[smem:$0x3FA0] =	sst s1  }
0xa: {  	[smem:$0x3FA1] =	sst s2  }
0xb: {  	[smem:$0x3FA2] =	sst s3  }
0xc: {  	[smem:$0x3FA3] =	sst s4  }
0xd: {  	[smem:$0x3FA4] =	sst s5  }
0xe: {  	[smem:$0x3FA5] =	sst s6  }
0xf: {  	[smem:$0x3FA6] =	sst s7  }
0x10: {  	[smem:$0x3FA7] =	sst s8  }
0x11: {  	[smem:$0x3FA8] =	sst s9;
	s0 =	simm.s32 @!p0 $0x0  }
0x12: {  	s1 =	sld [smem:$0x3F8E];
	s0 =	simm.s32 @p0 $0x1  }
0x13: {  	[smem:$0x3FA9] =	sst s0;
	s0 =	simm.s32 @!p1 $0x0  }
0x14: {  	s2 =	sld [smem:$0x3F8D];
	s0 =	simm.s32 @p1 $0x1  }
0x15: {  	[smem:$0x3FAA] =	sst s0;
	s0 =	simm.s32 @!p2 $0x0  }
0x16: {  	s3 =	sld [smem:$0x3FDB];
	s0 =	simm.s32 @p2 $0x1  }
0x17: {  	s4 =	simm.s32 $0x1BF5;
	[smem:$0x3FAC] =	sst s0  }
0x18: {  	s0 =	sld [smem:$0x3F8F];
	_ =	swait.ge [sflag:s4], $0x0  }
0x19: {  	s7 =	sld [smem:$0x3F90]  }
0x1a: {  	s8 =	sadd.s32 $0xFFFFE003, lr  }
0x1b: {  	s9 =	sadd.s32 $0xFFFFFEF7, lr;
	s5 =	simm.s32 $0xFFFFFFFF;
	p2 =	slt.u32 s8, $0xFFFFF086  }
0x1c: {  	p1 =	slt.u32 s9, $0xF7A;
	s5 =	simm.s32 @!p2 $0x0  }
0x1d: {  	s5 =	simm.s32 @p1 $0x1;
	p0 =	seq.s32 s7, s2  }
0x1e: {  	s7 =	smul.u32 @!p0 $0xF7A, s2;
	p2 =	seq.s32 @!p0 s5, $0x0  }
0x1f: {  	s9 =	smul.u32 $0xF7A, s1;
	s8 =	simm.s32 @!p0 $0x1BF5;
	p2 =	por !p2, p0  }
0x20: {  	[sflag:s8] =	ssyncset.s32 @!p0 $0xFFFFF086;
	s6 =	sadd.s32 @!p0 s3, s7;
	s7 =	simm.s32 @!p0 $0x108  }
0x21: {  	s3 =	sadd.s32 s3, s9;
	s6 =	sadd.s32 @!p0 $0x88, s6;
	s7 =	simm.s32 @p2 $0x1082  }
0x22: {  	[simem:s7], [sflag:s8] =	dma.local @!p0 [hbm:s6], $0xF7A  }
0x23: {  	s9 =	sor.u32 $0xD0000000, s2;
	s6 =	simm.s32 $0x108;
	_ =	swait.ge @!p0 [sflag:s8], $0x0  }
0x24: {  	s3 =	sadd.s32 $0x88, s3;
	s6 =	simm.s32 @!p1 $0x1082;
	[sflag:s4] =	ssyncset.s32 $0xFFFFF086  }
0x25: {  	[simem:s6], [sflag:s4] =	dma.local [hbm:s3], $0xF7A  }
0x26: {  	[smem:$0x3F90] =	sst s1;
	(tag) =	ssettag s2;
	_ =	strace s9  }
0x27: {  	s1 =	sld [smem:$0x3FA0]  }
0x28: {  	s2 =	sld [smem:$0x3FA1]  }
0x29: {  	s4 =	sld [smem:$0x3FA3]  }
0x2a: {  	p0 =	seq.s32 s5, $0x0;
	s5 =	sld [smem:$0x3FA4]  }
0x2b: {  	s6 =	sld [smem:$0x3FA5]  }
0x2c: {  	s7 =	sld [smem:$0x3FA6]  }
0x2d: {  	s3 =	simm.s32 $0x108;
	s8 =	sld [smem:$0x3FA7]  }
0x2e: {  	s3 =	simm.s32 @!p0 $0x1082;
	s9 =	sld [smem:$0x3FA8]  }
0x2f: {  	lr =	sadd.s32 s0, s3;
	s0 =	sld [smem:$0x3F9F]  }
0x30: {  	s3 =	sld [smem:$0x3FA2]  }
0x31: {  	[smem:$0x3FAB] =	sst s10  }
0x32: {  	s10 =	sld [smem:$0x3FA9];
	_ =	sdelay $0x3  }
0x33: {  	p0 =	seq.s32 s10, $0x1;
	s10 =	sld [smem:$0x3FAB];
	_ =	sdelay $0x3  }
0x34: {  	[smem:$0x3FAB] =	sst s10  }
0x35: {  	s10 =	sld [smem:$0x3FAA];
	_ =	sdelay $0x3  }
0x36: {  	p1 =	seq.s32 s10, $0x1;
	s10 =	sld [smem:$0x3FAB];
	_ =	sdelay $0x3  }
0x37: {  	[smem:$0x3FAB] =	sst s10  }
0x38: {  	s10 =	sld [smem:$0x3FAC]  }
0x39: {  	_ = 	snop;
	(pc) =	sbr.ind lr, $3  }
0x3a: {  	_ = 	snop  }
0x3b: {  	_ = 	snop  }
0x3c: {  	p2 =	seq.s32 s10, $0x1;
	s10 =	sld [smem:$0x3FAB]  }
0x3d: {  	_ =	shalt  }
0x3e: {  	_ =	shalt  }
0x3f: {  	_ =	shalt  }
0x40: {  	_ =	shalt  }
0x41: {  	_ =	shalt  }
0x42: {  	_ =	shalt  }
0x43: {  	_ =	shalt  }
0x44: {  	_ =	shalt  }
0x45: {  	_ =	shalt  }
0x46: {  	_ =	shalt  }
0x47: {  	_ =	shalt  }
0x48: {  	_ =	shalt  }
0x49: {  	_ =	shalt  }
0x4a: {  	_ =	shalt  }
0x4b: {  	_ =	shalt  }
0x4c: {  	_ =	shalt  }
0x4d: {  	_ =	shalt  }
0x4e: {  	_ =	shalt  }
0x4f: {  	_ =	shalt  }
0x50: {  	_ =	shalt  }
0x51: {  	_ =	shalt  }
0x52: {  	_ =	shalt  }
0x53: {  	_ =	shalt  }
0x54: {  	_ =	shalt  }
0x55: {  	_ =	shalt  }
0x56: {  	_ =	shalt  }
0x57: {  	_ =	shalt  }
0x58: {  	_ =	shalt  }
0x59: {  	_ =	shalt  }
0x5a: {  	_ =	shalt  }
0x5b: {  	_ =	shalt  }
0x5c: {  	_ =	shalt  }
0x5d: {  	_ =	shalt  }
0x5e: {  	_ =	shalt  }
0x5f: {  	_ =	shalt  }
0x60: {  	_ =	shalt  }
0x61: {  	_ =	shalt  }
0x62: {  	_ =	shalt  }
0x63: {  	_ =	shalt  }
0x64: {  	_ =	shalt  }
0x65: {  	_ =	shalt  }
0x66: {  	_ =	shalt  }
0x67: {  	_ =	shalt  }
0x68: {  	_ =	shalt  }
0x69: {  	_ =	shalt  }
0x6a: {  	_ =	shalt  }
0x6b: {  	_ =	shalt  }
0x6c: {  	_ =	shalt  }
0x6d: {  	_ =	shalt  }
0x6e: {  	_ =	shalt  }
0x6f: {  	_ =	shalt  }
0x70: {  	_ =	shalt  }
0x71: {  	_ =	shalt  }
0x72: {  	_ =	shalt  }
0x73: {  	_ =	shalt  }
0x74: {  	_ =	shalt  }
0x75: {  	_ =	shalt  }
0x76: {  	_ =	shalt  }
0x77: {  	_ =	shalt  }
0x78: {  	_ =	shalt  }
0x79: {  	_ =	shalt  }
0x7a: {  	_ =	shalt  }
0x7b: {  	_ =	shalt  }
0x7c: {  	_ =	shalt  }
0x7d: {  	_ =	shalt  }
0x7e: {  	_ =	shalt  }
0x7f: {  	_ =	shalt  }
0x80: {  	_ =	shalt  }
0x81: {  	_ =	shalt  }
0x82: {  	_ =	shalt  }
0x83: {  	_ =	shalt  }
0x84: {  	_ =	shalt  }
0x85: {  	_ =	shalt  }
0x86: {  	_ =	shalt  }
0x87: {  	_ =	shalt  }
.Lfunc_end0:
.L_simem_size_0:
called_computation.1_lowered:
.L_overlay_start_0:
0x88: {  	s2 =	sld [smem:$0x3FD9]  }
0x89: {  	s3 =	sld [smem:$0x3FFE];
	_ =	sdelay $0x1  }
0x8a: {  	s1 =	srdreg.scid  }
0x8b: {  	s0 =	sand.u32 $0x1, s1  }
0x8c: {  	s17 =	sshll.u32 s0, $0xA;
	s2 =	sadd.s32 s3, s2  }
0x8d: {  	s2 =	sadd.s32 s2, s17  }
0x8e: {  	[smem:$0x3FB7] =	sst s2  }
0x8f: {  	_ = 	snop  }
0x90: {  	(tm) =	ssettm $0x1  }
0x91: {  	s18 =	sld [smem:$0x3FFB];
	_ =	sdelay $0x3  }
0x92: {  	_ =	strace s18  }
0x93: {  	s2 =	sld [smem:$0x3FFC];
	_ =	sdelay $0x3  }
0x94: {  	_ =	strace s2  }
0x95: {  	s2 =	sld [smem:$0x3FFD];
	_ =	sdelay $0x3  }
0x96: {  	_ =	strace s2  }
0x97: {  	_ =	strace $0x8FFFFFFF  }
0x98: {  	s19 =	sld [smem:$0x3FDB];
	_ =	sdelay $0x1  }
0x99: {  	s20 =	simm.s32 $_scs_section_size  }
0x9a: {  	s4 =	simm.s32 $_size__tile_overlayer_lowered;
	s5 =	simm.s32 $_tile_overlayer_lowered  }
0x9b: {  	s6 =	simm.s32 $0x1BFF;
	s21 =	sshll.u32 s5, $0x1;
	s3 =	sadd.s32 s20, s19  }
0x9c: {  	s22 =	simm.s32 $0x0;
	s4 =	sshll.u32 s4, $0x1;
	s5 =	sadd.s32 s21, s3  }
0x9d: {  	[timem:s22], [sflag:s6] =	dma.local [hbm:s5], s4  }
0x9e: {  	_ =	swait.ge [sflag:s6], s4  }
0x9f: {  	s4 =	ssub.s32 $0x0, s4;
	[sflag:s6] =	ssyncset.done $0x0  }
0xa0: {  	[sflag:s6] =	ssyncadd.s32 s4;
	_ =	sdelay $0x1  }
0xa1: {  	s23 =	simm.s32 $0x1B8B  }
0xa2: {  	_ =	swait.ge [sflag:s23], $0x1  }
0xa3: {  	[sflag:s23] =	ssyncset.done $0x0  }
0xa4: {  	[sflag:s23] =	ssyncadd.s32 $0xFFFFFFFF  }
0xa5: {  	s4 =	sld [smem:$0x0]  }
0xa6: {  	s5 =	sand.u32 $0xFFFFFFFE, s1  }
0xa7: {  	p0 =	sne.s32 s1, s5  }
0xa8: {  	s5 =	sshll.u32 @p0 s5, $0xE  }
0xa9: {  	s5 =	sadd.s32 @p0 $0x11B8D, s5;
	s6 =	sshll.u32 @p0 s4, $0x11  }
0xaa: {  	s5 =	sor.u32 @p0 s6, s5  }
0xab: {  	[sflag:s5] =	ssyncadd.remote.s32 @p0 $0x1;
	_ =	sdelay $0x1  }
0xac: {  	s5 =	simm.s32 @p0 $0x1B8D  }
0xad: {  	_ =	swait.eq @p0 [sflag:s5], $0x1  }
0xae: {  	[sflag:s5] =	ssyncadd.s32 @p0 $0xFFFFFFFF  }
0xaf: {  	s6 =	sshll.u32 @!p0 s1, $0xE  }
0xb0: {  	s6 =	sor.u32 @!p0 $0x4000, s6;
	s5 =	simm.s32 @!p0 $0x1B8D  }
0xb1: {  	s4 =	sshll.u32 @!p0 s4, $0x11;
	s6 =	sadd.s32 @!p0 $0x11B8D, s6;
	_ =	swait.eq @!p0 [sflag:s5], $0x1  }
0xb2: {  	s4 =	sor.u32 @!p0 s4, s6;
	[sflag:s5] =	ssyncadd.s32 @!p0 $0xFFFFFFFF  }
0xb3: {  	s25 =	simm.s32 $0x1B8E;
	s24 =	sld [smem:$0x3FFE];
	[sflag:s4] =	ssyncadd.remote.s32 @!p0 $0x1  }
0xb4: {  	s26 =	simm.s32 $execute0_lowered;
	[smem:$0x3FD2] =	sst s25  }
0xb5: {  	s5 =	sshll.u32 s26, $0x1;
	_ =	strace $0x8000004C;
	[dreg:$0x1] =	wrdreg $0xFFFFFFFF  }
0xb6: {  	s28 =	simm.s32 $_size_execute0_lowered;
	s3 =	sadd.s32 s3, s5;
	[dreg:$0x0] =	wrdreg $0x0  }
0xb7: {  	s5 =	sshll.u32 s28, $0x1;
	[dreg:$0x2] =	wrdreg s3  }
0xb8: {  	[dreg:$0x3] =	wrdreg s5  }
0xb9: {  	[dreg:$0x4] =	wrdreg $0xC0  }
0xba: {  	_ =	task [dreg:s22], $0x5FFFF  }
0xbb: {  	[dreg:$0x1] =	wrdreg $0xFFFFFFFF  }
0xbc: {  	[dreg:$0x0] =	wrdreg $0x60  }
0xbd: {  	[dreg:$0x2] =	wrdreg s24  }
0xbe: {  	[dreg:$0x3] =	wrdreg $0x13D000  }
0xbf: {  	[dreg:$0x4] =	wrdreg $0x9  }
0xc0: {  	_ =	task.clear_ibuf [dreg:s22], $0x5FFFF;
	_ =	strace $0x9000004C  }
0xc1: {  	s29 =	simm.s32 $0x9;
	_ =	strace $0x8000004E  }
0xc2: {  	_ =	swait.ge [sflag:s29], $0x1  }
0xc3: {  	[sflag:s29] =	ssyncadd.s32 $0xFFFFFFFF  }
0xc4: {  	_ =	strace $0x9000004E  }
0xc5: {  	_ =	sfence  }
0xc6: {  	s30 =	sld [smem:$0x0];
	_ =	sdelay $0x2  }
0xc7: {  	s31 =	sshll.u32 s1, $0xD;
	s1 =	sshrl.u32 s1, $0x2  }
0xc8: {  	s4 =	sand.u32 $0x4000, s31;
	s1 =	sadd.s32 s1, s30  }
0xc9: {  	s0 =	sor.u32 s4, s0;
	s1 =	sshll.u32 s1, $0x11  }
0xca: {  	s0 =	sor.u32 s1, s0  }
0xcb: {  	s0 =	sadd.s32 $0x8F2B, s0  }
0xcc: {  	[sflag:s0] =	ssyncadd.remote.s32 $0x1  }
0xcd: {  	_ =	sfence.sel $0xFFFF  }
0xce: {  	[dreg:$0x0] =	wrdreg $0xFFFFFFFF;
	(pc) =	sbr.abs _section_cstart, $3  }
0xcf: {  	[dreg:$0x1] =	wrdreg $0xFFFFFFFF  }
0xd0: {  	_ =	task.clear_ibuf [dreg:s22], $0x2FFFF;
	_ =	strace $0x9FFFFFFF  }
0xd1: {  	(tm) =	ssettm $0x7FFFFFFF  }
tec
execute0_lowered:
.L_overlay_start_1:
0x0: {  	(tag) =	ssettag $0x1  }
0x1: {  	s0 =	rddreg [dreg:$0x0]  }
0x2: {  	s1 =	rddreg [dreg:$0x1];
	s2 =	simm.s32 $0x0  }
0x3: {  	[smem:$0x7FF] =	sst s2  }
0x4: {  	s10 =	srdreg.scid;
	s5 =	sadd.s32 $0x140600, s0;
	s9 =	sadd.s32 $0x12C600, s0  }
0x5: {  	s15 =	stileid.u32;
	s3 =	sadd.s32 $0x17BA00, s0;
	s7 =	sadd.s32 $0x154600, s0  }
0x6: {  	s4 =	sadd.s32 $0x168000, s0;
	s8 =	sadd.s32 $0x18F400, s0;
	s25 =	smul.u32 $0x28000, s15  }
0x7: {  	s6 =	sadd.s32 $0x5400, s0;
	s11 =	sadd.s32 $0x1B7800, s0;
	s12 =	smul.u32 $0x5000, s15  }
0x8: {  	s10 =	sand.u32 $0x1, s10;
	s0 =	sadd.s32 $0x18F800, s0;
	s14 =	smul.u32 $0xA000, s15  }
0x9: {  	_ =	strace $0x8000004D;
	[dreg:$0x3] =	wrdreg s11;
	s12 =	sshrl.u32 s12, $0x3  }
0xa: {  	[dreg:$0x4] =	wrdreg s0;
	s26 =	ssub.s32 $0x2, s10;
	s31 =	sadd.s32 s5, s12  }
0xb: {  	s17 =	sshrl.u32 s14, $0x3;
	s16 =	sadd.s32 s9, s12;
	[dreg:$0x5] =	wrdreg s31  }
0xc: {  	p0 =	sne.s32 s10, $0x0;
	s14 =	sadd.s32 $0x400, s17;
	[dreg:$0x6] =	wrdreg s16  }
0xd: {  	s10 =	simm.s32 $0x7D;
	s18 =	sadd.s32 $0x800, s17;
	[dreg:$0x7] =	wrdreg s14  }
0xe: {  	s13 =	sshrl.u32 s26, $0x1;
	s19 =	sadd.s32 $0xC00, s17;
	[dreg:$0x8] =	wrdreg s18  }
0xf: {  	s11 =	sshrl.u32 s25, $0x2;
	s20 =	sadd.s32 $0x1000, s17;
	[dreg:$0x9] =	wrdreg s19  }
0x10: {  	s0 =	ssub.s32 s26, s13;
	s22 =	sadd.s32 $0x14000, s17;
	[dreg:$0xa] =	wrdreg s20  }
0x11: {  	s11 =	sadd.s32 s11, s1;
	s23 =	sadd.s32 $0x14400, s17;
	[dreg:$0xd] =	wrdreg s22  }
0x12: {  	s12 =	sadd.s32 $0xA000, s12;
	s24 =	sadd.s32 $0x14800, s17;
	[dreg:$0xe] =	wrdreg s23  }
0x13: {  	s25 =	sadd.s32 $0x14C00, s17;
	s26 =	sadd.s32 $0x15000, s17;
	[dreg:$0xf] =	wrdreg s24  }
0x14: {  	s13 =	simm.s32 $0x9F00;
	s5 =	sadd.s32 s5, s12;
	[dreg:$0x10] =	wrdreg s25  }
0x15: {  	s21 =	sadd.s32 s9, s12;
	[dreg:$0x11] =	wrdreg s26;
	s0 =	smax.u32 s0, $0x1  }
0x16: {  	s26 =	sadd.s32 $0x2000, s11;
	s28 =	sadd.s32 $0x4000, s11;
	s29 =	sadd.s32 $0x6000, s11  }
0x17: {  	s30 =	sadd.s32 $0x8000, s11;
	s31 =	smul.u32 $0x1400, s15;
	s12 =	simm.s32 $0xA000  }
0x18: {  	s14 =	simm.s32 $0xBF40;
	s16 =	simm.s32 $0xDE80;
	s18 =	simm.s32 $0xFDC0  }
.Ltmp0:
0x19: {  	s19 =	simm.s32 $0x1;
	s20 =	simm.s32 $0x2;
	(pc) =	sbr.rel .LBB2_1-.Ltmp0, $4  }
0x1a: {  	s9 =	simm.s32 $0x4;
	s22 =	simm.s32 $0x9E00;
	[dreg:$0xb] =	wrdreg s5  }
0x1b: {  	s23 =	simm.s32 $0x9E80;
	s24 =	simm.s32 $0x9F80;
	[dreg:$0xc] =	wrdreg s21  }
0x1c: {  	s25 =	simm.s32 $0x0;
	[dreg:$0x12] =	wrdreg s0;
	s0 =	simm.s32 $0x11D00  }
0x1d: {  	s5 =	simm.s32 $0x5;
	s21 =	simm.s32 $0x3;
	[dreg:$0x13] =	wrdreg s31  }
.LBB2_14:
0x1e: {  	[tilespmem:s18], [sflag:$0x4] =	stream.indirect.gather [hbm4b:s7+s10], $0x40, s17, s10, $0xb8;
	[tilespmem:$0x1DD00] =	vst v63  }
0x1f: {  	s15 =	rddreg [dreg:$0x4]  }
.LBB2_15:
0x20: {  	_ =	swait.ge [sflag:s19], $0x1F40  }
0x21: {  	[sflag:s19] =	ssyncset.done $0x0  }
0x22: {  	[sflag:s19] =	ssyncadd.s32 $0xFFFFE0C0  }
0x23: {  	[spmem:s1] =	stream.indirect.scatter.add.f32 [tilespmem:s12], [sflag:$0x5], $0x40, s22, s10, $0xb8;
	[tilespmem:$0x1DD00] =	vst v63  }
0x24: {  	_ =	swait.ge [sflag:s5], $0x1F40  }
0x25: {  	[sflag:s5] =	ssyncset.done $0x0  }
0x26: {  	[sflag:s5] =	ssyncadd.s32 $0xFFFFE0C0  }
0x27: {  	_ =	swait.ge [sflag:s20], $0x1F40  }
0x28: {  	[sflag:s20] =	ssyncset.done $0x0  }
0x29: {  	[sflag:s20] =	ssyncadd.s32 $0xFFFFE0C0  }
0x2a: {  	[spmem:s1] =	stream.indirect.scatter.add.f32 [tilespmem:s14], [sflag:$0x5], $0x40, s23, s10, $0xb8;
	[tilespmem:$0x1DD00] =	vst v63  }
0x2b: {  	_ =	swait.ge [sflag:s5], $0x1F40  }
0x2c: {  	[sflag:s5] =	ssyncset.done $0x0  }
0x2d: {  	[sflag:s5] =	ssyncadd.s32 $0xFFFFE0C0  }
0x2e: {  	_ =	swait.ge [sflag:s21], $0x1F40  }
0x2f: {  	[sflag:s21] =	ssyncset.done $0x0  }
0x30: {  	[sflag:s21] =	ssyncadd.s32 $0xFFFFE0C0  }
0x31: {  	[spmem:s1] =	stream.indirect.scatter.add.f32 [tilespmem:s16], [sflag:$0x5], $0x40, s13, s10, $0xb8;
	[tilespmem:$0x1DD00] =	vst v63  }
0x32: {  	_ =	swait.ge [sflag:s5], $0x1F40  }
0x33: {  	[sflag:s5] =	ssyncset.done $0x0  }
0x34: {  	[sflag:s5] =	ssyncadd.s32 $0xFFFFE0C0  }
0x35: {  	_ =	swait.ge [sflag:s9], $0x1F40  }
0x36: {  	[sflag:s9] =	ssyncset.done $0x0  }
0x37: {  	[sflag:s9] =	ssyncadd.s32 $0xFFFFE0C0  }
0x38: {  	[spmem:s1] =	stream.indirect.scatter.add.f32 [tilespmem:s18], [sflag:$0x5], $0x40, s24, s10, $0xb8;
	[tilespmem:$0x1DD00] =	vst v63  }
0x39: {  	_ =	swait.ge [sflag:s5], $0x1F40  }
0x3a: {  	[sflag:s5] =	ssyncset.done $0x0  }
0x3b: {  	[sflag:s5] =	ssyncadd.s32 $0xFFFFE0C0  }
0x3c: {  	[bflag:$0x0] =	sbarrier.arrive $0xFFFF  }
0x3d: {  	[tilespmem:s0], [sflag:$0x5] =	stream.linear.gather [spmem:s11], $0x2000, $0x38;
	[tilespmem:$0x1DD00] =	vst v63  }
0x3e: {  	_ =	swait.ge [sflag:s5], $0x2000  }
0x3f: {  	[sflag:s5] =	ssyncset.done $0x0;
	s17 =	rddreg [dreg:$0xd]  }
0x40: {  	s17 =	sadd.s32 s15, s17;
	[sflag:s5] =	ssyncadd.s32 $0xFFFFE000  }
0x41: {  	[hbm4b:s17+s2] =	stream.linear.scatter [tilespmem:s0], [sflag:$0x5], $0x2000, $0x38;
	[tilespmem:$0x1DD00] =	vst v63  }
0x42: {  	_ =	swait.ge [sflag:s5], $0x2000  }
0x43: {  	[sflag:s5] =	ssyncset.done $0x0  }
0x44: {  	[sflag:s5] =	ssyncadd.s32 $0xFFFFE000  }
0x45: {  	[tilespmem:s0], [sflag:$0x5] =	stream.linear.gather [spmem:s26], $0x2000, $0x38;
	[tilespmem:$0x1DD00] =	vst v63  }
0x46: {  	_ =	swait.ge [sflag:s5], $0x2000  }
0x47: {  	[sflag:s5] =	ssyncset.done $0x0;
	s31 =	rddreg [dreg:$0xe]  }
0x48: {  	[sflag:s5] =	ssyncadd.s32 $0xFFFFE000;
	s17 =	sadd.s32 s15, s31  }
0x49: {  	[hbm4b:s17+s2] =	stream.linear.scatter [tilespmem:s0], [sflag:$0x5], $0x2000, $0x38;
	[tilespmem:$0x1DD00] =	vst v63  }
0x4a: {  	_ =	swait.ge [sflag:s5], $0x2000  }
0x4b: {  	[sflag:s5] =	ssyncset.done $0x0  }
0x4c: {  	[sflag:s5] =	ssyncadd.s32 $0xFFFFE000  }
0x4d: {  	[tilespmem:s0], [sflag:$0x5] =	stream.linear.gather [spmem:s28], $0x2000, $0x38;
	[tilespmem:$0x1DD00] =	vst v63  }
0x4e: {  	_ =	swait.ge [sflag:s5], $0x2000  }
0x4f: {  	[sflag:s5] =	ssyncset.done $0x0;
	s31 =	rddreg [dreg:$0xf]  }
0x50: {  	[sflag:s5] =	ssyncadd.s32 $0xFFFFE000;
	s17 =	sadd.s32 s15, s31  }
0x51: {  	[hbm4b:s17+s2] =	stream.linear.scatter [tilespmem:s0], [sflag:$0x5], $0x2000, $0x38;
	[tilespmem:$0x1DD00] =	vst v63  }
0x52: {  	_ =	swait.ge [sflag:s5], $0x2000  }
0x53: {  	[sflag:s5] =	ssyncset.done $0x0  }
0x54: {  	[sflag:s5] =	ssyncadd.s32 $0xFFFFE000  }
0x55: {  	[tilespmem:s0], [sflag:$0x5] =	stream.linear.gather [spmem:s29], $0x2000, $0x38;
	[tilespmem:$0x1DD00] =	vst v63  }
0x56: {  	_ =	swait.ge [sflag:s5], $0x2000  }
0x57: {  	[sflag:s5] =	ssyncset.done $0x0;
	s31 =	rddreg [dreg:$0x10]  }
0x58: {  	[sflag:s5] =	ssyncadd.s32 $0xFFFFE000;
	s17 =	sadd.s32 s15, s31  }
0x59: {  	[hbm4b:s17+s2] =	stream.linear.scatter [tilespmem:s0], [sflag:$0x5], $0x2000, $0x38;
	[tilespmem:$0x1DD00] =	vst v63  }
0x5a: {  	_ =	swait.ge [sflag:s5], $0x2000  }
0x5b: {  	[sflag:s5] =	ssyncset.done $0x0  }
0x5c: {  	[sflag:s5] =	ssyncadd.s32 $0xFFFFE000  }
0x5d: {  	[tilespmem:s0], [sflag:$0x5] =	stream.linear.gather [spmem:s30], $0x2000, $0x38;
	[tilespmem:$0x1DD00] =	vst v63  }
0x5e: {  	_ =	swait.ge [sflag:s5], $0x2000  }
0x5f: {  	[sflag:s5] =	ssyncset.done $0x0;
	s31 =	rddreg [dreg:$0x11]  }
0x60: {  	[sflag:s5] =	ssyncadd.s32 $0xFFFFE000;
	s17 =	sadd.s32 s15, s31  }
0x61: {  	[hbm4b:s17+s2] =	stream.linear.scatter [tilespmem:s0], [sflag:$0x5], $0x2000, $0x38;
	[tilespmem:$0x1DD00] =	vst v63  }
0x62: {  	_ =	swait.ge [sflag:s5], $0x2000  }
0x63: {  	s25 =	sadd.s32 $0x1, s25;
	s31 =	rddreg [dreg:$0x12]  }
0x64: {  	p1 =	sne.s32 s25, s31  }
.Ltmp1:
0x65: {  	_ = 	snop;
	(pc) =	sbr.rel @!p1 .LBB2_16-.Ltmp1, $3  }
0x66: {  	[sflag:s5] =	ssyncset.done $0x0  }
0x67: {  	[sflag:s5] =	ssyncadd.s32 $0xFFFFE000  }
0x68: {  	[bflag:$0x0] =	sbarrier.arrive $0xFFFF;
	_ =	sdelay $0x1  }
.LBB2_1:
0x69: {  	[tilespmem:s0], [sflag:$0x5] =	stream.linear.gather [hbm4b:s8+s2], $0x2000, $0x38;
	[tilespmem:$0x1DD00] =	vst v63  }
0x6a: {  	_ =	swait.ge [sflag:s5], $0x2000  }
0x6b: {  	[sflag:s5] =	ssyncset.done $0x0  }
0x6c: {  	[sflag:s5] =	ssyncadd.s32 $0xFFFFE000  }
0x6d: {  	[spmem:s11] =	stream.linear.scatter [tilespmem:s0], [sflag:$0x5], $0x2000, $0x38;
	[tilespmem:$0x1DD00] =	vst v63  }
0x6e: {  	_ =	swait.ge [sflag:s5], $0x2000  }
0x6f: {  	[sflag:s5] =	ssyncset.done $0x0  }
0x70: {  	[sflag:s5] =	ssyncadd.s32 $0xFFFFE000  }
0x71: {  	[spmem:s26] =	stream.linear.scatter [tilespmem:s0], [sflag:$0x5], $0x2000, $0x38;
	[tilespmem:$0x1DD00] =	vst v63  }
0x72: {  	_ =	swait.ge [sflag:s5], $0x2000  }
0x73: {  	[sflag:s5] =	ssyncset.done $0x0  }
0x74: {  	[sflag:s5] =	ssyncadd.s32 $0xFFFFE000  }
0x75: {  	[spmem:s28] =	stream.linear.scatter [tilespmem:s0], [sflag:$0x5], $0x2000, $0x38;
	[tilespmem:$0x1DD00] =	vst v63  }
0x76: {  	_ =	swait.ge [sflag:s5], $0x2000  }
0x77: {  	[sflag:s5] =	ssyncset.done $0x0  }
0x78: {  	[sflag:s5] =	ssyncadd.s32 $0xFFFFE000  }
0x79: {  	[spmem:s29] =	stream.linear.scatter [tilespmem:s0], [sflag:$0x5], $0x2000, $0x38;
	[tilespmem:$0x1DD00] =	vst v63  }
0x7a: {  	_ =	swait.ge [sflag:s5], $0x2000  }
0x7b: {  	[sflag:s5] =	ssyncset.done $0x0  }
0x7c: {  	[sflag:s5] =	ssyncadd.s32 $0xFFFFE000  }
0x7d: {  	[spmem:s30] =	stream.linear.scatter [tilespmem:s0], [sflag:$0x5], $0x2000, $0x38;
	[tilespmem:$0x1DD00] =	vst v63  }
0x7e: {  	_ =	swait.ge [sflag:s5], $0x2000  }
0x7f: {  	[sflag:s5] =	ssyncset.done $0x0  }
0x80: {  	s15 =	rddreg [dreg:$0x5];
	[sflag:s5] =	ssyncadd.s32 $0xFFFFE000  }
0x81: {  	[tilespmem:s2], [sflag:$0x5] =	stream.linear.gather [hbm4b:s15+s2], $0x5000, $0x38;
	[tilespmem:$0x1DD00] =	vst v63  }
0x82: {  	_ =	swait.ge [sflag:s5], $0x5000  }
0x83: {  	[sflag:s5] =	ssyncset.done $0x0  }
0x84: {  	s17 =	simm.s32 $0x5000;
	s31 =	rddreg [dreg:$0x6];
	[sflag:s5] =	ssyncadd.s32 $0xFFFFB000  }
0x85: {  	[tilespmem:s17], [sflag:$0x5] =	stream.linear.gather [hbm4b:s31+s2], $0x5000, $0x38;
	[tilespmem:$0x1DD00] =	vst v63  }
.Ltmp2:
0x86: {  	_ =	swait.ge [sflag:s5], $0x5000;
	(pc) =	sbr.rel @p0 .LBB2_5-.Ltmp2, $4  }
0x87: {  	[sflag:s5] =	ssyncset.done $0x0  }
0x88: {  	[sflag:s5] =	ssyncadd.s32 $0xFFFFB000  }
0x89: {  	[bflag:$0x0] =	sbarrier.arrive $0xFFFF  }
0x8a: {  	s15 =	simm.s32 $0x0  }
0x8b: {  	[tilespmem:s12], [sflag:$0x1] =	stream.indirect.gather [hbm4b:s4+s10], $0x40, s15, s10, $0xb8;
	[tilespmem:$0x1DD00] =	vst v63  }
0x8c: {  	s17 =	simm.s32 $0x80  }
0x8d: {  	[tilespmem:s14], [sflag:$0x2] =	stream.indirect.gather [hbm4b:s4+s10], $0x40, s17, s10, $0xb8;
	[tilespmem:$0x1DD00] =	vst v63  }
0x8e: {  	s31 =	simm.s32 $0x100  }
0x8f: {  	[tilespmem:s16], [sflag:$0x3] =	stream.indirect.gather [hbm4b:s4+s10], $0x40, s31, s10, $0xb8;
	[tilespmem:$0x1DD00] =	vst v63  }
0x90: {  	s17 =	simm.s32 $0x180  }
0x91: {  	[tilespmem:s18], [sflag:$0x4] =	stream.indirect.gather [hbm4b:s4+s10], $0x40, s17, s10, $0xb8;
	[tilespmem:$0x1DD00] =	vst v63  }
0x92: {  	_ =	swait.ge [sflag:s19], $0x1F40  }
0x93: {  	[sflag:s19] =	ssyncset.done $0x0  }
0x94: {  	s31 =	simm.s32 $0x5000;
	[sflag:s19] =	ssyncadd.s32 $0xFFFFE0C0  }
0x95: {  	[spmem:s1] =	stream.indirect.scatter.add.f32 [tilespmem:s12], [sflag:$0x5], $0x40, s31, s10, $0xb8;
	[tilespmem:$0x1DD00] =	vst v63  }
0x96: {  	_ =	swait.ge [sflag:s5], $0x1F40  }
0x97: {  	[sflag:s5] =	ssyncset.done $0x0  }
0x98: {  	s17 =	simm.s32 $0x200;
	[sflag:s5] =	ssyncadd.s32 $0xFFFFE0C0  }
0x99: {  	[tilespmem:s12], [sflag:$0x1] =	stream.indirect.gather [hbm4b:s4+s10], $0x40, s17, s10, $0xb8;
	[tilespmem:$0x1DD00] =	vst v63  }
0x9a: {  	_ =	swait.ge [sflag:s20], $0x1F40  }
0x9b: {  	[sflag:s20] =	ssyncset.done $0x0  }
0x9c: {  	s31 =	simm.s32 $0x5080;
	[sflag:s20] =	ssyncadd.s32 $0xFFFFE0C0  }
0x9d: {  	[spmem:s1] =	stream.indirect.scatter.add.f32 [tilespmem:s14], [sflag:$0x5], $0x40, s31, s10, $0xb8;
	[tilespmem:$0x1DD00] =	vst v63  }
0x9e: {  	_ =	swait.ge [sflag:s5], $0x1F40  }
0x9f: {  	[sflag:s5] =	ssyncset.done $0x0  }
0xa0: {  	s17 =	simm.s32 $0x280;
	[sflag:s5] =	ssyncadd.s32 $0xFFFFE0C0  }
0xa1: {  	[tilespmem:s14], [sflag:$0x2] =	stream.indirect.gather [hbm4b:s4+s10], $0x40, s17, s10, $0xb8;
	[tilespmem:$0x1DD00] =	vst v63  }
0xa2: {  	_ =	swait.ge [sflag:s21], $0x1F40  }
0xa3: {  	[sflag:s21] =	ssyncset.done $0x0  }
0xa4: {  	s31 =	simm.s32 $0x5100;
	[sflag:s21] =	ssyncadd.s32 $0xFFFFE0C0  }
0xa5: {  	[spmem:s1] =	stream.indirect.scatter.add.f32 [tilespmem:s16], [sflag:$0x5], $0x40, s31, s10, $0xb8;
	[tilespmem:$0x1DD00] =	vst v63  }
0xa6: {  	_ =	swait.ge [sflag:s5], $0x1F40  }
0xa7: {  	[sflag:s5] =	ssyncset.done $0x0  }
0xa8: {  	s17 =	simm.s32 $0x300;
	[sflag:s5] =	ssyncadd.s32 $0xFFFFE0C0  }
0xa9: {  	[tilespmem:s16], [sflag:$0x3] =	stream.indirect.gather [hbm4b:s4+s10], $0x40, s17, s10, $0xb8;
	[tilespmem:$0x1DD00] =	vst v63  }
0xaa: {  	_ =	swait.ge [sflag:s9], $0x1F40  }
0xab: {  	[sflag:s9] =	ssyncset.done $0x0  }
0xac: {  	s31 =	simm.s32 $0x5180;
	[sflag:s9] =	ssyncadd.s32 $0xFFFFE0C0  }
0xad: {  	[spmem:s1] =	stream.indirect.scatter.add.f32 [tilespmem:s18], [sflag:$0x5], $0x40, s31, s10, $0xb8;
	[tilespmem:$0x1DD00] =	vst v63  }
0xae: {  	_ =	swait.ge [sflag:s5], $0x1F40  }
0xaf: {  	[sflag:s5] =	ssyncset.done $0x0  }
0xb0: {  	s15 =	simm.s32 $0x800;
	s17 =	simm.s32 $0x380;
	[sflag:s5] =	ssyncadd.s32 $0xFFFFE0C0  }
.LBB2_3:
0xb1: {  	[tilespmem:s18], [sflag:$0x4] =	stream.indirect.gather [hbm4b:s4+s10], $0x40, s17, s10, $0xb8;
	[tilespmem:$0x1DD00] =	vst v63  }
0xb2: {  	s17 =	smov.u32 s15  }
0xb3: {  	p1 =	seq.s32 s15, $0x13000;
	s15 =	sadd.s32 $0x800, s15;
	_ =	swait.ge [sflag:s19], $0x1F40  }
0xb4: {  	s17 =	sshra.s32 s17, $0x2;
	[sflag:s19] =	ssyncset.done $0x0  }
0xb5: {  	s31 =	sadd.s32 $0x5000, s17;
	[sflag:s19] =	ssyncadd.s32 $0xFFFFE0C0  }
0xb6: {  	[spmem:s1] =	stream.indirect.scatter.add.f32 [tilespmem:s12], [sflag:$0x5], $0x40, s31, s10, $0xb8;
	[tilespmem:$0x1DD00] =	vst v63  }
0xb7: {  	_ =	swait.ge [sflag:s5], $0x1F40  }
0xb8: {  	[sflag:s5] =	ssyncset.done $0x0  }
0xb9: {  	s31 =	sadd.s32 $0x200, s17;
	[sflag:s5] =	ssyncadd.s32 $0xFFFFE0C0  }
0xba: {  	[tilespmem:s12], [sflag:$0x1] =	stream.indirect.gather [hbm4b:s4+s10], $0x40, s31, s10, $0xb8;
	[tilespmem:$0x1DD00] =	vst v63  }
0xbb: {  	_ =	swait.ge [sflag:s20], $0x1F40  }
0xbc: {  	[sflag:s20] =	ssyncset.done $0x0  }
0xbd: {  	s31 =	sadd.s32 $0x5080, s17;
	[sflag:s20] =	ssyncadd.s32 $0xFFFFE0C0  }
0xbe: {  	[spmem:s1] =	stream.indirect.scatter.add.f32 [tilespmem:s14], [sflag:$0x5], $0x40, s31, s10, $0xb8;
	[tilespmem:$0x1DD00] =	vst v63  }
0xbf: {  	_ =	swait.ge [sflag:s5], $0x1F40  }
0xc0: {  	[sflag:s5] =	ssyncset.done $0x0  }
0xc1: {  	s31 =	sadd.s32 $0x280, s17;
	[sflag:s5] =	ssyncadd.s32 $0xFFFFE0C0  }
0xc2: {  	[tilespmem:s14], [sflag:$0x2] =	stream.indirect.gather [hbm4b:s4+s10], $0x40, s31, s10, $0xb8;
	[tilespmem:$0x1DD00] =	vst v63  }
0xc3: {  	_ =	swait.ge [sflag:s21], $0x1F40  }
0xc4: {  	[sflag:s21] =	ssyncset.done $0x0  }
0xc5: {  	s31 =	sadd.s32 $0x5100, s17;
	[sflag:s21] =	ssyncadd.s32 $0xFFFFE0C0  }
0xc6: {  	[spmem:s1] =	stream.indirect.scatter.add.f32 [tilespmem:s16], [sflag:$0x5], $0x40, s31, s10, $0xb8;
	[tilespmem:$0x1DD00] =	vst v63  }
0xc7: {  	_ =	swait.ge [sflag:s5], $0x1F40  }
0xc8: {  	[sflag:s5] =	ssyncset.done $0x0  }
0xc9: {  	s31 =	sadd.s32 $0x300, s17;
	[sflag:s5] =	ssyncadd.s32 $0xFFFFE0C0  }
0xca: {  	[tilespmem:s16], [sflag:$0x3] =	stream.indirect.gather [hbm4b:s4+s10], $0x40, s31, s10, $0xb8;
	[tilespmem:$0x1DD00] =	vst v63  }
0xcb: {  	_ =	swait.ge [sflag:s9], $0x1F40  }
0xcc: {  	[sflag:s9] =	ssyncset.done $0x0  }
.Ltmp3:
0xcd: {  	s31 =	sadd.s32 $0x5180, s17;
	[sflag:s9] =	ssyncadd.s32 $0xFFFFE0C0;
	(pc) =	sbr.rel @!p1 .LBB2_3-.Ltmp3, $4  }
0xce: {  	[spmem:s1] =	stream.indirect.scatter.add.f32 [tilespmem:s18], [sflag:$0x5], $0x40, s31, s10, $0xb8;
	[tilespmem:$0x1DD00] =	vst v63  }
0xcf: {  	_ =	swait.ge [sflag:s5], $0x1F40  }
0xd0: {  	[sflag:s5] =	ssyncset.done $0x0  }
0xd1: {  	s17 =	sadd.s32 $0x380, s17;
	[sflag:s5] =	ssyncadd.s32 $0xFFFFE0C0  }
.Ltmp4:
0xd2: {  	(pc) =	sbr.rel .LBB2_8-.Ltmp4, $3  }
0xd3: {  	_ =	sdelay $0x1  }
0xd4: {  	[tilespmem:s18], [sflag:$0x4] =	stream.indirect.gather [hbm4b:s4+s10], $0x40, s17, s10, $0xb8;
	[tilespmem:$0x1DD00] =	vst v63  }
0xd5: {  	s15 =	rddreg [dreg:$0x3]  }
.LBB2_5:
0xd6: {  	[tilespmem:s12], [sflag:$0x1] =	stream.indirect.gather [hbm4b:s3+s10], $0x40, s15, s10, $0xb8;
	[tilespmem:$0x1DD00] =	vst v63  }
0xd7: {  	s17 =	simm.s32 $0x80  }
0xd8: {  	[tilespmem:s14], [sflag:$0x2] =	stream.indirect.gather [hbm4b:s3+s10], $0x40, s17, s10, $0xb8;
	[tilespmem:$0x1DD00] =	vst v63  }
0xd9: {  	s31 =	simm.s32 $0x100  }
0xda: {  	[tilespmem:s16], [sflag:$0x3] =	stream.indirect.gather [hbm4b:s3+s10], $0x40, s31, s10, $0xb8;
	[tilespmem:$0x1DD00] =	vst v63  }
0xdb: {  	s17 =	simm.s32 $0x180  }
0xdc: {  	[tilespmem:s18], [sflag:$0x4] =	stream.indirect.gather [hbm4b:s3+s10], $0x40, s17, s10, $0xb8;
	[tilespmem:$0x1DD00] =	vst v63  }
0xdd: {  	_ =	swait.ge [sflag:s19], $0x1F40  }
0xde: {  	[sflag:s19] =	ssyncset.done $0x0  }
0xdf: {  	s31 =	simm.s32 $0x5000;
	[sflag:s19] =	ssyncadd.s32 $0xFFFFE0C0  }
0xe0: {  	[spmem:s1] =	stream.indirect.scatter.add.f32 [tilespmem:s12], [sflag:$0x5], $0x40, s31, s10, $0xb8;
	[tilespmem:$0x1DD00] =	vst v63  }
0xe1: {  	_ =	swait.ge [sflag:s5], $0x1F40  }
0xe2: {  	[sflag:s5] =	ssyncset.done $0x0  }
0xe3: {  	s17 =	simm.s32 $0x200;
	[sflag:s5] =	ssyncadd.s32 $0xFFFFE0C0  }
0xe4: {  	[tilespmem:s12], [sflag:$0x1] =	stream.indirect.gather [hbm4b:s3+s10], $0x40, s17, s10, $0xb8;
	[tilespmem:$0x1DD00] =	vst v63  }
0xe5: {  	_ =	swait.ge [sflag:s20], $0x1F40  }
0xe6: {  	[sflag:s20] =	ssyncset.done $0x0  }
0xe7: {  	s31 =	simm.s32 $0x5080;
	[sflag:s20] =	ssyncadd.s32 $0xFFFFE0C0  }
0xe8: {  	[spmem:s1] =	stream.indirect.scatter.add.f32 [tilespmem:s14], [sflag:$0x5], $0x40, s31, s10, $0xb8;
	[tilespmem:$0x1DD00] =	vst v63  }
0xe9: {  	_ =	swait.ge [sflag:s5], $0x1F40  }
0xea: {  	[sflag:s5] =	ssyncset.done $0x0  }
0xeb: {  	s17 =	simm.s32 $0x280;
	[sflag:s5] =	ssyncadd.s32 $0xFFFFE0C0  }
0xec: {  	[tilespmem:s14], [sflag:$0x2] =	stream.indirect.gather [hbm4b:s3+s10], $0x40, s17, s10, $0xb8;
	[tilespmem:$0x1DD00] =	vst v63  }
0xed: {  	_ =	swait.ge [sflag:s21], $0x1F40  }
0xee: {  	[sflag:s21] =	ssyncset.done $0x0  }
0xef: {  	s31 =	simm.s32 $0x5100;
	[sflag:s21] =	ssyncadd.s32 $0xFFFFE0C0  }
0xf0: {  	[spmem:s1] =	stream.indirect.scatter.add.f32 [tilespmem:s16], [sflag:$0x5], $0x40, s31, s10, $0xb8;
	[tilespmem:$0x1DD00] =	vst v63  }
0xf1: {  	_ =	swait.ge [sflag:s5], $0x1F40  }
0xf2: {  	[sflag:s5] =	ssyncset.done $0x0  }
0xf3: {  	s17 =	simm.s32 $0x300;
	[sflag:s5] =	ssyncadd.s32 $0xFFFFE0C0  }
0xf4: {  	[tilespmem:s16], [sflag:$0x3] =	stream.indirect.gather [hbm4b:s3+s10], $0x40, s17, s10, $0xb8;
	[tilespmem:$0x1DD00] =	vst v63  }
0xf5: {  	_ =	swait.ge [sflag:s9], $0x1F40  }
0xf6: {  	[sflag:s9] =	ssyncset.done $0x0  }
0xf7: {  	s31 =	simm.s32 $0x5180;
	[sflag:s9] =	ssyncadd.s32 $0xFFFFE0C0  }
0xf8: {  	[spmem:s1] =	stream.indirect.scatter.add.f32 [tilespmem:s18], [sflag:$0x5], $0x40, s31, s10, $0xb8;
	[tilespmem:$0x1DD00] =	vst v63  }
0xf9: {  	_ =	swait.ge [sflag:s5], $0x1F40  }
0xfa: {  	[sflag:s5] =	ssyncset.done $0x0  }
0xfb: {  	s15 =	simm.s32 $0x800;
	s17 =	simm.s32 $0x380;
	[sflag:s5] =	ssyncadd.s32 $0xFFFFE0C0  }
.LBB2_6:
0xfc: {  	[tilespmem:s18], [sflag:$0x4] =	stream.indirect.gather [hbm4b:s3+s10], $0x40, s17, s10, $0xb8;
	[tilespmem:$0x1DD00] =	vst v63  }
0xfd: {  	s17 =	smov.u32 s15  }
0xfe: {  	p1 =	sne.s32 s15, $0x13000;
	s15 =	sadd.s32 $0x800, s15;
	_ =	swait.ge [sflag:s19], $0x1F40  }
0xff: {  	s17 =	sshra.s32 s17, $0x2;
	[sflag:s19] =	ssyncset.done $0x0  }
0x100: {  	s31 =	sadd.s32 $0x5000, s17;
	[sflag:s19] =	ssyncadd.s32 $0xFFFFE0C0  }
0x101: {  	[spmem:s1] =	stream.indirect.scatter.add.f32 [tilespmem:s12], [sflag:$0x5], $0x40, s31, s10, $0xb8;
	[tilespmem:$0x1DD00] =	vst v63  }
0x102: {  	_ =	swait.ge [sflag:s5], $0x1F40  }
0x103: {  	[sflag:s5] =	ssyncset.done $0x0  }
0x104: {  	s31 =	sadd.s32 $0x200, s17;
	[sflag:s5] =	ssyncadd.s32 $0xFFFFE0C0  }
0x105: {  	[tilespmem:s12], [sflag:$0x1] =	stream.indirect.gather [hbm4b:s3+s10], $0x40, s31, s10, $0xb8;
	[tilespmem:$0x1DD00] =	vst v63  }
0x106: {  	_ =	swait.ge [sflag:s20], $0x1F40  }
0x107: {  	[sflag:s20] =	ssyncset.done $0x0  }
0x108: {  	s31 =	sadd.s32 $0x5080, s17;
	[sflag:s20] =	ssyncadd.s32 $0xFFFFE0C0  }
0x109: {  	[spmem:s1] =	stream.indirect.scatter.add.f32 [tilespmem:s14], [sflag:$0x5], $0x40, s31, s10, $0xb8;
	[tilespmem:$0x1DD00] =	vst v63  }
0x10a: {  	_ =	swait.ge [sflag:s5], $0x1F40  }
0x10b: {  	[sflag:s5] =	ssyncset.done $0x0  }
0x10c: {  	s31 =	sadd.s32 $0x280, s17;
	[sflag:s5] =	ssyncadd.s32 $0xFFFFE0C0  }
0x10d: {  	[tilespmem:s14], [sflag:$0x2] =	stream.indirect.gather [hbm4b:s3+s10], $0x40, s31, s10, $0xb8;
	[tilespmem:$0x1DD00] =	vst v63  }
0x10e: {  	_ =	swait.ge [sflag:s21], $0x1F40  }
0x10f: {  	[sflag:s21] =	ssyncset.done $0x0  }
0x110: {  	s31 =	sadd.s32 $0x5100, s17;
	[sflag:s21] =	ssyncadd.s32 $0xFFFFE0C0  }
0x111: {  	[spmem:s1] =	stream.indirect.scatter.add.f32 [tilespmem:s16], [sflag:$0x5], $0x40, s31, s10, $0xb8;
	[tilespmem:$0x1DD00] =	vst v63  }
0x112: {  	_ =	swait.ge [sflag:s5], $0x1F40  }
0x113: {  	[sflag:s5] =	ssyncset.done $0x0  }
0x114: {  	s31 =	sadd.s32 $0x300, s17;
	[sflag:s5] =	ssyncadd.s32 $0xFFFFE0C0  }
0x115: {  	[tilespmem:s16], [sflag:$0x3] =	stream.indirect.gather [hbm4b:s3+s10], $0x40, s31, s10, $0xb8;
	[tilespmem:$0x1DD00] =	vst v63  }
0x116: {  	_ =	swait.ge [sflag:s9], $0x1F40  }
0x117: {  	[sflag:s9] =	ssyncset.done $0x0  }
.Ltmp5:
0x118: {  	s31 =	sadd.s32 $0x5180, s17;
	[sflag:s9] =	ssyncadd.s32 $0xFFFFE0C0;
	(pc) =	sbr.rel @p1 .LBB2_6-.Ltmp5, $4  }
0x119: {  	[spmem:s1] =	stream.indirect.scatter.add.f32 [tilespmem:s18], [sflag:$0x5], $0x40, s31, s10, $0xb8;
	[tilespmem:$0x1DD00] =	vst v63  }
0x11a: {  	_ =	swait.ge [sflag:s5], $0x1F40  }
0x11b: {  	[sflag:s5] =	ssyncset.done $0x0  }
0x11c: {  	s17 =	sadd.s32 $0x380, s17;
	[sflag:s5] =	ssyncadd.s32 $0xFFFFE0C0  }
0x11d: {  	[tilespmem:s18], [sflag:$0x4] =	stream.indirect.gather [hbm4b:s3+s10], $0x40, s17, s10, $0xb8;
	[tilespmem:$0x1DD00] =	vst v63  }
0x11e: {  	s15 =	rddreg [dreg:$0x4]  }
.LBB2_8:
0x11f: {  	_ =	swait.ge [sflag:s19], $0x1F40  }
0x120: {  	[sflag:s19] =	ssyncset.done $0x0  }
0x121: {  	[sflag:s19] =	ssyncadd.s32 $0xFFFFE0C0  }
0x122: {  	[spmem:s1] =	stream.indirect.scatter.add.f32 [tilespmem:s12], [sflag:$0x5], $0x40, s22, s10, $0xb8;
	[tilespmem:$0x1DD00] =	vst v63  }
0x123: {  	_ =	swait.ge [sflag:s5], $0x1F40  }
0x124: {  	[sflag:s5] =	ssyncset.done $0x0  }
0x125: {  	[sflag:s5] =	ssyncadd.s32 $0xFFFFE0C0  }
0x126: {  	_ =	swait.ge [sflag:s20], $0x1F40  }
0x127: {  	[sflag:s20] =	ssyncset.done $0x0  }
0x128: {  	[sflag:s20] =	ssyncadd.s32 $0xFFFFE0C0  }
0x129: {  	[spmem:s1] =	stream.indirect.scatter.add.f32 [tilespmem:s14], [sflag:$0x5], $0x40, s23, s10, $0xb8;
	[tilespmem:$0x1DD00] =	vst v63  }
0x12a: {  	_ =	swait.ge [sflag:s5], $0x1F40  }
0x12b: {  	[sflag:s5] =	ssyncset.done $0x0  }
0x12c: {  	[sflag:s5] =	ssyncadd.s32 $0xFFFFE0C0  }
0x12d: {  	_ =	swait.ge [sflag:s21], $0x1F40  }
0x12e: {  	[sflag:s21] =	ssyncset.done $0x0  }
0x12f: {  	[sflag:s21] =	ssyncadd.s32 $0xFFFFE0C0  }
0x130: {  	[spmem:s1] =	stream.indirect.scatter.add.f32 [tilespmem:s16], [sflag:$0x5], $0x40, s13, s10, $0xb8;
	[tilespmem:$0x1DD00] =	vst v63  }
0x131: {  	_ =	swait.ge [sflag:s5], $0x1F40  }
0x132: {  	[sflag:s5] =	ssyncset.done $0x0  }
0x133: {  	[sflag:s5] =	ssyncadd.s32 $0xFFFFE0C0  }
0x134: {  	_ =	swait.ge [sflag:s9], $0x1F40  }
0x135: {  	[sflag:s9] =	ssyncset.done $0x0  }
0x136: {  	[sflag:s9] =	ssyncadd.s32 $0xFFFFE0C0  }
0x137: {  	[spmem:s1] =	stream.indirect.scatter.add.f32 [tilespmem:s18], [sflag:$0x5], $0x40, s24, s10, $0xb8;
	[tilespmem:$0x1DD00] =	vst v63  }
0x138: {  	_ =	swait.ge [sflag:s5], $0x1F40  }
0x139: {  	[sflag:s5] =	ssyncset.done $0x0  }
0x13a: {  	[sflag:s5] =	ssyncadd.s32 $0xFFFFE0C0  }
0x13b: {  	[bflag:$0x0] =	sbarrier.arrive $0xFFFF  }
0x13c: {  	[tilespmem:s0], [sflag:$0x5] =	stream.linear.gather [spmem:s11], $0x2000, $0x38;
	[tilespmem:$0x1DD00] =	vst v63  }
0x13d: {  	_ =	swait.ge [sflag:s5], $0x2000  }
0x13e: {  	[sflag:s5] =	ssyncset.done $0x0;
	s17 =	rddreg [dreg:$0x13]  }
0x13f: {  	s17 =	sadd.s32 s15, s17;
	[sflag:s5] =	ssyncadd.s32 $0xFFFFE000  }
0x140: {  	[hbm4b:s17+s2] =	stream.linear.scatter [tilespmem:s0], [sflag:$0x5], $0x2000, $0x38;
	[tilespmem:$0x1DD00] =	vst v63  }
0x141: {  	_ =	swait.ge [sflag:s5], $0x2000  }
0x142: {  	[sflag:s5] =	ssyncset.done $0x0  }
0x143: {  	[sflag:s5] =	ssyncadd.s32 $0xFFFFE000  }
0x144: {  	[tilespmem:s0], [sflag:$0x5] =	stream.linear.gather [spmem:s26], $0x2000, $0x38;
	[tilespmem:$0x1DD00] =	vst v63  }
0x145: {  	_ =	swait.ge [sflag:s5], $0x2000  }
0x146: {  	[sflag:s5] =	ssyncset.done $0x0;
	s31 =	rddreg [dreg:$0x7]  }
0x147: {  	[sflag:s5] =	ssyncadd.s32 $0xFFFFE000;
	s17 =	sadd.s32 s15, s31  }
0x148: {  	[hbm4b:s17+s2] =	stream.linear.scatter [tilespmem:s0], [sflag:$0x5], $0x2000, $0x38;
	[tilespmem:$0x1DD00] =	vst v63  }
0x149: {  	_ =	swait.ge [sflag:s5], $0x2000  }
0x14a: {  	[sflag:s5] =	ssyncset.done $0x0  }
0x14b: {  	[sflag:s5] =	ssyncadd.s32 $0xFFFFE000  }
0x14c: {  	[tilespmem:s0], [sflag:$0x5] =	stream.linear.gather [spmem:s28], $0x2000, $0x38;
	[tilespmem:$0x1DD00] =	vst v63  }
0x14d: {  	_ =	swait.ge [sflag:s5], $0x2000  }
0x14e: {  	[sflag:s5] =	ssyncset.done $0x0;
	s31 =	rddreg [dreg:$0x8]  }
0x14f: {  	[sflag:s5] =	ssyncadd.s32 $0xFFFFE000;
	s17 =	sadd.s32 s15, s31  }
0x150: {  	[hbm4b:s17+s2] =	stream.linear.scatter [tilespmem:s0], [sflag:$0x5], $0x2000, $0x38;
	[tilespmem:$0x1DD00] =	vst v63  }
0x151: {  	_ =	swait.ge [sflag:s5], $0x2000  }
0x152: {  	[sflag:s5] =	ssyncset.done $0x0  }
0x153: {  	[sflag:s5] =	ssyncadd.s32 $0xFFFFE000  }
0x154: {  	[tilespmem:s0], [sflag:$0x5] =	stream.linear.gather [spmem:s29], $0x2000, $0x38;
	[tilespmem:$0x1DD00] =	vst v63  }
0x155: {  	_ =	swait.ge [sflag:s5], $0x2000  }
0x156: {  	[sflag:s5] =	ssyncset.done $0x0;
	s31 =	rddreg [dreg:$0x9]  }
0x157: {  	[sflag:s5] =	ssyncadd.s32 $0xFFFFE000;
	s17 =	sadd.s32 s15, s31  }
0x158: {  	[hbm4b:s17+s2] =	stream.linear.scatter [tilespmem:s0], [sflag:$0x5], $0x2000, $0x38;
	[tilespmem:$0x1DD00] =	vst v63  }
0x159: {  	_ =	swait.ge [sflag:s5], $0x2000  }
0x15a: {  	[sflag:s5] =	ssyncset.done $0x0  }
0x15b: {  	[sflag:s5] =	ssyncadd.s32 $0xFFFFE000  }
0x15c: {  	[tilespmem:s0], [sflag:$0x5] =	stream.linear.gather [spmem:s30], $0x2000, $0x38;
	[tilespmem:$0x1DD00] =	vst v63  }
0x15d: {  	_ =	swait.ge [sflag:s5], $0x2000  }
0x15e: {  	[sflag:s5] =	ssyncset.done $0x0;
	s31 =	rddreg [dreg:$0xa]  }
0x15f: {  	[sflag:s5] =	ssyncadd.s32 $0xFFFFE000;
	s17 =	sadd.s32 s15, s31  }
0x160: {  	[hbm4b:s17+s2] =	stream.linear.scatter [tilespmem:s0], [sflag:$0x5], $0x2000, $0x38;
	[tilespmem:$0x1DD00] =	vst v63  }
0x161: {  	_ =	swait.ge [sflag:s5], $0x2000  }
0x162: {  	[sflag:s5] =	ssyncset.done $0x0  }
0x163: {  	[sflag:s5] =	ssyncadd.s32 $0xFFFFE000  }
0x164: {  	[bflag:$0x0] =	sbarrier.arrive $0xFFFF  }
0x165: {  	[tilespmem:s0], [sflag:$0x5] =	stream.linear.gather [hbm4b:s8+s2], $0x2000, $0x38;
	[tilespmem:$0x1DD00] =	vst v63  }
0x166: {  	_ =	swait.ge [sflag:s5], $0x2000  }
0x167: {  	[sflag:s5] =	ssyncset.done $0x0  }
0x168: {  	[sflag:s5] =	ssyncadd.s32 $0xFFFFE000  }
0x169: {  	[spmem:s11] =	stream.linear.scatter [tilespmem:s0], [sflag:$0x5], $0x2000, $0x38;
	[tilespmem:$0x1DD00] =	vst v63  }
0x16a: {  	_ =	swait.ge [sflag:s5], $0x2000  }
0x16b: {  	[sflag:s5] =	ssyncset.done $0x0  }
0x16c: {  	[sflag:s5] =	ssyncadd.s32 $0xFFFFE000  }
0x16d: {  	[spmem:s26] =	stream.linear.scatter [tilespmem:s0], [sflag:$0x5], $0x2000, $0x38;
	[tilespmem:$0x1DD00] =	vst v63  }
0x16e: {  	_ =	swait.ge [sflag:s5], $0x2000  }
0x16f: {  	[sflag:s5] =	ssyncset.done $0x0  }
0x170: {  	[sflag:s5] =	ssyncadd.s32 $0xFFFFE000  }
0x171: {  	[spmem:s28] =	stream.linear.scatter [tilespmem:s0], [sflag:$0x5], $0x2000, $0x38;
	[tilespmem:$0x1DD00] =	vst v63  }
0x172: {  	_ =	swait.ge [sflag:s5], $0x2000  }
0x173: {  	[sflag:s5] =	ssyncset.done $0x0  }
0x174: {  	[sflag:s5] =	ssyncadd.s32 $0xFFFFE000  }
0x175: {  	[spmem:s29] =	stream.linear.scatter [tilespmem:s0], [sflag:$0x5], $0x2000, $0x38;
	[tilespmem:$0x1DD00] =	vst v63  }
0x176: {  	_ =	swait.ge [sflag:s5], $0x2000  }
0x177: {  	[sflag:s5] =	ssyncset.done $0x0  }
0x178: {  	[sflag:s5] =	ssyncadd.s32 $0xFFFFE000  }
0x179: {  	[spmem:s30] =	stream.linear.scatter [tilespmem:s0], [sflag:$0x5], $0x2000, $0x38;
	[tilespmem:$0x1DD00] =	vst v63  }
0x17a: {  	_ =	swait.ge [sflag:s5], $0x2000  }
0x17b: {  	[sflag:s5] =	ssyncset.done $0x0  }
0x17c: {  	s31 =	rddreg [dreg:$0xb];
	[sflag:s5] =	ssyncadd.s32 $0xFFFFE000  }
0x17d: {  	[tilespmem:s2], [sflag:$0x5] =	stream.linear.gather [hbm4b:s31+s2], $0x5000, $0x38;
	[tilespmem:$0x1DD00] =	vst v63  }
0x17e: {  	_ =	swait.ge [sflag:s5], $0x5000  }
0x17f: {  	[sflag:s5] =	ssyncset.done $0x0  }
0x180: {  	s31 =	simm.s32 $0x5000;
	s17 =	rddreg [dreg:$0xc];
	[sflag:s5] =	ssyncadd.s32 $0xFFFFB000  }
0x181: {  	[tilespmem:s31], [sflag:$0x5] =	stream.linear.gather [hbm4b:s17+s2], $0x5000, $0x38;
	[tilespmem:$0x1DD00] =	vst v63  }
.Ltmp6:
0x182: {  	_ =	swait.ge [sflag:s5], $0x5000;
	(pc) =	sbr.rel @p0 .LBB2_12-.Ltmp6, $4  }
0x183: {  	[sflag:s5] =	ssyncset.done $0x0  }
0x184: {  	[sflag:s5] =	ssyncadd.s32 $0xFFFFB000  }
0x185: {  	[bflag:$0x0] =	sbarrier.arrive $0xFFFF  }
0x186: {  	s15 =	simm.s32 $0x0  }
0x187: {  	[tilespmem:s12], [sflag:$0x1] =	stream.indirect.gather [hbm4b:s6+s10], $0x40, s15, s10, $0xb8;
	[tilespmem:$0x1DD00] =	vst v63  }
0x188: {  	s17 =	simm.s32 $0x80  }
0x189: {  	[tilespmem:s14], [sflag:$0x2] =	stream.indirect.gather [hbm4b:s6+s10], $0x40, s17, s10, $0xb8;
	[tilespmem:$0x1DD00] =	vst v63  }
0x18a: {  	s31 =	simm.s32 $0x100  }
0x18b: {  	[tilespmem:s16], [sflag:$0x3] =	stream.indirect.gather [hbm4b:s6+s10], $0x40, s31, s10, $0xb8;
	[tilespmem:$0x1DD00] =	vst v63  }
0x18c: {  	s17 =	simm.s32 $0x180  }
0x18d: {  	[tilespmem:s18], [sflag:$0x4] =	stream.indirect.gather [hbm4b:s6+s10], $0x40, s17, s10, $0xb8;
	[tilespmem:$0x1DD00] =	vst v63  }
0x18e: {  	_ =	swait.ge [sflag:s19], $0x1F40  }
0x18f: {  	[sflag:s19] =	ssyncset.done $0x0  }
0x190: {  	s31 =	simm.s32 $0x5000;
	[sflag:s19] =	ssyncadd.s32 $0xFFFFE0C0  }
0x191: {  	[spmem:s1] =	stream.indirect.scatter.add.f32 [tilespmem:s12], [sflag:$0x5], $0x40, s31, s10, $0xb8;
	[tilespmem:$0x1DD00] =	vst v63  }
0x192: {  	_ =	swait.ge [sflag:s5], $0x1F40  }
0x193: {  	[sflag:s5] =	ssyncset.done $0x0  }
0x194: {  	s17 =	simm.s32 $0x200;
	[sflag:s5] =	ssyncadd.s32 $0xFFFFE0C0  }
0x195: {  	[tilespmem:s12], [sflag:$0x1] =	stream.indirect.gather [hbm4b:s6+s10], $0x40, s17, s10, $0xb8;
	[tilespmem:$0x1DD00] =	vst v63  }
0x196: {  	_ =	swait.ge [sflag:s20], $0x1F40  }
0x197: {  	[sflag:s20] =	ssyncset.done $0x0  }
0x198: {  	s31 =	simm.s32 $0x5080;
	[sflag:s20] =	ssyncadd.s32 $0xFFFFE0C0  }
0x199: {  	[spmem:s1] =	stream.indirect.scatter.add.f32 [tilespmem:s14], [sflag:$0x5], $0x40, s31, s10, $0xb8;
	[tilespmem:$0x1DD00] =	vst v63  }
0x19a: {  	_ =	swait.ge [sflag:s5], $0x1F40  }
0x19b: {  	[sflag:s5] =	ssyncset.done $0x0  }
0x19c: {  	s17 =	simm.s32 $0x280;
	[sflag:s5] =	ssyncadd.s32 $0xFFFFE0C0  }
0x19d: {  	[tilespmem:s14], [sflag:$0x2] =	stream.indirect.gather [hbm4b:s6+s10], $0x40, s17, s10, $0xb8;
	[tilespmem:$0x1DD00] =	vst v63  }
0x19e: {  	_ =	swait.ge [sflag:s21], $0x1F40  }
0x19f: {  	[sflag:s21] =	ssyncset.done $0x0  }
0x1a0: {  	s31 =	simm.s32 $0x5100;
	[sflag:s21] =	ssyncadd.s32 $0xFFFFE0C0  }
0x1a1: {  	[spmem:s1] =	stream.indirect.scatter.add.f32 [tilespmem:s16], [sflag:$0x5], $0x40, s31, s10, $0xb8;
	[tilespmem:$0x1DD00] =	vst v63  }
0x1a2: {  	_ =	swait.ge [sflag:s5], $0x1F40  }
0x1a3: {  	[sflag:s5] =	ssyncset.done $0x0  }
0x1a4: {  	s17 =	simm.s32 $0x300;
	[sflag:s5] =	ssyncadd.s32 $0xFFFFE0C0  }
0x1a5: {  	[tilespmem:s16], [sflag:$0x3] =	stream.indirect.gather [hbm4b:s6+s10], $0x40, s17, s10, $0xb8;
	[tilespmem:$0x1DD00] =	vst v63  }
0x1a6: {  	_ =	swait.ge [sflag:s9], $0x1F40  }
0x1a7: {  	[sflag:s9] =	ssyncset.done $0x0  }
0x1a8: {  	s31 =	simm.s32 $0x5180;
	[sflag:s9] =	ssyncadd.s32 $0xFFFFE0C0  }
0x1a9: {  	[spmem:s1] =	stream.indirect.scatter.add.f32 [tilespmem:s18], [sflag:$0x5], $0x40, s31, s10, $0xb8;
	[tilespmem:$0x1DD00] =	vst v63  }
0x1aa: {  	_ =	swait.ge [sflag:s5], $0x1F40  }
0x1ab: {  	[sflag:s5] =	ssyncset.done $0x0  }
0x1ac: {  	s15 =	simm.s32 $0x800;
	s17 =	simm.s32 $0x380;
	[sflag:s5] =	ssyncadd.s32 $0xFFFFE0C0  }
.LBB2_10:
0x1ad: {  	[tilespmem:s18], [sflag:$0x4] =	stream.indirect.gather [hbm4b:s6+s10], $0x40, s17, s10, $0xb8;
	[tilespmem:$0x1DD00] =	vst v63  }
0x1ae: {  	s17 =	smov.u32 s15  }
0x1af: {  	p1 =	seq.s32 s15, $0x13000;
	s15 =	sadd.s32 $0x800, s15;
	_ =	swait.ge [sflag:s19], $0x1F40  }
0x1b0: {  	s17 =	sshra.s32 s17, $0x2;
	[sflag:s19] =	ssyncset.done $0x0  }
0x1b1: {  	s31 =	sadd.s32 $0x5000, s17;
	[sflag:s19] =	ssyncadd.s32 $0xFFFFE0C0  }
0x1b2: {  	[spmem:s1] =	stream.indirect.scatter.add.f32 [tilespmem:s12], [sflag:$0x5], $0x40, s31, s10, $0xb8;
	[tilespmem:$0x1DD00] =	vst v63  }
0x1b3: {  	_ =	swait.ge [sflag:s5], $0x1F40  }
0x1b4: {  	[sflag:s5] =	ssyncset.done $0x0  }
0x1b5: {  	s31 =	sadd.s32 $0x200, s17;
	[sflag:s5] =	ssyncadd.s32 $0xFFFFE0C0  }
0x1b6: {  	[tilespmem:s12], [sflag:$0x1] =	stream.indirect.gather [hbm4b:s6+s10], $0x40, s31, s10, $0xb8;
	[tilespmem:$0x1DD00] =	vst v63  }
0x1b7: {  	_ =	swait.ge [sflag:s20], $0x1F40  }
0x1b8: {  	[sflag:s20] =	ssyncset.done $0x0  }
0x1b9: {  	s31 =	sadd.s32 $0x5080, s17;
	[sflag:s20] =	ssyncadd.s32 $0xFFFFE0C0  }
0x1ba: {  	[spmem:s1] =	stream.indirect.scatter.add.f32 [tilespmem:s14], [sflag:$0x5], $0x40, s31, s10, $0xb8;
	[tilespmem:$0x1DD00] =	vst v63  }
0x1bb: {  	_ =	swait.ge [sflag:s5], $0x1F40  }
0x1bc: {  	[sflag:s5] =	ssyncset.done $0x0  }
0x1bd: {  	s31 =	sadd.s32 $0x280, s17;
	[sflag:s5] =	ssyncadd.s32 $0xFFFFE0C0  }
0x1be: {  	[tilespmem:s14], [sflag:$0x2] =	stream.indirect.gather [hbm4b:s6+s10], $0x40, s31, s10, $0xb8;
	[tilespmem:$0x1DD00] =	vst v63  }
0x1bf: {  	_ =	swait.ge [sflag:s21], $0x1F40  }
0x1c0: {  	[sflag:s21] =	ssyncset.done $0x0  }
0x1c1: {  	s31 =	sadd.s32 $0x5100, s17;
	[sflag:s21] =	ssyncadd.s32 $0xFFFFE0C0  }
0x1c2: {  	[spmem:s1] =	stream.indirect.scatter.add.f32 [tilespmem:s16], [sflag:$0x5], $0x40, s31, s10, $0xb8;
	[tilespmem:$0x1DD00] =	vst v63  }
0x1c3: {  	_ =	swait.ge [sflag:s5], $0x1F40  }
0x1c4: {  	[sflag:s5] =	ssyncset.done $0x0  }
0x1c5: {  	s31 =	sadd.s32 $0x300, s17;
	[sflag:s5] =	ssyncadd.s32 $0xFFFFE0C0  }
0x1c6: {  	[tilespmem:s16], [sflag:$0x3] =	stream.indirect.gather [hbm4b:s6+s10], $0x40, s31, s10, $0xb8;
	[tilespmem:$0x1DD00] =	vst v63  }
0x1c7: {  	_ =	swait.ge [sflag:s9], $0x1F40  }
0x1c8: {  	[sflag:s9] =	ssyncset.done $0x0  }
.Ltmp7:
0x1c9: {  	s31 =	sadd.s32 $0x5180, s17;
	[sflag:s9] =	ssyncadd.s32 $0xFFFFE0C0;
	(pc) =	sbr.rel @!p1 .LBB2_10-.Ltmp7, $4  }
0x1ca: {  	[spmem:s1] =	stream.indirect.scatter.add.f32 [tilespmem:s18], [sflag:$0x5], $0x40, s31, s10, $0xb8;
	[tilespmem:$0x1DD00] =	vst v63  }
0x1cb: {  	_ =	swait.ge [sflag:s5], $0x1F40  }
0x1cc: {  	[sflag:s5] =	ssyncset.done $0x0  }
0x1cd: {  	s17 =	sadd.s32 $0x380, s17;
	[sflag:s5] =	ssyncadd.s32 $0xFFFFE0C0  }
.Ltmp8:
0x1ce: {  	(pc) =	sbr.rel .LBB2_15-.Ltmp8, $3  }
0x1cf: {  	_ =	sdelay $0x1  }
0x1d0: {  	[tilespmem:s18], [sflag:$0x4] =	stream.indirect.gather [hbm4b:s6+s10], $0x40, s17, s10, $0xb8;
	[tilespmem:$0x1DD00] =	vst v63  }
0x1d1: {  	s15 =	rddreg [dreg:$0x3]  }
.LBB2_12:
0x1d2: {  	[tilespmem:s12], [sflag:$0x1] =	stream.indirect.gather [hbm4b:s7+s10], $0x40, s15, s10, $0xb8;
	[tilespmem:$0x1DD00] =	vst v63  }
0x1d3: {  	s17 =	simm.s32 $0x80  }
0x1d4: {  	[tilespmem:s14], [sflag:$0x2] =	stream.indirect.gather [hbm4b:s7+s10], $0x40, s17, s10, $0xb8;
	[tilespmem:$0x1DD00] =	vst v63  }
0x1d5: {  	s31 =	simm.s32 $0x100  }
0x1d6: {  	[tilespmem:s16], [sflag:$0x3] =	stream.indirect.gather [hbm4b:s7+s10], $0x40, s31, s10, $0xb8;
	[tilespmem:$0x1DD00] =	vst v63  }
0x1d7: {  	s17 =	simm.s32 $0x180  }
0x1d8: {  	[tilespmem:s18], [sflag:$0x4] =	stream.indirect.gather [hbm4b:s7+s10], $0x40, s17, s10, $0xb8;
	[tilespmem:$0x1DD00] =	vst v63  }
0x1d9: {  	_ =	swait.ge [sflag:s19], $0x1F40  }
0x1da: {  	[sflag:s19] =	ssyncset.done $0x0  }
0x1db: {  	s31 =	simm.s32 $0x5000;
	[sflag:s19] =	ssyncadd.s32 $0xFFFFE0C0  }
0x1dc: {  	[spmem:s1] =	stream.indirect.scatter.add.f32 [tilespmem:s12], [sflag:$0x5], $0x40, s31, s10, $0xb8;
	[tilespmem:$0x1DD00] =	vst v63  }
0x1dd: {  	_ =	swait.ge [sflag:s5], $0x1F40  }
0x1de: {  	[sflag:s5] =	ssyncset.done $0x0  }
0x1df: {  	s17 =	simm.s32 $0x200;
	[sflag:s5] =	ssyncadd.s32 $0xFFFFE0C0  }
0x1e0: {  	[tilespmem:s12], [sflag:$0x1] =	stream.indirect.gather [hbm4b:s7+s10], $0x40, s17, s10, $0xb8;
	[tilespmem:$0x1DD00] =	vst v63  }
0x1e1: {  	_ =	swait.ge [sflag:s20], $0x1F40  }
0x1e2: {  	[sflag:s20] =	ssyncset.done $0x0  }
0x1e3: {  	s31 =	simm.s32 $0x5080;
	[sflag:s20] =	ssyncadd.s32 $0xFFFFE0C0  }
0x1e4: {  	[spmem:s1] =	stream.indirect.scatter.add.f32 [tilespmem:s14], [sflag:$0x5], $0x40, s31, s10, $0xb8;
	[tilespmem:$0x1DD00] =	vst v63  }
0x1e5: {  	_ =	swait.ge [sflag:s5], $0x1F40  }
0x1e6: {  	[sflag:s5] =	ssyncset.done $0x0  }
0x1e7: {  	s17 =	simm.s32 $0x280;
	[sflag:s5] =	ssyncadd.s32 $0xFFFFE0C0  }
0x1e8: {  	[tilespmem:s14], [sflag:$0x2] =	stream.indirect.gather [hbm4b:s7+s10], $0x40, s17, s10, $0xb8;
	[tilespmem:$0x1DD00] =	vst v63  }
0x1e9: {  	_ =	swait.ge [sflag:s21], $0x1F40  }
0x1ea: {  	[sflag:s21] =	ssyncset.done $0x0  }
0x1eb: {  	s31 =	simm.s32 $0x5100;
	[sflag:s21] =	ssyncadd.s32 $0xFFFFE0C0  }
0x1ec: {  	[spmem:s1] =	stream.indirect.scatter.add.f32 [tilespmem:s16], [sflag:$0x5], $0x40, s31, s10, $0xb8;
	[tilespmem:$0x1DD00] =	vst v63  }
0x1ed: {  	_ =	swait.ge [sflag:s5], $0x1F40  }
0x1ee: {  	[sflag:s5] =	ssyncset.done $0x0  }
0x1ef: {  	s17 =	simm.s32 $0x300;
	[sflag:s5] =	ssyncadd.s32 $0xFFFFE0C0  }
0x1f0: {  	[tilespmem:s16], [sflag:$0x3] =	stream.indirect.gather [hbm4b:s7+s10], $0x40, s17, s10, $0xb8;
	[tilespmem:$0x1DD00] =	vst v63  }
0x1f1: {  	_ =	swait.ge [sflag:s9], $0x1F40  }
0x1f2: {  	[sflag:s9] =	ssyncset.done $0x0  }
0x1f3: {  	s31 =	simm.s32 $0x5180;
	[sflag:s9] =	ssyncadd.s32 $0xFFFFE0C0  }
0x1f4: {  	[spmem:s1] =	stream.indirect.scatter.add.f32 [tilespmem:s18], [sflag:$0x5], $0x40, s31, s10, $0xb8;
	[tilespmem:$0x1DD00] =	vst v63  }
0x1f5: {  	_ =	swait.ge [sflag:s5], $0x1F40  }
0x1f6: {  	[sflag:s5] =	ssyncset.done $0x0  }
0x1f7: {  	s15 =	simm.s32 $0x800;
	s17 =	simm.s32 $0x380;
	[sflag:s5] =	ssyncadd.s32 $0xFFFFE0C0  }
.LBB2_13:
0x1f8: {  	[tilespmem:s18], [sflag:$0x4] =	stream.indirect.gather [hbm4b:s7+s10], $0x40, s17, s10, $0xb8;
	[tilespmem:$0x1DD00] =	vst v63  }
0x1f9: {  	s17 =	smov.u32 s15  }
0x1fa: {  	p1 =	sne.s32 s15, $0x13000;
	s15 =	sadd.s32 $0x800, s15;
	_ =	swait.ge [sflag:s19], $0x1F40  }
0x1fb: {  	s17 =	sshra.s32 s17, $0x2;
	[sflag:s19] =	ssyncset.done $0x0  }
0x1fc: {  	s31 =	sadd.s32 $0x5000, s17;
	[sflag:s19] =	ssyncadd.s32 $0xFFFFE0C0  }
0x1fd: {  	[spmem:s1] =	stream.indirect.scatter.add.f32 [tilespmem:s12], [sflag:$0x5], $0x40, s31, s10, $0xb8;
	[tilespmem:$0x1DD00] =	vst v63  }
0x1fe: {  	_ =	swait.ge [sflag:s5], $0x1F40  }
0x1ff: {  	[sflag:s5] =	ssyncset.done $0x0  }
0x200: {  	s31 =	sadd.s32 $0x200, s17;
	[sflag:s5] =	ssyncadd.s32 $0xFFFFE0C0  }
0x201: {  	[tilespmem:s12], [sflag:$0x1] =	stream.indirect.gather [hbm4b:s7+s10], $0x40, s31, s10, $0xb8;
	[tilespmem:$0x1DD00] =	vst v63  }
0x202: {  	_ =	swait.ge [sflag:s20], $0x1F40  }
0x203: {  	[sflag:s20] =	ssyncset.done $0x0  }
0x204: {  	s31 =	sadd.s32 $0x5080, s17;
	[sflag:s20] =	ssyncadd.s32 $0xFFFFE0C0  }
0x205: {  	[spmem:s1] =	stream.indirect.scatter.add.f32 [tilespmem:s14], [sflag:$0x5], $0x40, s31, s10, $0xb8;
	[tilespmem:$0x1DD00] =	vst v63  }
0x206: {  	_ =	swait.ge [sflag:s5], $0x1F40  }
0x207: {  	[sflag:s5] =	ssyncset.done $0x0  }
0x208: {  	s31 =	sadd.s32 $0x280, s17;
	[sflag:s5] =	ssyncadd.s32 $0xFFFFE0C0  }
0x209: {  	[tilespmem:s14], [sflag:$0x2] =	stream.indirect.gather [hbm4b:s7+s10], $0x40, s31, s10, $0xb8;
	[tilespmem:$0x1DD00] =	vst v63  }
0x20a: {  	_ =	swait.ge [sflag:s21], $0x1F40  }
0x20b: {  	[sflag:s21] =	ssyncset.done $0x0  }
0x20c: {  	s31 =	sadd.s32 $0x5100, s17;
	[sflag:s21] =	ssyncadd.s32 $0xFFFFE0C0  }
0x20d: {  	[spmem:s1] =	stream.indirect.scatter.add.f32 [tilespmem:s16], [sflag:$0x5], $0x40, s31, s10, $0xb8;
	[tilespmem:$0x1DD00] =	vst v63  }
0x20e: {  	_ =	swait.ge [sflag:s5], $0x1F40  }
0x20f: {  	[sflag:s5] =	ssyncset.done $0x0  }
0x210: {  	s31 =	sadd.s32 $0x300, s17;
	[sflag:s5] =	ssyncadd.s32 $0xFFFFE0C0  }
0x211: {  	[tilespmem:s16], [sflag:$0x3] =	stream.indirect.gather [hbm4b:s7+s10], $0x40, s31, s10, $0xb8;
	[tilespmem:$0x1DD00] =	vst v63  }
0x212: {  	_ =	swait.ge [sflag:s9], $0x1F40  }
0x213: {  	[sflag:s9] =	ssyncset.done $0x0  }
.Ltmp9:
0x214: {  	s31 =	sadd.s32 $0x5180, s17;
	[sflag:s9] =	ssyncadd.s32 $0xFFFFE0C0;
	(pc) =	sbr.rel @p1 .LBB2_13-.Ltmp9, $4  }
0x215: {  	[spmem:s1] =	stream.indirect.scatter.add.f32 [tilespmem:s18], [sflag:$0x5], $0x40, s31, s10, $0xb8;
	[tilespmem:$0x1DD00] =	vst v63  }
0x216: {  	_ =	swait.ge [sflag:s5], $0x1F40  }
0x217: {  	[sflag:s5] =	ssyncset.done $0x0  }
0x218: {  	s17 =	sadd.s32 $0x380, s17;
	[sflag:s5] =	ssyncadd.s32 $0xFFFFE0C0  }
.Ltmp10:
0x219: {  	_ = 	snop;
	(pc) =	sbr.rel .LBB2_14-.Ltmp10, $1  }
0x21a: {  	_ =	sdelay $0x3  }
.LBB2_16:
0x21b: {  	_ =	sfence.sel $0x180000  }
0x21c: {  	[bflag:$0x0] =	sbarrier.arrive $0xFFFF  }
0x21d: {  	_ =	strace $0x9000004D  }
0x21e: {  	s0 =	stileid.u32;
	[bflag:$0x2] =	sbarrier.arrive $0xFFFF  }
0x21f: {  	p0 =	sne.s32 s0, $0x0;
	s0 =	rddreg [dreg:$0x2]  }
0x220: {  	s0 =	sadd.s32 @!p0 $0x100000, s0  }
0x221: {  	[sflag:s0] =	ssyncadd.tile.s32 @!p0 $0x1;
	_ =	shalt  }
.Lfunc_end2:
_tile_overlayer_lowered:
.L_overlay_start_2:
0x222: {  	(tag) =	ssettag $0x2  }
0x223: {  	s0 =	rddreg [dreg:$0x0];
	s2 =	stileid.u32  }
0x224: {  	s1 =	rddreg [dreg:$0x1];
	p0 =	sne.s32 s2, $0x0  }
0x225: {  	s3 =	rddreg [dreg:$0x2];
	[bflag:$0x3] =	sbarrier.arrive $0xFFFF;
	s2 =	simm.s32 @!p0 $0x1C05  }
0x226: {  	[timem:s3], [sflag:s2] =	dma.local @!p0 [hbm:s0], s1  }
0x227: {  	s0 =	simm.s32 @!p0 $0x5  }
0x228: {  	_ =	swait.ge @!p0 [sflag:s0], s1  }
0x229: {  	s1 =	ssub.s32 @!p0 $0x0, s1;
	[sflag:s0] =	ssyncset.done @!p0 $0x0  }
0x22a: {  	[sflag:s0] =	ssyncadd.s32 @!p0 s1  }
0x22b: {  	[bflag:$0x3] =	sbarrier.arrive $0xFFFF  }
0x22c: {  	_ =	shalt  }

// kernel: kernel.18.cloned.1.call-start
scs
__scs_entry_jumppad:
0x0: {  	(pc) =	sbr.rel $0x88, $3  }
0x1: {  	(tag) =	ssettag $0x0;
	lr =	simm.s32 $0x1  }
0x2: {  	[smem:$0x3F90] =	sst lr;
	_ =	strace $0xD0000000  }
0x3: {  	_ = 	snop  }
0x4: {  	_ = 	snop  }
0x5: {  	_ = 	snop  }
0x6: {  	_ = 	snop  }
0x7: {  	_ = 	snop  }
__scs_overlays_trampoline_lowered:
0x8: {  	[smem:$0x3F9F] =	sst s0  }
0x9: {  	[smem:$0x3FA0] =	sst s1  }
0xa: {  	[smem:$0x3FA1] =	sst s2  }
0xb: {  	[smem:$0x3FA2] =	sst s3  }
0xc: {  	[smem:$0x3FA3] =	sst s4  }
0xd: {  	[smem:$0x3FA4] =	sst s5  }
0xe: {  	[smem:$0x3FA5] =	sst s6  }
0xf: {  	[smem:$0x3FA6] =	sst s7  }
0x10: {  	[smem:$0x3FA7] =	sst s8  }
0x11: {  	[smem:$0x3FA8] =	sst s9;
	s0 =	simm.s32 @!p0 $0x0  }
0x12: {  	s1 =	sld [smem:$0x3F8E];
	s0 =	simm.s32 @p0 $0x1  }
0x13: {  	[smem:$0x3FA9] =	sst s0;
	s0 =	simm.s32 @!p1 $0x0  }
0x14: {  	s2 =	sld [smem:$0x3F8D];
	s0 =	simm.s32 @p1 $0x1  }
0x15: {  	[smem:$0x3FAA] =	sst s0;
	s0 =	simm.s32 @!p2 $0x0  }
0x16: {  	s3 =	sld [smem:$0x3FDB];
	s0 =	simm.s32 @p2 $0x1  }
0x17: {  	s4 =	simm.s32 $0x1BF5;
	[smem:$0x3FAC] =	sst s0  }
0x18: {  	s0 =	sld [smem:$0x3F8F];
	_ =	swait.ge [sflag:s4], $0x0  }
0x19: {  	s7 =	sld [smem:$0x3F90]  }
0x1a: {  	s8 =	sadd.s32 $0xFFFFE003, lr  }
0x1b: {  	s9 =	sadd.s32 $0xFFFFFEF7, lr;
	s5 =	simm.s32 $0xFFFFFFFF;
	p2 =	slt.u32 s8, $0xFFFFF086  }
0x1c: {  	p1 =	slt.u32 s9, $0xF7A;
	s5 =	simm.s32 @!p2 $0x0  }
0x1d: {  	s5 =	simm.s32 @p1 $0x1;
	p0 =	seq.s32 s7, s2  }
0x1e: {  	s7 =	smul.u32 @!p0 $0xF7A, s2;
	p2 =	seq.s32 @!p0 s5, $0x0  }
0x1f: {  	s9 =	smul.u32 $0xF7A, s1;
	s8 =	simm.s32 @!p0 $0x1BF5;
	p2 =	por !p2, p0  }
0x20: {  	[sflag:s8] =	ssyncset.s32 @!p0 $0xFFFFF086;
	s6 =	sadd.s32 @!p0 s3, s7;
	s7 =	simm.s32 @!p0 $0x108  }
0x21: {  	s3 =	sadd.s32 s3, s9;
	s6 =	sadd.s32 @!p0 $0x88, s6;
	s7 =	simm.s32 @p2 $0x1082  }
0x22: {  	[simem:s7], [sflag:s8] =	dma.local @!p0 [hbm:s6], $0xF7A  }
0x23: {  	s9 =	sor.u32 $0xD0000000, s2;
	s6 =	simm.s32 $0x108;
	_ =	swait.ge @!p0 [sflag:s8], $0x0  }
0x24: {  	s3 =	sadd.s32 $0x88, s3;
	s6 =	simm.s32 @!p1 $0x1082;
	[sflag:s4] =	ssyncset.s32 $0xFFFFF086  }
0x25: {  	[simem:s6], [sflag:s4] =	dma.local [hbm:s3], $0xF7A  }
0x26: {  	[smem:$0x3F90] =	sst s1;
	(tag) =	ssettag s2;
	_ =	strace s9  }
0x27: {  	s1 =	sld [smem:$0x3FA0]  }
0x28: {  	s2 =	sld [smem:$0x3FA1]  }
0x29: {  	s4 =	sld [smem:$0x3FA3]  }
0x2a: {  	p0 =	seq.s32 s5, $0x0;
	s5 =	sld [smem:$0x3FA4]  }
0x2b: {  	s6 =	sld [smem:$0x3FA5]  }
0x2c: {  	s7 =	sld [smem:$0x3FA6]  }
0x2d: {  	s3 =	simm.s32 $0x108;
	s8 =	sld [smem:$0x3FA7]  }
0x2e: {  	s3 =	simm.s32 @!p0 $0x1082;
	s9 =	sld [smem:$0x3FA8]  }
0x2f: {  	lr =	sadd.s32 s0, s3;
	s0 =	sld [smem:$0x3F9F]  }
0x30: {  	s3 =	sld [smem:$0x3FA2]  }
0x31: {  	[smem:$0x3FAB] =	sst s10  }
0x32: {  	s10 =	sld [smem:$0x3FA9];
	_ =	sdelay $0x3  }
0x33: {  	p0 =	seq.s32 s10, $0x1;
	s10 =	sld [smem:$0x3FAB];
	_ =	sdelay $0x3  }
0x34: {  	[smem:$0x3FAB] =	sst s10  }
0x35: {  	s10 =	sld [smem:$0x3FAA];
	_ =	sdelay $0x3  }
0x36: {  	p1 =	seq.s32 s10, $0x1;
	s10 =	sld [smem:$0x3FAB];
	_ =	sdelay $0x3  }
0x37: {  	[smem:$0x3FAB] =	sst s10  }
0x38: {  	s10 =	sld [smem:$0x3FAC]  }
0x39: {  	_ = 	snop;
	(pc) =	sbr.ind lr, $3  }
0x3a: {  	_ = 	snop  }
0x3b: {  	_ = 	snop  }
0x3c: {  	p2 =	seq.s32 s10, $0x1;
	s10 =	sld [smem:$0x3FAB]  }
0x3d: {  	_ =	shalt  }
0x3e: {  	_ =	shalt  }
0x3f: {  	_ =	shalt  }
0x40: {  	_ =	shalt  }
0x41: {  	_ =	shalt  }
0x42: {  	_ =	shalt  }
0x43: {  	_ =	shalt  }
0x44: {  	_ =	shalt  }
0x45: {  	_ =	shalt  }
0x46: {  	_ =	shalt  }
0x47: {  	_ =	shalt  }
0x48: {  	_ =	shalt  }
0x49: {  	_ =	shalt  }
0x4a: {  	_ =	shalt  }
0x4b: {  	_ =	shalt  }
0x4c: {  	_ =	shalt  }
0x4d: {  	_ =	shalt  }
0x4e: {  	_ =	shalt  }
0x4f: {  	_ =	shalt  }
0x50: {  	_ =	shalt  }
0x51: {  	_ =	shalt  }
0x52: {  	_ =	shalt  }
0x53: {  	_ =	shalt  }
0x54: {  	_ =	shalt  }
0x55: {  	_ =	shalt  }
0x56: {  	_ =	shalt  }
0x57: {  	_ =	shalt  }
0x58: {  	_ =	shalt  }
0x59: {  	_ =	shalt  }
0x5a: {  	_ =	shalt  }
0x5b: {  	_ =	shalt  }
0x5c: {  	_ =	shalt  }
0x5d: {  	_ =	shalt  }
0x5e: {  	_ =	shalt  }
0x5f: {  	_ =	shalt  }
0x60: {  	_ =	shalt  }
0x61: {  	_ =	shalt  }
0x62: {  	_ =	shalt  }
0x63: {  	_ =	shalt  }
0x64: {  	_ =	shalt  }
0x65: {  	_ =	shalt  }
0x66: {  	_ =	shalt  }
0x67: {  	_ =	shalt  }
0x68: {  	_ =	shalt  }
0x69: {  	_ =	shalt  }
0x6a: {  	_ =	shalt  }
0x6b: {  	_ =	shalt  }
0x6c: {  	_ =	shalt  }
0x6d: {  	_ =	shalt  }
0x6e: {  	_ =	shalt  }
0x6f: {  	_ =	shalt  }
0x70: {  	_ =	shalt  }
0x71: {  	_ =	shalt  }
0x72: {  	_ =	shalt  }
0x73: {  	_ =	shalt  }
0x74: {  	_ =	shalt  }
0x75: {  	_ =	shalt  }
0x76: {  	_ =	shalt  }
0x77: {  	_ =	shalt  }
0x78: {  	_ =	shalt  }
0x79: {  	_ =	shalt  }
0x7a: {  	_ =	shalt  }
0x7b: {  	_ =	shalt  }
0x7c: {  	_ =	shalt  }
0x7d: {  	_ =	shalt  }
0x7e: {  	_ =	shalt  }
0x7f: {  	_ =	shalt  }
0x80: {  	_ =	shalt  }
0x81: {  	_ =	shalt  }
0x82: {  	_ =	shalt  }
0x83: {  	_ =	shalt  }
0x84: {  	_ =	shalt  }
0x85: {  	_ =	shalt  }
0x86: {  	_ =	shalt  }
0x87: {  	_ =	shalt  }
.Lfunc_end0:
.L_simem_size_0:
called_computation.2_lowered:
.L_overlay_start_0:
0x88: {  	s2 =	sld [smem:$0x3FD9]  }
0x89: {  	s3 =	sld [smem:$0x3FFE];
	_ =	sdelay $0x1  }
0x8a: {  	s1 =	srdreg.scid  }
0x8b: {  	s0 =	sand.u32 $0x1, s1  }
0x8c: {  	s16 =	sshll.u32 s0, $0xA;
	s2 =	sadd.s32 s3, s2  }
0x8d: {  	s2 =	sadd.s32 s2, s16  }
0x8e: {  	[smem:$0x3FB7] =	sst s2  }
0x8f: {  	_ = 	snop  }
0x90: {  	(tm) =	ssettm $0x1  }
0x91: {  	s17 =	sld [smem:$0x3FFB];
	_ =	sdelay $0x3  }
0x92: {  	_ =	strace s17  }
0x93: {  	s2 =	sld [smem:$0x3FFC];
	_ =	sdelay $0x3  }
0x94: {  	_ =	strace s2  }
0x95: {  	s2 =	sld [smem:$0x3FFD];
	_ =	sdelay $0x3  }
0x96: {  	_ =	strace s2  }
0x97: {  	_ =	strace $0x8FFFFFFF  }
0x98: {  	s18 =	sld [smem:$0x3FDB];
	_ =	sdelay $0x1  }
0x99: {  	s19 =	simm.s32 $_scs_section_size  }
0x9a: {  	s4 =	simm.s32 $_size__tile_overlayer_lowered;
	s5 =	simm.s32 $_tile_overlayer_lowered  }
0x9b: {  	s22 =	simm.s32 $0x1BFF;
	s21 =	sshll.u32 s5, $0x1;
	s2 =	sadd.s32 s19, s18  }
0x9c: {  	s6 =	simm.s32 $0x0;
	s20 =	sshll.u32 s4, $0x1;
	s4 =	sadd.s32 s21, s2  }
0x9d: {  	[timem:s6], [sflag:s22] =	dma.local [hbm:s4], s20  }
0x9e: {  	_ =	swait.ge [sflag:s22], s20  }
0x9f: {  	s3 =	ssub.s32 $0x0, s20;
	[sflag:s22] =	ssyncset.done $0x0  }
0xa0: {  	[sflag:s22] =	ssyncadd.s32 s3;
	_ =	sdelay $0x1  }
0xa1: {  	s23 =	simm.s32 $0x1B8B  }
0xa2: {  	_ =	swait.ge [sflag:s23], $0x1  }
0xa3: {  	[sflag:s23] =	ssyncset.done $0x0  }
0xa4: {  	s25 =	simm.s32 $0x1B8E;
	s24 =	sld [smem:$0x3FFE];
	[sflag:s23] =	ssyncadd.s32 $0xFFFFFFFF  }
0xa5: {  	s26 =	simm.s32 $execute0_lowered;
	[smem:$0x3FD2] =	sst s25  }
0xa6: {  	s4 =	sshll.u32 s26, $0x1;
	_ =	strace $0x80000049;
	[dreg:$0x1] =	wrdreg $0xFFFFFFFF  }
0xa7: {  	s28 =	simm.s32 $_size_execute0_lowered;
	s2 =	sadd.s32 s2, s4;
	[dreg:$0x0] =	wrdreg $0x0  }
0xa8: {  	s4 =	sshll.u32 s28, $0x1;
	[dreg:$0x2] =	wrdreg s2  }
0xa9: {  	[dreg:$0x3] =	wrdreg s4  }
0xaa: {  	[dreg:$0x4] =	wrdreg $0xC0  }
0xab: {  	_ =	task [dreg:s6], $0x5FFFF  }
0xac: {  	[dreg:$0x1] =	wrdreg $0xFFFFFFFF  }
0xad: {  	[dreg:$0x0] =	wrdreg $0x60  }
0xae: {  	[dreg:$0x2] =	wrdreg s24  }
0xaf: {  	[dreg:$0x3] =	wrdreg $0xECE00  }
0xb0: {  	[dreg:$0x4] =	wrdreg $0xEF600  }
0xb1: {  	[dreg:$0x5] =	wrdreg $0xA  }
0xb2: {  	_ =	task.clear_ibuf [dreg:s6], $0x6FFFF;
	_ =	strace $0x90000049  }
0xb3: {  	s29 =	simm.s32 $0xA;
	_ =	strace $0x8000004B  }
0xb4: {  	_ =	swait.ge [sflag:s29], $0x1  }
0xb5: {  	[sflag:s29] =	ssyncadd.s32 $0xFFFFFFFF  }
0xb6: {  	_ =	strace $0x9000004B  }
0xb7: {  	_ =	sfence  }
0xb8: {  	s30 =	sld [smem:$0x0];
	_ =	sdelay $0x2  }
0xb9: {  	s31 =	sshll.u32 s1, $0xD;
	s1 =	sshrl.u32 s1, $0x2  }
0xba: {  	s3 =	sand.u32 $0x4000, s31;
	s1 =	sadd.s32 s1, s30  }
0xbb: {  	s0 =	sor.u32 s3, s0;
	s1 =	sshll.u32 s1, $0x11  }
0xbc: {  	s0 =	sor.u32 s1, s0  }
0xbd: {  	s0 =	sadd.s32 $0x8F2B, s0  }
0xbe: {  	[sflag:s0] =	ssyncadd.remote.s32 $0x1  }
0xbf: {  	_ =	sfence.sel $0xFFFF  }
0xc0: {  	[dreg:$0x0] =	wrdreg $0xFFFFFFFF;
	(pc) =	sbr.abs _section_cstart, $3  }
0xc1: {  	[dreg:$0x1] =	wrdreg $0xFFFFFFFF  }
0xc2: {  	_ =	task.clear_ibuf [dreg:s6], $0x2FFFF;
	_ =	strace $0x9FFFFFFF  }
0xc3: {  	(tm) =	ssettm $0x7FFFFFFF  }
tec
execute0_lowered:
.L_overlay_start_1:
0x0: {  	(tag) =	ssettag $0x1  }
0x1: {  	s1 =	srdreg.scid;
	s0 =	stileid.u32  }
0x2: {  	s16 =	sand.u32 $0x1, s1;
	s10 =	smul.u32 $0x280, s0  }
0x3: {  	s11 =	rddreg [dreg:$0x0];
	s5 =	smul.u32 $0x2800, s16  }
0x4: {  	s2 =	rddreg [dreg:$0x1]  }
0x5: {  	s3 =	rddreg [dreg:$0x2];
	s5 =	sadd.s32 s10, s5  }
0x6: {  	s4 =	simm.s32 $0x0;
	s7 =	simm.s32 $0xEA60;
	s5 =	sshrl.u32 s5, $0x3  }
0x7: {  	s6 =	simm.s32 $0x2;
	[smem:$0x7FF] =	sst s4;
	s17 =	sadd.s32 s5, s11  }
0x8: {  	s1 =	rddreg [dreg:$0x3];
	_ =	strace $0x8000004A;
	s5 =	sadd.s32 $0x2CC00, s17  }
0x9: {  	[tilespmem:s7], [sflag:$0x2] =	stream.linear.gather [hbm4b:s5+s4], $0x280, $0x38;
	[tilespmem:$0xF1E0] =	vst v63  }
0xa: {  	_ =	swait.ge [sflag:s6], $0x280  }
0xb: {  	[sflag:s6] =	ssyncset.done $0x0  }
0xc: {  	s8 =	sadd.s32 s10, s2;
	[sflag:s6] =	ssyncadd.s32 $0xFFFFFD80  }
0xd: {  	[spmem:s8] =	stream.linear.scatter [tilespmem:s7], [sflag:$0x2], $0x280, $0x38;
	[tilespmem:$0xF1E0] =	vst v63  }
0xe: {  	_ =	swait.ge [sflag:s6], $0x280  }
0xf: {  	[sflag:s6] =	ssyncset.done $0x0  }
0x10: {  	s9 =	sadd.s32 $0x2CA00, s11;
	s13 =	smul.u32 $0x4E20, s0;
	[sflag:s6] =	ssyncadd.s32 $0xFFFFFD80  }
0x11: {  	[tilespmem:s7], [sflag:$0x2] =	stream.linear.gather [hbm4b:s9+s4], $0x280, $0x38;
	[tilespmem:$0xF1E0] =	vst v63  }
0x12: {  	s12 =	smul.u32 $0x4E200, s16;
	_ =	swait.ge [sflag:s6], $0x280  }
0x13: {  	[sflag:s6] =	ssyncset.done $0x0  }
0x14: {  	s12 =	sadd.s32 s13, s12;
	s10 =	sadd.s32 s10, s3;
	[sflag:s6] =	ssyncadd.s32 $0xFFFFFD80  }
0x15: {  	[spmem:s10] =	stream.linear.scatter [tilespmem:s7], [sflag:$0x2], $0x280, $0x38;
	[tilespmem:$0xF1E0] =	vst v63  }
0x16: {  	s12 =	sshrl.u32 s12, $0x3;
	_ =	swait.ge [sflag:s6], $0x280  }
0x17: {  	s12 =	sadd.s32 s12, s11;
	[sflag:s6] =	ssyncset.done $0x0  }
0x18: {  	s11 =	sadd.s32 $0x2E000, s12;
	[sflag:s6] =	ssyncadd.s32 $0xFFFFFD80  }
0x19: {  	[tilespmem:s4], [sflag:$0x2] =	stream.linear.gather [hbm4b:s11+s4], $0x4E20, $0x38;
	[tilespmem:$0xF1E0] =	vst v63  }
0x1a: {  	_ =	swait.ge [sflag:s6], $0x4E20  }
0x1b: {  	[sflag:s6] =	ssyncset.done $0x0  }
0x1c: {  	s13 =	simm.s32 $0x4E20;
	s12 =	sadd.s32 $0x19000, s12;
	[sflag:s6] =	ssyncadd.s32 $0xFFFFB1E0  }
0x1d: {  	[tilespmem:s13], [sflag:$0x2] =	stream.linear.gather [hbm4b:s12+s4], $0x4E20, $0x38;
	[tilespmem:$0xF1E0] =	vst v63  }
0x1e: {  	_ =	swait.ge [sflag:s6], $0x4E20  }
0x1f: {  	[sflag:s6] =	ssyncset.done $0x0  }
0x20: {  	[sflag:s6] =	ssyncadd.s32 $0xFFFFB1E0  }
0x21: {  	s14 =	simm.s32 $0x9C40;
	s15 =	simm.s32 $0x1;
	[bflag:$0x0] =	sbarrier.arrive $0xFFFF  }
0x22: {  	[tilespmem:s14], [sflag:$0x1] =	stream.indirect.gather [spmem:s2], $0x1, s13, s13, $0xb8;
	[tilespmem:$0xF1E0] =	vst v63  }
0x23: {  	_ =	swait.ge [sflag:s15], $0x4E20  }
0x24: {  	[sflag:s15] =	ssyncset.done $0x0  }
0x25: {  	[sflag:s15] =	ssyncadd.s32 $0xFFFFB1E0  }
0x26: {  	[spmem:s3] =	stream.indirect.scatter.add.f32 [tilespmem:s14], [sflag:$0x2], $0x1, s4, s13, $0xb8;
	[tilespmem:$0xF1E0] =	vst v63  }
0x27: {  	s16 =	ssub.s32 $0x2, s16;
	_ =	swait.ge [sflag:s6], $0x4E20  }
0x28: {  	s18 =	sshrl.u32 s16, $0x1;
	[sflag:s6] =	ssyncset.done $0x0  }
0x29: {  	s18 =	ssub.s32 s16, s18;
	[sflag:s6] =	ssyncadd.s32 $0xFFFFB1E0  }
0x2a: {  	s31 =	smax.u32 s18, $0x1;
	[bflag:$0x0] =	sbarrier.arrive $0xFFFF  }
0x2b: {  	[tilespmem:s7], [sflag:$0x2] =	stream.linear.gather [spmem:s10], $0x280, $0x38;
	[tilespmem:$0xF1E0] =	vst v63  }
0x2c: {  	p0 =	sne.s32 s31, $0x1;
	_ =	swait.ge [sflag:s6], $0x280  }
.Ltmp0:
0x2d: {  	[sflag:s6] =	ssyncset.done $0x0;
	(pc) =	sbr.rel @!p0 .LBB2_2-.Ltmp0, $4  }
0x2e: {  	s16 =	sadd.s32 $0x2D600, s17;
	[sflag:s6] =	ssyncadd.s32 $0xFFFFFD80  }
0x2f: {  	[hbm4b:s16+s4] =	stream.linear.scatter [tilespmem:s7], [sflag:$0x2], $0x280, $0x38;
	[tilespmem:$0xF1E0] =	vst v63  }
0x30: {  	_ =	swait.ge [sflag:s6], $0x280  }
0x31: {  	s17 =	sadd.s32 $0xFFFFFFFF, s31;
	[sflag:s6] =	ssyncset.done $0x0  }
.LBB2_1:
0x32: {  	p0 =	sne.s32 s17, $0x1;
	s17 =	sadd.s32 $0xFFFFFFFF, s17;
	[sflag:s6] =	ssyncadd.s32 $0xFFFFFD80  }
0x33: {  	[tilespmem:s7], [sflag:$0x2] =	stream.linear.gather [hbm4b:s5+s4], $0x280, $0x38;
	[tilespmem:$0xF1E0] =	vst v63  }
0x34: {  	_ =	swait.ge [sflag:s6], $0x280  }
0x35: {  	[sflag:s6] =	ssyncset.done $0x0  }
0x36: {  	[sflag:s6] =	ssyncadd.s32 $0xFFFFFD80  }
0x37: {  	[spmem:s8] =	stream.linear.scatter [tilespmem:s7], [sflag:$0x2], $0x280, $0x38;
	[tilespmem:$0xF1E0] =	vst v63  }
0x38: {  	_ =	swait.ge [sflag:s6], $0x280  }
0x39: {  	[sflag:s6] =	ssyncset.done $0x0  }
0x3a: {  	[sflag:s6] =	ssyncadd.s32 $0xFFFFFD80  }
0x3b: {  	[tilespmem:s7], [sflag:$0x2] =	stream.linear.gather [hbm4b:s9+s4], $0x280, $0x38;
	[tilespmem:$0xF1E0] =	vst v63  }
0x3c: {  	_ =	swait.ge [sflag:s6], $0x280  }
0x3d: {  	[sflag:s6] =	ssyncset.done $0x0  }
0x3e: {  	[sflag:s6] =	ssyncadd.s32 $0xFFFFFD80  }
0x3f: {  	[spmem:s10] =	stream.linear.scatter [tilespmem:s7], [sflag:$0x2], $0x280, $0x38;
	[tilespmem:$0xF1E0] =	vst v63  }
0x40: {  	_ =	swait.ge [sflag:s6], $0x280  }
0x41: {  	[sflag:s6] =	ssyncset.done $0x0  }
0x42: {  	[sflag:s6] =	ssyncadd.s32 $0xFFFFFD80  }
0x43: {  	[tilespmem:s4], [sflag:$0x2] =	stream.linear.gather [hbm4b:s11+s4], $0x4E20, $0x38;
	[tilespmem:$0xF1E0] =	vst v63  }
0x44: {  	_ =	swait.ge [sflag:s6], $0x4E20  }
0x45: {  	[sflag:s6] =	ssyncset.done $0x0  }
0x46: {  	[sflag:s6] =	ssyncadd.s32 $0xFFFFB1E0  }
0x47: {  	[tilespmem:s13], [sflag:$0x2] =	stream.linear.gather [hbm4b:s12+s4], $0x4E20, $0x38;
	[tilespmem:$0xF1E0] =	vst v63  }
0x48: {  	_ =	swait.ge [sflag:s6], $0x4E20  }
0x49: {  	[sflag:s6] =	ssyncset.done $0x0  }
0x4a: {  	[sflag:s6] =	ssyncadd.s32 $0xFFFFB1E0  }
0x4b: {  	[bflag:$0x0] =	sbarrier.arrive $0xFFFF  }
0x4c: {  	[tilespmem:s14], [sflag:$0x1] =	stream.indirect.gather [spmem:s2], $0x1, s13, s13, $0xb8;
	[tilespmem:$0xF1E0] =	vst v63  }
0x4d: {  	_ =	swait.ge [sflag:s15], $0x4E20  }
0x4e: {  	[sflag:s15] =	ssyncset.done $0x0  }
0x4f: {  	[sflag:s15] =	ssyncadd.s32 $0xFFFFB1E0  }
0x50: {  	[spmem:s3] =	stream.indirect.scatter.add.f32 [tilespmem:s14], [sflag:$0x2], $0x1, s4, s13, $0xb8;
	[tilespmem:$0xF1E0] =	vst v63  }
0x51: {  	_ =	swait.ge [sflag:s6], $0x4E20  }
0x52: {  	[sflag:s6] =	ssyncset.done $0x0  }
0x53: {  	[sflag:s6] =	ssyncadd.s32 $0xFFFFB1E0  }
0x54: {  	[bflag:$0x0] =	sbarrier.arrive $0xFFFF  }
0x55: {  	[tilespmem:s7], [sflag:$0x2] =	stream.linear.gather [spmem:s10], $0x280, $0x38;
	[tilespmem:$0xF1E0] =	vst v63  }
0x56: {  	_ =	swait.ge [sflag:s6], $0x280  }
.Ltmp1:
0x57: {  	[sflag:s6] =	ssyncset.done $0x0;
	(pc) =	sbr.rel @p0 .LBB2_1-.Ltmp1, $4  }
0x58: {  	[sflag:s6] =	ssyncadd.s32 $0xFFFFFD80  }
0x59: {  	[hbm4b:s16+s4] =	stream.linear.scatter [tilespmem:s7], [sflag:$0x2], $0x280, $0x38;
	[tilespmem:$0xF1E0] =	vst v63  }
0x5a: {  	_ =	swait.ge [sflag:s6], $0x280  }
0x5b: {  	[sflag:s6] =	ssyncset.done $0x0  }
.LBB2_2:
0x5c: {  	[sflag:s6] =	ssyncadd.s32 $0xFFFFFD80  }
0x5d: {  	_ =	sfence.sel $0x180000  }
0x5e: {  	[bflag:$0x0] =	sbarrier.arrive $0xFFFF  }
0x5f: {  	p0 =	sne.s32 s0, $0x0;
	_ =	strace $0x9000004A  }
0x60: {  	s0 =	sadd.s32 @!p0 $0x100000, s1;
	[bflag:$0x2] =	sbarrier.arrive $0xFFFF  }
0x61: {  	[sflag:s0] =	ssyncadd.tile.s32 @!p0 $0x1;
	_ =	shalt  }
.Lfunc_end2:
_tile_overlayer_lowered:
.L_overlay_start_2:
0x62: {  	(tag) =	ssettag $0x2  }
0x63: {  	s0 =	rddreg [dreg:$0x0];
	s2 =	stileid.u32  }
0x64: {  	s1 =	rddreg [dreg:$0x1];
	p0 =	sne.s32 s2, $0x0  }
0x65: {  	s3 =	rddreg [dreg:$0x2];
	[bflag:$0x3] =	sbarrier.arrive $0xFFFF;
	s2 =	simm.s32 @!p0 $0x1C02  }
0x66: {  	[timem:s3], [sflag:s2] =	dma.local @!p0 [hbm:s0], s1  }
0x67: {  	s0 =	simm.s32 @!p0 $0x2  }
0x68: {  	_ =	swait.ge @!p0 [sflag:s0], s1  }
0x69: {  	s1 =	ssub.s32 @!p0 $0x0, s1;
	[sflag:s0] =	ssyncset.done @!p0 $0x0  }
0x6a: {  	[sflag:s0] =	ssyncadd.s32 @!p0 s1  }
0x6b: {  	[bflag:$0x3] =	sbarrier.arrive $0xFFFF  }
0x6c: {  	_ =	shalt  }

</sc_bundles>
